<compile_context>
chip_gen: v7x
topology: tpu7x:2x2x1
jax: 0.10.2.dev20260603
libtpu: 0.0.44.dev20260713+nightly
codegen_flags: <defaults>
</compile_context>

<pallas_src>
import jax
import jax.numpy as jnp
from jax import lax
from jax.experimental import pallas as pl
from jax.experimental.pallas import tpu as pltpu
from jax.experimental.pallas import tpu_sc as plsc

VOCAB = 100000
HIDDEN = 768
MAX_POS = 2048
BATCH = 4
SEQ = 2048
EPS = 1e-12

NC = 2
NS = 16
NW = NC * NS
P_RANGE = SEQ // NW
CHUNK = 16
NCH = BATCH * (P_RANGE // CHUNK)
NVR = HIDDEN // 16
NBUF = 4
PREF = 2


def _rsqrt(v):
    i = lax.bitcast_convert_type(v, jnp.int32)
    i = jnp.int32(0x5F3759DF) - (i >> 1)
    y = lax.bitcast_convert_type(i, jnp.float32)
    for _ in range(3):
        y = y * (1.5 - 0.5 * v * y * y)
    return y


def _sc_body(ids_hbm, tids_hbm, word_hbm, pos_hbm, type_hbm, g_hbm, b_hbm,
             out_hbm, ids_v, tids_v, pos_v, type_v, g_v, b_v, buf, mean_b,
             rstd_b, gsem, osem, ssem):
    wid = lax.axis_index("s") * NC + lax.axis_index("c")
    pbase = wid * P_RANGE

    stage = [
        (pos_hbm.at[pl.ds(pbase, P_RANGE)], pos_v),
        (type_hbm, type_v),
        (g_hbm, g_v),
        (b_hbm, b_v),
    ]
    for k, (src, dst) in enumerate(stage):
        pltpu.async_copy(src, dst, ssem.at[k])
    for b in range(BATCH):
        src = pl.ds(b * SEQ + pbase, P_RANGE)
        dst = pl.ds(b * P_RANGE, P_RANGE)
        pltpu.sync_copy(ids_hbm.at[src], ids_v.at[dst])
        pltpu.sync_copy(tids_hbm.at[src], tids_v.at[dst])

    def fire_gather(c):
        s = lax.rem(c, NBUF)
        pltpu.async_copy(word_hbm.at[ids_v.at[pl.ds(c * CHUNK, CHUNK)]],
                         buf.at[s], gsem.at[s])

    def wait_gather(c):
        s = lax.rem(c, NBUF)
        pltpu.make_async_copy(
            word_hbm.at[ids_v.at[pl.ds(c * CHUNK, CHUNK)]],
            buf.at[s], gsem.at[s]).wait()

    def wait_out(slot):
        pltpu.make_async_copy(buf.at[slot], out_hbm.at[pl.ds(0, CHUNK)],
                              osem.at[slot]).wait()

    def token_sums(s, i, pi, t):

        @plsc.parallel_loop(0, NVR, unroll=8,
                            carry=(jnp.zeros((16,), jnp.float32),
                                   jnp.zeros((16,), jnp.float32)))
        def p1(j, carry):
            vsum, vsq = carry
            off = pl.ds(j * 16, 16)
            x = buf[s, i, off] + pos_v[pi, off] + type_v[t, off]
            buf[s, i, off] = x
            return vsum + x, vsq + x * x

        vsum, vsq = p1
        ssum = lax.reduce_sum_p.bind(vsum, axes=(0,))
        ssq = lax.reduce_sum_p.bind(vsq, axes=(0,))
        mean = ssum * (1.0 / HIDDEN)
        var = ssq * (1.0 / HIDDEN) - mean * mean
        mean_b[i] = mean
        rstd_b[i] = _rsqrt(var + EPS)

    def chunk_norm(s):

        @plsc.parallel_loop(0, NVR, unroll=2)
        def p2(j):
            off = pl.ds(j * 16, 16)
            gv = g_v[off]
            bv = b_v[off]
            for i in range(CHUNK):
                mean_v = jnp.full((16,), mean_b[i], jnp.float32)
                rstd_v = jnp.full((16,), rstd_b[i], jnp.float32)
                y = (buf[s, i, off] - mean_v) * rstd_v
                buf[s, i, off] = y * gv + bv

    for c0 in range(PREF):
        fire_gather(c0)
    for k, (src, dst) in enumerate(stage):
        pltpu.make_async_copy(src, dst, ssem.at[k]).wait()

    def chunk_body(c, _):
        s = lax.rem(c, NBUF)
        @pl.when(c < NCH - PREF)
        def _prefetch():
            @pl.when(c >= NBUF - PREF)
            def _drain():
                wait_out(lax.rem(c + PREF, NBUF))
            fire_gather(c + PREF)

        wait_gather(c)
        prow0 = lax.rem(c, P_RANGE // CHUNK) * CHUNK
        tvec = tids_v[pl.ds(c * CHUNK, CHUNK)]
        for k in range(CHUNK):
            token_sums(s, k, prow0 + k, tvec[k])
        chunk_norm(s)

        row0 = (lax.div(c, P_RANGE // CHUNK) * SEQ + pbase
                + lax.rem(c, P_RANGE // CHUNK) * CHUNK)
        pltpu.async_copy(buf.at[s], out_hbm.at[pl.ds(row0, CHUNK)],
                         osem.at[s])
        return _

    lax.fori_loop(0, NCH, chunk_body, 0)
    for c in range(NCH - NBUF, NCH):
        wait_out(c % NBUF)


@jax.jit
def _bert_embed_sc(ids_flat, tids_flat, word_emb, pos_emb, type_emb,
                   ln_gamma, ln_beta):
    mesh = plsc.VectorSubcoreMesh(core_axis_name="c", subcore_axis_name="s")
    run = pl.kernel(
        _sc_body,
        out_type=jax.ShapeDtypeStruct((BATCH * SEQ, HIDDEN), jnp.float32),
        mesh=mesh,
        compiler_params=pltpu.CompilerParams(needs_layout_passes=False),
        scratch_types=[
            pltpu.VMEM((BATCH * P_RANGE,), jnp.int32),
            pltpu.VMEM((BATCH * P_RANGE,), jnp.int32),
            pltpu.VMEM((P_RANGE, HIDDEN), jnp.float32),
            pltpu.VMEM((2, HIDDEN), jnp.float32),
            pltpu.VMEM((HIDDEN,), jnp.float32),
            pltpu.VMEM((HIDDEN,), jnp.float32),
            pltpu.VMEM((NBUF, CHUNK, HIDDEN), jnp.float32),
            pltpu.SMEM((CHUNK,), jnp.float32),
            pltpu.SMEM((CHUNK,), jnp.float32),
            pltpu.SemaphoreType.DMA((NBUF,)),
            pltpu.SemaphoreType.DMA((NBUF,)),
            pltpu.SemaphoreType.DMA((4,)),
        ],
    )
    return run(ids_flat, tids_flat, word_emb, pos_emb, type_emb,
               ln_gamma, ln_beta)


def kernel(input_ids, token_type_ids, word_emb, pos_emb, type_emb,
           ln_gamma, ln_beta):
    ids_flat = input_ids.reshape(-1).astype(jnp.int32)
    tids_flat = token_type_ids.reshape(-1).astype(jnp.int32)
    out = _bert_embed_sc(ids_flat, tids_flat, word_emb, pos_emb, type_emb,
                         ln_gamma, ln_beta)
    return out.reshape(BATCH, SEQ, HIDDEN)

# --- scband reference (transcript-rebuilt; emitter-appended) ---
"""Pipeline reference for scband-bert-embeddings-23931557773891 (READ-ONLY COPY).

The authoritative reference and input builder live on the scoring server;
editing this copy changes nothing except your own understanding.
"""

import jax, jax.numpy as jnp
import numpy as np

VOCAB = 100000
HIDDEN = 768
MAX_POS = 2048
TYPE_VOCAB = 2
BATCH = 4
SEQ = 2048
EPS = 1e-12


def setup_inputs(seed: int = 0) -> dict:
    key = jax.random.key(seed)
    ks = jax.random.split(key, 8)
    input_ids = jax.random.randint(ks[0], (BATCH, SEQ), 0, VOCAB, dtype=jnp.int64 if jax.config.read('jax_enable_x64') else jnp.int32)
    token_type_ids = jax.random.randint(ks[1], (BATCH, SEQ), 0, TYPE_VOCAB, dtype=input_ids.dtype)
    word_emb = jax.random.normal(ks[2], (VOCAB, HIDDEN), dtype=jnp.float32) * 0.02
    # padding_idx=0 -> zero row
    word_emb = word_emb.at[0].set(0.0)
    pos_emb = jax.random.normal(ks[3], (MAX_POS, HIDDEN), dtype=jnp.float32) * 0.02
    type_emb = jax.random.normal(ks[4], (TYPE_VOCAB, HIDDEN), dtype=jnp.float32) * 0.02
    ln_gamma = jnp.ones((HIDDEN,), dtype=jnp.float32)
    ln_beta = jnp.zeros((HIDDEN,), dtype=jnp.float32)
    return {
        'input_ids': input_ids,
        'token_type_ids': token_type_ids,
        'word_emb': word_emb,
        'pos_emb': pos_emb,
        'type_emb': type_emb,
        'ln_gamma': ln_gamma,
        'ln_beta': ln_beta,
    }


def reference(input_ids, token_type_ids, word_emb, pos_emb, type_emb, ln_gamma, ln_beta):
    num_seq, seq_length = input_ids.shape
    words_embeddings = jnp.take(word_emb, input_ids, axis=0)
    position_ids = jnp.arange(seq_length, dtype=input_ids.dtype)
    position_ids = jnp.broadcast_to(position_ids[None, :], (num_seq, seq_length))
    position_embeddings = jnp.take(pos_emb, position_ids, axis=0)
    token_type_embeddings = jnp.take(type_emb, token_type_ids, axis=0)
    embeddings = words_embeddings + position_embeddings + token_type_embeddings
    # LayerNorm over last dim, eps=1e-12
    mean = jnp.mean(embeddings, axis=-1, keepdims=True)
    var = jnp.mean(jnp.square(embeddings - mean), axis=-1, keepdims=True)
    normed = (embeddings - mean) / jnp.sqrt(var + EPS)
    out = normed * ln_gamma + ln_beta
    # dropout is identity in eval mode
    return out

if __name__ == "__main__":
    import jax
    _d = setup_inputs()
    print(jax.jit(kernel)(*tuple(_d.values())))

</pallas_src>

<mosaic_0001>
#map = affine_map<(d0, d1) -> (0)>
#map1 = affine_map<(d0, d1) -> (0, 0)>
module attributes {stable_mosaic.version = 14 : i64} {
  func.func @_sc_body(%arg0: i32, %arg1: i32, %arg2: memref<8192xi32, #tpu.memory_space<hbm>>, %arg3: memref<8192xi32, #tpu.memory_space<hbm>>, %arg4: memref<100000x768xf32, #tpu.memory_space<hbm>>, %arg5: memref<2048x768xf32, #tpu.memory_space<hbm>>, %arg6: memref<2x768xf32, #tpu.memory_space<hbm>>, %arg7: memref<768xf32, #tpu.memory_space<hbm>>, %arg8: memref<768xf32, #tpu.memory_space<hbm>>, %arg9: memref<8192x768xf32, #tpu.memory_space<hbm>>, %arg10: memref<256xi32, #tpu.memory_space<vmem>>, %arg11: memref<256xi32, #tpu.memory_space<vmem>>, %arg12: memref<64x768xf32, #tpu.memory_space<vmem>>, %arg13: memref<2x768xf32, #tpu.memory_space<vmem>>, %arg14: memref<768xf32, #tpu.memory_space<vmem>>, %arg15: memref<768xf32, #tpu.memory_space<vmem>>, %arg16: memref<4x16x768xf32, #tpu.memory_space<vmem>>, %arg17: memref<16xf32, #tpu.memory_space<smem>>, %arg18: memref<16xf32, #tpu.memory_space<smem>>, %arg19: memref<4x!tpu.dma_semaphore, #tpu.memory_space<semaphore_mem>>, %arg20: memref<4x!tpu.dma_semaphore, #tpu.memory_space<semaphore_mem>>, %arg21: memref<4x!tpu.dma_semaphore, #tpu.memory_space<semaphore_mem>>) attributes {dimension_semantics = [#tpu.dimension_semantics<core_parallel>, #tpu.dimension_semantics<subcore_parallel>], iteration_bounds = array<i64: 2, 16>, scalar_prefetch = 0 : i64, scratch_operands = 12 : i64, tpu.core_type = #tpu.core_type<sc_vector_subcore>, window_params = [{transform_indices = #map}, {transform_indices = #map}, {transform_indices = #map1}, {transform_indices = #map1}, {transform_indices = #map1}, {transform_indices = #map}, {transform_indices = #map}, {transform_indices = #map1}]} {
    %mul3A = arith.constant 2 : i32
    %mul3A_0 = arith.muli %arg1, %mul3A : i32
    %add3A = arith.addi %mul3A_0, %arg0 : i32
    %mul3A_1 = arith.constant 64 : i32
    %mul3A_2 = arith.muli %add3A, %mul3A_1 : i32
    %dma_start3A = arith.constant 0 : i32
    %dma_start3A_3 = arith.constant 0 : i32
    %dma_start3A_4 = tpu.memref_slice %arg5[%mul3A_2, %dma_start3A_3] : memref<2048x768xf32, #tpu.memory_space<hbm>> -> memref<64x768xf32, #tpu.memory_space<hbm>>
    %dma_start3A_5 = tpu.memref_slice %arg21[%dma_start3A] : memref<4x!tpu.dma_semaphore, #tpu.memory_space<semaphore_mem>> -> memref<1x!tpu.dma_semaphore, #tpu.memory_space<semaphore_mem>>
    %dma_start3A_6 = tpu.memref_squeeze %dma_start3A_5 : memref<1x!tpu.dma_semaphore, #tpu.memory_space<semaphore_mem>> -> memref<!tpu.dma_semaphore, #tpu.memory_space<semaphore_mem>>
    %dma_start3A_7 = arith.constant 0 : i32
    %dma_start3A_8 = tpu.memref_slice %arg5[%mul3A_2, %dma_start3A_7] : memref<2048x768xf32, #tpu.memory_space<hbm>> -> memref<64x768xf32, #tpu.memory_space<hbm>>
    tpu.enqueue_dma source(%dma_start3A_8 : memref<64x768xf32, #tpu.memory_space<hbm>>) target(%arg12 : memref<64x768xf32, #tpu.memory_space<vmem>>) target_semaphore(%dma_start3A_6 : memref<!tpu.dma_semaphore, #tpu.memory_space<semaphore_mem>>)
    %dma_start3A_9 = arith.constant 1 : i32
    %dma_start3A_10 = tpu.memref_slice %arg21[%dma_start3A_9] : memref<4x!tpu.dma_semaphore, #tpu.memory_space<semaphore_mem>> -> memref<1x!tpu.dma_semaphore, #tpu.memory_space<semaphore_mem>>
    %dma_start3A_11 = tpu.memref_squeeze %dma_start3A_10 : memref<1x!tpu.dma_semaphore, #tpu.memory_space<semaphore_mem>> -> memref<!tpu.dma_semaphore, #tpu.memory_space<semaphore_mem>>
    tpu.enqueue_dma source(%arg6 : memref<2x768xf32, #tpu.memory_space<hbm>>) target(%arg13 : memref<2x768xf32, #tpu.memory_space<vmem>>) target_semaphore(%dma_start3A_11 : memref<!tpu.dma_semaphore, #tpu.memory_space<semaphore_mem>>)
    %dma_start3A_12 = arith.constant 2 : i32
    %dma_start3A_13 = tpu.memref_slice %arg21[%dma_start3A_12] : memref<4x!tpu.dma_semaphore, #tpu.memory_space<semaphore_mem>> -> memref<1x!tpu.dma_semaphore, #tpu.memory_space<semaphore_mem>>
    %dma_start3A_14 = tpu.memref_squeeze %dma_start3A_13 : memref<1x!tpu.dma_semaphore, #tpu.memory_space<semaphore_mem>> -> memref<!tpu.dma_semaphore, #tpu.memory_space<semaphore_mem>>
    tpu.enqueue_dma source(%arg7 : memref<768xf32, #tpu.memory_space<hbm>>) target(%arg14 : memref<768xf32, #tpu.memory_space<vmem>>) target_semaphore(%dma_start3A_14 : memref<!tpu.dma_semaphore, #tpu.memory_space<semaphore_mem>>)
    %dma_start3A_15 = arith.constant 3 : i32
    %dma_start3A_16 = tpu.memref_slice %arg21[%dma_start3A_15] : memref<4x!tpu.dma_semaphore, #tpu.memory_space<semaphore_mem>> -> memref<1x!tpu.dma_semaphore, #tpu.memory_space<semaphore_mem>>
    %dma_start3A_17 = tpu.memref_squeeze %dma_start3A_16 : memref<1x!tpu.dma_semaphore, #tpu.memory_space<semaphore_mem>> -> memref<!tpu.dma_semaphore, #tpu.memory_space<semaphore_mem>>
    tpu.enqueue_dma source(%arg8 : memref<768xf32, #tpu.memory_space<hbm>>) target(%arg15 : memref<768xf32, #tpu.memory_space<vmem>>) target_semaphore(%dma_start3A_17 : memref<!tpu.dma_semaphore, #tpu.memory_space<semaphore_mem>>)
    %add3A_18 = arith.constant 0 : i32
    %add3A_19 = arith.addi %add3A_18, %mul3A_2 : i32
    "tpu.region"() ({
      %run_scoped3A = tpu.sem_alloc : memref<!tpu.dma_semaphore, #tpu.memory_space<semaphore_mem>>
      %dma_start3A_145 = arith.constant 0 : i32
      %dma_start3A_146 = tpu.memref_slice %arg10[%dma_start3A_145] : memref<256xi32, #tpu.memory_space<vmem>> -> memref<64xi32, #tpu.memory_space<vmem>>
      %dma_start3A_147 = tpu.memref_slice %arg2[%add3A_19] : memref<8192xi32, #tpu.memory_space<hbm>> -> memref<64xi32, #tpu.memory_space<hbm>>
      %dma_start3A_148 = arith.constant 0 : i32
      %dma_start3A_149 = tpu.memref_slice %arg10[%dma_start3A_148] : memref<256xi32, #tpu.memory_space<vmem>> -> memref<64xi32, #tpu.memory_space<vmem>>
      %dma_start3A_150 = tpu.memref_slice %arg2[%add3A_19] : memref<8192xi32, #tpu.memory_space<hbm>> -> memref<64xi32, #tpu.memory_space<hbm>>
      tpu.enqueue_dma source(%dma_start3A_150 : memref<64xi32, #tpu.memory_space<hbm>>) target(%dma_start3A_149 : memref<64xi32, #tpu.memory_space<vmem>>) target_semaphore(%run_scoped3A : memref<!tpu.dma_semaphore, #tpu.memory_space<semaphore_mem>>)
      %dma_wait3A_151 = arith.constant 0 : i32
      %dma_wait3A_152 = tpu.memref_slice %arg10[%dma_wait3A_151] : memref<256xi32, #tpu.memory_space<vmem>> -> memref<64xi32, #tpu.memory_space<vmem>>
      %dma_wait3A_153 = tpu.memref_slice %arg2[%add3A_19] : memref<8192xi32, #tpu.memory_space<hbm>> -> memref<64xi32, #tpu.memory_space<hbm>>
      %dma_wait3A_154 = arith.constant 0 : i32
      %dma_wait3A_155 = tpu.memref_slice %arg10[%dma_wait3A_154] : memref<256xi32, #tpu.memory_space<vmem>> -> memref<64xi32, #tpu.memory_space<vmem>>
      %dma_wait3A_156 = tpu.memref_slice %arg2[%add3A_19] : memref<8192xi32, #tpu.memory_space<hbm>> -> memref<64xi32, #tpu.memory_space<hbm>>
      tpu.wait_dma2 semaphore(%run_scoped3A : memref<!tpu.dma_semaphore, #tpu.memory_space<semaphore_mem>>) src(%dma_wait3A_156 : memref<64xi32, #tpu.memory_space<hbm>>) dst(%dma_wait3A_155 : memref<64xi32, #tpu.memory_space<vmem>>)
      tpu.yield
    }) : () -> ()
    "tpu.region"() ({
      %run_scoped3A = tpu.sem_alloc : memref<!tpu.dma_semaphore, #tpu.memory_space<semaphore_mem>>
      %dma_start3A_145 = arith.constant 0 : i32
      %dma_start3A_146 = tpu.memref_slice %arg11[%dma_start3A_145] : memref<256xi32, #tpu.memory_space<vmem>> -> memref<64xi32, #tpu.memory_space<vmem>>
      %dma_start3A_147 = tpu.memref_slice %arg3[%add3A_19] : memref<8192xi32, #tpu.memory_space<hbm>> -> memref<64xi32, #tpu.memory_space<hbm>>
      %dma_start3A_148 = arith.constant 0 : i32
      %dma_start3A_149 = tpu.memref_slice %arg11[%dma_start3A_148] : memref<256xi32, #tpu.memory_space<vmem>> -> memref<64xi32, #tpu.memory_space<vmem>>
      %dma_start3A_150 = tpu.memref_slice %arg3[%add3A_19] : memref<8192xi32, #tpu.memory_space<hbm>> -> memref<64xi32, #tpu.memory_space<hbm>>
      tpu.enqueue_dma source(%dma_start3A_150 : memref<64xi32, #tpu.memory_space<hbm>>) target(%dma_start3A_149 : memref<64xi32, #tpu.memory_space<vmem>>) target_semaphore(%run_scoped3A : memref<!tpu.dma_semaphore, #tpu.memory_space<semaphore_mem>>)
      %dma_wait3A_151 = arith.constant 0 : i32
      %dma_wait3A_152 = tpu.memref_slice %arg11[%dma_wait3A_151] : memref<256xi32, #tpu.memory_space<vmem>> -> memref<64xi32, #tpu.memory_space<vmem>>
      %dma_wait3A_153 = tpu.memref_slice %arg3[%add3A_19] : memref<8192xi32, #tpu.memory_space<hbm>> -> memref<64xi32, #tpu.memory_space<hbm>>
      %dma_wait3A_154 = arith.constant 0 : i32
      %dma_wait3A_155 = tpu.memref_slice %arg11[%dma_wait3A_154] : memref<256xi32, #tpu.memory_space<vmem>> -> memref<64xi32, #tpu.memory_space<vmem>>
      %dma_wait3A_156 = tpu.memref_slice %arg3[%add3A_19] : memref<8192xi32, #tpu.memory_space<hbm>> -> memref<64xi32, #tpu.memory_space<hbm>>
      tpu.wait_dma2 semaphore(%run_scoped3A : memref<!tpu.dma_semaphore, #tpu.memory_space<semaphore_mem>>) src(%dma_wait3A_156 : memref<64xi32, #tpu.memory_space<hbm>>) dst(%dma_wait3A_155 : memref<64xi32, #tpu.memory_space<vmem>>)
      tpu.yield
    }) : () -> ()
    %add3A_20 = arith.constant 2048 : i32
    %add3A_21 = arith.addi %add3A_20, %mul3A_2 : i32
    "tpu.region"() ({
      %run_scoped3A = tpu.sem_alloc : memref<!tpu.dma_semaphore, #tpu.memory_space<semaphore_mem>>
      %dma_start3A_145 = arith.constant 64 : i32
      %dma_start3A_146 = tpu.memref_slice %arg10[%dma_start3A_145] : memref<256xi32, #tpu.memory_space<vmem>> -> memref<64xi32, #tpu.memory_space<vmem>>
      %dma_start3A_147 = tpu.memref_slice %arg2[%add3A_21] : memref<8192xi32, #tpu.memory_space<hbm>> -> memref<64xi32, #tpu.memory_space<hbm>>
      %dma_start3A_148 = arith.constant 64 : i32
      %dma_start3A_149 = tpu.memref_slice %arg10[%dma_start3A_148] : memref<256xi32, #tpu.memory_space<vmem>> -> memref<64xi32, #tpu.memory_space<vmem>>
      %dma_start3A_150 = tpu.memref_slice %arg2[%add3A_21] : memref<8192xi32, #tpu.memory_space<hbm>> -> memref<64xi32, #tpu.memory_space<hbm>>
      tpu.enqueue_dma source(%dma_start3A_150 : memref<64xi32, #tpu.memory_space<hbm>>) target(%dma_start3A_149 : memref<64xi32, #tpu.memory_space<vmem>>) target_semaphore(%run_scoped3A : memref<!tpu.dma_semaphore, #tpu.memory_space<semaphore_mem>>)
      %dma_wait3A_151 = arith.constant 64 : i32
      %dma_wait3A_152 = tpu.memref_slice %arg10[%dma_wait3A_151] : memref<256xi32, #tpu.memory_space<vmem>> -> memref<64xi32, #tpu.memory_space<vmem>>
      %dma_wait3A_153 = tpu.memref_slice %arg2[%add3A_21] : memref<8192xi32, #tpu.memory_space<hbm>> -> memref<64xi32, #tpu.memory_space<hbm>>
      %dma_wait3A_154 = arith.constant 64 : i32
      %dma_wait3A_155 = tpu.memref_slice %arg10[%dma_wait3A_154] : memref<256xi32, #tpu.memory_space<vmem>> -> memref<64xi32, #tpu.memory_space<vmem>>
      %dma_wait3A_156 = tpu.memref_slice %arg2[%add3A_21] : memref<8192xi32, #tpu.memory_space<hbm>> -> memref<64xi32, #tpu.memory_space<hbm>>
      tpu.wait_dma2 semaphore(%run_scoped3A : memref<!tpu.dma_semaphore, #tpu.memory_space<semaphore_mem>>) src(%dma_wait3A_156 : memref<64xi32, #tpu.memory_space<hbm>>) dst(%dma_wait3A_155 : memref<64xi32, #tpu.memory_space<vmem>>)
      tpu.yield
    }) : () -> ()
    "tpu.region"() ({
      %run_scoped3A = tpu.sem_alloc : memref<!tpu.dma_semaphore, #tpu.memory_space<semaphore_mem>>
      %dma_start3A_145 = arith.constant 64 : i32
      %dma_start3A_146 = tpu.memref_slice %arg11[%dma_start3A_145] : memref<256xi32, #tpu.memory_space<vmem>> -> memref<64xi32, #tpu.memory_space<vmem>>
      %dma_start3A_147 = tpu.memref_slice %arg3[%add3A_21] : memref<8192xi32, #tpu.memory_space<hbm>> -> memref<64xi32, #tpu.memory_space<hbm>>
      %dma_start3A_148 = arith.constant 64 : i32
      %dma_start3A_149 = tpu.memref_slice %arg11[%dma_start3A_148] : memref<256xi32, #tpu.memory_space<vmem>> -> memref<64xi32, #tpu.memory_space<vmem>>
      %dma_start3A_150 = tpu.memref_slice %arg3[%add3A_21] : memref<8192xi32, #tpu.memory_space<hbm>> -> memref<64xi32, #tpu.memory_space<hbm>>
      tpu.enqueue_dma source(%dma_start3A_150 : memref<64xi32, #tpu.memory_space<hbm>>) target(%dma_start3A_149 : memref<64xi32, #tpu.memory_space<vmem>>) target_semaphore(%run_scoped3A : memref<!tpu.dma_semaphore, #tpu.memory_space<semaphore_mem>>)
      %dma_wait3A_151 = arith.constant 64 : i32
      %dma_wait3A_152 = tpu.memref_slice %arg11[%dma_wait3A_151] : memref<256xi32, #tpu.memory_space<vmem>> -> memref<64xi32, #tpu.memory_space<vmem>>
      %dma_wait3A_153 = tpu.memref_slice %arg3[%add3A_21] : memref<8192xi32, #tpu.memory_space<hbm>> -> memref<64xi32, #tpu.memory_space<hbm>>
      %dma_wait3A_154 = arith.constant 64 : i32
      %dma_wait3A_155 = tpu.memref_slice %arg11[%dma_wait3A_154] : memref<256xi32, #tpu.memory_space<vmem>> -> memref<64xi32, #tpu.memory_space<vmem>>
      %dma_wait3A_156 = tpu.memref_slice %arg3[%add3A_21] : memref<8192xi32, #tpu.memory_space<hbm>> -> memref<64xi32, #tpu.memory_space<hbm>>
      tpu.wait_dma2 semaphore(%run_scoped3A : memref<!tpu.dma_semaphore, #tpu.memory_space<semaphore_mem>>) src(%dma_wait3A_156 : memref<64xi32, #tpu.memory_space<hbm>>) dst(%dma_wait3A_155 : memref<64xi32, #tpu.memory_space<vmem>>)
      tpu.yield
    }) : () -> ()
    %add3A_22 = arith.constant 4096 : i32
    %add3A_23 = arith.addi %add3A_22, %mul3A_2 : i32
    "tpu.region"() ({
      %run_scoped3A = tpu.sem_alloc : memref<!tpu.dma_semaphore, #tpu.memory_space<semaphore_mem>>
      %dma_start3A_145 = arith.constant 128 : i32
      %dma_start3A_146 = tpu.memref_slice %arg10[%dma_start3A_145] : memref<256xi32, #tpu.memory_space<vmem>> -> memref<64xi32, #tpu.memory_space<vmem>>
      %dma_start3A_147 = tpu.memref_slice %arg2[%add3A_23] : memref<8192xi32, #tpu.memory_space<hbm>> -> memref<64xi32, #tpu.memory_space<hbm>>
      %dma_start3A_148 = arith.constant 128 : i32
      %dma_start3A_149 = tpu.memref_slice %arg10[%dma_start3A_148] : memref<256xi32, #tpu.memory_space<vmem>> -> memref<64xi32, #tpu.memory_space<vmem>>
      %dma_start3A_150 = tpu.memref_slice %arg2[%add3A_23] : memref<8192xi32, #tpu.memory_space<hbm>> -> memref<64xi32, #tpu.memory_space<hbm>>
      tpu.enqueue_dma source(%dma_start3A_150 : memref<64xi32, #tpu.memory_space<hbm>>) target(%dma_start3A_149 : memref<64xi32, #tpu.memory_space<vmem>>) target_semaphore(%run_scoped3A : memref<!tpu.dma_semaphore, #tpu.memory_space<semaphore_mem>>)
      %dma_wait3A_151 = arith.constant 128 : i32
      %dma_wait3A_152 = tpu.memref_slice %arg10[%dma_wait3A_151] : memref<256xi32, #tpu.memory_space<vmem>> -> memref<64xi32, #tpu.memory_space<vmem>>
      %dma_wait3A_153 = tpu.memref_slice %arg2[%add3A_23] : memref<8192xi32, #tpu.memory_space<hbm>> -> memref<64xi32, #tpu.memory_space<hbm>>
      %dma_wait3A_154 = arith.constant 128 : i32
      %dma_wait3A_155 = tpu.memref_slice %arg10[%dma_wait3A_154] : memref<256xi32, #tpu.memory_space<vmem>> -> memref<64xi32, #tpu.memory_space<vmem>>
      %dma_wait3A_156 = tpu.memref_slice %arg2[%add3A_23] : memref<8192xi32, #tpu.memory_space<hbm>> -> memref<64xi32, #tpu.memory_space<hbm>>
      tpu.wait_dma2 semaphore(%run_scoped3A : memref<!tpu.dma_semaphore, #tpu.memory_space<semaphore_mem>>) src(%dma_wait3A_156 : memref<64xi32, #tpu.memory_space<hbm>>) dst(%dma_wait3A_155 : memref<64xi32, #tpu.memory_space<vmem>>)
      tpu.yield
    }) : () -> ()
    "tpu.region"() ({
      %run_scoped3A = tpu.sem_alloc : memref<!tpu.dma_semaphore, #tpu.memory_space<semaphore_mem>>
      %dma_start3A_145 = arith.constant 128 : i32
      %dma_start3A_146 = tpu.memref_slice %arg11[%dma_start3A_145] : memref<256xi32, #tpu.memory_space<vmem>> -> memref<64xi32, #tpu.memory_space<vmem>>
      %dma_start3A_147 = tpu.memref_slice %arg3[%add3A_23] : memref<8192xi32, #tpu.memory_space<hbm>> -> memref<64xi32, #tpu.memory_space<hbm>>
      %dma_start3A_148 = arith.constant 128 : i32
      %dma_start3A_149 = tpu.memref_slice %arg11[%dma_start3A_148] : memref<256xi32, #tpu.memory_space<vmem>> -> memref<64xi32, #tpu.memory_space<vmem>>
      %dma_start3A_150 = tpu.memref_slice %arg3[%add3A_23] : memref<8192xi32, #tpu.memory_space<hbm>> -> memref<64xi32, #tpu.memory_space<hbm>>
      tpu.enqueue_dma source(%dma_start3A_150 : memref<64xi32, #tpu.memory_space<hbm>>) target(%dma_start3A_149 : memref<64xi32, #tpu.memory_space<vmem>>) target_semaphore(%run_scoped3A : memref<!tpu.dma_semaphore, #tpu.memory_space<semaphore_mem>>)
      %dma_wait3A_151 = arith.constant 128 : i32
      %dma_wait3A_152 = tpu.memref_slice %arg11[%dma_wait3A_151] : memref<256xi32, #tpu.memory_space<vmem>> -> memref<64xi32, #tpu.memory_space<vmem>>
      %dma_wait3A_153 = tpu.memref_slice %arg3[%add3A_23] : memref<8192xi32, #tpu.memory_space<hbm>> -> memref<64xi32, #tpu.memory_space<hbm>>
      %dma_wait3A_154 = arith.constant 128 : i32
      %dma_wait3A_155 = tpu.memref_slice %arg11[%dma_wait3A_154] : memref<256xi32, #tpu.memory_space<vmem>> -> memref<64xi32, #tpu.memory_space<vmem>>
      %dma_wait3A_156 = tpu.memref_slice %arg3[%add3A_23] : memref<8192xi32, #tpu.memory_space<hbm>> -> memref<64xi32, #tpu.memory_space<hbm>>
      tpu.wait_dma2 semaphore(%run_scoped3A : memref<!tpu.dma_semaphore, #tpu.memory_space<semaphore_mem>>) src(%dma_wait3A_156 : memref<64xi32, #tpu.memory_space<hbm>>) dst(%dma_wait3A_155 : memref<64xi32, #tpu.memory_space<vmem>>)
      tpu.yield
    }) : () -> ()
    %add3A_24 = arith.constant 6144 : i32
    %add3A_25 = arith.addi %add3A_24, %mul3A_2 : i32
    "tpu.region"() ({
      %run_scoped3A = tpu.sem_alloc : memref<!tpu.dma_semaphore, #tpu.memory_space<semaphore_mem>>
      %dma_start3A_145 = arith.constant 192 : i32
      %dma_start3A_146 = tpu.memref_slice %arg10[%dma_start3A_145] : memref<256xi32, #tpu.memory_space<vmem>> -> memref<64xi32, #tpu.memory_space<vmem>>
      %dma_start3A_147 = tpu.memref_slice %arg2[%add3A_25] : memref<8192xi32, #tpu.memory_space<hbm>> -> memref<64xi32, #tpu.memory_space<hbm>>
      %dma_start3A_148 = arith.constant 192 : i32
      %dma_start3A_149 = tpu.memref_slice %arg10[%dma_start3A_148] : memref<256xi32, #tpu.memory_space<vmem>> -> memref<64xi32, #tpu.memory_space<vmem>>
      %dma_start3A_150 = tpu.memref_slice %arg2[%add3A_25] : memref<8192xi32, #tpu.memory_space<hbm>> -> memref<64xi32, #tpu.memory_space<hbm>>
      tpu.enqueue_dma source(%dma_start3A_150 : memref<64xi32, #tpu.memory_space<hbm>>) target(%dma_start3A_149 : memref<64xi32, #tpu.memory_space<vmem>>) target_semaphore(%run_scoped3A : memref<!tpu.dma_semaphore, #tpu.memory_space<semaphore_mem>>)
      %dma_wait3A_151 = arith.constant 192 : i32
      %dma_wait3A_152 = tpu.memref_slice %arg10[%dma_wait3A_151] : memref<256xi32, #tpu.memory_space<vmem>> -> memref<64xi32, #tpu.memory_space<vmem>>
      %dma_wait3A_153 = tpu.memref_slice %arg2[%add3A_25] : memref<8192xi32, #tpu.memory_space<hbm>> -> memref<64xi32, #tpu.memory_space<hbm>>
      %dma_wait3A_154 = arith.constant 192 : i32
      %dma_wait3A_155 = tpu.memref_slice %arg10[%dma_wait3A_154] : memref<256xi32, #tpu.memory_space<vmem>> -> memref<64xi32, #tpu.memory_space<vmem>>
      %dma_wait3A_156 = tpu.memref_slice %arg2[%add3A_25] : memref<8192xi32, #tpu.memory_space<hbm>> -> memref<64xi32, #tpu.memory_space<hbm>>
      tpu.wait_dma2 semaphore(%run_scoped3A : memref<!tpu.dma_semaphore, #tpu.memory_space<semaphore_mem>>) src(%dma_wait3A_156 : memref<64xi32, #tpu.memory_space<hbm>>) dst(%dma_wait3A_155 : memref<64xi32, #tpu.memory_space<vmem>>)
      tpu.yield
    }) : () -> ()
    "tpu.region"() ({
      %run_scoped3A = tpu.sem_alloc : memref<!tpu.dma_semaphore, #tpu.memory_space<semaphore_mem>>
      %dma_start3A_145 = arith.constant 192 : i32
      %dma_start3A_146 = tpu.memref_slice %arg11[%dma_start3A_145] : memref<256xi32, #tpu.memory_space<vmem>> -> memref<64xi32, #tpu.memory_space<vmem>>
      %dma_start3A_147 = tpu.memref_slice %arg3[%add3A_25] : memref<8192xi32, #tpu.memory_space<hbm>> -> memref<64xi32, #tpu.memory_space<hbm>>
      %dma_start3A_148 = arith.constant 192 : i32
      %dma_start3A_149 = tpu.memref_slice %arg11[%dma_start3A_148] : memref<256xi32, #tpu.memory_space<vmem>> -> memref<64xi32, #tpu.memory_space<vmem>>
      %dma_start3A_150 = tpu.memref_slice %arg3[%add3A_25] : memref<8192xi32, #tpu.memory_space<hbm>> -> memref<64xi32, #tpu.memory_space<hbm>>
      tpu.enqueue_dma source(%dma_start3A_150 : memref<64xi32, #tpu.memory_space<hbm>>) target(%dma_start3A_149 : memref<64xi32, #tpu.memory_space<vmem>>) target_semaphore(%run_scoped3A : memref<!tpu.dma_semaphore, #tpu.memory_space<semaphore_mem>>)
      %dma_wait3A_151 = arith.constant 192 : i32
      %dma_wait3A_152 = tpu.memref_slice %arg11[%dma_wait3A_151] : memref<256xi32, #tpu.memory_space<vmem>> -> memref<64xi32, #tpu.memory_space<vmem>>
      %dma_wait3A_153 = tpu.memref_slice %arg3[%add3A_25] : memref<8192xi32, #tpu.memory_space<hbm>> -> memref<64xi32, #tpu.memory_space<hbm>>
      %dma_wait3A_154 = arith.constant 192 : i32
      %dma_wait3A_155 = tpu.memref_slice %arg11[%dma_wait3A_154] : memref<256xi32, #tpu.memory_space<vmem>> -> memref<64xi32, #tpu.memory_space<vmem>>
      %dma_wait3A_156 = tpu.memref_slice %arg3[%add3A_25] : memref<8192xi32, #tpu.memory_space<hbm>> -> memref<64xi32, #tpu.memory_space<hbm>>
      tpu.wait_dma2 semaphore(%run_scoped3A : memref<!tpu.dma_semaphore, #tpu.memory_space<semaphore_mem>>) src(%dma_wait3A_156 : memref<64xi32, #tpu.memory_space<hbm>>) dst(%dma_wait3A_155 : memref<64xi32, #tpu.memory_space<vmem>>)
      tpu.yield
    }) : () -> ()
    %rem3A = arith.constant 0 : i32
    %rem3A_26 = arith.constant 4 : i32
    %rem3A_27 = arith.remsi %rem3A, %rem3A_26 : i32
    %dma_start3A_28 = arith.constant 0 : i32
    %dma_start3A_29 = arith.constant 0 : i32
    %dma_start3A_30 = tpu.memref_slice %arg16[%rem3A_27, %dma_start3A_28, %dma_start3A_29] : memref<4x16x768xf32, #tpu.memory_space<vmem>> -> memref<1x16x768xf32, #tpu.memory_space<vmem>>
    %dma_start3A_31 = tpu.memref_squeeze %dma_start3A_30 : memref<1x16x768xf32, #tpu.memory_space<vmem>> -> memref<16x768xf32, #tpu.memory_space<vmem>>
    %dma_start3A_32 = arith.constant 0 : i32
    %dma_start3A_33 = tpu.memref_slice %arg10[%dma_start3A_32] : memref<256xi32, #tpu.memory_space<vmem>> -> memref<16xi32, #tpu.memory_space<vmem>>
    %dma_start3A_34 = arith.constant 0 : i32
    %dma_start3A_35 = arith.constant 0 : i32
    %dma_start3A_36 = tpu.memref_slice %arg4[%dma_start3A_34, %dma_start3A_35] : memref<100000x768xf32, #tpu.memory_space<hbm>> -> memref<100000x768xf32, #tpu.memory_space<hbm>>
    %dma_start3A_37 = tpu.memref_slice %arg19[%rem3A_27] : memref<4x!tpu.dma_semaphore, #tpu.memory_space<semaphore_mem>> -> memref<1x!tpu.dma_semaphore, #tpu.memory_space<semaphore_mem>>
    %dma_start3A_38 = tpu.memref_squeeze %dma_start3A_37 : memref<1x!tpu.dma_semaphore, #tpu.memory_space<semaphore_mem>> -> memref<!tpu.dma_semaphore, #tpu.memory_space<semaphore_mem>>
    tpu.enqueue_indirect_dma source(%dma_start3A_36 : memref<100000x768xf32, #tpu.memory_space<hbm>>) target(%dma_start3A_31 : memref<16x768xf32, #tpu.memory_space<vmem>>) offsets(%dma_start3A_33 : memref<16xi32, #tpu.memory_space<vmem>>) semaphore(%dma_start3A_38 : memref<!tpu.dma_semaphore, #tpu.memory_space<semaphore_mem>>)
    %rem3A_39 = arith.constant 1 : i32
    %rem3A_40 = arith.constant 4 : i32
    %rem3A_41 = arith.remsi %rem3A_39, %rem3A_40 : i32
    %dma_start3A_42 = arith.constant 0 : i32
    %dma_start3A_43 = arith.constant 0 : i32
    %dma_start3A_44 = tpu.memref_slice %arg16[%rem3A_41, %dma_start3A_42, %dma_start3A_43] : memref<4x16x768xf32, #tpu.memory_space<vmem>> -> memref<1x16x768xf32, #tpu.memory_space<vmem>>
    %dma_start3A_45 = tpu.memref_squeeze %dma_start3A_44 : memref<1x16x768xf32, #tpu.memory_space<vmem>> -> memref<16x768xf32, #tpu.memory_space<vmem>>
    %dma_start3A_46 = arith.constant 16 : i32
    %dma_start3A_47 = tpu.memref_slice %arg10[%dma_start3A_46] : memref<256xi32, #tpu.memory_space<vmem>> -> memref<16xi32, #tpu.memory_space<vmem>>
    %dma_start3A_48 = arith.constant 0 : i32
    %dma_start3A_49 = arith.constant 0 : i32
    %dma_start3A_50 = tpu.memref_slice %arg4[%dma_start3A_48, %dma_start3A_49] : memref<100000x768xf32, #tpu.memory_space<hbm>> -> memref<100000x768xf32, #tpu.memory_space<hbm>>
    %dma_start3A_51 = tpu.memref_slice %arg19[%rem3A_41] : memref<4x!tpu.dma_semaphore, #tpu.memory_space<semaphore_mem>> -> memref<1x!tpu.dma_semaphore, #tpu.memory_space<semaphore_mem>>
    %dma_start3A_52 = tpu.memref_squeeze %dma_start3A_51 : memref<1x!tpu.dma_semaphore, #tpu.memory_space<semaphore_mem>> -> memref<!tpu.dma_semaphore, #tpu.memory_space<semaphore_mem>>
    tpu.enqueue_indirect_dma source(%dma_start3A_50 : memref<100000x768xf32, #tpu.memory_space<hbm>>) target(%dma_start3A_45 : memref<16x768xf32, #tpu.memory_space<vmem>>) offsets(%dma_start3A_47 : memref<16xi32, #tpu.memory_space<vmem>>) semaphore(%dma_start3A_52 : memref<!tpu.dma_semaphore, #tpu.memory_space<semaphore_mem>>)
    %dma_wait3A = arith.constant 0 : i32
    %dma_wait3A_53 = arith.constant 0 : i32
    %dma_wait3A_54 = tpu.memref_slice %arg5[%mul3A_2, %dma_wait3A_53] : memref<2048x768xf32, #tpu.memory_space<hbm>> -> memref<64x768xf32, #tpu.memory_space<hbm>>
    %dma_wait3A_55 = tpu.memref_slice %arg21[%dma_wait3A] : memref<4x!tpu.dma_semaphore, #tpu.memory_space<semaphore_mem>> -> memref<1x!tpu.dma_semaphore, #tpu.memory_space<semaphore_mem>>
    %dma_wait3A_56 = tpu.memref_squeeze %dma_wait3A_55 : memref<1x!tpu.dma_semaphore, #tpu.memory_space<semaphore_mem>> -> memref<!tpu.dma_semaphore, #tpu.memory_space<semaphore_mem>>
    %dma_wait3A_57 = arith.constant 0 : i32
    %dma_wait3A_58 = tpu.memref_slice %arg5[%mul3A_2, %dma_wait3A_57] : memref<2048x768xf32, #tpu.memory_space<hbm>> -> memref<64x768xf32, #tpu.memory_space<hbm>>
    tpu.wait_dma2 semaphore(%dma_wait3A_56 : memref<!tpu.dma_semaphore, #tpu.memory_space<semaphore_mem>>) src(%dma_wait3A_58 : memref<64x768xf32, #tpu.memory_space<hbm>>) dst(%arg12 : memref<64x768xf32, #tpu.memory_space<vmem>>)
    %dma_wait3A_59 = arith.constant 1 : i32
    %dma_wait3A_60 = tpu.memref_slice %arg21[%dma_wait3A_59] : memref<4x!tpu.dma_semaphore, #tpu.memory_space<semaphore_mem>> -> memref<1x!tpu.dma_semaphore, #tpu.memory_space<semaphore_mem>>
    %dma_wait3A_61 = tpu.memref_squeeze %dma_wait3A_60 : memref<1x!tpu.dma_semaphore, #tpu.memory_space<semaphore_mem>> -> memref<!tpu.dma_semaphore, #tpu.memory_space<semaphore_mem>>
    tpu.wait_dma2 semaphore(%dma_wait3A_61 : memref<!tpu.dma_semaphore, #tpu.memory_space<semaphore_mem>>) src(%arg6 : memref<2x768xf32, #tpu.memory_space<hbm>>) dst(%arg13 : memref<2x768xf32, #tpu.memory_space<vmem>>)
    %dma_wait3A_62 = arith.constant 2 : i32
    %dma_wait3A_63 = tpu.memref_slice %arg21[%dma_wait3A_62] : memref<4x!tpu.dma_semaphore, #tpu.memory_space<semaphore_mem>> -> memref<1x!tpu.dma_semaphore, #tpu.memory_space<semaphore_mem>>
    %dma_wait3A_64 = tpu.memref_squeeze %dma_wait3A_63 : memref<1x!tpu.dma_semaphore, #tpu.memory_space<semaphore_mem>> -> memref<!tpu.dma_semaphore, #tpu.memory_space<semaphore_mem>>
    tpu.wait_dma2 semaphore(%dma_wait3A_64 : memref<!tpu.dma_semaphore, #tpu.memory_space<semaphore_mem>>) src(%arg7 : memref<768xf32, #tpu.memory_space<hbm>>) dst(%arg14 : memref<768xf32, #tpu.memory_space<vmem>>)
    %dma_wait3A_65 = arith.constant 3 : i32
    %dma_wait3A_66 = tpu.memref_slice %arg21[%dma_wait3A_65] : memref<4x!tpu.dma_semaphore, #tpu.memory_space<semaphore_mem>> -> memref<1x!tpu.dma_semaphore, #tpu.memory_space<semaphore_mem>>
    %dma_wait3A_67 = tpu.memref_squeeze %dma_wait3A_66 : memref<1x!tpu.dma_semaphore, #tpu.memory_space<semaphore_mem>> -> memref<!tpu.dma_semaphore, #tpu.memory_space<semaphore_mem>>
    tpu.wait_dma2 semaphore(%dma_wait3A_67 : memref<!tpu.dma_semaphore, #tpu.memory_space<semaphore_mem>>) src(%arg8 : memref<768xf32, #tpu.memory_space<hbm>>) dst(%arg15 : memref<768xf32, #tpu.memory_space<vmem>>)
    %scan3A = arith.constant 0 : i32
    %scan3A_68 = arith.constant 0 : i32
    %scan3A_69 = arith.constant 16 : i32
    %scan3A_70 = arith.addi %scan3A_68, %scan3A_69 : i32
    %scan3A_71 = arith.constant 1 : i32
    scf.for %scan3A_145 = %scan3A_68 to %scan3A_70 step %scan3A_71  : i32 {
      %rem3A_146 = arith.constant 4 : i32
      %rem3A_147 = arith.remsi %scan3A_145, %rem3A_146 : i32
      %lt3A = arith.constant 14 : i32
      %lt3A_148 = arith.cmpi slt, %scan3A_145, %lt3A : i32
      %convert_element_type3A = arith.extui %lt3A_148 : i1 to i32
      %cond3A = arith.constant 0 : i32
      %cond3A_149 = arith.cmpi ne, %convert_element_type3A, %cond3A : i32
      scf.if %cond3A_149 {
        %ge3A = arith.constant 2 : i32
        %ge3A_1164 = arith.cmpi sge, %scan3A_145, %ge3A : i32
        %convert_element_type3A_1165 = arith.extui %ge3A_1164 : i1 to i32
        %cond3A_1166 = arith.constant 0 : i32
        %cond3A_1167 = arith.cmpi ne, %convert_element_type3A_1165, %cond3A_1166 : i32
        scf.if %cond3A_1167 {
          %add3A_1184 = arith.constant 2 : i32
          %add3A_1185 = arith.addi %scan3A_145, %add3A_1184 : i32
          %rem3A_1186 = arith.constant 4 : i32
          %rem3A_1187 = arith.remsi %add3A_1185, %rem3A_1186 : i32
          %dma_wait3A_1188 = arith.constant 0 : i32
          %dma_wait3A_1189 = arith.constant 0 : i32
          %dma_wait3A_1190 = tpu.memref_slice %arg16[%rem3A_1187, %dma_wait3A_1188, %dma_wait3A_1189] : memref<4x16x768xf32, #tpu.memory_space<vmem>> -> memref<1x16x768xf32, #tpu.memory_space<vmem>>
          %dma_wait3A_1191 = tpu.memref_squeeze %dma_wait3A_1190 : memref<1x16x768xf32, #tpu.memory_space<vmem>> -> memref<16x768xf32, #tpu.memory_space<vmem>>
          %dma_wait3A_1192 = arith.constant 0 : i32
          %dma_wait3A_1193 = arith.constant 0 : i32
          %dma_wait3A_1194 = tpu.memref_slice %arg9[%dma_wait3A_1192, %dma_wait3A_1193] : memref<8192x768xf32, #tpu.memory_space<hbm>> -> memref<16x768xf32, #tpu.memory_space<hbm>>
          %dma_wait3A_1195 = tpu.memref_slice %arg20[%rem3A_1187] : memref<4x!tpu.dma_semaphore, #tpu.memory_space<semaphore_mem>> -> memref<1x!tpu.dma_semaphore, #tpu.memory_space<semaphore_mem>>
          %dma_wait3A_1196 = tpu.memref_squeeze %dma_wait3A_1195 : memref<1x!tpu.dma_semaphore, #tpu.memory_space<semaphore_mem>> -> memref<!tpu.dma_semaphore, #tpu.memory_space<semaphore_mem>>
          %dma_wait3A_1197 = arith.constant 0 : i32
          %dma_wait3A_1198 = arith.constant 0 : i32
          %dma_wait3A_1199 = tpu.memref_slice %arg9[%dma_wait3A_1197, %dma_wait3A_1198] : memref<8192x768xf32, #tpu.memory_space<hbm>> -> memref<16x768xf32, #tpu.memory_space<hbm>>
          %dma_wait3A_1200 = arith.constant 0 : i32
          %dma_wait3A_1201 = arith.constant 0 : i32
          %dma_wait3A_1202 = tpu.memref_slice %arg16[%rem3A_1187, %dma_wait3A_1200, %dma_wait3A_1201] : memref<4x16x768xf32, #tpu.memory_space<vmem>> -> memref<1x16x768xf32, #tpu.memory_space<vmem>>
          %dma_wait3A_1203 = tpu.memref_squeeze %dma_wait3A_1202 : memref<1x16x768xf32, #tpu.memory_space<vmem>> -> memref<16x768xf32, #tpu.memory_space<vmem>>
          tpu.wait_dma2 semaphore(%dma_wait3A_1196 : memref<!tpu.dma_semaphore, #tpu.memory_space<semaphore_mem>>) src(%dma_wait3A_1203 : memref<16x768xf32, #tpu.memory_space<vmem>>) dst(%dma_wait3A_1199 : memref<16x768xf32, #tpu.memory_space<hbm>>)
        } else {
        }
        %add3A_1168 = arith.constant 2 : i32
        %add3A_1169 = arith.addi %scan3A_145, %add3A_1168 : i32
        %rem3A_1170 = arith.constant 4 : i32
        %rem3A_1171 = arith.remsi %add3A_1169, %rem3A_1170 : i32
        %mul3A_1172 = arith.constant 16 : i32
        %mul3A_1173 = arith.muli %add3A_1169, %mul3A_1172 : i32
        %dma_start3A_1174 = arith.constant 0 : i32
        %dma_start3A_1175 = arith.constant 0 : i32
        %dma_start3A_1176 = tpu.memref_slice %arg16[%rem3A_1171, %dma_start3A_1174, %dma_start3A_1175] : memref<4x16x768xf32, #tpu.memory_space<vmem>> -> memref<1x16x768xf32, #tpu.memory_space<vmem>>
        %dma_start3A_1177 = tpu.memref_squeeze %dma_start3A_1176 : memref<1x16x768xf32, #tpu.memory_space<vmem>> -> memref<16x768xf32, #tpu.memory_space<vmem>>
        %dma_start3A_1178 = tpu.memref_slice %arg10[%mul3A_1173] : memref<256xi32, #tpu.memory_space<vmem>> -> memref<16xi32, #tpu.memory_space<vmem>>
        %dma_start3A_1179 = arith.constant 0 : i32
        %dma_start3A_1180 = arith.constant 0 : i32
        %dma_start3A_1181 = tpu.memref_slice %arg4[%dma_start3A_1179, %dma_start3A_1180] : memref<100000x768xf32, #tpu.memory_space<hbm>> -> memref<100000x768xf32, #tpu.memory_space<hbm>>
        %dma_start3A_1182 = tpu.memref_slice %arg19[%rem3A_1171] : memref<4x!tpu.dma_semaphore, #tpu.memory_space<semaphore_mem>> -> memref<1x!tpu.dma_semaphore, #tpu.memory_space<semaphore_mem>>
        %dma_start3A_1183 = tpu.memref_squeeze %dma_start3A_1182 : memref<1x!tpu.dma_semaphore, #tpu.memory_space<semaphore_mem>> -> memref<!tpu.dma_semaphore, #tpu.memory_space<semaphore_mem>>
        tpu.enqueue_indirect_dma source(%dma_start3A_1181 : memref<100000x768xf32, #tpu.memory_space<hbm>>) target(%dma_start3A_1177 : memref<16x768xf32, #tpu.memory_space<vmem>>) offsets(%dma_start3A_1178 : memref<16xi32, #tpu.memory_space<vmem>>) semaphore(%dma_start3A_1183 : memref<!tpu.dma_semaphore, #tpu.memory_space<semaphore_mem>>)
      } else {
      }
      %rem3A_150 = arith.constant 4 : i32
      %rem3A_151 = arith.remsi %scan3A_145, %rem3A_150 : i32
      %mul3A_152 = arith.constant 16 : i32
      %mul3A_153 = arith.muli %scan3A_145, %mul3A_152 : i32
      %dma_wait3A_154 = arith.constant 0 : i32
      %dma_wait3A_155 = arith.constant 0 : i32
      %dma_wait3A_156 = tpu.memref_slice %arg16[%rem3A_151, %dma_wait3A_154, %dma_wait3A_155] : memref<4x16x768xf32, #tpu.memory_space<vmem>> -> memref<1x16x768xf32, #tpu.memory_space<vmem>>
      %dma_wait3A_157 = tpu.memref_squeeze %dma_wait3A_156 : memref<1x16x768xf32, #tpu.memory_space<vmem>> -> memref<16x768xf32, #tpu.memory_space<vmem>>
      %dma_wait3A_158 = tpu.memref_slice %arg10[%mul3A_153] : memref<256xi32, #tpu.memory_space<vmem>> -> memref<16xi32, #tpu.memory_space<vmem>>
      %dma_wait3A_159 = arith.constant 0 : i32
      %dma_wait3A_160 = arith.constant 0 : i32
      %dma_wait3A_161 = tpu.memref_slice %arg4[%dma_wait3A_159, %dma_wait3A_160] : memref<100000x768xf32, #tpu.memory_space<hbm>> -> memref<100000x768xf32, #tpu.memory_space<hbm>>
      %dma_wait3A_162 = tpu.memref_slice %arg19[%rem3A_151] : memref<4x!tpu.dma_semaphore, #tpu.memory_space<semaphore_mem>> -> memref<1x!tpu.dma_semaphore, #tpu.memory_space<semaphore_mem>>
      %dma_wait3A_163 = tpu.memref_squeeze %dma_wait3A_162 : memref<1x!tpu.dma_semaphore, #tpu.memory_space<semaphore_mem>> -> memref<!tpu.dma_semaphore, #tpu.memory_space<semaphore_mem>>
      tpu.wait_indirect_dma semaphore(%dma_wait3A_163 : memref<!tpu.dma_semaphore, #tpu.memory_space<semaphore_mem>>) src(%dma_wait3A_161 : memref<100000x768xf32, #tpu.memory_space<hbm>>) dst(%dma_wait3A_157 : memref<16x768xf32, #tpu.memory_space<vmem>>)
      %rem3A_164 = arith.constant 4 : i32
      %rem3A_165 = arith.remsi %scan3A_145, %rem3A_164 : i32
      %mul3A_166 = arith.constant 16 : i32
      %mul3A_167 = arith.muli %rem3A_165, %mul3A_166 : i32
      %mul3A_168 = arith.constant 16 : i32
      %mul3A_169 = arith.muli %scan3A_145, %mul3A_168 : i32
      %get3A = arith.index_cast %mul3A_169 : i32 to index
      %get3A_170 = tpu.vector_load %arg11[%get3A] {strides = array<i32>} : memref<256xi32, #tpu.memory_space<vmem>>, vector<16xi32>,
      %add3A_171 = arith.constant 0 : i32
      %add3A_172 = arith.addi %mul3A_167, %add3A_171 : i32
      %slice3A = vector.extract_strided_slice %get3A_170 {offsets = [0], sizes = [1], strides = [1]} : vector<16xi32> to vector<1xi32>
      %squeeze3A = vector.extract %slice3A[0] : i32 from vector<1xi32>
      %broadcast_in_dim3A = arith.constant 0.000000e+00 : f32
      %broadcast_in_dim3A_173 = vector.broadcast %broadcast_in_dim3A : f32 to vector<16xf32>
      %broadcast_in_dim3A_174 = arith.constant 0.000000e+00 : f32
      %broadcast_in_dim3A_175 = vector.broadcast %broadcast_in_dim3A_174 : f32 to vector<16xf32>
      %parallel_loop3A = arith.constant 0 : i32
      %parallel_loop3A_176 = arith.constant 48 : i32
      %parallel_loop3A_177 = arith.constant 1 : i32
      %parallel_loop3A_178:2 = scf.for %parallel_loop3A_1164 = %parallel_loop3A to %parallel_loop3A_176 step %parallel_loop3A_177 iter_args(%parallel_loop3A_1165 = %broadcast_in_dim3A_173, %parallel_loop3A_1166 = %broadcast_in_dim3A_175) -> (vector<16xf32>, vector<16xf32>)  : i32 {
        %parallel_loop3A_1167 = arith.constant 16 : i32
        %parallel_loop3A_1168 = arith.muli %parallel_loop3A_1164, %parallel_loop3A_1167 : i32
        %parallel_loop3A_1169 = arith.constant 0 : i32
        %parallel_loop3A_1170 = arith.index_cast %rem3A_147 : i32 to index
        %parallel_loop3A_1171 = arith.index_cast %parallel_loop3A_1169 : i32 to index
        %parallel_loop3A_1172 = arith.index_cast %parallel_loop3A_1168 : i32 to index
        %parallel_loop3A_1173 = tpu.vector_load %arg16[%parallel_loop3A_1170, %parallel_loop3A_1171, %parallel_loop3A_1172] {strides = array<i32>} : memref<4x16x768xf32, #tpu.memory_space<vmem>>, vector<16xf32>,
        %parallel_loop3A_1174 = arith.index_cast %add3A_172 : i32 to index
        %parallel_loop3A_1175 = arith.index_cast %parallel_loop3A_1168 : i32 to index
        %parallel_loop3A_1176 = tpu.vector_load %arg12[%parallel_loop3A_1174, %parallel_loop3A_1175] {strides = array<i32>} : memref<64x768xf32, #tpu.memory_space<vmem>>, vector<16xf32>,
        %parallel_loop3A_1177 = arith.addf %parallel_loop3A_1173, %parallel_loop3A_1176 : vector<16xf32>
        %parallel_loop3A_1178 = arith.index_cast %squeeze3A : i32 to index
        %parallel_loop3A_1179 = arith.index_cast %parallel_loop3A_1168 : i32 to index
        %parallel_loop3A_1180 = tpu.vector_load %arg13[%parallel_loop3A_1178, %parallel_loop3A_1179] {strides = array<i32>} : memref<2x768xf32, #tpu.memory_space<vmem>>, vector<16xf32>,
        %parallel_loop3A_1181 = arith.addf %parallel_loop3A_1177, %parallel_loop3A_1180 : vector<16xf32>
        %parallel_loop3A_1182 = arith.constant 0 : i32
        %parallel_loop3A_1183 = arith.index_cast %rem3A_147 : i32 to index
        %parallel_loop3A_1184 = arith.index_cast %parallel_loop3A_1182 : i32 to index
        %parallel_loop3A_1185 = arith.index_cast %parallel_loop3A_1168 : i32 to index
        %parallel_loop3A_1186 = tpu.vector_load %arg16[%parallel_loop3A_1183, %parallel_loop3A_1184, %parallel_loop3A_1185] {strides = array<i32>} : memref<4x16x768xf32, #tpu.memory_space<vmem>>, vector<16xf32>,
        tpu.vector_store %arg16[%parallel_loop3A_1183, %parallel_loop3A_1184, %parallel_loop3A_1185], %parallel_loop3A_1181 {strides = array<i32>} : memref<4x16x768xf32, #tpu.memory_space<vmem>>, vector<16xf32>,
        %parallel_loop3A_1187 = arith.addf %parallel_loop3A_1165, %parallel_loop3A_1181 : vector<16xf32>
        %parallel_loop3A_1188 = arith.mulf %parallel_loop3A_1181, %parallel_loop3A_1181 : vector<16xf32>
        %parallel_loop3A_1189 = arith.addf %parallel_loop3A_1166, %parallel_loop3A_1188 : vector<16xf32>
        scf.yield %parallel_loop3A_1187, %parallel_loop3A_1189 : vector<16xf32>, vector<16xf32>
      } {sc.loop_unroll_factor = 8 : i64, sc.parallel_access}
      %reduce_sum3A = arith.constant true
      %reduce_sum3A_179 = vector.broadcast %reduce_sum3A : i1 to vector<16xi1>
      %reduce_sum3A_180 = tpu.scan <sum>, %parallel_loop3A_178#0 masked %reduce_sum3A_179 : vector<16xf32>, vector<16xi1> -> vector<16xf32>
      %reduce_sum3A_181 = vector.extract %reduce_sum3A_180[15] : f32 from vector<16xf32>
      %reduce_sum3A_182 = arith.constant true
      %reduce_sum3A_183 = vector.broadcast %reduce_sum3A_182 : i1 to vector<16xi1>
      %reduce_sum3A_184 = tpu.scan <sum>, %parallel_loop3A_178#1 masked %reduce_sum3A_183 : vector<16xf32>, vector<16xi1> -> vector<16xf32>
      %reduce_sum3A_185 = vector.extract %reduce_sum3A_184[15] : f32 from vector<16xf32>
      %mul3A_186 = arith.constant 0.00130208337 : f32
      %mul3A_187 = arith.mulf %reduce_sum3A_181, %mul3A_186 : f32
      %mul3A_188 = arith.constant 0.00130208337 : f32
      %mul3A_189 = arith.mulf %reduce_sum3A_185, %mul3A_188 : f32
      %mul3A_190 = arith.mulf %mul3A_187, %mul3A_187 : f32
      %sub3A = arith.subf %mul3A_189, %mul3A_190 : f32
      %swap3A = arith.constant 0 : i32
      %swap3A_191 = arith.index_cast %swap3A : i32 to index
      %swap3A_192 = memref.load %arg17[%swap3A_191] : memref<16xf32, #tpu.memory_space<smem>>
      memref.store %mul3A_187, %arg17[%swap3A_191] : memref<16xf32, #tpu.memory_space<smem>>
      %add3A_193 = arith.constant 9.99999996E-13 : f32
      %add3A_194 = arith.addf %sub3A, %add3A_193 : f32
      %bitcast_convert_type3A = arith.bitcast %add3A_194 : f32 to i32
      %shift_right_arithmetic3A = arith.constant 1 : i32
      %shift_right_arithmetic3A_195 = arith.shrsi %bitcast_convert_type3A, %shift_right_arithmetic3A : i32
      %sub3A_196 = arith.constant 1597463007 : i32
      %sub3A_197 = arith.subi %sub3A_196, %shift_right_arithmetic3A_195 : i32
      %bitcast_convert_type3A_198 = arith.bitcast %sub3A_197 : i32 to f32
      %mul3A_199 = arith.constant 5.000000e-01 : f32
      %mul3A_200 = arith.mulf %mul3A_199, %add3A_194 : f32
      %mul3A_201 = arith.mulf %mul3A_200, %bitcast_convert_type3A_198 : f32
      %mul3A_202 = arith.mulf %mul3A_201, %bitcast_convert_type3A_198 : f32
      %sub3A_203 = arith.constant 1.500000e+00 : f32
      %sub3A_204 = arith.subf %sub3A_203, %mul3A_202 : f32
      %mul3A_205 = arith.mulf %bitcast_convert_type3A_198, %sub3A_204 : f32
      %mul3A_206 = arith.constant 5.000000e-01 : f32
      %mul3A_207 = arith.mulf %mul3A_206, %add3A_194 : f32
      %mul3A_208 = arith.mulf %mul3A_207, %mul3A_205 : f32
      %mul3A_209 = arith.mulf %mul3A_208, %mul3A_205 : f32
      %sub3A_210 = arith.constant 1.500000e+00 : f32
      %sub3A_211 = arith.subf %sub3A_210, %mul3A_209 : f32
      %mul3A_212 = arith.mulf %mul3A_205, %sub3A_211 : f32
      %mul3A_213 = arith.constant 5.000000e-01 : f32
      %mul3A_214 = arith.mulf %mul3A_213, %add3A_194 : f32
      %mul3A_215 = arith.mulf %mul3A_214, %mul3A_212 : f32
      %mul3A_216 = arith.mulf %mul3A_215, %mul3A_212 : f32
      %sub3A_217 = arith.constant 1.500000e+00 : f32
      %sub3A_218 = arith.subf %sub3A_217, %mul3A_216 : f32
      %mul3A_219 = arith.mulf %mul3A_212, %sub3A_218 : f32
      %swap3A_220 = arith.constant 0 : i32
      %swap3A_221 = arith.index_cast %swap3A_220 : i32 to index
      %swap3A_222 = memref.load %arg18[%swap3A_221] : memref<16xf32, #tpu.memory_space<smem>>
      memref.store %mul3A_219, %arg18[%swap3A_221] : memref<16xf32, #tpu.memory_space<smem>>
      %add3A_223 = arith.constant 1 : i32
      %add3A_224 = arith.addi %mul3A_167, %add3A_223 : i32
      %slice3A_225 = vector.extract_strided_slice %get3A_170 {offsets = [1], sizes = [1], strides = [1]} : vector<16xi32> to vector<1xi32>
      %squeeze3A_226 = vector.extract %slice3A_225[0] : i32 from vector<1xi32>
      %broadcast_in_dim3A_227 = arith.constant 0.000000e+00 : f32
      %broadcast_in_dim3A_228 = vector.broadcast %broadcast_in_dim3A_227 : f32 to vector<16xf32>
      %broadcast_in_dim3A_229 = arith.constant 0.000000e+00 : f32
      %broadcast_in_dim3A_230 = vector.broadcast %broadcast_in_dim3A_229 : f32 to vector<16xf32>
      %parallel_loop3A_231 = arith.constant 0 : i32
      %parallel_loop3A_232 = arith.constant 48 : i32
      %parallel_loop3A_233 = arith.constant 1 : i32
      %parallel_loop3A_234:2 = scf.for %parallel_loop3A_1164 = %parallel_loop3A_231 to %parallel_loop3A_232 step %parallel_loop3A_233 iter_args(%parallel_loop3A_1165 = %broadcast_in_dim3A_228, %parallel_loop3A_1166 = %broadcast_in_dim3A_230) -> (vector<16xf32>, vector<16xf32>)  : i32 {
        %parallel_loop3A_1167 = arith.constant 16 : i32
        %parallel_loop3A_1168 = arith.muli %parallel_loop3A_1164, %parallel_loop3A_1167 : i32
        %parallel_loop3A_1169 = arith.constant 1 : i32
        %parallel_loop3A_1170 = arith.index_cast %rem3A_147 : i32 to index
        %parallel_loop3A_1171 = arith.index_cast %parallel_loop3A_1169 : i32 to index
        %parallel_loop3A_1172 = arith.index_cast %parallel_loop3A_1168 : i32 to index
        %parallel_loop3A_1173 = tpu.vector_load %arg16[%parallel_loop3A_1170, %parallel_loop3A_1171, %parallel_loop3A_1172] {strides = array<i32>} : memref<4x16x768xf32, #tpu.memory_space<vmem>>, vector<16xf32>,
        %parallel_loop3A_1174 = arith.index_cast %add3A_224 : i32 to index
        %parallel_loop3A_1175 = arith.index_cast %parallel_loop3A_1168 : i32 to index
        %parallel_loop3A_1176 = tpu.vector_load %arg12[%parallel_loop3A_1174, %parallel_loop3A_1175] {strides = array<i32>} : memref<64x768xf32, #tpu.memory_space<vmem>>, vector<16xf32>,
        %parallel_loop3A_1177 = arith.addf %parallel_loop3A_1173, %parallel_loop3A_1176 : vector<16xf32>
        %parallel_loop3A_1178 = arith.index_cast %squeeze3A_226 : i32 to index
        %parallel_loop3A_1179 = arith.index_cast %parallel_loop3A_1168 : i32 to index
        %parallel_loop3A_1180 = tpu.vector_load %arg13[%parallel_loop3A_1178, %parallel_loop3A_1179] {strides = array<i32>} : memref<2x768xf32, #tpu.memory_space<vmem>>, vector<16xf32>,
        %parallel_loop3A_1181 = arith.addf %parallel_loop3A_1177, %parallel_loop3A_1180 : vector<16xf32>
        %parallel_loop3A_1182 = arith.constant 1 : i32
        %parallel_loop3A_1183 = arith.index_cast %rem3A_147 : i32 to index
        %parallel_loop3A_1184 = arith.index_cast %parallel_loop3A_1182 : i32 to index
        %parallel_loop3A_1185 = arith.index_cast %parallel_loop3A_1168 : i32 to index
        %parallel_loop3A_1186 = tpu.vector_load %arg16[%parallel_loop3A_1183, %parallel_loop3A_1184, %parallel_loop3A_1185] {strides = array<i32>} : memref<4x16x768xf32, #tpu.memory_space<vmem>>, vector<16xf32>,
        tpu.vector_store %arg16[%parallel_loop3A_1183, %parallel_loop3A_1184, %parallel_loop3A_1185], %parallel_loop3A_1181 {strides = array<i32>} : memref<4x16x768xf32, #tpu.memory_space<vmem>>, vector<16xf32>,
        %parallel_loop3A_1187 = arith.addf %parallel_loop3A_1165, %parallel_loop3A_1181 : vector<16xf32>
        %parallel_loop3A_1188 = arith.mulf %parallel_loop3A_1181, %parallel_loop3A_1181 : vector<16xf32>
        %parallel_loop3A_1189 = arith.addf %parallel_loop3A_1166, %parallel_loop3A_1188 : vector<16xf32>
        scf.yield %parallel_loop3A_1187, %parallel_loop3A_1189 : vector<16xf32>, vector<16xf32>
      } {sc.loop_unroll_factor = 8 : i64, sc.parallel_access}
      %reduce_sum3A_235 = arith.constant true
      %reduce_sum3A_236 = vector.broadcast %reduce_sum3A_235 : i1 to vector<16xi1>
      %reduce_sum3A_237 = tpu.scan <sum>, %parallel_loop3A_234#0 masked %reduce_sum3A_236 : vector<16xf32>, vector<16xi1> -> vector<16xf32>
      %reduce_sum3A_238 = vector.extract %reduce_sum3A_237[15] : f32 from vector<16xf32>
      %reduce_sum3A_239 = arith.constant true
      %reduce_sum3A_240 = vector.broadcast %reduce_sum3A_239 : i1 to vector<16xi1>
      %reduce_sum3A_241 = tpu.scan <sum>, %parallel_loop3A_234#1 masked %reduce_sum3A_240 : vector<16xf32>, vector<16xi1> -> vector<16xf32>
      %reduce_sum3A_242 = vector.extract %reduce_sum3A_241[15] : f32 from vector<16xf32>
      %mul3A_243 = arith.constant 0.00130208337 : f32
      %mul3A_244 = arith.mulf %reduce_sum3A_238, %mul3A_243 : f32
      %mul3A_245 = arith.constant 0.00130208337 : f32
      %mul3A_246 = arith.mulf %reduce_sum3A_242, %mul3A_245 : f32
      %mul3A_247 = arith.mulf %mul3A_244, %mul3A_244 : f32
      %sub3A_248 = arith.subf %mul3A_246, %mul3A_247 : f32
      %swap3A_249 = arith.constant 1 : i32
      %swap3A_250 = arith.index_cast %swap3A_249 : i32 to index
      %swap3A_251 = memref.load %arg17[%swap3A_250] : memref<16xf32, #tpu.memory_space<smem>>
      memref.store %mul3A_244, %arg17[%swap3A_250] : memref<16xf32, #tpu.memory_space<smem>>
      %add3A_252 = arith.constant 9.99999996E-13 : f32
      %add3A_253 = arith.addf %sub3A_248, %add3A_252 : f32
      %bitcast_convert_type3A_254 = arith.bitcast %add3A_253 : f32 to i32
      %shift_right_arithmetic3A_255 = arith.constant 1 : i32
      %shift_right_arithmetic3A_256 = arith.shrsi %bitcast_convert_type3A_254, %shift_right_arithmetic3A_255 : i32
      %sub3A_257 = arith.constant 1597463007 : i32
      %sub3A_258 = arith.subi %sub3A_257, %shift_right_arithmetic3A_256 : i32
      %bitcast_convert_type3A_259 = arith.bitcast %sub3A_258 : i32 to f32
      %mul3A_260 = arith.constant 5.000000e-01 : f32
      %mul3A_261 = arith.mulf %mul3A_260, %add3A_253 : f32
      %mul3A_262 = arith.mulf %mul3A_261, %bitcast_convert_type3A_259 : f32
      %mul3A_263 = arith.mulf %mul3A_262, %bitcast_convert_type3A_259 : f32
      %sub3A_264 = arith.constant 1.500000e+00 : f32
      %sub3A_265 = arith.subf %sub3A_264, %mul3A_263 : f32
      %mul3A_266 = arith.mulf %bitcast_convert_type3A_259, %sub3A_265 : f32
      %mul3A_267 = arith.constant 5.000000e-01 : f32
      %mul3A_268 = arith.mulf %mul3A_267, %add3A_253 : f32
      %mul3A_269 = arith.mulf %mul3A_268, %mul3A_266 : f32
      %mul3A_270 = arith.mulf %mul3A_269, %mul3A_266 : f32
      %sub3A_271 = arith.constant 1.500000e+00 : f32
      %sub3A_272 = arith.subf %sub3A_271, %mul3A_270 : f32
      %mul3A_273 = arith.mulf %mul3A_266, %sub3A_272 : f32
      %mul3A_274 = arith.constant 5.000000e-01 : f32
      %mul3A_275 = arith.mulf %mul3A_274, %add3A_253 : f32
      %mul3A_276 = arith.mulf %mul3A_275, %mul3A_273 : f32
      %mul3A_277 = arith.mulf %mul3A_276, %mul3A_273 : f32
      %sub3A_278 = arith.constant 1.500000e+00 : f32
      %sub3A_279 = arith.subf %sub3A_278, %mul3A_277 : f32
      %mul3A_280 = arith.mulf %mul3A_273, %sub3A_279 : f32
      %swap3A_281 = arith.constant 1 : i32
      %swap3A_282 = arith.index_cast %swap3A_281 : i32 to index
      %swap3A_283 = memref.load %arg18[%swap3A_282] : memref<16xf32, #tpu.memory_space<smem>>
      memref.store %mul3A_280, %arg18[%swap3A_282] : memref<16xf32, #tpu.memory_space<smem>>
      %add3A_284 = arith.constant 2 : i32
      %add3A_285 = arith.addi %mul3A_167, %add3A_284 : i32
      %slice3A_286 = vector.extract_strided_slice %get3A_170 {offsets = [2], sizes = [1], strides = [1]} : vector<16xi32> to vector<1xi32>
      %squeeze3A_287 = vector.extract %slice3A_286[0] : i32 from vector<1xi32>
      %broadcast_in_dim3A_288 = arith.constant 0.000000e+00 : f32
      %broadcast_in_dim3A_289 = vector.broadcast %broadcast_in_dim3A_288 : f32 to vector<16xf32>
      %broadcast_in_dim3A_290 = arith.constant 0.000000e+00 : f32
      %broadcast_in_dim3A_291 = vector.broadcast %broadcast_in_dim3A_290 : f32 to vector<16xf32>
      %parallel_loop3A_292 = arith.constant 0 : i32
      %parallel_loop3A_293 = arith.constant 48 : i32
      %parallel_loop3A_294 = arith.constant 1 : i32
      %parallel_loop3A_295:2 = scf.for %parallel_loop3A_1164 = %parallel_loop3A_292 to %parallel_loop3A_293 step %parallel_loop3A_294 iter_args(%parallel_loop3A_1165 = %broadcast_in_dim3A_289, %parallel_loop3A_1166 = %broadcast_in_dim3A_291) -> (vector<16xf32>, vector<16xf32>)  : i32 {
        %parallel_loop3A_1167 = arith.constant 16 : i32
        %parallel_loop3A_1168 = arith.muli %parallel_loop3A_1164, %parallel_loop3A_1167 : i32
        %parallel_loop3A_1169 = arith.constant 2 : i32
        %parallel_loop3A_1170 = arith.index_cast %rem3A_147 : i32 to index
        %parallel_loop3A_1171 = arith.index_cast %parallel_loop3A_1169 : i32 to index
        %parallel_loop3A_1172 = arith.index_cast %parallel_loop3A_1168 : i32 to index
        %parallel_loop3A_1173 = tpu.vector_load %arg16[%parallel_loop3A_1170, %parallel_loop3A_1171, %parallel_loop3A_1172] {strides = array<i32>} : memref<4x16x768xf32, #tpu.memory_space<vmem>>, vector<16xf32>,
        %parallel_loop3A_1174 = arith.index_cast %add3A_285 : i32 to index
        %parallel_loop3A_1175 = arith.index_cast %parallel_loop3A_1168 : i32 to index
        %parallel_loop3A_1176 = tpu.vector_load %arg12[%parallel_loop3A_1174, %parallel_loop3A_1175] {strides = array<i32>} : memref<64x768xf32, #tpu.memory_space<vmem>>, vector<16xf32>,
        %parallel_loop3A_1177 = arith.addf %parallel_loop3A_1173, %parallel_loop3A_1176 : vector<16xf32>
        %parallel_loop3A_1178 = arith.index_cast %squeeze3A_287 : i32 to index
        %parallel_loop3A_1179 = arith.index_cast %parallel_loop3A_1168 : i32 to index
        %parallel_loop3A_1180 = tpu.vector_load %arg13[%parallel_loop3A_1178, %parallel_loop3A_1179] {strides = array<i32>} : memref<2x768xf32, #tpu.memory_space<vmem>>, vector<16xf32>,
        %parallel_loop3A_1181 = arith.addf %parallel_loop3A_1177, %parallel_loop3A_1180 : vector<16xf32>
        %parallel_loop3A_1182 = arith.constant 2 : i32
        %parallel_loop3A_1183 = arith.index_cast %rem3A_147 : i32 to index
        %parallel_loop3A_1184 = arith.index_cast %parallel_loop3A_1182 : i32 to index
        %parallel_loop3A_1185 = arith.index_cast %parallel_loop3A_1168 : i32 to index
        %parallel_loop3A_1186 = tpu.vector_load %arg16[%parallel_loop3A_1183, %parallel_loop3A_1184, %parallel_loop3A_1185] {strides = array<i32>} : memref<4x16x768xf32, #tpu.memory_space<vmem>>, vector<16xf32>,
        tpu.vector_store %arg16[%parallel_loop3A_1183, %parallel_loop3A_1184, %parallel_loop3A_1185], %parallel_loop3A_1181 {strides = array<i32>} : memref<4x16x768xf32, #tpu.memory_space<vmem>>, vector<16xf32>,
        %parallel_loop3A_1187 = arith.addf %parallel_loop3A_1165, %parallel_loop3A_1181 : vector<16xf32>
        %parallel_loop3A_1188 = arith.mulf %parallel_loop3A_1181, %parallel_loop3A_1181 : vector<16xf32>
        %parallel_loop3A_1189 = arith.addf %parallel_loop3A_1166, %parallel_loop3A_1188 : vector<16xf32>
        scf.yield %parallel_loop3A_1187, %parallel_loop3A_1189 : vector<16xf32>, vector<16xf32>
      } {sc.loop_unroll_factor = 8 : i64, sc.parallel_access}
      %reduce_sum3A_296 = arith.constant true
      %reduce_sum3A_297 = vector.broadcast %reduce_sum3A_296 : i1 to vector<16xi1>
      %reduce_sum3A_298 = tpu.scan <sum>, %parallel_loop3A_295#0 masked %reduce_sum3A_297 : vector<16xf32>, vector<16xi1> -> vector<16xf32>
      %reduce_sum3A_299 = vector.extract %reduce_sum3A_298[15] : f32 from vector<16xf32>
      %reduce_sum3A_300 = arith.constant true
      %reduce_sum3A_301 = vector.broadcast %reduce_sum3A_300 : i1 to vector<16xi1>
      %reduce_sum3A_302 = tpu.scan <sum>, %parallel_loop3A_295#1 masked %reduce_sum3A_301 : vector<16xf32>, vector<16xi1> -> vector<16xf32>
      %reduce_sum3A_303 = vector.extract %reduce_sum3A_302[15] : f32 from vector<16xf32>
      %mul3A_304 = arith.constant 0.00130208337 : f32
      %mul3A_305 = arith.mulf %reduce_sum3A_299, %mul3A_304 : f32
      %mul3A_306 = arith.constant 0.00130208337 : f32
      %mul3A_307 = arith.mulf %reduce_sum3A_303, %mul3A_306 : f32
      %mul3A_308 = arith.mulf %mul3A_305, %mul3A_305 : f32
      %sub3A_309 = arith.subf %mul3A_307, %mul3A_308 : f32
      %swap3A_310 = arith.constant 2 : i32
      %swap3A_311 = arith.index_cast %swap3A_310 : i32 to index
      %swap3A_312 = memref.load %arg17[%swap3A_311] : memref<16xf32, #tpu.memory_space<smem>>
      memref.store %mul3A_305, %arg17[%swap3A_311] : memref<16xf32, #tpu.memory_space<smem>>
      %add3A_313 = arith.constant 9.99999996E-13 : f32
      %add3A_314 = arith.addf %sub3A_309, %add3A_313 : f32
      %bitcast_convert_type3A_315 = arith.bitcast %add3A_314 : f32 to i32
      %shift_right_arithmetic3A_316 = arith.constant 1 : i32
      %shift_right_arithmetic3A_317 = arith.shrsi %bitcast_convert_type3A_315, %shift_right_arithmetic3A_316 : i32
      %sub3A_318 = arith.constant 1597463007 : i32
      %sub3A_319 = arith.subi %sub3A_318, %shift_right_arithmetic3A_317 : i32
      %bitcast_convert_type3A_320 = arith.bitcast %sub3A_319 : i32 to f32
      %mul3A_321 = arith.constant 5.000000e-01 : f32
      %mul3A_322 = arith.mulf %mul3A_321, %add3A_314 : f32
      %mul3A_323 = arith.mulf %mul3A_322, %bitcast_convert_type3A_320 : f32
      %mul3A_324 = arith.mulf %mul3A_323, %bitcast_convert_type3A_320 : f32
      %sub3A_325 = arith.constant 1.500000e+00 : f32
      %sub3A_326 = arith.subf %sub3A_325, %mul3A_324 : f32
      %mul3A_327 = arith.mulf %bitcast_convert_type3A_320, %sub3A_326 : f32
      %mul3A_328 = arith.constant 5.000000e-01 : f32
      %mul3A_329 = arith.mulf %mul3A_328, %add3A_314 : f32
      %mul3A_330 = arith.mulf %mul3A_329, %mul3A_327 : f32
      %mul3A_331 = arith.mulf %mul3A_330, %mul3A_327 : f32
      %sub3A_332 = arith.constant 1.500000e+00 : f32
      %sub3A_333 = arith.subf %sub3A_332, %mul3A_331 : f32
      %mul3A_334 = arith.mulf %mul3A_327, %sub3A_333 : f32
      %mul3A_335 = arith.constant 5.000000e-01 : f32
      %mul3A_336 = arith.mulf %mul3A_335, %add3A_314 : f32
      %mul3A_337 = arith.mulf %mul3A_336, %mul3A_334 : f32
      %mul3A_338 = arith.mulf %mul3A_337, %mul3A_334 : f32
      %sub3A_339 = arith.constant 1.500000e+00 : f32
      %sub3A_340 = arith.subf %sub3A_339, %mul3A_338 : f32
      %mul3A_341 = arith.mulf %mul3A_334, %sub3A_340 : f32
      %swap3A_342 = arith.constant 2 : i32
      %swap3A_343 = arith.index_cast %swap3A_342 : i32 to index
      %swap3A_344 = memref.load %arg18[%swap3A_343] : memref<16xf32, #tpu.memory_space<smem>>
      memref.store %mul3A_341, %arg18[%swap3A_343] : memref<16xf32, #tpu.memory_space<smem>>
      %add3A_345 = arith.constant 3 : i32
      %add3A_346 = arith.addi %mul3A_167, %add3A_345 : i32
      %slice3A_347 = vector.extract_strided_slice %get3A_170 {offsets = [3], sizes = [1], strides = [1]} : vector<16xi32> to vector<1xi32>
      %squeeze3A_348 = vector.extract %slice3A_347[0] : i32 from vector<1xi32>
      %broadcast_in_dim3A_349 = arith.constant 0.000000e+00 : f32
      %broadcast_in_dim3A_350 = vector.broadcast %broadcast_in_dim3A_349 : f32 to vector<16xf32>
      %broadcast_in_dim3A_351 = arith.constant 0.000000e+00 : f32
      %broadcast_in_dim3A_352 = vector.broadcast %broadcast_in_dim3A_351 : f32 to vector<16xf32>
      %parallel_loop3A_353 = arith.constant 0 : i32
      %parallel_loop3A_354 = arith.constant 48 : i32
      %parallel_loop3A_355 = arith.constant 1 : i32
      %parallel_loop3A_356:2 = scf.for %parallel_loop3A_1164 = %parallel_loop3A_353 to %parallel_loop3A_354 step %parallel_loop3A_355 iter_args(%parallel_loop3A_1165 = %broadcast_in_dim3A_350, %parallel_loop3A_1166 = %broadcast_in_dim3A_352) -> (vector<16xf32>, vector<16xf32>)  : i32 {
        %parallel_loop3A_1167 = arith.constant 16 : i32
        %parallel_loop3A_1168 = arith.muli %parallel_loop3A_1164, %parallel_loop3A_1167 : i32
        %parallel_loop3A_1169 = arith.constant 3 : i32
        %parallel_loop3A_1170 = arith.index_cast %rem3A_147 : i32 to index
        %parallel_loop3A_1171 = arith.index_cast %parallel_loop3A_1169 : i32 to index
        %parallel_loop3A_1172 = arith.index_cast %parallel_loop3A_1168 : i32 to index
        %parallel_loop3A_1173 = tpu.vector_load %arg16[%parallel_loop3A_1170, %parallel_loop3A_1171, %parallel_loop3A_1172] {strides = array<i32>} : memref<4x16x768xf32, #tpu.memory_space<vmem>>, vector<16xf32>,
        %parallel_loop3A_1174 = arith.index_cast %add3A_346 : i32 to index
        %parallel_loop3A_1175 = arith.index_cast %parallel_loop3A_1168 : i32 to index
        %parallel_loop3A_1176 = tpu.vector_load %arg12[%parallel_loop3A_1174, %parallel_loop3A_1175] {strides = array<i32>} : memref<64x768xf32, #tpu.memory_space<vmem>>, vector<16xf32>,
        %parallel_loop3A_1177 = arith.addf %parallel_loop3A_1173, %parallel_loop3A_1176 : vector<16xf32>
        %parallel_loop3A_1178 = arith.index_cast %squeeze3A_348 : i32 to index
        %parallel_loop3A_1179 = arith.index_cast %parallel_loop3A_1168 : i32 to index
        %parallel_loop3A_1180 = tpu.vector_load %arg13[%parallel_loop3A_1178, %parallel_loop3A_1179] {strides = array<i32>} : memref<2x768xf32, #tpu.memory_space<vmem>>, vector<16xf32>,
        %parallel_loop3A_1181 = arith.addf %parallel_loop3A_1177, %parallel_loop3A_1180 : vector<16xf32>
        %parallel_loop3A_1182 = arith.constant 3 : i32
        %parallel_loop3A_1183 = arith.index_cast %rem3A_147 : i32 to index
        %parallel_loop3A_1184 = arith.index_cast %parallel_loop3A_1182 : i32 to index
        %parallel_loop3A_1185 = arith.index_cast %parallel_loop3A_1168 : i32 to index
        %parallel_loop3A_1186 = tpu.vector_load %arg16[%parallel_loop3A_1183, %parallel_loop3A_1184, %parallel_loop3A_1185] {strides = array<i32>} : memref<4x16x768xf32, #tpu.memory_space<vmem>>, vector<16xf32>,
        tpu.vector_store %arg16[%parallel_loop3A_1183, %parallel_loop3A_1184, %parallel_loop3A_1185], %parallel_loop3A_1181 {strides = array<i32>} : memref<4x16x768xf32, #tpu.memory_space<vmem>>, vector<16xf32>,
        %parallel_loop3A_1187 = arith.addf %parallel_loop3A_1165, %parallel_loop3A_1181 : vector<16xf32>
        %parallel_loop3A_1188 = arith.mulf %parallel_loop3A_1181, %parallel_loop3A_1181 : vector<16xf32>
        %parallel_loop3A_1189 = arith.addf %parallel_loop3A_1166, %parallel_loop3A_1188 : vector<16xf32>
        scf.yield %parallel_loop3A_1187, %parallel_loop3A_1189 : vector<16xf32>, vector<16xf32>
      } {sc.loop_unroll_factor = 8 : i64, sc.parallel_access}
      %reduce_sum3A_357 = arith.constant true
      %reduce_sum3A_358 = vector.broadcast %reduce_sum3A_357 : i1 to vector<16xi1>
      %reduce_sum3A_359 = tpu.scan <sum>, %parallel_loop3A_356#0 masked %reduce_sum3A_358 : vector<16xf32>, vector<16xi1> -> vector<16xf32>
      %reduce_sum3A_360 = vector.extract %reduce_sum3A_359[15] : f32 from vector<16xf32>
      %reduce_sum3A_361 = arith.constant true
      %reduce_sum3A_362 = vector.broadcast %reduce_sum3A_361 : i1 to vector<16xi1>
      %reduce_sum3A_363 = tpu.scan <sum>, %parallel_loop3A_356#1 masked %reduce_sum3A_362 : vector<16xf32>, vector<16xi1> -> vector<16xf32>
      %reduce_sum3A_364 = vector.extract %reduce_sum3A_363[15] : f32 from vector<16xf32>
      %mul3A_365 = arith.constant 0.00130208337 : f32
      %mul3A_366 = arith.mulf %reduce_sum3A_360, %mul3A_365 : f32
      %mul3A_367 = arith.constant 0.00130208337 : f32
      %mul3A_368 = arith.mulf %reduce_sum3A_364, %mul3A_367 : f32
      %mul3A_369 = arith.mulf %mul3A_366, %mul3A_366 : f32
      %sub3A_370 = arith.subf %mul3A_368, %mul3A_369 : f32
      %swap3A_371 = arith.constant 3 : i32
      %swap3A_372 = arith.index_cast %swap3A_371 : i32 to index
      %swap3A_373 = memref.load %arg17[%swap3A_372] : memref<16xf32, #tpu.memory_space<smem>>
      memref.store %mul3A_366, %arg17[%swap3A_372] : memref<16xf32, #tpu.memory_space<smem>>
      %add3A_374 = arith.constant 9.99999996E-13 : f32
      %add3A_375 = arith.addf %sub3A_370, %add3A_374 : f32
      %bitcast_convert_type3A_376 = arith.bitcast %add3A_375 : f32 to i32
      %shift_right_arithmetic3A_377 = arith.constant 1 : i32
      %shift_right_arithmetic3A_378 = arith.shrsi %bitcast_convert_type3A_376, %shift_right_arithmetic3A_377 : i32
      %sub3A_379 = arith.constant 1597463007 : i32
      %sub3A_380 = arith.subi %sub3A_379, %shift_right_arithmetic3A_378 : i32
      %bitcast_convert_type3A_381 = arith.bitcast %sub3A_380 : i32 to f32
      %mul3A_382 = arith.constant 5.000000e-01 : f32
      %mul3A_383 = arith.mulf %mul3A_382, %add3A_375 : f32
      %mul3A_384 = arith.mulf %mul3A_383, %bitcast_convert_type3A_381 : f32
      %mul3A_385 = arith.mulf %mul3A_384, %bitcast_convert_type3A_381 : f32
      %sub3A_386 = arith.constant 1.500000e+00 : f32
      %sub3A_387 = arith.subf %sub3A_386, %mul3A_385 : f32
      %mul3A_388 = arith.mulf %bitcast_convert_type3A_381, %sub3A_387 : f32
      %mul3A_389 = arith.constant 5.000000e-01 : f32
      %mul3A_390 = arith.mulf %mul3A_389, %add3A_375 : f32
      %mul3A_391 = arith.mulf %mul3A_390, %mul3A_388 : f32
      %mul3A_392 = arith.mulf %mul3A_391, %mul3A_388 : f32
      %sub3A_393 = arith.constant 1.500000e+00 : f32
      %sub3A_394 = arith.subf %sub3A_393, %mul3A_392 : f32
      %mul3A_395 = arith.mulf %mul3A_388, %sub3A_394 : f32
      %mul3A_396 = arith.constant 5.000000e-01 : f32
      %mul3A_397 = arith.mulf %mul3A_396, %add3A_375 : f32
      %mul3A_398 = arith.mulf %mul3A_397, %mul3A_395 : f32
      %mul3A_399 = arith.mulf %mul3A_398, %mul3A_395 : f32
      %sub3A_400 = arith.constant 1.500000e+00 : f32
      %sub3A_401 = arith.subf %sub3A_400, %mul3A_399 : f32
      %mul3A_402 = arith.mulf %mul3A_395, %sub3A_401 : f32
      %swap3A_403 = arith.constant 3 : i32
      %swap3A_404 = arith.index_cast %swap3A_403 : i32 to index
      %swap3A_405 = memref.load %arg18[%swap3A_404] : memref<16xf32, #tpu.memory_space<smem>>
      memref.store %mul3A_402, %arg18[%swap3A_404] : memref<16xf32, #tpu.memory_space<smem>>
      %add3A_406 = arith.constant 4 : i32
      %add3A_407 = arith.addi %mul3A_167, %add3A_406 : i32
      %slice3A_408 = vector.extract_strided_slice %get3A_170 {offsets = [4], sizes = [1], strides = [1]} : vector<16xi32> to vector<1xi32>
      %squeeze3A_409 = vector.extract %slice3A_408[0] : i32 from vector<1xi32>
      %broadcast_in_dim3A_410 = arith.constant 0.000000e+00 : f32
      %broadcast_in_dim3A_411 = vector.broadcast %broadcast_in_dim3A_410 : f32 to vector<16xf32>
      %broadcast_in_dim3A_412 = arith.constant 0.000000e+00 : f32
      %broadcast_in_dim3A_413 = vector.broadcast %broadcast_in_dim3A_412 : f32 to vector<16xf32>
      %parallel_loop3A_414 = arith.constant 0 : i32
      %parallel_loop3A_415 = arith.constant 48 : i32
      %parallel_loop3A_416 = arith.constant 1 : i32
      %parallel_loop3A_417:2 = scf.for %parallel_loop3A_1164 = %parallel_loop3A_414 to %parallel_loop3A_415 step %parallel_loop3A_416 iter_args(%parallel_loop3A_1165 = %broadcast_in_dim3A_411, %parallel_loop3A_1166 = %broadcast_in_dim3A_413) -> (vector<16xf32>, vector<16xf32>)  : i32 {
        %parallel_loop3A_1167 = arith.constant 16 : i32
        %parallel_loop3A_1168 = arith.muli %parallel_loop3A_1164, %parallel_loop3A_1167 : i32
        %parallel_loop3A_1169 = arith.constant 4 : i32
        %parallel_loop3A_1170 = arith.index_cast %rem3A_147 : i32 to index
        %parallel_loop3A_1171 = arith.index_cast %parallel_loop3A_1169 : i32 to index
        %parallel_loop3A_1172 = arith.index_cast %parallel_loop3A_1168 : i32 to index
        %parallel_loop3A_1173 = tpu.vector_load %arg16[%parallel_loop3A_1170, %parallel_loop3A_1171, %parallel_loop3A_1172] {strides = array<i32>} : memref<4x16x768xf32, #tpu.memory_space<vmem>>, vector<16xf32>,
        %parallel_loop3A_1174 = arith.index_cast %add3A_407 : i32 to index
        %parallel_loop3A_1175 = arith.index_cast %parallel_loop3A_1168 : i32 to index
        %parallel_loop3A_1176 = tpu.vector_load %arg12[%parallel_loop3A_1174, %parallel_loop3A_1175] {strides = array<i32>} : memref<64x768xf32, #tpu.memory_space<vmem>>, vector<16xf32>,
        %parallel_loop3A_1177 = arith.addf %parallel_loop3A_1173, %parallel_loop3A_1176 : vector<16xf32>
        %parallel_loop3A_1178 = arith.index_cast %squeeze3A_409 : i32 to index
        %parallel_loop3A_1179 = arith.index_cast %parallel_loop3A_1168 : i32 to index
        %parallel_loop3A_1180 = tpu.vector_load %arg13[%parallel_loop3A_1178, %parallel_loop3A_1179] {strides = array<i32>} : memref<2x768xf32, #tpu.memory_space<vmem>>, vector<16xf32>,
        %parallel_loop3A_1181 = arith.addf %parallel_loop3A_1177, %parallel_loop3A_1180 : vector<16xf32>
        %parallel_loop3A_1182 = arith.constant 4 : i32
        %parallel_loop3A_1183 = arith.index_cast %rem3A_147 : i32 to index
        %parallel_loop3A_1184 = arith.index_cast %parallel_loop3A_1182 : i32 to index
        %parallel_loop3A_1185 = arith.index_cast %parallel_loop3A_1168 : i32 to index
        %parallel_loop3A_1186 = tpu.vector_load %arg16[%parallel_loop3A_1183, %parallel_loop3A_1184, %parallel_loop3A_1185] {strides = array<i32>} : memref<4x16x768xf32, #tpu.memory_space<vmem>>, vector<16xf32>,
        tpu.vector_store %arg16[%parallel_loop3A_1183, %parallel_loop3A_1184, %parallel_loop3A_1185], %parallel_loop3A_1181 {strides = array<i32>} : memref<4x16x768xf32, #tpu.memory_space<vmem>>, vector<16xf32>,
        %parallel_loop3A_1187 = arith.addf %parallel_loop3A_1165, %parallel_loop3A_1181 : vector<16xf32>
        %parallel_loop3A_1188 = arith.mulf %parallel_loop3A_1181, %parallel_loop3A_1181 : vector<16xf32>
        %parallel_loop3A_1189 = arith.addf %parallel_loop3A_1166, %parallel_loop3A_1188 : vector<16xf32>
        scf.yield %parallel_loop3A_1187, %parallel_loop3A_1189 : vector<16xf32>, vector<16xf32>
      } {sc.loop_unroll_factor = 8 : i64, sc.parallel_access}
      %reduce_sum3A_418 = arith.constant true
      %reduce_sum3A_419 = vector.broadcast %reduce_sum3A_418 : i1 to vector<16xi1>
      %reduce_sum3A_420 = tpu.scan <sum>, %parallel_loop3A_417#0 masked %reduce_sum3A_419 : vector<16xf32>, vector<16xi1> -> vector<16xf32>
      %reduce_sum3A_421 = vector.extract %reduce_sum3A_420[15] : f32 from vector<16xf32>
      %reduce_sum3A_422 = arith.constant true
      %reduce_sum3A_423 = vector.broadcast %reduce_sum3A_422 : i1 to vector<16xi1>
      %reduce_sum3A_424 = tpu.scan <sum>, %parallel_loop3A_417#1 masked %reduce_sum3A_423 : vector<16xf32>, vector<16xi1> -> vector<16xf32>
      %reduce_sum3A_425 = vector.extract %reduce_sum3A_424[15] : f32 from vector<16xf32>
      %mul3A_426 = arith.constant 0.00130208337 : f32
      %mul3A_427 = arith.mulf %reduce_sum3A_421, %mul3A_426 : f32
      %mul3A_428 = arith.constant 0.00130208337 : f32
      %mul3A_429 = arith.mulf %reduce_sum3A_425, %mul3A_428 : f32
      %mul3A_430 = arith.mulf %mul3A_427, %mul3A_427 : f32
      %sub3A_431 = arith.subf %mul3A_429, %mul3A_430 : f32
      %swap3A_432 = arith.constant 4 : i32
      %swap3A_433 = arith.index_cast %swap3A_432 : i32 to index
      %swap3A_434 = memref.load %arg17[%swap3A_433] : memref<16xf32, #tpu.memory_space<smem>>
      memref.store %mul3A_427, %arg17[%swap3A_433] : memref<16xf32, #tpu.memory_space<smem>>
      %add3A_435 = arith.constant 9.99999996E-13 : f32
      %add3A_436 = arith.addf %sub3A_431, %add3A_435 : f32
      %bitcast_convert_type3A_437 = arith.bitcast %add3A_436 : f32 to i32
      %shift_right_arithmetic3A_438 = arith.constant 1 : i32
      %shift_right_arithmetic3A_439 = arith.shrsi %bitcast_convert_type3A_437, %shift_right_arithmetic3A_438 : i32
      %sub3A_440 = arith.constant 1597463007 : i32
      %sub3A_441 = arith.subi %sub3A_440, %shift_right_arithmetic3A_439 : i32
      %bitcast_convert_type3A_442 = arith.bitcast %sub3A_441 : i32 to f32
      %mul3A_443 = arith.constant 5.000000e-01 : f32
      %mul3A_444 = arith.mulf %mul3A_443, %add3A_436 : f32
      %mul3A_445 = arith.mulf %mul3A_444, %bitcast_convert_type3A_442 : f32
      %mul3A_446 = arith.mulf %mul3A_445, %bitcast_convert_type3A_442 : f32
      %sub3A_447 = arith.constant 1.500000e+00 : f32
      %sub3A_448 = arith.subf %sub3A_447, %mul3A_446 : f32
      %mul3A_449 = arith.mulf %bitcast_convert_type3A_442, %sub3A_448 : f32
      %mul3A_450 = arith.constant 5.000000e-01 : f32
      %mul3A_451 = arith.mulf %mul3A_450, %add3A_436 : f32
      %mul3A_452 = arith.mulf %mul3A_451, %mul3A_449 : f32
      %mul3A_453 = arith.mulf %mul3A_452, %mul3A_449 : f32
      %sub3A_454 = arith.constant 1.500000e+00 : f32
      %sub3A_455 = arith.subf %sub3A_454, %mul3A_453 : f32
      %mul3A_456 = arith.mulf %mul3A_449, %sub3A_455 : f32
      %mul3A_457 = arith.constant 5.000000e-01 : f32
      %mul3A_458 = arith.mulf %mul3A_457, %add3A_436 : f32
      %mul3A_459 = arith.mulf %mul3A_458, %mul3A_456 : f32
      %mul3A_460 = arith.mulf %mul3A_459, %mul3A_456 : f32
      %sub3A_461 = arith.constant 1.500000e+00 : f32
      %sub3A_462 = arith.subf %sub3A_461, %mul3A_460 : f32
      %mul3A_463 = arith.mulf %mul3A_456, %sub3A_462 : f32
      %swap3A_464 = arith.constant 4 : i32
      %swap3A_465 = arith.index_cast %swap3A_464 : i32 to index
      %swap3A_466 = memref.load %arg18[%swap3A_465] : memref<16xf32, #tpu.memory_space<smem>>
      memref.store %mul3A_463, %arg18[%swap3A_465] : memref<16xf32, #tpu.memory_space<smem>>
      %add3A_467 = arith.constant 5 : i32
      %add3A_468 = arith.addi %mul3A_167, %add3A_467 : i32
      %slice3A_469 = vector.extract_strided_slice %get3A_170 {offsets = [5], sizes = [1], strides = [1]} : vector<16xi32> to vector<1xi32>
      %squeeze3A_470 = vector.extract %slice3A_469[0] : i32 from vector<1xi32>
      %broadcast_in_dim3A_471 = arith.constant 0.000000e+00 : f32
      %broadcast_in_dim3A_472 = vector.broadcast %broadcast_in_dim3A_471 : f32 to vector<16xf32>
      %broadcast_in_dim3A_473 = arith.constant 0.000000e+00 : f32
      %broadcast_in_dim3A_474 = vector.broadcast %broadcast_in_dim3A_473 : f32 to vector<16xf32>
      %parallel_loop3A_475 = arith.constant 0 : i32
      %parallel_loop3A_476 = arith.constant 48 : i32
      %parallel_loop3A_477 = arith.constant 1 : i32
      %parallel_loop3A_478:2 = scf.for %parallel_loop3A_1164 = %parallel_loop3A_475 to %parallel_loop3A_476 step %parallel_loop3A_477 iter_args(%parallel_loop3A_1165 = %broadcast_in_dim3A_472, %parallel_loop3A_1166 = %broadcast_in_dim3A_474) -> (vector<16xf32>, vector<16xf32>)  : i32 {
        %parallel_loop3A_1167 = arith.constant 16 : i32
        %parallel_loop3A_1168 = arith.muli %parallel_loop3A_1164, %parallel_loop3A_1167 : i32
        %parallel_loop3A_1169 = arith.constant 5 : i32
        %parallel_loop3A_1170 = arith.index_cast %rem3A_147 : i32 to index
        %parallel_loop3A_1171 = arith.index_cast %parallel_loop3A_1169 : i32 to index
        %parallel_loop3A_1172 = arith.index_cast %parallel_loop3A_1168 : i32 to index
        %parallel_loop3A_1173 = tpu.vector_load %arg16[%parallel_loop3A_1170, %parallel_loop3A_1171, %parallel_loop3A_1172] {strides = array<i32>} : memref<4x16x768xf32, #tpu.memory_space<vmem>>, vector<16xf32>,
        %parallel_loop3A_1174 = arith.index_cast %add3A_468 : i32 to index
        %parallel_loop3A_1175 = arith.index_cast %parallel_loop3A_1168 : i32 to index
        %parallel_loop3A_1176 = tpu.vector_load %arg12[%parallel_loop3A_1174, %parallel_loop3A_1175] {strides = array<i32>} : memref<64x768xf32, #tpu.memory_space<vmem>>, vector<16xf32>,
        %parallel_loop3A_1177 = arith.addf %parallel_loop3A_1173, %parallel_loop3A_1176 : vector<16xf32>
        %parallel_loop3A_1178 = arith.index_cast %squeeze3A_470 : i32 to index
        %parallel_loop3A_1179 = arith.index_cast %parallel_loop3A_1168 : i32 to index
        %parallel_loop3A_1180 = tpu.vector_load %arg13[%parallel_loop3A_1178, %parallel_loop3A_1179] {strides = array<i32>} : memref<2x768xf32, #tpu.memory_space<vmem>>, vector<16xf32>,
        %parallel_loop3A_1181 = arith.addf %parallel_loop3A_1177, %parallel_loop3A_1180 : vector<16xf32>
        %parallel_loop3A_1182 = arith.constant 5 : i32
        %parallel_loop3A_1183 = arith.index_cast %rem3A_147 : i32 to index
        %parallel_loop3A_1184 = arith.index_cast %parallel_loop3A_1182 : i32 to index
        %parallel_loop3A_1185 = arith.index_cast %parallel_loop3A_1168 : i32 to index
        %parallel_loop3A_1186 = tpu.vector_load %arg16[%parallel_loop3A_1183, %parallel_loop3A_1184, %parallel_loop3A_1185] {strides = array<i32>} : memref<4x16x768xf32, #tpu.memory_space<vmem>>, vector<16xf32>,
        tpu.vector_store %arg16[%parallel_loop3A_1183, %parallel_loop3A_1184, %parallel_loop3A_1185], %parallel_loop3A_1181 {strides = array<i32>} : memref<4x16x768xf32, #tpu.memory_space<vmem>>, vector<16xf32>,
        %parallel_loop3A_1187 = arith.addf %parallel_loop3A_1165, %parallel_loop3A_1181 : vector<16xf32>
        %parallel_loop3A_1188 = arith.mulf %parallel_loop3A_1181, %parallel_loop3A_1181 : vector<16xf32>
        %parallel_loop3A_1189 = arith.addf %parallel_loop3A_1166, %parallel_loop3A_1188 : vector<16xf32>
        scf.yield %parallel_loop3A_1187, %parallel_loop3A_1189 : vector<16xf32>, vector<16xf32>
      } {sc.loop_unroll_factor = 8 : i64, sc.parallel_access}
      %reduce_sum3A_479 = arith.constant true
      %reduce_sum3A_480 = vector.broadcast %reduce_sum3A_479 : i1 to vector<16xi1>
      %reduce_sum3A_481 = tpu.scan <sum>, %parallel_loop3A_478#0 masked %reduce_sum3A_480 : vector<16xf32>, vector<16xi1> -> vector<16xf32>
      %reduce_sum3A_482 = vector.extract %reduce_sum3A_481[15] : f32 from vector<16xf32>
      %reduce_sum3A_483 = arith.constant true
      %reduce_sum3A_484 = vector.broadcast %reduce_sum3A_483 : i1 to vector<16xi1>
      %reduce_sum3A_485 = tpu.scan <sum>, %parallel_loop3A_478#1 masked %reduce_sum3A_484 : vector<16xf32>, vector<16xi1> -> vector<16xf32>
      %reduce_sum3A_486 = vector.extract %reduce_sum3A_485[15] : f32 from vector<16xf32>
      %mul3A_487 = arith.constant 0.00130208337 : f32
      %mul3A_488 = arith.mulf %reduce_sum3A_482, %mul3A_487 : f32
      %mul3A_489 = arith.constant 0.00130208337 : f32
      %mul3A_490 = arith.mulf %reduce_sum3A_486, %mul3A_489 : f32
      %mul3A_491 = arith.mulf %mul3A_488, %mul3A_488 : f32
      %sub3A_492 = arith.subf %mul3A_490, %mul3A_491 : f32
      %swap3A_493 = arith.constant 5 : i32
      %swap3A_494 = arith.index_cast %swap3A_493 : i32 to index
      %swap3A_495 = memref.load %arg17[%swap3A_494] : memref<16xf32, #tpu.memory_space<smem>>
      memref.store %mul3A_488, %arg17[%swap3A_494] : memref<16xf32, #tpu.memory_space<smem>>
      %add3A_496 = arith.constant 9.99999996E-13 : f32
      %add3A_497 = arith.addf %sub3A_492, %add3A_496 : f32
      %bitcast_convert_type3A_498 = arith.bitcast %add3A_497 : f32 to i32
      %shift_right_arithmetic3A_499 = arith.constant 1 : i32
      %shift_right_arithmetic3A_500 = arith.shrsi %bitcast_convert_type3A_498, %shift_right_arithmetic3A_499 : i32
      %sub3A_501 = arith.constant 1597463007 : i32
      %sub3A_502 = arith.subi %sub3A_501, %shift_right_arithmetic3A_500 : i32
      %bitcast_convert_type3A_503 = arith.bitcast %sub3A_502 : i32 to f32
      %mul3A_504 = arith.constant 5.000000e-01 : f32
      %mul3A_505 = arith.mulf %mul3A_504, %add3A_497 : f32
      %mul3A_506 = arith.mulf %mul3A_505, %bitcast_convert_type3A_503 : f32
      %mul3A_507 = arith.mulf %mul3A_506, %bitcast_convert_type3A_503 : f32
      %sub3A_508 = arith.constant 1.500000e+00 : f32
      %sub3A_509 = arith.subf %sub3A_508, %mul3A_507 : f32
      %mul3A_510 = arith.mulf %bitcast_convert_type3A_503, %sub3A_509 : f32
      %mul3A_511 = arith.constant 5.000000e-01 : f32
      %mul3A_512 = arith.mulf %mul3A_511, %add3A_497 : f32
      %mul3A_513 = arith.mulf %mul3A_512, %mul3A_510 : f32
      %mul3A_514 = arith.mulf %mul3A_513, %mul3A_510 : f32
      %sub3A_515 = arith.constant 1.500000e+00 : f32
      %sub3A_516 = arith.subf %sub3A_515, %mul3A_514 : f32
      %mul3A_517 = arith.mulf %mul3A_510, %sub3A_516 : f32
      %mul3A_518 = arith.constant 5.000000e-01 : f32
      %mul3A_519 = arith.mulf %mul3A_518, %add3A_497 : f32
      %mul3A_520 = arith.mulf %mul3A_519, %mul3A_517 : f32
      %mul3A_521 = arith.mulf %mul3A_520, %mul3A_517 : f32
      %sub3A_522 = arith.constant 1.500000e+00 : f32
      %sub3A_523 = arith.subf %sub3A_522, %mul3A_521 : f32
      %mul3A_524 = arith.mulf %mul3A_517, %sub3A_523 : f32
      %swap3A_525 = arith.constant 5 : i32
      %swap3A_526 = arith.index_cast %swap3A_525 : i32 to index
      %swap3A_527 = memref.load %arg18[%swap3A_526] : memref<16xf32, #tpu.memory_space<smem>>
      memref.store %mul3A_524, %arg18[%swap3A_526] : memref<16xf32, #tpu.memory_space<smem>>
      %add3A_528 = arith.constant 6 : i32
      %add3A_529 = arith.addi %mul3A_167, %add3A_528 : i32
      %slice3A_530 = vector.extract_strided_slice %get3A_170 {offsets = [6], sizes = [1], strides = [1]} : vector<16xi32> to vector<1xi32>
      %squeeze3A_531 = vector.extract %slice3A_530[0] : i32 from vector<1xi32>
      %broadcast_in_dim3A_532 = arith.constant 0.000000e+00 : f32
      %broadcast_in_dim3A_533 = vector.broadcast %broadcast_in_dim3A_532 : f32 to vector<16xf32>
      %broadcast_in_dim3A_534 = arith.constant 0.000000e+00 : f32
      %broadcast_in_dim3A_535 = vector.broadcast %broadcast_in_dim3A_534 : f32 to vector<16xf32>
      %parallel_loop3A_536 = arith.constant 0 : i32
      %parallel_loop3A_537 = arith.constant 48 : i32
      %parallel_loop3A_538 = arith.constant 1 : i32
      %parallel_loop3A_539:2 = scf.for %parallel_loop3A_1164 = %parallel_loop3A_536 to %parallel_loop3A_537 step %parallel_loop3A_538 iter_args(%parallel_loop3A_1165 = %broadcast_in_dim3A_533, %parallel_loop3A_1166 = %broadcast_in_dim3A_535) -> (vector<16xf32>, vector<16xf32>)  : i32 {
        %parallel_loop3A_1167 = arith.constant 16 : i32
        %parallel_loop3A_1168 = arith.muli %parallel_loop3A_1164, %parallel_loop3A_1167 : i32
        %parallel_loop3A_1169 = arith.constant 6 : i32
        %parallel_loop3A_1170 = arith.index_cast %rem3A_147 : i32 to index
        %parallel_loop3A_1171 = arith.index_cast %parallel_loop3A_1169 : i32 to index
        %parallel_loop3A_1172 = arith.index_cast %parallel_loop3A_1168 : i32 to index
        %parallel_loop3A_1173 = tpu.vector_load %arg16[%parallel_loop3A_1170, %parallel_loop3A_1171, %parallel_loop3A_1172] {strides = array<i32>} : memref<4x16x768xf32, #tpu.memory_space<vmem>>, vector<16xf32>,
        %parallel_loop3A_1174 = arith.index_cast %add3A_529 : i32 to index
        %parallel_loop3A_1175 = arith.index_cast %parallel_loop3A_1168 : i32 to index
        %parallel_loop3A_1176 = tpu.vector_load %arg12[%parallel_loop3A_1174, %parallel_loop3A_1175] {strides = array<i32>} : memref<64x768xf32, #tpu.memory_space<vmem>>, vector<16xf32>,
        %parallel_loop3A_1177 = arith.addf %parallel_loop3A_1173, %parallel_loop3A_1176 : vector<16xf32>
        %parallel_loop3A_1178 = arith.index_cast %squeeze3A_531 : i32 to index
        %parallel_loop3A_1179 = arith.index_cast %parallel_loop3A_1168 : i32 to index
        %parallel_loop3A_1180 = tpu.vector_load %arg13[%parallel_loop3A_1178, %parallel_loop3A_1179] {strides = array<i32>} : memref<2x768xf32, #tpu.memory_space<vmem>>, vector<16xf32>,
        %parallel_loop3A_1181 = arith.addf %parallel_loop3A_1177, %parallel_loop3A_1180 : vector<16xf32>
        %parallel_loop3A_1182 = arith.constant 6 : i32
        %parallel_loop3A_1183 = arith.index_cast %rem3A_147 : i32 to index
        %parallel_loop3A_1184 = arith.index_cast %parallel_loop3A_1182 : i32 to index
        %parallel_loop3A_1185 = arith.index_cast %parallel_loop3A_1168 : i32 to index
        %parallel_loop3A_1186 = tpu.vector_load %arg16[%parallel_loop3A_1183, %parallel_loop3A_1184, %parallel_loop3A_1185] {strides = array<i32>} : memref<4x16x768xf32, #tpu.memory_space<vmem>>, vector<16xf32>,
        tpu.vector_store %arg16[%parallel_loop3A_1183, %parallel_loop3A_1184, %parallel_loop3A_1185], %parallel_loop3A_1181 {strides = array<i32>} : memref<4x16x768xf32, #tpu.memory_space<vmem>>, vector<16xf32>,
        %parallel_loop3A_1187 = arith.addf %parallel_loop3A_1165, %parallel_loop3A_1181 : vector<16xf32>
        %parallel_loop3A_1188 = arith.mulf %parallel_loop3A_1181, %parallel_loop3A_1181 : vector<16xf32>
        %parallel_loop3A_1189 = arith.addf %parallel_loop3A_1166, %parallel_loop3A_1188 : vector<16xf32>
        scf.yield %parallel_loop3A_1187, %parallel_loop3A_1189 : vector<16xf32>, vector<16xf32>
      } {sc.loop_unroll_factor = 8 : i64, sc.parallel_access}
      %reduce_sum3A_540 = arith.constant true
      %reduce_sum3A_541 = vector.broadcast %reduce_sum3A_540 : i1 to vector<16xi1>
      %reduce_sum3A_542 = tpu.scan <sum>, %parallel_loop3A_539#0 masked %reduce_sum3A_541 : vector<16xf32>, vector<16xi1> -> vector<16xf32>
      %reduce_sum3A_543 = vector.extract %reduce_sum3A_542[15] : f32 from vector<16xf32>
      %reduce_sum3A_544 = arith.constant true
      %reduce_sum3A_545 = vector.broadcast %reduce_sum3A_544 : i1 to vector<16xi1>
      %reduce_sum3A_546 = tpu.scan <sum>, %parallel_loop3A_539#1 masked %reduce_sum3A_545 : vector<16xf32>, vector<16xi1> -> vector<16xf32>
      %reduce_sum3A_547 = vector.extract %reduce_sum3A_546[15] : f32 from vector<16xf32>
      %mul3A_548 = arith.constant 0.00130208337 : f32
      %mul3A_549 = arith.mulf %reduce_sum3A_543, %mul3A_548 : f32
      %mul3A_550 = arith.constant 0.00130208337 : f32
      %mul3A_551 = arith.mulf %reduce_sum3A_547, %mul3A_550 : f32
      %mul3A_552 = arith.mulf %mul3A_549, %mul3A_549 : f32
      %sub3A_553 = arith.subf %mul3A_551, %mul3A_552 : f32
      %swap3A_554 = arith.constant 6 : i32
      %swap3A_555 = arith.index_cast %swap3A_554 : i32 to index
      %swap3A_556 = memref.load %arg17[%swap3A_555] : memref<16xf32, #tpu.memory_space<smem>>
      memref.store %mul3A_549, %arg17[%swap3A_555] : memref<16xf32, #tpu.memory_space<smem>>
      %add3A_557 = arith.constant 9.99999996E-13 : f32
      %add3A_558 = arith.addf %sub3A_553, %add3A_557 : f32
      %bitcast_convert_type3A_559 = arith.bitcast %add3A_558 : f32 to i32
      %shift_right_arithmetic3A_560 = arith.constant 1 : i32
      %shift_right_arithmetic3A_561 = arith.shrsi %bitcast_convert_type3A_559, %shift_right_arithmetic3A_560 : i32
      %sub3A_562 = arith.constant 1597463007 : i32
      %sub3A_563 = arith.subi %sub3A_562, %shift_right_arithmetic3A_561 : i32
      %bitcast_convert_type3A_564 = arith.bitcast %sub3A_563 : i32 to f32
      %mul3A_565 = arith.constant 5.000000e-01 : f32
      %mul3A_566 = arith.mulf %mul3A_565, %add3A_558 : f32
      %mul3A_567 = arith.mulf %mul3A_566, %bitcast_convert_type3A_564 : f32
      %mul3A_568 = arith.mulf %mul3A_567, %bitcast_convert_type3A_564 : f32
      %sub3A_569 = arith.constant 1.500000e+00 : f32
      %sub3A_570 = arith.subf %sub3A_569, %mul3A_568 : f32
      %mul3A_571 = arith.mulf %bitcast_convert_type3A_564, %sub3A_570 : f32
      %mul3A_572 = arith.constant 5.000000e-01 : f32
      %mul3A_573 = arith.mulf %mul3A_572, %add3A_558 : f32
      %mul3A_574 = arith.mulf %mul3A_573, %mul3A_571 : f32
      %mul3A_575 = arith.mulf %mul3A_574, %mul3A_571 : f32
      %sub3A_576 = arith.constant 1.500000e+00 : f32
      %sub3A_577 = arith.subf %sub3A_576, %mul3A_575 : f32
      %mul3A_578 = arith.mulf %mul3A_571, %sub3A_577 : f32
      %mul3A_579 = arith.constant 5.000000e-01 : f32
      %mul3A_580 = arith.mulf %mul3A_579, %add3A_558 : f32
      %mul3A_581 = arith.mulf %mul3A_580, %mul3A_578 : f32
      %mul3A_582 = arith.mulf %mul3A_581, %mul3A_578 : f32
      %sub3A_583 = arith.constant 1.500000e+00 : f32
      %sub3A_584 = arith.subf %sub3A_583, %mul3A_582 : f32
      %mul3A_585 = arith.mulf %mul3A_578, %sub3A_584 : f32
      %swap3A_586 = arith.constant 6 : i32
      %swap3A_587 = arith.index_cast %swap3A_586 : i32 to index
      %swap3A_588 = memref.load %arg18[%swap3A_587] : memref<16xf32, #tpu.memory_space<smem>>
      memref.store %mul3A_585, %arg18[%swap3A_587] : memref<16xf32, #tpu.memory_space<smem>>
      %add3A_589 = arith.constant 7 : i32
      %add3A_590 = arith.addi %mul3A_167, %add3A_589 : i32
      %slice3A_591 = vector.extract_strided_slice %get3A_170 {offsets = [7], sizes = [1], strides = [1]} : vector<16xi32> to vector<1xi32>
      %squeeze3A_592 = vector.extract %slice3A_591[0] : i32 from vector<1xi32>
      %broadcast_in_dim3A_593 = arith.constant 0.000000e+00 : f32
      %broadcast_in_dim3A_594 = vector.broadcast %broadcast_in_dim3A_593 : f32 to vector<16xf32>
      %broadcast_in_dim3A_595 = arith.constant 0.000000e+00 : f32
      %broadcast_in_dim3A_596 = vector.broadcast %broadcast_in_dim3A_595 : f32 to vector<16xf32>
      %parallel_loop3A_597 = arith.constant 0 : i32
      %parallel_loop3A_598 = arith.constant 48 : i32
      %parallel_loop3A_599 = arith.constant 1 : i32
      %parallel_loop3A_600:2 = scf.for %parallel_loop3A_1164 = %parallel_loop3A_597 to %parallel_loop3A_598 step %parallel_loop3A_599 iter_args(%parallel_loop3A_1165 = %broadcast_in_dim3A_594, %parallel_loop3A_1166 = %broadcast_in_dim3A_596) -> (vector<16xf32>, vector<16xf32>)  : i32 {
        %parallel_loop3A_1167 = arith.constant 16 : i32
        %parallel_loop3A_1168 = arith.muli %parallel_loop3A_1164, %parallel_loop3A_1167 : i32
        %parallel_loop3A_1169 = arith.constant 7 : i32
        %parallel_loop3A_1170 = arith.index_cast %rem3A_147 : i32 to index
        %parallel_loop3A_1171 = arith.index_cast %parallel_loop3A_1169 : i32 to index
        %parallel_loop3A_1172 = arith.index_cast %parallel_loop3A_1168 : i32 to index
        %parallel_loop3A_1173 = tpu.vector_load %arg16[%parallel_loop3A_1170, %parallel_loop3A_1171, %parallel_loop3A_1172] {strides = array<i32>} : memref<4x16x768xf32, #tpu.memory_space<vmem>>, vector<16xf32>,
        %parallel_loop3A_1174 = arith.index_cast %add3A_590 : i32 to index
        %parallel_loop3A_1175 = arith.index_cast %parallel_loop3A_1168 : i32 to index
        %parallel_loop3A_1176 = tpu.vector_load %arg12[%parallel_loop3A_1174, %parallel_loop3A_1175] {strides = array<i32>} : memref<64x768xf32, #tpu.memory_space<vmem>>, vector<16xf32>,
        %parallel_loop3A_1177 = arith.addf %parallel_loop3A_1173, %parallel_loop3A_1176 : vector<16xf32>
        %parallel_loop3A_1178 = arith.index_cast %squeeze3A_592 : i32 to index
        %parallel_loop3A_1179 = arith.index_cast %parallel_loop3A_1168 : i32 to index
        %parallel_loop3A_1180 = tpu.vector_load %arg13[%parallel_loop3A_1178, %parallel_loop3A_1179] {strides = array<i32>} : memref<2x768xf32, #tpu.memory_space<vmem>>, vector<16xf32>,
        %parallel_loop3A_1181 = arith.addf %parallel_loop3A_1177, %parallel_loop3A_1180 : vector<16xf32>
        %parallel_loop3A_1182 = arith.constant 7 : i32
        %parallel_loop3A_1183 = arith.index_cast %rem3A_147 : i32 to index
        %parallel_loop3A_1184 = arith.index_cast %parallel_loop3A_1182 : i32 to index
        %parallel_loop3A_1185 = arith.index_cast %parallel_loop3A_1168 : i32 to index
        %parallel_loop3A_1186 = tpu.vector_load %arg16[%parallel_loop3A_1183, %parallel_loop3A_1184, %parallel_loop3A_1185] {strides = array<i32>} : memref<4x16x768xf32, #tpu.memory_space<vmem>>, vector<16xf32>,
        tpu.vector_store %arg16[%parallel_loop3A_1183, %parallel_loop3A_1184, %parallel_loop3A_1185], %parallel_loop3A_1181 {strides = array<i32>} : memref<4x16x768xf32, #tpu.memory_space<vmem>>, vector<16xf32>,
        %parallel_loop3A_1187 = arith.addf %parallel_loop3A_1165, %parallel_loop3A_1181 : vector<16xf32>
        %parallel_loop3A_1188 = arith.mulf %parallel_loop3A_1181, %parallel_loop3A_1181 : vector<16xf32>
        %parallel_loop3A_1189 = arith.addf %parallel_loop3A_1166, %parallel_loop3A_1188 : vector<16xf32>
        scf.yield %parallel_loop3A_1187, %parallel_loop3A_1189 : vector<16xf32>, vector<16xf32>
      } {sc.loop_unroll_factor = 8 : i64, sc.parallel_access}
      %reduce_sum3A_601 = arith.constant true
      %reduce_sum3A_602 = vector.broadcast %reduce_sum3A_601 : i1 to vector<16xi1>
      %reduce_sum3A_603 = tpu.scan <sum>, %parallel_loop3A_600#0 masked %reduce_sum3A_602 : vector<16xf32>, vector<16xi1> -> vector<16xf32>
      %reduce_sum3A_604 = vector.extract %reduce_sum3A_603[15] : f32 from vector<16xf32>
      %reduce_sum3A_605 = arith.constant true
      %reduce_sum3A_606 = vector.broadcast %reduce_sum3A_605 : i1 to vector<16xi1>
      %reduce_sum3A_607 = tpu.scan <sum>, %parallel_loop3A_600#1 masked %reduce_sum3A_606 : vector<16xf32>, vector<16xi1> -> vector<16xf32>
      %reduce_sum3A_608 = vector.extract %reduce_sum3A_607[15] : f32 from vector<16xf32>
      %mul3A_609 = arith.constant 0.00130208337 : f32
      %mul3A_610 = arith.mulf %reduce_sum3A_604, %mul3A_609 : f32
      %mul3A_611 = arith.constant 0.00130208337 : f32
      %mul3A_612 = arith.mulf %reduce_sum3A_608, %mul3A_611 : f32
      %mul3A_613 = arith.mulf %mul3A_610, %mul3A_610 : f32
      %sub3A_614 = arith.subf %mul3A_612, %mul3A_613 : f32
      %swap3A_615 = arith.constant 7 : i32
      %swap3A_616 = arith.index_cast %swap3A_615 : i32 to index
      %swap3A_617 = memref.load %arg17[%swap3A_616] : memref<16xf32, #tpu.memory_space<smem>>
      memref.store %mul3A_610, %arg17[%swap3A_616] : memref<16xf32, #tpu.memory_space<smem>>
      %add3A_618 = arith.constant 9.99999996E-13 : f32
      %add3A_619 = arith.addf %sub3A_614, %add3A_618 : f32
      %bitcast_convert_type3A_620 = arith.bitcast %add3A_619 : f32 to i32
      %shift_right_arithmetic3A_621 = arith.constant 1 : i32
      %shift_right_arithmetic3A_622 = arith.shrsi %bitcast_convert_type3A_620, %shift_right_arithmetic3A_621 : i32
      %sub3A_623 = arith.constant 1597463007 : i32
      %sub3A_624 = arith.subi %sub3A_623, %shift_right_arithmetic3A_622 : i32
      %bitcast_convert_type3A_625 = arith.bitcast %sub3A_624 : i32 to f32
      %mul3A_626 = arith.constant 5.000000e-01 : f32
      %mul3A_627 = arith.mulf %mul3A_626, %add3A_619 : f32
      %mul3A_628 = arith.mulf %mul3A_627, %bitcast_convert_type3A_625 : f32
      %mul3A_629 = arith.mulf %mul3A_628, %bitcast_convert_type3A_625 : f32
      %sub3A_630 = arith.constant 1.500000e+00 : f32
      %sub3A_631 = arith.subf %sub3A_630, %mul3A_629 : f32
      %mul3A_632 = arith.mulf %bitcast_convert_type3A_625, %sub3A_631 : f32
      %mul3A_633 = arith.constant 5.000000e-01 : f32
      %mul3A_634 = arith.mulf %mul3A_633, %add3A_619 : f32
      %mul3A_635 = arith.mulf %mul3A_634, %mul3A_632 : f32
      %mul3A_636 = arith.mulf %mul3A_635, %mul3A_632 : f32
      %sub3A_637 = arith.constant 1.500000e+00 : f32
      %sub3A_638 = arith.subf %sub3A_637, %mul3A_636 : f32
      %mul3A_639 = arith.mulf %mul3A_632, %sub3A_638 : f32
      %mul3A_640 = arith.constant 5.000000e-01 : f32
      %mul3A_641 = arith.mulf %mul3A_640, %add3A_619 : f32
      %mul3A_642 = arith.mulf %mul3A_641, %mul3A_639 : f32
      %mul3A_643 = arith.mulf %mul3A_642, %mul3A_639 : f32
      %sub3A_644 = arith.constant 1.500000e+00 : f32
      %sub3A_645 = arith.subf %sub3A_644, %mul3A_643 : f32
      %mul3A_646 = arith.mulf %mul3A_639, %sub3A_645 : f32
      %swap3A_647 = arith.constant 7 : i32
      %swap3A_648 = arith.index_cast %swap3A_647 : i32 to index
      %swap3A_649 = memref.load %arg18[%swap3A_648] : memref<16xf32, #tpu.memory_space<smem>>
      memref.store %mul3A_646, %arg18[%swap3A_648] : memref<16xf32, #tpu.memory_space<smem>>
      %add3A_650 = arith.constant 8 : i32
      %add3A_651 = arith.addi %mul3A_167, %add3A_650 : i32
      %slice3A_652 = vector.extract_strided_slice %get3A_170 {offsets = [8], sizes = [1], strides = [1]} : vector<16xi32> to vector<1xi32>
      %squeeze3A_653 = vector.extract %slice3A_652[0] : i32 from vector<1xi32>
      %broadcast_in_dim3A_654 = arith.constant 0.000000e+00 : f32
      %broadcast_in_dim3A_655 = vector.broadcast %broadcast_in_dim3A_654 : f32 to vector<16xf32>
      %broadcast_in_dim3A_656 = arith.constant 0.000000e+00 : f32
      %broadcast_in_dim3A_657 = vector.broadcast %broadcast_in_dim3A_656 : f32 to vector<16xf32>
      %parallel_loop3A_658 = arith.constant 0 : i32
      %parallel_loop3A_659 = arith.constant 48 : i32
      %parallel_loop3A_660 = arith.constant 1 : i32
      %parallel_loop3A_661:2 = scf.for %parallel_loop3A_1164 = %parallel_loop3A_658 to %parallel_loop3A_659 step %parallel_loop3A_660 iter_args(%parallel_loop3A_1165 = %broadcast_in_dim3A_655, %parallel_loop3A_1166 = %broadcast_in_dim3A_657) -> (vector<16xf32>, vector<16xf32>)  : i32 {
        %parallel_loop3A_1167 = arith.constant 16 : i32
        %parallel_loop3A_1168 = arith.muli %parallel_loop3A_1164, %parallel_loop3A_1167 : i32
        %parallel_loop3A_1169 = arith.constant 8 : i32
        %parallel_loop3A_1170 = arith.index_cast %rem3A_147 : i32 to index
        %parallel_loop3A_1171 = arith.index_cast %parallel_loop3A_1169 : i32 to index
        %parallel_loop3A_1172 = arith.index_cast %parallel_loop3A_1168 : i32 to index
        %parallel_loop3A_1173 = tpu.vector_load %arg16[%parallel_loop3A_1170, %parallel_loop3A_1171, %parallel_loop3A_1172] {strides = array<i32>} : memref<4x16x768xf32, #tpu.memory_space<vmem>>, vector<16xf32>,
        %parallel_loop3A_1174 = arith.index_cast %add3A_651 : i32 to index
        %parallel_loop3A_1175 = arith.index_cast %parallel_loop3A_1168 : i32 to index
        %parallel_loop3A_1176 = tpu.vector_load %arg12[%parallel_loop3A_1174, %parallel_loop3A_1175] {strides = array<i32>} : memref<64x768xf32, #tpu.memory_space<vmem>>, vector<16xf32>,
        %parallel_loop3A_1177 = arith.addf %parallel_loop3A_1173, %parallel_loop3A_1176 : vector<16xf32>
        %parallel_loop3A_1178 = arith.index_cast %squeeze3A_653 : i32 to index
        %parallel_loop3A_1179 = arith.index_cast %parallel_loop3A_1168 : i32 to index
        %parallel_loop3A_1180 = tpu.vector_load %arg13[%parallel_loop3A_1178, %parallel_loop3A_1179] {strides = array<i32>} : memref<2x768xf32, #tpu.memory_space<vmem>>, vector<16xf32>,
        %parallel_loop3A_1181 = arith.addf %parallel_loop3A_1177, %parallel_loop3A_1180 : vector<16xf32>
        %parallel_loop3A_1182 = arith.constant 8 : i32
        %parallel_loop3A_1183 = arith.index_cast %rem3A_147 : i32 to index
        %parallel_loop3A_1184 = arith.index_cast %parallel_loop3A_1182 : i32 to index
        %parallel_loop3A_1185 = arith.index_cast %parallel_loop3A_1168 : i32 to index
        %parallel_loop3A_1186 = tpu.vector_load %arg16[%parallel_loop3A_1183, %parallel_loop3A_1184, %parallel_loop3A_1185] {strides = array<i32>} : memref<4x16x768xf32, #tpu.memory_space<vmem>>, vector<16xf32>,
        tpu.vector_store %arg16[%parallel_loop3A_1183, %parallel_loop3A_1184, %parallel_loop3A_1185], %parallel_loop3A_1181 {strides = array<i32>} : memref<4x16x768xf32, #tpu.memory_space<vmem>>, vector<16xf32>,
        %parallel_loop3A_1187 = arith.addf %parallel_loop3A_1165, %parallel_loop3A_1181 : vector<16xf32>
        %parallel_loop3A_1188 = arith.mulf %parallel_loop3A_1181, %parallel_loop3A_1181 : vector<16xf32>
        %parallel_loop3A_1189 = arith.addf %parallel_loop3A_1166, %parallel_loop3A_1188 : vector<16xf32>
        scf.yield %parallel_loop3A_1187, %parallel_loop3A_1189 : vector<16xf32>, vector<16xf32>
      } {sc.loop_unroll_factor = 8 : i64, sc.parallel_access}
      %reduce_sum3A_662 = arith.constant true
      %reduce_sum3A_663 = vector.broadcast %reduce_sum3A_662 : i1 to vector<16xi1>
      %reduce_sum3A_664 = tpu.scan <sum>, %parallel_loop3A_661#0 masked %reduce_sum3A_663 : vector<16xf32>, vector<16xi1> -> vector<16xf32>
      %reduce_sum3A_665 = vector.extract %reduce_sum3A_664[15] : f32 from vector<16xf32>
      %reduce_sum3A_666 = arith.constant true
      %reduce_sum3A_667 = vector.broadcast %reduce_sum3A_666 : i1 to vector<16xi1>
      %reduce_sum3A_668 = tpu.scan <sum>, %parallel_loop3A_661#1 masked %reduce_sum3A_667 : vector<16xf32>, vector<16xi1> -> vector<16xf32>
      %reduce_sum3A_669 = vector.extract %reduce_sum3A_668[15] : f32 from vector<16xf32>
      %mul3A_670 = arith.constant 0.00130208337 : f32
      %mul3A_671 = arith.mulf %reduce_sum3A_665, %mul3A_670 : f32
      %mul3A_672 = arith.constant 0.00130208337 : f32
      %mul3A_673 = arith.mulf %reduce_sum3A_669, %mul3A_672 : f32
      %mul3A_674 = arith.mulf %mul3A_671, %mul3A_671 : f32
      %sub3A_675 = arith.subf %mul3A_673, %mul3A_674 : f32
      %swap3A_676 = arith.constant 8 : i32
      %swap3A_677 = arith.index_cast %swap3A_676 : i32 to index
      %swap3A_678 = memref.load %arg17[%swap3A_677] : memref<16xf32, #tpu.memory_space<smem>>
      memref.store %mul3A_671, %arg17[%swap3A_677] : memref<16xf32, #tpu.memory_space<smem>>
      %add3A_679 = arith.constant 9.99999996E-13 : f32
      %add3A_680 = arith.addf %sub3A_675, %add3A_679 : f32
      %bitcast_convert_type3A_681 = arith.bitcast %add3A_680 : f32 to i32
      %shift_right_arithmetic3A_682 = arith.constant 1 : i32
      %shift_right_arithmetic3A_683 = arith.shrsi %bitcast_convert_type3A_681, %shift_right_arithmetic3A_682 : i32
      %sub3A_684 = arith.constant 1597463007 : i32
      %sub3A_685 = arith.subi %sub3A_684, %shift_right_arithmetic3A_683 : i32
      %bitcast_convert_type3A_686 = arith.bitcast %sub3A_685 : i32 to f32
      %mul3A_687 = arith.constant 5.000000e-01 : f32
      %mul3A_688 = arith.mulf %mul3A_687, %add3A_680 : f32
      %mul3A_689 = arith.mulf %mul3A_688, %bitcast_convert_type3A_686 : f32
      %mul3A_690 = arith.mulf %mul3A_689, %bitcast_convert_type3A_686 : f32
      %sub3A_691 = arith.constant 1.500000e+00 : f32
      %sub3A_692 = arith.subf %sub3A_691, %mul3A_690 : f32
      %mul3A_693 = arith.mulf %bitcast_convert_type3A_686, %sub3A_692 : f32
      %mul3A_694 = arith.constant 5.000000e-01 : f32
      %mul3A_695 = arith.mulf %mul3A_694, %add3A_680 : f32
      %mul3A_696 = arith.mulf %mul3A_695, %mul3A_693 : f32
      %mul3A_697 = arith.mulf %mul3A_696, %mul3A_693 : f32
      %sub3A_698 = arith.constant 1.500000e+00 : f32
      %sub3A_699 = arith.subf %sub3A_698, %mul3A_697 : f32
      %mul3A_700 = arith.mulf %mul3A_693, %sub3A_699 : f32
      %mul3A_701 = arith.constant 5.000000e-01 : f32
      %mul3A_702 = arith.mulf %mul3A_701, %add3A_680 : f32
      %mul3A_703 = arith.mulf %mul3A_702, %mul3A_700 : f32
      %mul3A_704 = arith.mulf %mul3A_703, %mul3A_700 : f32
      %sub3A_705 = arith.constant 1.500000e+00 : f32
      %sub3A_706 = arith.subf %sub3A_705, %mul3A_704 : f32
      %mul3A_707 = arith.mulf %mul3A_700, %sub3A_706 : f32
      %swap3A_708 = arith.constant 8 : i32
      %swap3A_709 = arith.index_cast %swap3A_708 : i32 to index
      %swap3A_710 = memref.load %arg18[%swap3A_709] : memref<16xf32, #tpu.memory_space<smem>>
      memref.store %mul3A_707, %arg18[%swap3A_709] : memref<16xf32, #tpu.memory_space<smem>>
      %add3A_711 = arith.constant 9 : i32
      %add3A_712 = arith.addi %mul3A_167, %add3A_711 : i32
      %slice3A_713 = vector.extract_strided_slice %get3A_170 {offsets = [9], sizes = [1], strides = [1]} : vector<16xi32> to vector<1xi32>
      %squeeze3A_714 = vector.extract %slice3A_713[0] : i32 from vector<1xi32>
      %broadcast_in_dim3A_715 = arith.constant 0.000000e+00 : f32
      %broadcast_in_dim3A_716 = vector.broadcast %broadcast_in_dim3A_715 : f32 to vector<16xf32>
      %broadcast_in_dim3A_717 = arith.constant 0.000000e+00 : f32
      %broadcast_in_dim3A_718 = vector.broadcast %broadcast_in_dim3A_717 : f32 to vector<16xf32>
      %parallel_loop3A_719 = arith.constant 0 : i32
      %parallel_loop3A_720 = arith.constant 48 : i32
      %parallel_loop3A_721 = arith.constant 1 : i32
      %parallel_loop3A_722:2 = scf.for %parallel_loop3A_1164 = %parallel_loop3A_719 to %parallel_loop3A_720 step %parallel_loop3A_721 iter_args(%parallel_loop3A_1165 = %broadcast_in_dim3A_716, %parallel_loop3A_1166 = %broadcast_in_dim3A_718) -> (vector<16xf32>, vector<16xf32>)  : i32 {
        %parallel_loop3A_1167 = arith.constant 16 : i32
        %parallel_loop3A_1168 = arith.muli %parallel_loop3A_1164, %parallel_loop3A_1167 : i32
        %parallel_loop3A_1169 = arith.constant 9 : i32
        %parallel_loop3A_1170 = arith.index_cast %rem3A_147 : i32 to index
        %parallel_loop3A_1171 = arith.index_cast %parallel_loop3A_1169 : i32 to index
        %parallel_loop3A_1172 = arith.index_cast %parallel_loop3A_1168 : i32 to index
        %parallel_loop3A_1173 = tpu.vector_load %arg16[%parallel_loop3A_1170, %parallel_loop3A_1171, %parallel_loop3A_1172] {strides = array<i32>} : memref<4x16x768xf32, #tpu.memory_space<vmem>>, vector<16xf32>,
        %parallel_loop3A_1174 = arith.index_cast %add3A_712 : i32 to index
        %parallel_loop3A_1175 = arith.index_cast %parallel_loop3A_1168 : i32 to index
        %parallel_loop3A_1176 = tpu.vector_load %arg12[%parallel_loop3A_1174, %parallel_loop3A_1175] {strides = array<i32>} : memref<64x768xf32, #tpu.memory_space<vmem>>, vector<16xf32>,
        %parallel_loop3A_1177 = arith.addf %parallel_loop3A_1173, %parallel_loop3A_1176 : vector<16xf32>
        %parallel_loop3A_1178 = arith.index_cast %squeeze3A_714 : i32 to index
        %parallel_loop3A_1179 = arith.index_cast %parallel_loop3A_1168 : i32 to index
        %parallel_loop3A_1180 = tpu.vector_load %arg13[%parallel_loop3A_1178, %parallel_loop3A_1179] {strides = array<i32>} : memref<2x768xf32, #tpu.memory_space<vmem>>, vector<16xf32>,
        %parallel_loop3A_1181 = arith.addf %parallel_loop3A_1177, %parallel_loop3A_1180 : vector<16xf32>
        %parallel_loop3A_1182 = arith.constant 9 : i32
        %parallel_loop3A_1183 = arith.index_cast %rem3A_147 : i32 to index
        %parallel_loop3A_1184 = arith.index_cast %parallel_loop3A_1182 : i32 to index
        %parallel_loop3A_1185 = arith.index_cast %parallel_loop3A_1168 : i32 to index
        %parallel_loop3A_1186 = tpu.vector_load %arg16[%parallel_loop3A_1183, %parallel_loop3A_1184, %parallel_loop3A_1185] {strides = array<i32>} : memref<4x16x768xf32, #tpu.memory_space<vmem>>, vector<16xf32>,
        tpu.vector_store %arg16[%parallel_loop3A_1183, %parallel_loop3A_1184, %parallel_loop3A_1185], %parallel_loop3A_1181 {strides = array<i32>} : memref<4x16x768xf32, #tpu.memory_space<vmem>>, vector<16xf32>,
        %parallel_loop3A_1187 = arith.addf %parallel_loop3A_1165, %parallel_loop3A_1181 : vector<16xf32>
        %parallel_loop3A_1188 = arith.mulf %parallel_loop3A_1181, %parallel_loop3A_1181 : vector<16xf32>
        %parallel_loop3A_1189 = arith.addf %parallel_loop3A_1166, %parallel_loop3A_1188 : vector<16xf32>
        scf.yield %parallel_loop3A_1187, %parallel_loop3A_1189 : vector<16xf32>, vector<16xf32>
      } {sc.loop_unroll_factor = 8 : i64, sc.parallel_access}
      %reduce_sum3A_723 = arith.constant true
      %reduce_sum3A_724 = vector.broadcast %reduce_sum3A_723 : i1 to vector<16xi1>
      %reduce_sum3A_725 = tpu.scan <sum>, %parallel_loop3A_722#0 masked %reduce_sum3A_724 : vector<16xf32>, vector<16xi1> -> vector<16xf32>
      %reduce_sum3A_726 = vector.extract %reduce_sum3A_725[15] : f32 from vector<16xf32>
      %reduce_sum3A_727 = arith.constant true
      %reduce_sum3A_728 = vector.broadcast %reduce_sum3A_727 : i1 to vector<16xi1>
      %reduce_sum3A_729 = tpu.scan <sum>, %parallel_loop3A_722#1 masked %reduce_sum3A_728 : vector<16xf32>, vector<16xi1> -> vector<16xf32>
      %reduce_sum3A_730 = vector.extract %reduce_sum3A_729[15] : f32 from vector<16xf32>
      %mul3A_731 = arith.constant 0.00130208337 : f32
      %mul3A_732 = arith.mulf %reduce_sum3A_726, %mul3A_731 : f32
      %mul3A_733 = arith.constant 0.00130208337 : f32
      %mul3A_734 = arith.mulf %reduce_sum3A_730, %mul3A_733 : f32
      %mul3A_735 = arith.mulf %mul3A_732, %mul3A_732 : f32
      %sub3A_736 = arith.subf %mul3A_734, %mul3A_735 : f32
      %swap3A_737 = arith.constant 9 : i32
      %swap3A_738 = arith.index_cast %swap3A_737 : i32 to index
      %swap3A_739 = memref.load %arg17[%swap3A_738] : memref<16xf32, #tpu.memory_space<smem>>
      memref.store %mul3A_732, %arg17[%swap3A_738] : memref<16xf32, #tpu.memory_space<smem>>
      %add3A_740 = arith.constant 9.99999996E-13 : f32
      %add3A_741 = arith.addf %sub3A_736, %add3A_740 : f32
      %bitcast_convert_type3A_742 = arith.bitcast %add3A_741 : f32 to i32
      %shift_right_arithmetic3A_743 = arith.constant 1 : i32
      %shift_right_arithmetic3A_744 = arith.shrsi %bitcast_convert_type3A_742, %shift_right_arithmetic3A_743 : i32
      %sub3A_745 = arith.constant 1597463007 : i32
      %sub3A_746 = arith.subi %sub3A_745, %shift_right_arithmetic3A_744 : i32
      %bitcast_convert_type3A_747 = arith.bitcast %sub3A_746 : i32 to f32
      %mul3A_748 = arith.constant 5.000000e-01 : f32
      %mul3A_749 = arith.mulf %mul3A_748, %add3A_741 : f32
      %mul3A_750 = arith.mulf %mul3A_749, %bitcast_convert_type3A_747 : f32
      %mul3A_751 = arith.mulf %mul3A_750, %bitcast_convert_type3A_747 : f32
      %sub3A_752 = arith.constant 1.500000e+00 : f32
      %sub3A_753 = arith.subf %sub3A_752, %mul3A_751 : f32
      %mul3A_754 = arith.mulf %bitcast_convert_type3A_747, %sub3A_753 : f32
      %mul3A_755 = arith.constant 5.000000e-01 : f32
      %mul3A_756 = arith.mulf %mul3A_755, %add3A_741 : f32
      %mul3A_757 = arith.mulf %mul3A_756, %mul3A_754 : f32
      %mul3A_758 = arith.mulf %mul3A_757, %mul3A_754 : f32
      %sub3A_759 = arith.constant 1.500000e+00 : f32
      %sub3A_760 = arith.subf %sub3A_759, %mul3A_758 : f32
      %mul3A_761 = arith.mulf %mul3A_754, %sub3A_760 : f32
      %mul3A_762 = arith.constant 5.000000e-01 : f32
      %mul3A_763 = arith.mulf %mul3A_762, %add3A_741 : f32
      %mul3A_764 = arith.mulf %mul3A_763, %mul3A_761 : f32
      %mul3A_765 = arith.mulf %mul3A_764, %mul3A_761 : f32
      %sub3A_766 = arith.constant 1.500000e+00 : f32
      %sub3A_767 = arith.subf %sub3A_766, %mul3A_765 : f32
      %mul3A_768 = arith.mulf %mul3A_761, %sub3A_767 : f32
      %swap3A_769 = arith.constant 9 : i32
      %swap3A_770 = arith.index_cast %swap3A_769 : i32 to index
      %swap3A_771 = memref.load %arg18[%swap3A_770] : memref<16xf32, #tpu.memory_space<smem>>
      memref.store %mul3A_768, %arg18[%swap3A_770] : memref<16xf32, #tpu.memory_space<smem>>
      %add3A_772 = arith.constant 10 : i32
      %add3A_773 = arith.addi %mul3A_167, %add3A_772 : i32
      %slice3A_774 = vector.extract_strided_slice %get3A_170 {offsets = [10], sizes = [1], strides = [1]} : vector<16xi32> to vector<1xi32>
      %squeeze3A_775 = vector.extract %slice3A_774[0] : i32 from vector<1xi32>
      %broadcast_in_dim3A_776 = arith.constant 0.000000e+00 : f32
      %broadcast_in_dim3A_777 = vector.broadcast %broadcast_in_dim3A_776 : f32 to vector<16xf32>
      %broadcast_in_dim3A_778 = arith.constant 0.000000e+00 : f32
      %broadcast_in_dim3A_779 = vector.broadcast %broadcast_in_dim3A_778 : f32 to vector<16xf32>
      %parallel_loop3A_780 = arith.constant 0 : i32
      %parallel_loop3A_781 = arith.constant 48 : i32
      %parallel_loop3A_782 = arith.constant 1 : i32
      %parallel_loop3A_783:2 = scf.for %parallel_loop3A_1164 = %parallel_loop3A_780 to %parallel_loop3A_781 step %parallel_loop3A_782 iter_args(%parallel_loop3A_1165 = %broadcast_in_dim3A_777, %parallel_loop3A_1166 = %broadcast_in_dim3A_779) -> (vector<16xf32>, vector<16xf32>)  : i32 {
        %parallel_loop3A_1167 = arith.constant 16 : i32
        %parallel_loop3A_1168 = arith.muli %parallel_loop3A_1164, %parallel_loop3A_1167 : i32
        %parallel_loop3A_1169 = arith.constant 10 : i32
        %parallel_loop3A_1170 = arith.index_cast %rem3A_147 : i32 to index
        %parallel_loop3A_1171 = arith.index_cast %parallel_loop3A_1169 : i32 to index
        %parallel_loop3A_1172 = arith.index_cast %parallel_loop3A_1168 : i32 to index
        %parallel_loop3A_1173 = tpu.vector_load %arg16[%parallel_loop3A_1170, %parallel_loop3A_1171, %parallel_loop3A_1172] {strides = array<i32>} : memref<4x16x768xf32, #tpu.memory_space<vmem>>, vector<16xf32>,
        %parallel_loop3A_1174 = arith.index_cast %add3A_773 : i32 to index
        %parallel_loop3A_1175 = arith.index_cast %parallel_loop3A_1168 : i32 to index
        %parallel_loop3A_1176 = tpu.vector_load %arg12[%parallel_loop3A_1174, %parallel_loop3A_1175] {strides = array<i32>} : memref<64x768xf32, #tpu.memory_space<vmem>>, vector<16xf32>,
        %parallel_loop3A_1177 = arith.addf %parallel_loop3A_1173, %parallel_loop3A_1176 : vector<16xf32>
        %parallel_loop3A_1178 = arith.index_cast %squeeze3A_775 : i32 to index
        %parallel_loop3A_1179 = arith.index_cast %parallel_loop3A_1168 : i32 to index
        %parallel_loop3A_1180 = tpu.vector_load %arg13[%parallel_loop3A_1178, %parallel_loop3A_1179] {strides = array<i32>} : memref<2x768xf32, #tpu.memory_space<vmem>>, vector<16xf32>,
        %parallel_loop3A_1181 = arith.addf %parallel_loop3A_1177, %parallel_loop3A_1180 : vector<16xf32>
        %parallel_loop3A_1182 = arith.constant 10 : i32
        %parallel_loop3A_1183 = arith.index_cast %rem3A_147 : i32 to index
        %parallel_loop3A_1184 = arith.index_cast %parallel_loop3A_1182 : i32 to index
        %parallel_loop3A_1185 = arith.index_cast %parallel_loop3A_1168 : i32 to index
        %parallel_loop3A_1186 = tpu.vector_load %arg16[%parallel_loop3A_1183, %parallel_loop3A_1184, %parallel_loop3A_1185] {strides = array<i32>} : memref<4x16x768xf32, #tpu.memory_space<vmem>>, vector<16xf32>,
        tpu.vector_store %arg16[%parallel_loop3A_1183, %parallel_loop3A_1184, %parallel_loop3A_1185], %parallel_loop3A_1181 {strides = array<i32>} : memref<4x16x768xf32, #tpu.memory_space<vmem>>, vector<16xf32>,
        %parallel_loop3A_1187 = arith.addf %parallel_loop3A_1165, %parallel_loop3A_1181 : vector<16xf32>
        %parallel_loop3A_1188 = arith.mulf %parallel_loop3A_1181, %parallel_loop3A_1181 : vector<16xf32>
        %parallel_loop3A_1189 = arith.addf %parallel_loop3A_1166, %parallel_loop3A_1188 : vector<16xf32>
        scf.yield %parallel_loop3A_1187, %parallel_loop3A_1189 : vector<16xf32>, vector<16xf32>
      } {sc.loop_unroll_factor = 8 : i64, sc.parallel_access}
      %reduce_sum3A_784 = arith.constant true
      %reduce_sum3A_785 = vector.broadcast %reduce_sum3A_784 : i1 to vector<16xi1>
      %reduce_sum3A_786 = tpu.scan <sum>, %parallel_loop3A_783#0 masked %reduce_sum3A_785 : vector<16xf32>, vector<16xi1> -> vector<16xf32>
      %reduce_sum3A_787 = vector.extract %reduce_sum3A_786[15] : f32 from vector<16xf32>
      %reduce_sum3A_788 = arith.constant true
      %reduce_sum3A_789 = vector.broadcast %reduce_sum3A_788 : i1 to vector<16xi1>
      %reduce_sum3A_790 = tpu.scan <sum>, %parallel_loop3A_783#1 masked %reduce_sum3A_789 : vector<16xf32>, vector<16xi1> -> vector<16xf32>
      %reduce_sum3A_791 = vector.extract %reduce_sum3A_790[15] : f32 from vector<16xf32>
      %mul3A_792 = arith.constant 0.00130208337 : f32
      %mul3A_793 = arith.mulf %reduce_sum3A_787, %mul3A_792 : f32
      %mul3A_794 = arith.constant 0.00130208337 : f32
      %mul3A_795 = arith.mulf %reduce_sum3A_791, %mul3A_794 : f32
      %mul3A_796 = arith.mulf %mul3A_793, %mul3A_793 : f32
      %sub3A_797 = arith.subf %mul3A_795, %mul3A_796 : f32
      %swap3A_798 = arith.constant 10 : i32
      %swap3A_799 = arith.index_cast %swap3A_798 : i32 to index
      %swap3A_800 = memref.load %arg17[%swap3A_799] : memref<16xf32, #tpu.memory_space<smem>>
      memref.store %mul3A_793, %arg17[%swap3A_799] : memref<16xf32, #tpu.memory_space<smem>>
      %add3A_801 = arith.constant 9.99999996E-13 : f32
      %add3A_802 = arith.addf %sub3A_797, %add3A_801 : f32
      %bitcast_convert_type3A_803 = arith.bitcast %add3A_802 : f32 to i32
      %shift_right_arithmetic3A_804 = arith.constant 1 : i32
      %shift_right_arithmetic3A_805 = arith.shrsi %bitcast_convert_type3A_803, %shift_right_arithmetic3A_804 : i32
      %sub3A_806 = arith.constant 1597463007 : i32
      %sub3A_807 = arith.subi %sub3A_806, %shift_right_arithmetic3A_805 : i32
      %bitcast_convert_type3A_808 = arith.bitcast %sub3A_807 : i32 to f32
      %mul3A_809 = arith.constant 5.000000e-01 : f32
      %mul3A_810 = arith.mulf %mul3A_809, %add3A_802 : f32
      %mul3A_811 = arith.mulf %mul3A_810, %bitcast_convert_type3A_808 : f32
      %mul3A_812 = arith.mulf %mul3A_811, %bitcast_convert_type3A_808 : f32
      %sub3A_813 = arith.constant 1.500000e+00 : f32
      %sub3A_814 = arith.subf %sub3A_813, %mul3A_812 : f32
      %mul3A_815 = arith.mulf %bitcast_convert_type3A_808, %sub3A_814 : f32
      %mul3A_816 = arith.constant 5.000000e-01 : f32
      %mul3A_817 = arith.mulf %mul3A_816, %add3A_802 : f32
      %mul3A_818 = arith.mulf %mul3A_817, %mul3A_815 : f32
      %mul3A_819 = arith.mulf %mul3A_818, %mul3A_815 : f32
      %sub3A_820 = arith.constant 1.500000e+00 : f32
      %sub3A_821 = arith.subf %sub3A_820, %mul3A_819 : f32
      %mul3A_822 = arith.mulf %mul3A_815, %sub3A_821 : f32
      %mul3A_823 = arith.constant 5.000000e-01 : f32
      %mul3A_824 = arith.mulf %mul3A_823, %add3A_802 : f32
      %mul3A_825 = arith.mulf %mul3A_824, %mul3A_822 : f32
      %mul3A_826 = arith.mulf %mul3A_825, %mul3A_822 : f32
      %sub3A_827 = arith.constant 1.500000e+00 : f32
      %sub3A_828 = arith.subf %sub3A_827, %mul3A_826 : f32
      %mul3A_829 = arith.mulf %mul3A_822, %sub3A_828 : f32
      %swap3A_830 = arith.constant 10 : i32
      %swap3A_831 = arith.index_cast %swap3A_830 : i32 to index
      %swap3A_832 = memref.load %arg18[%swap3A_831] : memref<16xf32, #tpu.memory_space<smem>>
      memref.store %mul3A_829, %arg18[%swap3A_831] : memref<16xf32, #tpu.memory_space<smem>>
      %add3A_833 = arith.constant 11 : i32
      %add3A_834 = arith.addi %mul3A_167, %add3A_833 : i32
      %slice3A_835 = vector.extract_strided_slice %get3A_170 {offsets = [11], sizes = [1], strides = [1]} : vector<16xi32> to vector<1xi32>
      %squeeze3A_836 = vector.extract %slice3A_835[0] : i32 from vector<1xi32>
      %broadcast_in_dim3A_837 = arith.constant 0.000000e+00 : f32
      %broadcast_in_dim3A_838 = vector.broadcast %broadcast_in_dim3A_837 : f32 to vector<16xf32>
      %broadcast_in_dim3A_839 = arith.constant 0.000000e+00 : f32
      %broadcast_in_dim3A_840 = vector.broadcast %broadcast_in_dim3A_839 : f32 to vector<16xf32>
      %parallel_loop3A_841 = arith.constant 0 : i32
      %parallel_loop3A_842 = arith.constant 48 : i32
      %parallel_loop3A_843 = arith.constant 1 : i32
      %parallel_loop3A_844:2 = scf.for %parallel_loop3A_1164 = %parallel_loop3A_841 to %parallel_loop3A_842 step %parallel_loop3A_843 iter_args(%parallel_loop3A_1165 = %broadcast_in_dim3A_838, %parallel_loop3A_1166 = %broadcast_in_dim3A_840) -> (vector<16xf32>, vector<16xf32>)  : i32 {
        %parallel_loop3A_1167 = arith.constant 16 : i32
        %parallel_loop3A_1168 = arith.muli %parallel_loop3A_1164, %parallel_loop3A_1167 : i32
        %parallel_loop3A_1169 = arith.constant 11 : i32
        %parallel_loop3A_1170 = arith.index_cast %rem3A_147 : i32 to index
        %parallel_loop3A_1171 = arith.index_cast %parallel_loop3A_1169 : i32 to index
        %parallel_loop3A_1172 = arith.index_cast %parallel_loop3A_1168 : i32 to index
        %parallel_loop3A_1173 = tpu.vector_load %arg16[%parallel_loop3A_1170, %parallel_loop3A_1171, %parallel_loop3A_1172] {strides = array<i32>} : memref<4x16x768xf32, #tpu.memory_space<vmem>>, vector<16xf32>,
        %parallel_loop3A_1174 = arith.index_cast %add3A_834 : i32 to index
        %parallel_loop3A_1175 = arith.index_cast %parallel_loop3A_1168 : i32 to index
        %parallel_loop3A_1176 = tpu.vector_load %arg12[%parallel_loop3A_1174, %parallel_loop3A_1175] {strides = array<i32>} : memref<64x768xf32, #tpu.memory_space<vmem>>, vector<16xf32>,
        %parallel_loop3A_1177 = arith.addf %parallel_loop3A_1173, %parallel_loop3A_1176 : vector<16xf32>
        %parallel_loop3A_1178 = arith.index_cast %squeeze3A_836 : i32 to index
        %parallel_loop3A_1179 = arith.index_cast %parallel_loop3A_1168 : i32 to index
        %parallel_loop3A_1180 = tpu.vector_load %arg13[%parallel_loop3A_1178, %parallel_loop3A_1179] {strides = array<i32>} : memref<2x768xf32, #tpu.memory_space<vmem>>, vector<16xf32>,
        %parallel_loop3A_1181 = arith.addf %parallel_loop3A_1177, %parallel_loop3A_1180 : vector<16xf32>
        %parallel_loop3A_1182 = arith.constant 11 : i32
        %parallel_loop3A_1183 = arith.index_cast %rem3A_147 : i32 to index
        %parallel_loop3A_1184 = arith.index_cast %parallel_loop3A_1182 : i32 to index
        %parallel_loop3A_1185 = arith.index_cast %parallel_loop3A_1168 : i32 to index
        %parallel_loop3A_1186 = tpu.vector_load %arg16[%parallel_loop3A_1183, %parallel_loop3A_1184, %parallel_loop3A_1185] {strides = array<i32>} : memref<4x16x768xf32, #tpu.memory_space<vmem>>, vector<16xf32>,
        tpu.vector_store %arg16[%parallel_loop3A_1183, %parallel_loop3A_1184, %parallel_loop3A_1185], %parallel_loop3A_1181 {strides = array<i32>} : memref<4x16x768xf32, #tpu.memory_space<vmem>>, vector<16xf32>,
        %parallel_loop3A_1187 = arith.addf %parallel_loop3A_1165, %parallel_loop3A_1181 : vector<16xf32>
        %parallel_loop3A_1188 = arith.mulf %parallel_loop3A_1181, %parallel_loop3A_1181 : vector<16xf32>
        %parallel_loop3A_1189 = arith.addf %parallel_loop3A_1166, %parallel_loop3A_1188 : vector<16xf32>
        scf.yield %parallel_loop3A_1187, %parallel_loop3A_1189 : vector<16xf32>, vector<16xf32>
      } {sc.loop_unroll_factor = 8 : i64, sc.parallel_access}
      %reduce_sum3A_845 = arith.constant true
      %reduce_sum3A_846 = vector.broadcast %reduce_sum3A_845 : i1 to vector<16xi1>
      %reduce_sum3A_847 = tpu.scan <sum>, %parallel_loop3A_844#0 masked %reduce_sum3A_846 : vector<16xf32>, vector<16xi1> -> vector<16xf32>
      %reduce_sum3A_848 = vector.extract %reduce_sum3A_847[15] : f32 from vector<16xf32>
      %reduce_sum3A_849 = arith.constant true
      %reduce_sum3A_850 = vector.broadcast %reduce_sum3A_849 : i1 to vector<16xi1>
      %reduce_sum3A_851 = tpu.scan <sum>, %parallel_loop3A_844#1 masked %reduce_sum3A_850 : vector<16xf32>, vector<16xi1> -> vector<16xf32>
      %reduce_sum3A_852 = vector.extract %reduce_sum3A_851[15] : f32 from vector<16xf32>
      %mul3A_853 = arith.constant 0.00130208337 : f32
      %mul3A_854 = arith.mulf %reduce_sum3A_848, %mul3A_853 : f32
      %mul3A_855 = arith.constant 0.00130208337 : f32
      %mul3A_856 = arith.mulf %reduce_sum3A_852, %mul3A_855 : f32
      %mul3A_857 = arith.mulf %mul3A_854, %mul3A_854 : f32
      %sub3A_858 = arith.subf %mul3A_856, %mul3A_857 : f32
      %swap3A_859 = arith.constant 11 : i32
      %swap3A_860 = arith.index_cast %swap3A_859 : i32 to index
      %swap3A_861 = memref.load %arg17[%swap3A_860] : memref<16xf32, #tpu.memory_space<smem>>
      memref.store %mul3A_854, %arg17[%swap3A_860] : memref<16xf32, #tpu.memory_space<smem>>
      %add3A_862 = arith.constant 9.99999996E-13 : f32
      %add3A_863 = arith.addf %sub3A_858, %add3A_862 : f32
      %bitcast_convert_type3A_864 = arith.bitcast %add3A_863 : f32 to i32
      %shift_right_arithmetic3A_865 = arith.constant 1 : i32
      %shift_right_arithmetic3A_866 = arith.shrsi %bitcast_convert_type3A_864, %shift_right_arithmetic3A_865 : i32
      %sub3A_867 = arith.constant 1597463007 : i32
      %sub3A_868 = arith.subi %sub3A_867, %shift_right_arithmetic3A_866 : i32
      %bitcast_convert_type3A_869 = arith.bitcast %sub3A_868 : i32 to f32
      %mul3A_870 = arith.constant 5.000000e-01 : f32
      %mul3A_871 = arith.mulf %mul3A_870, %add3A_863 : f32
      %mul3A_872 = arith.mulf %mul3A_871, %bitcast_convert_type3A_869 : f32
      %mul3A_873 = arith.mulf %mul3A_872, %bitcast_convert_type3A_869 : f32
      %sub3A_874 = arith.constant 1.500000e+00 : f32
      %sub3A_875 = arith.subf %sub3A_874, %mul3A_873 : f32
      %mul3A_876 = arith.mulf %bitcast_convert_type3A_869, %sub3A_875 : f32
      %mul3A_877 = arith.constant 5.000000e-01 : f32
      %mul3A_878 = arith.mulf %mul3A_877, %add3A_863 : f32
      %mul3A_879 = arith.mulf %mul3A_878, %mul3A_876 : f32
      %mul3A_880 = arith.mulf %mul3A_879, %mul3A_876 : f32
      %sub3A_881 = arith.constant 1.500000e+00 : f32
      %sub3A_882 = arith.subf %sub3A_881, %mul3A_880 : f32
      %mul3A_883 = arith.mulf %mul3A_876, %sub3A_882 : f32
      %mul3A_884 = arith.constant 5.000000e-01 : f32
      %mul3A_885 = arith.mulf %mul3A_884, %add3A_863 : f32
      %mul3A_886 = arith.mulf %mul3A_885, %mul3A_883 : f32
      %mul3A_887 = arith.mulf %mul3A_886, %mul3A_883 : f32
      %sub3A_888 = arith.constant 1.500000e+00 : f32
      %sub3A_889 = arith.subf %sub3A_888, %mul3A_887 : f32
      %mul3A_890 = arith.mulf %mul3A_883, %sub3A_889 : f32
      %swap3A_891 = arith.constant 11 : i32
      %swap3A_892 = arith.index_cast %swap3A_891 : i32 to index
      %swap3A_893 = memref.load %arg18[%swap3A_892] : memref<16xf32, #tpu.memory_space<smem>>
      memref.store %mul3A_890, %arg18[%swap3A_892] : memref<16xf32, #tpu.memory_space<smem>>
      %add3A_894 = arith.constant 12 : i32
      %add3A_895 = arith.addi %mul3A_167, %add3A_894 : i32
      %slice3A_896 = vector.extract_strided_slice %get3A_170 {offsets = [12], sizes = [1], strides = [1]} : vector<16xi32> to vector<1xi32>
      %squeeze3A_897 = vector.extract %slice3A_896[0] : i32 from vector<1xi32>
      %broadcast_in_dim3A_898 = arith.constant 0.000000e+00 : f32
      %broadcast_in_dim3A_899 = vector.broadcast %broadcast_in_dim3A_898 : f32 to vector<16xf32>
      %broadcast_in_dim3A_900 = arith.constant 0.000000e+00 : f32
      %broadcast_in_dim3A_901 = vector.broadcast %broadcast_in_dim3A_900 : f32 to vector<16xf32>
      %parallel_loop3A_902 = arith.constant 0 : i32
      %parallel_loop3A_903 = arith.constant 48 : i32
      %parallel_loop3A_904 = arith.constant 1 : i32
      %parallel_loop3A_905:2 = scf.for %parallel_loop3A_1164 = %parallel_loop3A_902 to %parallel_loop3A_903 step %parallel_loop3A_904 iter_args(%parallel_loop3A_1165 = %broadcast_in_dim3A_899, %parallel_loop3A_1166 = %broadcast_in_dim3A_901) -> (vector<16xf32>, vector<16xf32>)  : i32 {
        %parallel_loop3A_1167 = arith.constant 16 : i32
        %parallel_loop3A_1168 = arith.muli %parallel_loop3A_1164, %parallel_loop3A_1167 : i32
        %parallel_loop3A_1169 = arith.constant 12 : i32
        %parallel_loop3A_1170 = arith.index_cast %rem3A_147 : i32 to index
        %parallel_loop3A_1171 = arith.index_cast %parallel_loop3A_1169 : i32 to index
        %parallel_loop3A_1172 = arith.index_cast %parallel_loop3A_1168 : i32 to index
        %parallel_loop3A_1173 = tpu.vector_load %arg16[%parallel_loop3A_1170, %parallel_loop3A_1171, %parallel_loop3A_1172] {strides = array<i32>} : memref<4x16x768xf32, #tpu.memory_space<vmem>>, vector<16xf32>,
        %parallel_loop3A_1174 = arith.index_cast %add3A_895 : i32 to index
        %parallel_loop3A_1175 = arith.index_cast %parallel_loop3A_1168 : i32 to index
        %parallel_loop3A_1176 = tpu.vector_load %arg12[%parallel_loop3A_1174, %parallel_loop3A_1175] {strides = array<i32>} : memref<64x768xf32, #tpu.memory_space<vmem>>, vector<16xf32>,
        %parallel_loop3A_1177 = arith.addf %parallel_loop3A_1173, %parallel_loop3A_1176 : vector<16xf32>
        %parallel_loop3A_1178 = arith.index_cast %squeeze3A_897 : i32 to index
        %parallel_loop3A_1179 = arith.index_cast %parallel_loop3A_1168 : i32 to index
        %parallel_loop3A_1180 = tpu.vector_load %arg13[%parallel_loop3A_1178, %parallel_loop3A_1179] {strides = array<i32>} : memref<2x768xf32, #tpu.memory_space<vmem>>, vector<16xf32>,
        %parallel_loop3A_1181 = arith.addf %parallel_loop3A_1177, %parallel_loop3A_1180 : vector<16xf32>
        %parallel_loop3A_1182 = arith.constant 12 : i32
        %parallel_loop3A_1183 = arith.index_cast %rem3A_147 : i32 to index
        %parallel_loop3A_1184 = arith.index_cast %parallel_loop3A_1182 : i32 to index
        %parallel_loop3A_1185 = arith.index_cast %parallel_loop3A_1168 : i32 to index
        %parallel_loop3A_1186 = tpu.vector_load %arg16[%parallel_loop3A_1183, %parallel_loop3A_1184, %parallel_loop3A_1185] {strides = array<i32>} : memref<4x16x768xf32, #tpu.memory_space<vmem>>, vector<16xf32>,
        tpu.vector_store %arg16[%parallel_loop3A_1183, %parallel_loop3A_1184, %parallel_loop3A_1185], %parallel_loop3A_1181 {strides = array<i32>} : memref<4x16x768xf32, #tpu.memory_space<vmem>>, vector<16xf32>,
        %parallel_loop3A_1187 = arith.addf %parallel_loop3A_1165, %parallel_loop3A_1181 : vector<16xf32>
        %parallel_loop3A_1188 = arith.mulf %parallel_loop3A_1181, %parallel_loop3A_1181 : vector<16xf32>
        %parallel_loop3A_1189 = arith.addf %parallel_loop3A_1166, %parallel_loop3A_1188 : vector<16xf32>
        scf.yield %parallel_loop3A_1187, %parallel_loop3A_1189 : vector<16xf32>, vector<16xf32>
      } {sc.loop_unroll_factor = 8 : i64, sc.parallel_access}
      %reduce_sum3A_906 = arith.constant true
      %reduce_sum3A_907 = vector.broadcast %reduce_sum3A_906 : i1 to vector<16xi1>
      %reduce_sum3A_908 = tpu.scan <sum>, %parallel_loop3A_905#0 masked %reduce_sum3A_907 : vector<16xf32>, vector<16xi1> -> vector<16xf32>
      %reduce_sum3A_909 = vector.extract %reduce_sum3A_908[15] : f32 from vector<16xf32>
      %reduce_sum3A_910 = arith.constant true
      %reduce_sum3A_911 = vector.broadcast %reduce_sum3A_910 : i1 to vector<16xi1>
      %reduce_sum3A_912 = tpu.scan <sum>, %parallel_loop3A_905#1 masked %reduce_sum3A_911 : vector<16xf32>, vector<16xi1> -> vector<16xf32>
      %reduce_sum3A_913 = vector.extract %reduce_sum3A_912[15] : f32 from vector<16xf32>
      %mul3A_914 = arith.constant 0.00130208337 : f32
      %mul3A_915 = arith.mulf %reduce_sum3A_909, %mul3A_914 : f32
      %mul3A_916 = arith.constant 0.00130208337 : f32
      %mul3A_917 = arith.mulf %reduce_sum3A_913, %mul3A_916 : f32
      %mul3A_918 = arith.mulf %mul3A_915, %mul3A_915 : f32
      %sub3A_919 = arith.subf %mul3A_917, %mul3A_918 : f32
      %swap3A_920 = arith.constant 12 : i32
      %swap3A_921 = arith.index_cast %swap3A_920 : i32 to index
      %swap3A_922 = memref.load %arg17[%swap3A_921] : memref<16xf32, #tpu.memory_space<smem>>
      memref.store %mul3A_915, %arg17[%swap3A_921] : memref<16xf32, #tpu.memory_space<smem>>
      %add3A_923 = arith.constant 9.99999996E-13 : f32
      %add3A_924 = arith.addf %sub3A_919, %add3A_923 : f32
      %bitcast_convert_type3A_925 = arith.bitcast %add3A_924 : f32 to i32
      %shift_right_arithmetic3A_926 = arith.constant 1 : i32
      %shift_right_arithmetic3A_927 = arith.shrsi %bitcast_convert_type3A_925, %shift_right_arithmetic3A_926 : i32
      %sub3A_928 = arith.constant 1597463007 : i32
      %sub3A_929 = arith.subi %sub3A_928, %shift_right_arithmetic3A_927 : i32
      %bitcast_convert_type3A_930 = arith.bitcast %sub3A_929 : i32 to f32
      %mul3A_931 = arith.constant 5.000000e-01 : f32
      %mul3A_932 = arith.mulf %mul3A_931, %add3A_924 : f32
      %mul3A_933 = arith.mulf %mul3A_932, %bitcast_convert_type3A_930 : f32
      %mul3A_934 = arith.mulf %mul3A_933, %bitcast_convert_type3A_930 : f32
      %sub3A_935 = arith.constant 1.500000e+00 : f32
      %sub3A_936 = arith.subf %sub3A_935, %mul3A_934 : f32
      %mul3A_937 = arith.mulf %bitcast_convert_type3A_930, %sub3A_936 : f32
      %mul3A_938 = arith.constant 5.000000e-01 : f32
      %mul3A_939 = arith.mulf %mul3A_938, %add3A_924 : f32
      %mul3A_940 = arith.mulf %mul3A_939, %mul3A_937 : f32
      %mul3A_941 = arith.mulf %mul3A_940, %mul3A_937 : f32
      %sub3A_942 = arith.constant 1.500000e+00 : f32
      %sub3A_943 = arith.subf %sub3A_942, %mul3A_941 : f32
      %mul3A_944 = arith.mulf %mul3A_937, %sub3A_943 : f32
      %mul3A_945 = arith.constant 5.000000e-01 : f32
      %mul3A_946 = arith.mulf %mul3A_945, %add3A_924 : f32
      %mul3A_947 = arith.mulf %mul3A_946, %mul3A_944 : f32
      %mul3A_948 = arith.mulf %mul3A_947, %mul3A_944 : f32
      %sub3A_949 = arith.constant 1.500000e+00 : f32
      %sub3A_950 = arith.subf %sub3A_949, %mul3A_948 : f32
      %mul3A_951 = arith.mulf %mul3A_944, %sub3A_950 : f32
      %swap3A_952 = arith.constant 12 : i32
      %swap3A_953 = arith.index_cast %swap3A_952 : i32 to index
      %swap3A_954 = memref.load %arg18[%swap3A_953] : memref<16xf32, #tpu.memory_space<smem>>
      memref.store %mul3A_951, %arg18[%swap3A_953] : memref<16xf32, #tpu.memory_space<smem>>
      %add3A_955 = arith.constant 13 : i32
      %add3A_956 = arith.addi %mul3A_167, %add3A_955 : i32
      %slice3A_957 = vector.extract_strided_slice %get3A_170 {offsets = [13], sizes = [1], strides = [1]} : vector<16xi32> to vector<1xi32>
      %squeeze3A_958 = vector.extract %slice3A_957[0] : i32 from vector<1xi32>
      %broadcast_in_dim3A_959 = arith.constant 0.000000e+00 : f32
      %broadcast_in_dim3A_960 = vector.broadcast %broadcast_in_dim3A_959 : f32 to vector<16xf32>
      %broadcast_in_dim3A_961 = arith.constant 0.000000e+00 : f32
      %broadcast_in_dim3A_962 = vector.broadcast %broadcast_in_dim3A_961 : f32 to vector<16xf32>
      %parallel_loop3A_963 = arith.constant 0 : i32
      %parallel_loop3A_964 = arith.constant 48 : i32
      %parallel_loop3A_965 = arith.constant 1 : i32
      %parallel_loop3A_966:2 = scf.for %parallel_loop3A_1164 = %parallel_loop3A_963 to %parallel_loop3A_964 step %parallel_loop3A_965 iter_args(%parallel_loop3A_1165 = %broadcast_in_dim3A_960, %parallel_loop3A_1166 = %broadcast_in_dim3A_962) -> (vector<16xf32>, vector<16xf32>)  : i32 {
        %parallel_loop3A_1167 = arith.constant 16 : i32
        %parallel_loop3A_1168 = arith.muli %parallel_loop3A_1164, %parallel_loop3A_1167 : i32
        %parallel_loop3A_1169 = arith.constant 13 : i32
        %parallel_loop3A_1170 = arith.index_cast %rem3A_147 : i32 to index
        %parallel_loop3A_1171 = arith.index_cast %parallel_loop3A_1169 : i32 to index
        %parallel_loop3A_1172 = arith.index_cast %parallel_loop3A_1168 : i32 to index
        %parallel_loop3A_1173 = tpu.vector_load %arg16[%parallel_loop3A_1170, %parallel_loop3A_1171, %parallel_loop3A_1172] {strides = array<i32>} : memref<4x16x768xf32, #tpu.memory_space<vmem>>, vector<16xf32>,
        %parallel_loop3A_1174 = arith.index_cast %add3A_956 : i32 to index
        %parallel_loop3A_1175 = arith.index_cast %parallel_loop3A_1168 : i32 to index
        %parallel_loop3A_1176 = tpu.vector_load %arg12[%parallel_loop3A_1174, %parallel_loop3A_1175] {strides = array<i32>} : memref<64x768xf32, #tpu.memory_space<vmem>>, vector<16xf32>,
        %parallel_loop3A_1177 = arith.addf %parallel_loop3A_1173, %parallel_loop3A_1176 : vector<16xf32>
        %parallel_loop3A_1178 = arith.index_cast %squeeze3A_958 : i32 to index
        %parallel_loop3A_1179 = arith.index_cast %parallel_loop3A_1168 : i32 to index
        %parallel_loop3A_1180 = tpu.vector_load %arg13[%parallel_loop3A_1178, %parallel_loop3A_1179] {strides = array<i32>} : memref<2x768xf32, #tpu.memory_space<vmem>>, vector<16xf32>,
        %parallel_loop3A_1181 = arith.addf %parallel_loop3A_1177, %parallel_loop3A_1180 : vector<16xf32>
        %parallel_loop3A_1182 = arith.constant 13 : i32
        %parallel_loop3A_1183 = arith.index_cast %rem3A_147 : i32 to index
        %parallel_loop3A_1184 = arith.index_cast %parallel_loop3A_1182 : i32 to index
        %parallel_loop3A_1185 = arith.index_cast %parallel_loop3A_1168 : i32 to index
        %parallel_loop3A_1186 = tpu.vector_load %arg16[%parallel_loop3A_1183, %parallel_loop3A_1184, %parallel_loop3A_1185] {strides = array<i32>} : memref<4x16x768xf32, #tpu.memory_space<vmem>>, vector<16xf32>,
        tpu.vector_store %arg16[%parallel_loop3A_1183, %parallel_loop3A_1184, %parallel_loop3A_1185], %parallel_loop3A_1181 {strides = array<i32>} : memref<4x16x768xf32, #tpu.memory_space<vmem>>, vector<16xf32>,
        %parallel_loop3A_1187 = arith.addf %parallel_loop3A_1165, %parallel_loop3A_1181 : vector<16xf32>
        %parallel_loop3A_1188 = arith.mulf %parallel_loop3A_1181, %parallel_loop3A_1181 : vector<16xf32>
        %parallel_loop3A_1189 = arith.addf %parallel_loop3A_1166, %parallel_loop3A_1188 : vector<16xf32>
        scf.yield %parallel_loop3A_1187, %parallel_loop3A_1189 : vector<16xf32>, vector<16xf32>
      } {sc.loop_unroll_factor = 8 : i64, sc.parallel_access}
      %reduce_sum3A_967 = arith.constant true
      %reduce_sum3A_968 = vector.broadcast %reduce_sum3A_967 : i1 to vector<16xi1>
      %reduce_sum3A_969 = tpu.scan <sum>, %parallel_loop3A_966#0 masked %reduce_sum3A_968 : vector<16xf32>, vector<16xi1> -> vector<16xf32>
      %reduce_sum3A_970 = vector.extract %reduce_sum3A_969[15] : f32 from vector<16xf32>
      %reduce_sum3A_971 = arith.constant true
      %reduce_sum3A_972 = vector.broadcast %reduce_sum3A_971 : i1 to vector<16xi1>
      %reduce_sum3A_973 = tpu.scan <sum>, %parallel_loop3A_966#1 masked %reduce_sum3A_972 : vector<16xf32>, vector<16xi1> -> vector<16xf32>
      %reduce_sum3A_974 = vector.extract %reduce_sum3A_973[15] : f32 from vector<16xf32>
      %mul3A_975 = arith.constant 0.00130208337 : f32
      %mul3A_976 = arith.mulf %reduce_sum3A_970, %mul3A_975 : f32
      %mul3A_977 = arith.constant 0.00130208337 : f32
      %mul3A_978 = arith.mulf %reduce_sum3A_974, %mul3A_977 : f32
      %mul3A_979 = arith.mulf %mul3A_976, %mul3A_976 : f32
      %sub3A_980 = arith.subf %mul3A_978, %mul3A_979 : f32
      %swap3A_981 = arith.constant 13 : i32
      %swap3A_982 = arith.index_cast %swap3A_981 : i32 to index
      %swap3A_983 = memref.load %arg17[%swap3A_982] : memref<16xf32, #tpu.memory_space<smem>>
      memref.store %mul3A_976, %arg17[%swap3A_982] : memref<16xf32, #tpu.memory_space<smem>>
      %add3A_984 = arith.constant 9.99999996E-13 : f32
      %add3A_985 = arith.addf %sub3A_980, %add3A_984 : f32
      %bitcast_convert_type3A_986 = arith.bitcast %add3A_985 : f32 to i32
      %shift_right_arithmetic3A_987 = arith.constant 1 : i32
      %shift_right_arithmetic3A_988 = arith.shrsi %bitcast_convert_type3A_986, %shift_right_arithmetic3A_987 : i32
      %sub3A_989 = arith.constant 1597463007 : i32
      %sub3A_990 = arith.subi %sub3A_989, %shift_right_arithmetic3A_988 : i32
      %bitcast_convert_type3A_991 = arith.bitcast %sub3A_990 : i32 to f32
      %mul3A_992 = arith.constant 5.000000e-01 : f32
      %mul3A_993 = arith.mulf %mul3A_992, %add3A_985 : f32
      %mul3A_994 = arith.mulf %mul3A_993, %bitcast_convert_type3A_991 : f32
      %mul3A_995 = arith.mulf %mul3A_994, %bitcast_convert_type3A_991 : f32
      %sub3A_996 = arith.constant 1.500000e+00 : f32
      %sub3A_997 = arith.subf %sub3A_996, %mul3A_995 : f32
      %mul3A_998 = arith.mulf %bitcast_convert_type3A_991, %sub3A_997 : f32
      %mul3A_999 = arith.constant 5.000000e-01 : f32
      %mul3A_1000 = arith.mulf %mul3A_999, %add3A_985 : f32
      %mul3A_1001 = arith.mulf %mul3A_1000, %mul3A_998 : f32
      %mul3A_1002 = arith.mulf %mul3A_1001, %mul3A_998 : f32
      %sub3A_1003 = arith.constant 1.500000e+00 : f32
      %sub3A_1004 = arith.subf %sub3A_1003, %mul3A_1002 : f32
      %mul3A_1005 = arith.mulf %mul3A_998, %sub3A_1004 : f32
      %mul3A_1006 = arith.constant 5.000000e-01 : f32
      %mul3A_1007 = arith.mulf %mul3A_1006, %add3A_985 : f32
      %mul3A_1008 = arith.mulf %mul3A_1007, %mul3A_1005 : f32
      %mul3A_1009 = arith.mulf %mul3A_1008, %mul3A_1005 : f32
      %sub3A_1010 = arith.constant 1.500000e+00 : f32
      %sub3A_1011 = arith.subf %sub3A_1010, %mul3A_1009 : f32
      %mul3A_1012 = arith.mulf %mul3A_1005, %sub3A_1011 : f32
      %swap3A_1013 = arith.constant 13 : i32
      %swap3A_1014 = arith.index_cast %swap3A_1013 : i32 to index
      %swap3A_1015 = memref.load %arg18[%swap3A_1014] : memref<16xf32, #tpu.memory_space<smem>>
      memref.store %mul3A_1012, %arg18[%swap3A_1014] : memref<16xf32, #tpu.memory_space<smem>>
      %add3A_1016 = arith.constant 14 : i32
      %add3A_1017 = arith.addi %mul3A_167, %add3A_1016 : i32
      %slice3A_1018 = vector.extract_strided_slice %get3A_170 {offsets = [14], sizes = [1], strides = [1]} : vector<16xi32> to vector<1xi32>
      %squeeze3A_1019 = vector.extract %slice3A_1018[0] : i32 from vector<1xi32>
      %broadcast_in_dim3A_1020 = arith.constant 0.000000e+00 : f32
      %broadcast_in_dim3A_1021 = vector.broadcast %broadcast_in_dim3A_1020 : f32 to vector<16xf32>
      %broadcast_in_dim3A_1022 = arith.constant 0.000000e+00 : f32
      %broadcast_in_dim3A_1023 = vector.broadcast %broadcast_in_dim3A_1022 : f32 to vector<16xf32>
      %parallel_loop3A_1024 = arith.constant 0 : i32
      %parallel_loop3A_1025 = arith.constant 48 : i32
      %parallel_loop3A_1026 = arith.constant 1 : i32
      %parallel_loop3A_1027:2 = scf.for %parallel_loop3A_1164 = %parallel_loop3A_1024 to %parallel_loop3A_1025 step %parallel_loop3A_1026 iter_args(%parallel_loop3A_1165 = %broadcast_in_dim3A_1021, %parallel_loop3A_1166 = %broadcast_in_dim3A_1023) -> (vector<16xf32>, vector<16xf32>)  : i32 {
        %parallel_loop3A_1167 = arith.constant 16 : i32
        %parallel_loop3A_1168 = arith.muli %parallel_loop3A_1164, %parallel_loop3A_1167 : i32
        %parallel_loop3A_1169 = arith.constant 14 : i32
        %parallel_loop3A_1170 = arith.index_cast %rem3A_147 : i32 to index
        %parallel_loop3A_1171 = arith.index_cast %parallel_loop3A_1169 : i32 to index
        %parallel_loop3A_1172 = arith.index_cast %parallel_loop3A_1168 : i32 to index
        %parallel_loop3A_1173 = tpu.vector_load %arg16[%parallel_loop3A_1170, %parallel_loop3A_1171, %parallel_loop3A_1172] {strides = array<i32>} : memref<4x16x768xf32, #tpu.memory_space<vmem>>, vector<16xf32>,
        %parallel_loop3A_1174 = arith.index_cast %add3A_1017 : i32 to index
        %parallel_loop3A_1175 = arith.index_cast %parallel_loop3A_1168 : i32 to index
        %parallel_loop3A_1176 = tpu.vector_load %arg12[%parallel_loop3A_1174, %parallel_loop3A_1175] {strides = array<i32>} : memref<64x768xf32, #tpu.memory_space<vmem>>, vector<16xf32>,
        %parallel_loop3A_1177 = arith.addf %parallel_loop3A_1173, %parallel_loop3A_1176 : vector<16xf32>
        %parallel_loop3A_1178 = arith.index_cast %squeeze3A_1019 : i32 to index
        %parallel_loop3A_1179 = arith.index_cast %parallel_loop3A_1168 : i32 to index
        %parallel_loop3A_1180 = tpu.vector_load %arg13[%parallel_loop3A_1178, %parallel_loop3A_1179] {strides = array<i32>} : memref<2x768xf32, #tpu.memory_space<vmem>>, vector<16xf32>,
        %parallel_loop3A_1181 = arith.addf %parallel_loop3A_1177, %parallel_loop3A_1180 : vector<16xf32>
        %parallel_loop3A_1182 = arith.constant 14 : i32
        %parallel_loop3A_1183 = arith.index_cast %rem3A_147 : i32 to index
        %parallel_loop3A_1184 = arith.index_cast %parallel_loop3A_1182 : i32 to index
        %parallel_loop3A_1185 = arith.index_cast %parallel_loop3A_1168 : i32 to index
        %parallel_loop3A_1186 = tpu.vector_load %arg16[%parallel_loop3A_1183, %parallel_loop3A_1184, %parallel_loop3A_1185] {strides = array<i32>} : memref<4x16x768xf32, #tpu.memory_space<vmem>>, vector<16xf32>,
        tpu.vector_store %arg16[%parallel_loop3A_1183, %parallel_loop3A_1184, %parallel_loop3A_1185], %parallel_loop3A_1181 {strides = array<i32>} : memref<4x16x768xf32, #tpu.memory_space<vmem>>, vector<16xf32>,
        %parallel_loop3A_1187 = arith.addf %parallel_loop3A_1165, %parallel_loop3A_1181 : vector<16xf32>
        %parallel_loop3A_1188 = arith.mulf %parallel_loop3A_1181, %parallel_loop3A_1181 : vector<16xf32>
        %parallel_loop3A_1189 = arith.addf %parallel_loop3A_1166, %parallel_loop3A_1188 : vector<16xf32>
        scf.yield %parallel_loop3A_1187, %parallel_loop3A_1189 : vector<16xf32>, vector<16xf32>
      } {sc.loop_unroll_factor = 8 : i64, sc.parallel_access}
      %reduce_sum3A_1028 = arith.constant true
      %reduce_sum3A_1029 = vector.broadcast %reduce_sum3A_1028 : i1 to vector<16xi1>
      %reduce_sum3A_1030 = tpu.scan <sum>, %parallel_loop3A_1027#0 masked %reduce_sum3A_1029 : vector<16xf32>, vector<16xi1> -> vector<16xf32>
      %reduce_sum3A_1031 = vector.extract %reduce_sum3A_1030[15] : f32 from vector<16xf32>
      %reduce_sum3A_1032 = arith.constant true
      %reduce_sum3A_1033 = vector.broadcast %reduce_sum3A_1032 : i1 to vector<16xi1>
      %reduce_sum3A_1034 = tpu.scan <sum>, %parallel_loop3A_1027#1 masked %reduce_sum3A_1033 : vector<16xf32>, vector<16xi1> -> vector<16xf32>
      %reduce_sum3A_1035 = vector.extract %reduce_sum3A_1034[15] : f32 from vector<16xf32>
      %mul3A_1036 = arith.constant 0.00130208337 : f32
      %mul3A_1037 = arith.mulf %reduce_sum3A_1031, %mul3A_1036 : f32
      %mul3A_1038 = arith.constant 0.00130208337 : f32
      %mul3A_1039 = arith.mulf %reduce_sum3A_1035, %mul3A_1038 : f32
      %mul3A_1040 = arith.mulf %mul3A_1037, %mul3A_1037 : f32
      %sub3A_1041 = arith.subf %mul3A_1039, %mul3A_1040 : f32
      %swap3A_1042 = arith.constant 14 : i32
      %swap3A_1043 = arith.index_cast %swap3A_1042 : i32 to index
      %swap3A_1044 = memref.load %arg17[%swap3A_1043] : memref<16xf32, #tpu.memory_space<smem>>
      memref.store %mul3A_1037, %arg17[%swap3A_1043] : memref<16xf32, #tpu.memory_space<smem>>
      %add3A_1045 = arith.constant 9.99999996E-13 : f32
      %add3A_1046 = arith.addf %sub3A_1041, %add3A_1045 : f32
      %bitcast_convert_type3A_1047 = arith.bitcast %add3A_1046 : f32 to i32
      %shift_right_arithmetic3A_1048 = arith.constant 1 : i32
      %shift_right_arithmetic3A_1049 = arith.shrsi %bitcast_convert_type3A_1047, %shift_right_arithmetic3A_1048 : i32
      %sub3A_1050 = arith.constant 1597463007 : i32
      %sub3A_1051 = arith.subi %sub3A_1050, %shift_right_arithmetic3A_1049 : i32
      %bitcast_convert_type3A_1052 = arith.bitcast %sub3A_1051 : i32 to f32
      %mul3A_1053 = arith.constant 5.000000e-01 : f32
      %mul3A_1054 = arith.mulf %mul3A_1053, %add3A_1046 : f32
      %mul3A_1055 = arith.mulf %mul3A_1054, %bitcast_convert_type3A_1052 : f32
      %mul3A_1056 = arith.mulf %mul3A_1055, %bitcast_convert_type3A_1052 : f32
      %sub3A_1057 = arith.constant 1.500000e+00 : f32
      %sub3A_1058 = arith.subf %sub3A_1057, %mul3A_1056 : f32
      %mul3A_1059 = arith.mulf %bitcast_convert_type3A_1052, %sub3A_1058 : f32
      %mul3A_1060 = arith.constant 5.000000e-01 : f32
      %mul3A_1061 = arith.mulf %mul3A_1060, %add3A_1046 : f32
      %mul3A_1062 = arith.mulf %mul3A_1061, %mul3A_1059 : f32
      %mul3A_1063 = arith.mulf %mul3A_1062, %mul3A_1059 : f32
      %sub3A_1064 = arith.constant 1.500000e+00 : f32
      %sub3A_1065 = arith.subf %sub3A_1064, %mul3A_1063 : f32
      %mul3A_1066 = arith.mulf %mul3A_1059, %sub3A_1065 : f32
      %mul3A_1067 = arith.constant 5.000000e-01 : f32
      %mul3A_1068 = arith.mulf %mul3A_1067, %add3A_1046 : f32
      %mul3A_1069 = arith.mulf %mul3A_1068, %mul3A_1066 : f32
      %mul3A_1070 = arith.mulf %mul3A_1069, %mul3A_1066 : f32
      %sub3A_1071 = arith.constant 1.500000e+00 : f32
      %sub3A_1072 = arith.subf %sub3A_1071, %mul3A_1070 : f32
      %mul3A_1073 = arith.mulf %mul3A_1066, %sub3A_1072 : f32
      %swap3A_1074 = arith.constant 14 : i32
      %swap3A_1075 = arith.index_cast %swap3A_1074 : i32 to index
      %swap3A_1076 = memref.load %arg18[%swap3A_1075] : memref<16xf32, #tpu.memory_space<smem>>
      memref.store %mul3A_1073, %arg18[%swap3A_1075] : memref<16xf32, #tpu.memory_space<smem>>
      %add3A_1077 = arith.constant 15 : i32
      %add3A_1078 = arith.addi %mul3A_167, %add3A_1077 : i32
      %slice3A_1079 = vector.extract_strided_slice %get3A_170 {offsets = [15], sizes = [1], strides = [1]} : vector<16xi32> to vector<1xi32>
      %squeeze3A_1080 = vector.extract %slice3A_1079[0] : i32 from vector<1xi32>
      %broadcast_in_dim3A_1081 = arith.constant 0.000000e+00 : f32
      %broadcast_in_dim3A_1082 = vector.broadcast %broadcast_in_dim3A_1081 : f32 to vector<16xf32>
      %broadcast_in_dim3A_1083 = arith.constant 0.000000e+00 : f32
      %broadcast_in_dim3A_1084 = vector.broadcast %broadcast_in_dim3A_1083 : f32 to vector<16xf32>
      %parallel_loop3A_1085 = arith.constant 0 : i32
      %parallel_loop3A_1086 = arith.constant 48 : i32
      %parallel_loop3A_1087 = arith.constant 1 : i32
      %parallel_loop3A_1088:2 = scf.for %parallel_loop3A_1164 = %parallel_loop3A_1085 to %parallel_loop3A_1086 step %parallel_loop3A_1087 iter_args(%parallel_loop3A_1165 = %broadcast_in_dim3A_1082, %parallel_loop3A_1166 = %broadcast_in_dim3A_1084) -> (vector<16xf32>, vector<16xf32>)  : i32 {
        %parallel_loop3A_1167 = arith.constant 16 : i32
        %parallel_loop3A_1168 = arith.muli %parallel_loop3A_1164, %parallel_loop3A_1167 : i32
        %parallel_loop3A_1169 = arith.constant 15 : i32
        %parallel_loop3A_1170 = arith.index_cast %rem3A_147 : i32 to index
        %parallel_loop3A_1171 = arith.index_cast %parallel_loop3A_1169 : i32 to index
        %parallel_loop3A_1172 = arith.index_cast %parallel_loop3A_1168 : i32 to index
        %parallel_loop3A_1173 = tpu.vector_load %arg16[%parallel_loop3A_1170, %parallel_loop3A_1171, %parallel_loop3A_1172] {strides = array<i32>} : memref<4x16x768xf32, #tpu.memory_space<vmem>>, vector<16xf32>,
        %parallel_loop3A_1174 = arith.index_cast %add3A_1078 : i32 to index
        %parallel_loop3A_1175 = arith.index_cast %parallel_loop3A_1168 : i32 to index
        %parallel_loop3A_1176 = tpu.vector_load %arg12[%parallel_loop3A_1174, %parallel_loop3A_1175] {strides = array<i32>} : memref<64x768xf32, #tpu.memory_space<vmem>>, vector<16xf32>,
        %parallel_loop3A_1177 = arith.addf %parallel_loop3A_1173, %parallel_loop3A_1176 : vector<16xf32>
        %parallel_loop3A_1178 = arith.index_cast %squeeze3A_1080 : i32 to index
        %parallel_loop3A_1179 = arith.index_cast %parallel_loop3A_1168 : i32 to index
        %parallel_loop3A_1180 = tpu.vector_load %arg13[%parallel_loop3A_1178, %parallel_loop3A_1179] {strides = array<i32>} : memref<2x768xf32, #tpu.memory_space<vmem>>, vector<16xf32>,
        %parallel_loop3A_1181 = arith.addf %parallel_loop3A_1177, %parallel_loop3A_1180 : vector<16xf32>
        %parallel_loop3A_1182 = arith.constant 15 : i32
        %parallel_loop3A_1183 = arith.index_cast %rem3A_147 : i32 to index
        %parallel_loop3A_1184 = arith.index_cast %parallel_loop3A_1182 : i32 to index
        %parallel_loop3A_1185 = arith.index_cast %parallel_loop3A_1168 : i32 to index
        %parallel_loop3A_1186 = tpu.vector_load %arg16[%parallel_loop3A_1183, %parallel_loop3A_1184, %parallel_loop3A_1185] {strides = array<i32>} : memref<4x16x768xf32, #tpu.memory_space<vmem>>, vector<16xf32>,
        tpu.vector_store %arg16[%parallel_loop3A_1183, %parallel_loop3A_1184, %parallel_loop3A_1185], %parallel_loop3A_1181 {strides = array<i32>} : memref<4x16x768xf32, #tpu.memory_space<vmem>>, vector<16xf32>,
        %parallel_loop3A_1187 = arith.addf %parallel_loop3A_1165, %parallel_loop3A_1181 : vector<16xf32>
        %parallel_loop3A_1188 = arith.mulf %parallel_loop3A_1181, %parallel_loop3A_1181 : vector<16xf32>
        %parallel_loop3A_1189 = arith.addf %parallel_loop3A_1166, %parallel_loop3A_1188 : vector<16xf32>
        scf.yield %parallel_loop3A_1187, %parallel_loop3A_1189 : vector<16xf32>, vector<16xf32>
      } {sc.loop_unroll_factor = 8 : i64, sc.parallel_access}
      %reduce_sum3A_1089 = arith.constant true
      %reduce_sum3A_1090 = vector.broadcast %reduce_sum3A_1089 : i1 to vector<16xi1>
      %reduce_sum3A_1091 = tpu.scan <sum>, %parallel_loop3A_1088#0 masked %reduce_sum3A_1090 : vector<16xf32>, vector<16xi1> -> vector<16xf32>
      %reduce_sum3A_1092 = vector.extract %reduce_sum3A_1091[15] : f32 from vector<16xf32>
      %reduce_sum3A_1093 = arith.constant true
      %reduce_sum3A_1094 = vector.broadcast %reduce_sum3A_1093 : i1 to vector<16xi1>
      %reduce_sum3A_1095 = tpu.scan <sum>, %parallel_loop3A_1088#1 masked %reduce_sum3A_1094 : vector<16xf32>, vector<16xi1> -> vector<16xf32>
      %reduce_sum3A_1096 = vector.extract %reduce_sum3A_1095[15] : f32 from vector<16xf32>
      %mul3A_1097 = arith.constant 0.00130208337 : f32
      %mul3A_1098 = arith.mulf %reduce_sum3A_1092, %mul3A_1097 : f32
      %mul3A_1099 = arith.constant 0.00130208337 : f32
      %mul3A_1100 = arith.mulf %reduce_sum3A_1096, %mul3A_1099 : f32
      %mul3A_1101 = arith.mulf %mul3A_1098, %mul3A_1098 : f32
      %sub3A_1102 = arith.subf %mul3A_1100, %mul3A_1101 : f32
      %swap3A_1103 = arith.constant 15 : i32
      %swap3A_1104 = arith.index_cast %swap3A_1103 : i32 to index
      %swap3A_1105 = memref.load %arg17[%swap3A_1104] : memref<16xf32, #tpu.memory_space<smem>>
      memref.store %mul3A_1098, %arg17[%swap3A_1104] : memref<16xf32, #tpu.memory_space<smem>>
      %add3A_1106 = arith.constant 9.99999996E-13 : f32
      %add3A_1107 = arith.addf %sub3A_1102, %add3A_1106 : f32
      %bitcast_convert_type3A_1108 = arith.bitcast %add3A_1107 : f32 to i32
      %shift_right_arithmetic3A_1109 = arith.constant 1 : i32
      %shift_right_arithmetic3A_1110 = arith.shrsi %bitcast_convert_type3A_1108, %shift_right_arithmetic3A_1109 : i32
      %sub3A_1111 = arith.constant 1597463007 : i32
      %sub3A_1112 = arith.subi %sub3A_1111, %shift_right_arithmetic3A_1110 : i32
      %bitcast_convert_type3A_1113 = arith.bitcast %sub3A_1112 : i32 to f32
      %mul3A_1114 = arith.constant 5.000000e-01 : f32
      %mul3A_1115 = arith.mulf %mul3A_1114, %add3A_1107 : f32
      %mul3A_1116 = arith.mulf %mul3A_1115, %bitcast_convert_type3A_1113 : f32
      %mul3A_1117 = arith.mulf %mul3A_1116, %bitcast_convert_type3A_1113 : f32
      %sub3A_1118 = arith.constant 1.500000e+00 : f32
      %sub3A_1119 = arith.subf %sub3A_1118, %mul3A_1117 : f32
      %mul3A_1120 = arith.mulf %bitcast_convert_type3A_1113, %sub3A_1119 : f32
      %mul3A_1121 = arith.constant 5.000000e-01 : f32
      %mul3A_1122 = arith.mulf %mul3A_1121, %add3A_1107 : f32
      %mul3A_1123 = arith.mulf %mul3A_1122, %mul3A_1120 : f32
      %mul3A_1124 = arith.mulf %mul3A_1123, %mul3A_1120 : f32
      %sub3A_1125 = arith.constant 1.500000e+00 : f32
      %sub3A_1126 = arith.subf %sub3A_1125, %mul3A_1124 : f32
      %mul3A_1127 = arith.mulf %mul3A_1120, %sub3A_1126 : f32
      %mul3A_1128 = arith.constant 5.000000e-01 : f32
      %mul3A_1129 = arith.mulf %mul3A_1128, %add3A_1107 : f32
      %mul3A_1130 = arith.mulf %mul3A_1129, %mul3A_1127 : f32
      %mul3A_1131 = arith.mulf %mul3A_1130, %mul3A_1127 : f32
      %sub3A_1132 = arith.constant 1.500000e+00 : f32
      %sub3A_1133 = arith.subf %sub3A_1132, %mul3A_1131 : f32
      %mul3A_1134 = arith.mulf %mul3A_1127, %sub3A_1133 : f32
      %swap3A_1135 = arith.constant 15 : i32
      %swap3A_1136 = arith.index_cast %swap3A_1135 : i32 to index
      %swap3A_1137 = memref.load %arg18[%swap3A_1136] : memref<16xf32, #tpu.memory_space<smem>>
      memref.store %mul3A_1134, %arg18[%swap3A_1136] : memref<16xf32, #tpu.memory_space<smem>>
      %parallel_loop3A_1138 = arith.constant 0 : i32
      %parallel_loop3A_1139 = arith.constant 48 : i32
      %parallel_loop3A_1140 = arith.constant 1 : i32
      scf.for %parallel_loop3A_1164 = %parallel_loop3A_1138 to %parallel_loop3A_1139 step %parallel_loop3A_1140  : i32 {
        %parallel_loop3A_1165 = arith.constant 16 : i32
        %parallel_loop3A_1166 = arith.muli %parallel_loop3A_1164, %parallel_loop3A_1165 : i32
        %parallel_loop3A_1167 = arith.index_cast %parallel_loop3A_1166 : i32 to index
        %parallel_loop3A_1168 = tpu.vector_load %arg14[%parallel_loop3A_1167] {strides = array<i32>} : memref<768xf32, #tpu.memory_space<vmem>>, vector<16xf32>,
        %parallel_loop3A_1169 = arith.index_cast %parallel_loop3A_1166 : i32 to index
        %parallel_loop3A_1170 = tpu.vector_load %arg15[%parallel_loop3A_1169] {strides = array<i32>} : memref<768xf32, #tpu.memory_space<vmem>>, vector<16xf32>,
        %parallel_loop3A_1171 = arith.constant 0 : i32
        %parallel_loop3A_1172 = arith.index_cast %parallel_loop3A_1171 : i32 to index
        %parallel_loop3A_1173 = memref.load %arg17[%parallel_loop3A_1172] : memref<16xf32, #tpu.memory_space<smem>>
        %parallel_loop3A_1174 = vector.broadcast %parallel_loop3A_1173 : f32 to vector<16xf32>
        %parallel_loop3A_1175 = arith.constant 0 : i32
        %parallel_loop3A_1176 = arith.index_cast %parallel_loop3A_1175 : i32 to index
        %parallel_loop3A_1177 = memref.load %arg18[%parallel_loop3A_1176] : memref<16xf32, #tpu.memory_space<smem>>
        %parallel_loop3A_1178 = vector.broadcast %parallel_loop3A_1177 : f32 to vector<16xf32>
        %parallel_loop3A_1179 = arith.constant 0 : i32
        %parallel_loop3A_1180 = arith.index_cast %rem3A_147 : i32 to index
        %parallel_loop3A_1181 = arith.index_cast %parallel_loop3A_1179 : i32 to index
        %parallel_loop3A_1182 = arith.index_cast %parallel_loop3A_1166 : i32 to index
        %parallel_loop3A_1183 = tpu.vector_load %arg16[%parallel_loop3A_1180, %parallel_loop3A_1181, %parallel_loop3A_1182] {strides = array<i32>} : memref<4x16x768xf32, #tpu.memory_space<vmem>>, vector<16xf32>,
        %parallel_loop3A_1184 = arith.subf %parallel_loop3A_1183, %parallel_loop3A_1174 : vector<16xf32>
        %parallel_loop3A_1185 = arith.mulf %parallel_loop3A_1184, %parallel_loop3A_1178 : vector<16xf32>
        %parallel_loop3A_1186 = arith.mulf %parallel_loop3A_1185, %parallel_loop3A_1168 : vector<16xf32>
        %parallel_loop3A_1187 = arith.addf %parallel_loop3A_1186, %parallel_loop3A_1170 : vector<16xf32>
        %parallel_loop3A_1188 = arith.constant 0 : i32
        %parallel_loop3A_1189 = arith.index_cast %rem3A_147 : i32 to index
        %parallel_loop3A_1190 = arith.index_cast %parallel_loop3A_1188 : i32 to index
        %parallel_loop3A_1191 = arith.index_cast %parallel_loop3A_1166 : i32 to index
        %parallel_loop3A_1192 = tpu.vector_load %arg16[%parallel_loop3A_1189, %parallel_loop3A_1190, %parallel_loop3A_1191] {strides = array<i32>} : memref<4x16x768xf32, #tpu.memory_space<vmem>>, vector<16xf32>,
        tpu.vector_store %arg16[%parallel_loop3A_1189, %parallel_loop3A_1190, %parallel_loop3A_1191], %parallel_loop3A_1187 {strides = array<i32>} : memref<4x16x768xf32, #tpu.memory_space<vmem>>, vector<16xf32>,
        %parallel_loop3A_1193 = arith.constant 1 : i32
        %parallel_loop3A_1194 = arith.index_cast %parallel_loop3A_1193 : i32 to index
        %parallel_loop3A_1195 = memref.load %arg17[%parallel_loop3A_1194] : memref<16xf32, #tpu.memory_space<smem>>
        %parallel_loop3A_1196 = vector.broadcast %parallel_loop3A_1195 : f32 to vector<16xf32>
        %parallel_loop3A_1197 = arith.constant 1 : i32
        %parallel_loop3A_1198 = arith.index_cast %parallel_loop3A_1197 : i32 to index
        %parallel_loop3A_1199 = memref.load %arg18[%parallel_loop3A_1198] : memref<16xf32, #tpu.memory_space<smem>>
        %parallel_loop3A_1200 = vector.broadcast %parallel_loop3A_1199 : f32 to vector<16xf32>
        %parallel_loop3A_1201 = arith.constant 1 : i32
        %parallel_loop3A_1202 = arith.index_cast %rem3A_147 : i32 to index
        %parallel_loop3A_1203 = arith.index_cast %parallel_loop3A_1201 : i32 to index
        %parallel_loop3A_1204 = arith.index_cast %parallel_loop3A_1166 : i32 to index
        %parallel_loop3A_1205 = tpu.vector_load %arg16[%parallel_loop3A_1202, %parallel_loop3A_1203, %parallel_loop3A_1204] {strides = array<i32>} : memref<4x16x768xf32, #tpu.memory_space<vmem>>, vector<16xf32>,
        %parallel_loop3A_1206 = arith.subf %parallel_loop3A_1205, %parallel_loop3A_1196 : vector<16xf32>
        %parallel_loop3A_1207 = arith.mulf %parallel_loop3A_1206, %parallel_loop3A_1200 : vector<16xf32>
        %parallel_loop3A_1208 = arith.mulf %parallel_loop3A_1207, %parallel_loop3A_1168 : vector<16xf32>
        %parallel_loop3A_1209 = arith.addf %parallel_loop3A_1208, %parallel_loop3A_1170 : vector<16xf32>
        %parallel_loop3A_1210 = arith.constant 1 : i32
        %parallel_loop3A_1211 = arith.index_cast %rem3A_147 : i32 to index
        %parallel_loop3A_1212 = arith.index_cast %parallel_loop3A_1210 : i32 to index
        %parallel_loop3A_1213 = arith.index_cast %parallel_loop3A_1166 : i32 to index
        %parallel_loop3A_1214 = tpu.vector_load %arg16[%parallel_loop3A_1211, %parallel_loop3A_1212, %parallel_loop3A_1213] {strides = array<i32>} : memref<4x16x768xf32, #tpu.memory_space<vmem>>, vector<16xf32>,
        tpu.vector_store %arg16[%parallel_loop3A_1211, %parallel_loop3A_1212, %parallel_loop3A_1213], %parallel_loop3A_1209 {strides = array<i32>} : memref<4x16x768xf32, #tpu.memory_space<vmem>>, vector<16xf32>,
        %parallel_loop3A_1215 = arith.constant 2 : i32
        %parallel_loop3A_1216 = arith.index_cast %parallel_loop3A_1215 : i32 to index
        %parallel_loop3A_1217 = memref.load %arg17[%parallel_loop3A_1216] : memref<16xf32, #tpu.memory_space<smem>>
        %parallel_loop3A_1218 = vector.broadcast %parallel_loop3A_1217 : f32 to vector<16xf32>
        %parallel_loop3A_1219 = arith.constant 2 : i32
        %parallel_loop3A_1220 = arith.index_cast %parallel_loop3A_1219 : i32 to index
        %parallel_loop3A_1221 = memref.load %arg18[%parallel_loop3A_1220] : memref<16xf32, #tpu.memory_space<smem>>
        %parallel_loop3A_1222 = vector.broadcast %parallel_loop3A_1221 : f32 to vector<16xf32>
        %parallel_loop3A_1223 = arith.constant 2 : i32
        %parallel_loop3A_1224 = arith.index_cast %rem3A_147 : i32 to index
        %parallel_loop3A_1225 = arith.index_cast %parallel_loop3A_1223 : i32 to index
        %parallel_loop3A_1226 = arith.index_cast %parallel_loop3A_1166 : i32 to index
        %parallel_loop3A_1227 = tpu.vector_load %arg16[%parallel_loop3A_1224, %parallel_loop3A_1225, %parallel_loop3A_1226] {strides = array<i32>} : memref<4x16x768xf32, #tpu.memory_space<vmem>>, vector<16xf32>,
        %parallel_loop3A_1228 = arith.subf %parallel_loop3A_1227, %parallel_loop3A_1218 : vector<16xf32>
        %parallel_loop3A_1229 = arith.mulf %parallel_loop3A_1228, %parallel_loop3A_1222 : vector<16xf32>
        %parallel_loop3A_1230 = arith.mulf %parallel_loop3A_1229, %parallel_loop3A_1168 : vector<16xf32>
        %parallel_loop3A_1231 = arith.addf %parallel_loop3A_1230, %parallel_loop3A_1170 : vector<16xf32>
        %parallel_loop3A_1232 = arith.constant 2 : i32
        %parallel_loop3A_1233 = arith.index_cast %rem3A_147 : i32 to index
        %parallel_loop3A_1234 = arith.index_cast %parallel_loop3A_1232 : i32 to index
        %parallel_loop3A_1235 = arith.index_cast %parallel_loop3A_1166 : i32 to index
        %parallel_loop3A_1236 = tpu.vector_load %arg16[%parallel_loop3A_1233, %parallel_loop3A_1234, %parallel_loop3A_1235] {strides = array<i32>} : memref<4x16x768xf32, #tpu.memory_space<vmem>>, vector<16xf32>,
        tpu.vector_store %arg16[%parallel_loop3A_1233, %parallel_loop3A_1234, %parallel_loop3A_1235], %parallel_loop3A_1231 {strides = array<i32>} : memref<4x16x768xf32, #tpu.memory_space<vmem>>, vector<16xf32>,
        %parallel_loop3A_1237 = arith.constant 3 : i32
        %parallel_loop3A_1238 = arith.index_cast %parallel_loop3A_1237 : i32 to index
        %parallel_loop3A_1239 = memref.load %arg17[%parallel_loop3A_1238] : memref<16xf32, #tpu.memory_space<smem>>
        %parallel_loop3A_1240 = vector.broadcast %parallel_loop3A_1239 : f32 to vector<16xf32>
        %parallel_loop3A_1241 = arith.constant 3 : i32
        %parallel_loop3A_1242 = arith.index_cast %parallel_loop3A_1241 : i32 to index
        %parallel_loop3A_1243 = memref.load %arg18[%parallel_loop3A_1242] : memref<16xf32, #tpu.memory_space<smem>>
        %parallel_loop3A_1244 = vector.broadcast %parallel_loop3A_1243 : f32 to vector<16xf32>
        %parallel_loop3A_1245 = arith.constant 3 : i32
        %parallel_loop3A_1246 = arith.index_cast %rem3A_147 : i32 to index
        %parallel_loop3A_1247 = arith.index_cast %parallel_loop3A_1245 : i32 to index
        %parallel_loop3A_1248 = arith.index_cast %parallel_loop3A_1166 : i32 to index
        %parallel_loop3A_1249 = tpu.vector_load %arg16[%parallel_loop3A_1246, %parallel_loop3A_1247, %parallel_loop3A_1248] {strides = array<i32>} : memref<4x16x768xf32, #tpu.memory_space<vmem>>, vector<16xf32>,
        %parallel_loop3A_1250 = arith.subf %parallel_loop3A_1249, %parallel_loop3A_1240 : vector<16xf32>
        %parallel_loop3A_1251 = arith.mulf %parallel_loop3A_1250, %parallel_loop3A_1244 : vector<16xf32>
        %parallel_loop3A_1252 = arith.mulf %parallel_loop3A_1251, %parallel_loop3A_1168 : vector<16xf32>
        %parallel_loop3A_1253 = arith.addf %parallel_loop3A_1252, %parallel_loop3A_1170 : vector<16xf32>
        %parallel_loop3A_1254 = arith.constant 3 : i32
        %parallel_loop3A_1255 = arith.index_cast %rem3A_147 : i32 to index
        %parallel_loop3A_1256 = arith.index_cast %parallel_loop3A_1254 : i32 to index
        %parallel_loop3A_1257 = arith.index_cast %parallel_loop3A_1166 : i32 to index
        %parallel_loop3A_1258 = tpu.vector_load %arg16[%parallel_loop3A_1255, %parallel_loop3A_1256, %parallel_loop3A_1257] {strides = array<i32>} : memref<4x16x768xf32, #tpu.memory_space<vmem>>, vector<16xf32>,
        tpu.vector_store %arg16[%parallel_loop3A_1255, %parallel_loop3A_1256, %parallel_loop3A_1257], %parallel_loop3A_1253 {strides = array<i32>} : memref<4x16x768xf32, #tpu.memory_space<vmem>>, vector<16xf32>,
        %parallel_loop3A_1259 = arith.constant 4 : i32
        %parallel_loop3A_1260 = arith.index_cast %parallel_loop3A_1259 : i32 to index
        %parallel_loop3A_1261 = memref.load %arg17[%parallel_loop3A_1260] : memref<16xf32, #tpu.memory_space<smem>>
        %parallel_loop3A_1262 = vector.broadcast %parallel_loop3A_1261 : f32 to vector<16xf32>
        %parallel_loop3A_1263 = arith.constant 4 : i32
        %parallel_loop3A_1264 = arith.index_cast %parallel_loop3A_1263 : i32 to index
        %parallel_loop3A_1265 = memref.load %arg18[%parallel_loop3A_1264] : memref<16xf32, #tpu.memory_space<smem>>
        %parallel_loop3A_1266 = vector.broadcast %parallel_loop3A_1265 : f32 to vector<16xf32>
        %parallel_loop3A_1267 = arith.constant 4 : i32
        %parallel_loop3A_1268 = arith.index_cast %rem3A_147 : i32 to index
        %parallel_loop3A_1269 = arith.index_cast %parallel_loop3A_1267 : i32 to index
        %parallel_loop3A_1270 = arith.index_cast %parallel_loop3A_1166 : i32 to index
        %parallel_loop3A_1271 = tpu.vector_load %arg16[%parallel_loop3A_1268, %parallel_loop3A_1269, %parallel_loop3A_1270] {strides = array<i32>} : memref<4x16x768xf32, #tpu.memory_space<vmem>>, vector<16xf32>,
        %parallel_loop3A_1272 = arith.subf %parallel_loop3A_1271, %parallel_loop3A_1262 : vector<16xf32>
        %parallel_loop3A_1273 = arith.mulf %parallel_loop3A_1272, %parallel_loop3A_1266 : vector<16xf32>
        %parallel_loop3A_1274 = arith.mulf %parallel_loop3A_1273, %parallel_loop3A_1168 : vector<16xf32>
        %parallel_loop3A_1275 = arith.addf %parallel_loop3A_1274, %parallel_loop3A_1170 : vector<16xf32>
        %parallel_loop3A_1276 = arith.constant 4 : i32
        %parallel_loop3A_1277 = arith.index_cast %rem3A_147 : i32 to index
        %parallel_loop3A_1278 = arith.index_cast %parallel_loop3A_1276 : i32 to index
        %parallel_loop3A_1279 = arith.index_cast %parallel_loop3A_1166 : i32 to index
        %parallel_loop3A_1280 = tpu.vector_load %arg16[%parallel_loop3A_1277, %parallel_loop3A_1278, %parallel_loop3A_1279] {strides = array<i32>} : memref<4x16x768xf32, #tpu.memory_space<vmem>>, vector<16xf32>,
        tpu.vector_store %arg16[%parallel_loop3A_1277, %parallel_loop3A_1278, %parallel_loop3A_1279], %parallel_loop3A_1275 {strides = array<i32>} : memref<4x16x768xf32, #tpu.memory_space<vmem>>, vector<16xf32>,
        %parallel_loop3A_1281 = arith.constant 5 : i32
        %parallel_loop3A_1282 = arith.index_cast %parallel_loop3A_1281 : i32 to index
        %parallel_loop3A_1283 = memref.load %arg17[%parallel_loop3A_1282] : memref<16xf32, #tpu.memory_space<smem>>
        %parallel_loop3A_1284 = vector.broadcast %parallel_loop3A_1283 : f32 to vector<16xf32>
        %parallel_loop3A_1285 = arith.constant 5 : i32
        %parallel_loop3A_1286 = arith.index_cast %parallel_loop3A_1285 : i32 to index
        %parallel_loop3A_1287 = memref.load %arg18[%parallel_loop3A_1286] : memref<16xf32, #tpu.memory_space<smem>>
        %parallel_loop3A_1288 = vector.broadcast %parallel_loop3A_1287 : f32 to vector<16xf32>
        %parallel_loop3A_1289 = arith.constant 5 : i32
        %parallel_loop3A_1290 = arith.index_cast %rem3A_147 : i32 to index
        %parallel_loop3A_1291 = arith.index_cast %parallel_loop3A_1289 : i32 to index
        %parallel_loop3A_1292 = arith.index_cast %parallel_loop3A_1166 : i32 to index
        %parallel_loop3A_1293 = tpu.vector_load %arg16[%parallel_loop3A_1290, %parallel_loop3A_1291, %parallel_loop3A_1292] {strides = array<i32>} : memref<4x16x768xf32, #tpu.memory_space<vmem>>, vector<16xf32>,
        %parallel_loop3A_1294 = arith.subf %parallel_loop3A_1293, %parallel_loop3A_1284 : vector<16xf32>
        %parallel_loop3A_1295 = arith.mulf %parallel_loop3A_1294, %parallel_loop3A_1288 : vector<16xf32>
        %parallel_loop3A_1296 = arith.mulf %parallel_loop3A_1295, %parallel_loop3A_1168 : vector<16xf32>
        %parallel_loop3A_1297 = arith.addf %parallel_loop3A_1296, %parallel_loop3A_1170 : vector<16xf32>
        %parallel_loop3A_1298 = arith.constant 5 : i32
        %parallel_loop3A_1299 = arith.index_cast %rem3A_147 : i32 to index
        %parallel_loop3A_1300 = arith.index_cast %parallel_loop3A_1298 : i32 to index
        %parallel_loop3A_1301 = arith.index_cast %parallel_loop3A_1166 : i32 to index
        %parallel_loop3A_1302 = tpu.vector_load %arg16[%parallel_loop3A_1299, %parallel_loop3A_1300, %parallel_loop3A_1301] {strides = array<i32>} : memref<4x16x768xf32, #tpu.memory_space<vmem>>, vector<16xf32>,
        tpu.vector_store %arg16[%parallel_loop3A_1299, %parallel_loop3A_1300, %parallel_loop3A_1301], %parallel_loop3A_1297 {strides = array<i32>} : memref<4x16x768xf32, #tpu.memory_space<vmem>>, vector<16xf32>,
        %parallel_loop3A_1303 = arith.constant 6 : i32
        %parallel_loop3A_1304 = arith.index_cast %parallel_loop3A_1303 : i32 to index
        %parallel_loop3A_1305 = memref.load %arg17[%parallel_loop3A_1304] : memref<16xf32, #tpu.memory_space<smem>>
        %parallel_loop3A_1306 = vector.broadcast %parallel_loop3A_1305 : f32 to vector<16xf32>
        %parallel_loop3A_1307 = arith.constant 6 : i32
        %parallel_loop3A_1308 = arith.index_cast %parallel_loop3A_1307 : i32 to index
        %parallel_loop3A_1309 = memref.load %arg18[%parallel_loop3A_1308] : memref<16xf32, #tpu.memory_space<smem>>
        %parallel_loop3A_1310 = vector.broadcast %parallel_loop3A_1309 : f32 to vector<16xf32>
        %parallel_loop3A_1311 = arith.constant 6 : i32
        %parallel_loop3A_1312 = arith.index_cast %rem3A_147 : i32 to index
        %parallel_loop3A_1313 = arith.index_cast %parallel_loop3A_1311 : i32 to index
        %parallel_loop3A_1314 = arith.index_cast %parallel_loop3A_1166 : i32 to index
        %parallel_loop3A_1315 = tpu.vector_load %arg16[%parallel_loop3A_1312, %parallel_loop3A_1313, %parallel_loop3A_1314] {strides = array<i32>} : memref<4x16x768xf32, #tpu.memory_space<vmem>>, vector<16xf32>,
        %parallel_loop3A_1316 = arith.subf %parallel_loop3A_1315, %parallel_loop3A_1306 : vector<16xf32>
        %parallel_loop3A_1317 = arith.mulf %parallel_loop3A_1316, %parallel_loop3A_1310 : vector<16xf32>
        %parallel_loop3A_1318 = arith.mulf %parallel_loop3A_1317, %parallel_loop3A_1168 : vector<16xf32>
        %parallel_loop3A_1319 = arith.addf %parallel_loop3A_1318, %parallel_loop3A_1170 : vector<16xf32>
        %parallel_loop3A_1320 = arith.constant 6 : i32
        %parallel_loop3A_1321 = arith.index_cast %rem3A_147 : i32 to index
        %parallel_loop3A_1322 = arith.index_cast %parallel_loop3A_1320 : i32 to index
        %parallel_loop3A_1323 = arith.index_cast %parallel_loop3A_1166 : i32 to index
        %parallel_loop3A_1324 = tpu.vector_load %arg16[%parallel_loop3A_1321, %parallel_loop3A_1322, %parallel_loop3A_1323] {strides = array<i32>} : memref<4x16x768xf32, #tpu.memory_space<vmem>>, vector<16xf32>,
        tpu.vector_store %arg16[%parallel_loop3A_1321, %parallel_loop3A_1322, %parallel_loop3A_1323], %parallel_loop3A_1319 {strides = array<i32>} : memref<4x16x768xf32, #tpu.memory_space<vmem>>, vector<16xf32>,
        %parallel_loop3A_1325 = arith.constant 7 : i32
        %parallel_loop3A_1326 = arith.index_cast %parallel_loop3A_1325 : i32 to index
        %parallel_loop3A_1327 = memref.load %arg17[%parallel_loop3A_1326] : memref<16xf32, #tpu.memory_space<smem>>
        %parallel_loop3A_1328 = vector.broadcast %parallel_loop3A_1327 : f32 to vector<16xf32>
        %parallel_loop3A_1329 = arith.constant 7 : i32
        %parallel_loop3A_1330 = arith.index_cast %parallel_loop3A_1329 : i32 to index
        %parallel_loop3A_1331 = memref.load %arg18[%parallel_loop3A_1330] : memref<16xf32, #tpu.memory_space<smem>>
        %parallel_loop3A_1332 = vector.broadcast %parallel_loop3A_1331 : f32 to vector<16xf32>
        %parallel_loop3A_1333 = arith.constant 7 : i32
        %parallel_loop3A_1334 = arith.index_cast %rem3A_147 : i32 to index
        %parallel_loop3A_1335 = arith.index_cast %parallel_loop3A_1333 : i32 to index
        %parallel_loop3A_1336 = arith.index_cast %parallel_loop3A_1166 : i32 to index
        %parallel_loop3A_1337 = tpu.vector_load %arg16[%parallel_loop3A_1334, %parallel_loop3A_1335, %parallel_loop3A_1336] {strides = array<i32>} : memref<4x16x768xf32, #tpu.memory_space<vmem>>, vector<16xf32>,
        %parallel_loop3A_1338 = arith.subf %parallel_loop3A_1337, %parallel_loop3A_1328 : vector<16xf32>
        %parallel_loop3A_1339 = arith.mulf %parallel_loop3A_1338, %parallel_loop3A_1332 : vector<16xf32>
        %parallel_loop3A_1340 = arith.mulf %parallel_loop3A_1339, %parallel_loop3A_1168 : vector<16xf32>
        %parallel_loop3A_1341 = arith.addf %parallel_loop3A_1340, %parallel_loop3A_1170 : vector<16xf32>
        %parallel_loop3A_1342 = arith.constant 7 : i32
        %parallel_loop3A_1343 = arith.index_cast %rem3A_147 : i32 to index
        %parallel_loop3A_1344 = arith.index_cast %parallel_loop3A_1342 : i32 to index
        %parallel_loop3A_1345 = arith.index_cast %parallel_loop3A_1166 : i32 to index
        %parallel_loop3A_1346 = tpu.vector_load %arg16[%parallel_loop3A_1343, %parallel_loop3A_1344, %parallel_loop3A_1345] {strides = array<i32>} : memref<4x16x768xf32, #tpu.memory_space<vmem>>, vector<16xf32>,
        tpu.vector_store %arg16[%parallel_loop3A_1343, %parallel_loop3A_1344, %parallel_loop3A_1345], %parallel_loop3A_1341 {strides = array<i32>} : memref<4x16x768xf32, #tpu.memory_space<vmem>>, vector<16xf32>,
        %parallel_loop3A_1347 = arith.constant 8 : i32
        %parallel_loop3A_1348 = arith.index_cast %parallel_loop3A_1347 : i32 to index
        %parallel_loop3A_1349 = memref.load %arg17[%parallel_loop3A_1348] : memref<16xf32, #tpu.memory_space<smem>>
        %parallel_loop3A_1350 = vector.broadcast %parallel_loop3A_1349 : f32 to vector<16xf32>
        %parallel_loop3A_1351 = arith.constant 8 : i32
        %parallel_loop3A_1352 = arith.index_cast %parallel_loop3A_1351 : i32 to index
        %parallel_loop3A_1353 = memref.load %arg18[%parallel_loop3A_1352] : memref<16xf32, #tpu.memory_space<smem>>
        %parallel_loop3A_1354 = vector.broadcast %parallel_loop3A_1353 : f32 to vector<16xf32>
        %parallel_loop3A_1355 = arith.constant 8 : i32
        %parallel_loop3A_1356 = arith.index_cast %rem3A_147 : i32 to index
        %parallel_loop3A_1357 = arith.index_cast %parallel_loop3A_1355 : i32 to index
        %parallel_loop3A_1358 = arith.index_cast %parallel_loop3A_1166 : i32 to index
        %parallel_loop3A_1359 = tpu.vector_load %arg16[%parallel_loop3A_1356, %parallel_loop3A_1357, %parallel_loop3A_1358] {strides = array<i32>} : memref<4x16x768xf32, #tpu.memory_space<vmem>>, vector<16xf32>,
        %parallel_loop3A_1360 = arith.subf %parallel_loop3A_1359, %parallel_loop3A_1350 : vector<16xf32>
        %parallel_loop3A_1361 = arith.mulf %parallel_loop3A_1360, %parallel_loop3A_1354 : vector<16xf32>
        %parallel_loop3A_1362 = arith.mulf %parallel_loop3A_1361, %parallel_loop3A_1168 : vector<16xf32>
        %parallel_loop3A_1363 = arith.addf %parallel_loop3A_1362, %parallel_loop3A_1170 : vector<16xf32>
        %parallel_loop3A_1364 = arith.constant 8 : i32
        %parallel_loop3A_1365 = arith.index_cast %rem3A_147 : i32 to index
        %parallel_loop3A_1366 = arith.index_cast %parallel_loop3A_1364 : i32 to index
        %parallel_loop3A_1367 = arith.index_cast %parallel_loop3A_1166 : i32 to index
        %parallel_loop3A_1368 = tpu.vector_load %arg16[%parallel_loop3A_1365, %parallel_loop3A_1366, %parallel_loop3A_1367] {strides = array<i32>} : memref<4x16x768xf32, #tpu.memory_space<vmem>>, vector<16xf32>,
        tpu.vector_store %arg16[%parallel_loop3A_1365, %parallel_loop3A_1366, %parallel_loop3A_1367], %parallel_loop3A_1363 {strides = array<i32>} : memref<4x16x768xf32, #tpu.memory_space<vmem>>, vector<16xf32>,
        %parallel_loop3A_1369 = arith.constant 9 : i32
        %parallel_loop3A_1370 = arith.index_cast %parallel_loop3A_1369 : i32 to index
        %parallel_loop3A_1371 = memref.load %arg17[%parallel_loop3A_1370] : memref<16xf32, #tpu.memory_space<smem>>
        %parallel_loop3A_1372 = vector.broadcast %parallel_loop3A_1371 : f32 to vector<16xf32>
        %parallel_loop3A_1373 = arith.constant 9 : i32
        %parallel_loop3A_1374 = arith.index_cast %parallel_loop3A_1373 : i32 to index
        %parallel_loop3A_1375 = memref.load %arg18[%parallel_loop3A_1374] : memref<16xf32, #tpu.memory_space<smem>>
        %parallel_loop3A_1376 = vector.broadcast %parallel_loop3A_1375 : f32 to vector<16xf32>
        %parallel_loop3A_1377 = arith.constant 9 : i32
        %parallel_loop3A_1378 = arith.index_cast %rem3A_147 : i32 to index
        %parallel_loop3A_1379 = arith.index_cast %parallel_loop3A_1377 : i32 to index
        %parallel_loop3A_1380 = arith.index_cast %parallel_loop3A_1166 : i32 to index
        %parallel_loop3A_1381 = tpu.vector_load %arg16[%parallel_loop3A_1378, %parallel_loop3A_1379, %parallel_loop3A_1380] {strides = array<i32>} : memref<4x16x768xf32, #tpu.memory_space<vmem>>, vector<16xf32>,
        %parallel_loop3A_1382 = arith.subf %parallel_loop3A_1381, %parallel_loop3A_1372 : vector<16xf32>
        %parallel_loop3A_1383 = arith.mulf %parallel_loop3A_1382, %parallel_loop3A_1376 : vector<16xf32>
        %parallel_loop3A_1384 = arith.mulf %parallel_loop3A_1383, %parallel_loop3A_1168 : vector<16xf32>
        %parallel_loop3A_1385 = arith.addf %parallel_loop3A_1384, %parallel_loop3A_1170 : vector<16xf32>
        %parallel_loop3A_1386 = arith.constant 9 : i32
        %parallel_loop3A_1387 = arith.index_cast %rem3A_147 : i32 to index
        %parallel_loop3A_1388 = arith.index_cast %parallel_loop3A_1386 : i32 to index
        %parallel_loop3A_1389 = arith.index_cast %parallel_loop3A_1166 : i32 to index
        %parallel_loop3A_1390 = tpu.vector_load %arg16[%parallel_loop3A_1387, %parallel_loop3A_1388, %parallel_loop3A_1389] {strides = array<i32>} : memref<4x16x768xf32, #tpu.memory_space<vmem>>, vector<16xf32>,
        tpu.vector_store %arg16[%parallel_loop3A_1387, %parallel_loop3A_1388, %parallel_loop3A_1389], %parallel_loop3A_1385 {strides = array<i32>} : memref<4x16x768xf32, #tpu.memory_space<vmem>>, vector<16xf32>,
        %parallel_loop3A_1391 = arith.constant 10 : i32
        %parallel_loop3A_1392 = arith.index_cast %parallel_loop3A_1391 : i32 to index
        %parallel_loop3A_1393 = memref.load %arg17[%parallel_loop3A_1392] : memref<16xf32, #tpu.memory_space<smem>>
        %parallel_loop3A_1394 = vector.broadcast %parallel_loop3A_1393 : f32 to vector<16xf32>
        %parallel_loop3A_1395 = arith.constant 10 : i32
        %parallel_loop3A_1396 = arith.index_cast %parallel_loop3A_1395 : i32 to index
        %parallel_loop3A_1397 = memref.load %arg18[%parallel_loop3A_1396] : memref<16xf32, #tpu.memory_space<smem>>
        %parallel_loop3A_1398 = vector.broadcast %parallel_loop3A_1397 : f32 to vector<16xf32>
        %parallel_loop3A_1399 = arith.constant 10 : i32
        %parallel_loop3A_1400 = arith.index_cast %rem3A_147 : i32 to index
        %parallel_loop3A_1401 = arith.index_cast %parallel_loop3A_1399 : i32 to index
        %parallel_loop3A_1402 = arith.index_cast %parallel_loop3A_1166 : i32 to index
        %parallel_loop3A_1403 = tpu.vector_load %arg16[%parallel_loop3A_1400, %parallel_loop3A_1401, %parallel_loop3A_1402] {strides = array<i32>} : memref<4x16x768xf32, #tpu.memory_space<vmem>>, vector<16xf32>,
        %parallel_loop3A_1404 = arith.subf %parallel_loop3A_1403, %parallel_loop3A_1394 : vector<16xf32>
        %parallel_loop3A_1405 = arith.mulf %parallel_loop3A_1404, %parallel_loop3A_1398 : vector<16xf32>
        %parallel_loop3A_1406 = arith.mulf %parallel_loop3A_1405, %parallel_loop3A_1168 : vector<16xf32>
        %parallel_loop3A_1407 = arith.addf %parallel_loop3A_1406, %parallel_loop3A_1170 : vector<16xf32>
        %parallel_loop3A_1408 = arith.constant 10 : i32
        %parallel_loop3A_1409 = arith.index_cast %rem3A_147 : i32 to index
        %parallel_loop3A_1410 = arith.index_cast %parallel_loop3A_1408 : i32 to index
        %parallel_loop3A_1411 = arith.index_cast %parallel_loop3A_1166 : i32 to index
        %parallel_loop3A_1412 = tpu.vector_load %arg16[%parallel_loop3A_1409, %parallel_loop3A_1410, %parallel_loop3A_1411] {strides = array<i32>} : memref<4x16x768xf32, #tpu.memory_space<vmem>>, vector<16xf32>,
        tpu.vector_store %arg16[%parallel_loop3A_1409, %parallel_loop3A_1410, %parallel_loop3A_1411], %parallel_loop3A_1407 {strides = array<i32>} : memref<4x16x768xf32, #tpu.memory_space<vmem>>, vector<16xf32>,
        %parallel_loop3A_1413 = arith.constant 11 : i32
        %parallel_loop3A_1414 = arith.index_cast %parallel_loop3A_1413 : i32 to index
        %parallel_loop3A_1415 = memref.load %arg17[%parallel_loop3A_1414] : memref<16xf32, #tpu.memory_space<smem>>
        %parallel_loop3A_1416 = vector.broadcast %parallel_loop3A_1415 : f32 to vector<16xf32>
        %parallel_loop3A_1417 = arith.constant 11 : i32
        %parallel_loop3A_1418 = arith.index_cast %parallel_loop3A_1417 : i32 to index
        %parallel_loop3A_1419 = memref.load %arg18[%parallel_loop3A_1418] : memref<16xf32, #tpu.memory_space<smem>>
        %parallel_loop3A_1420 = vector.broadcast %parallel_loop3A_1419 : f32 to vector<16xf32>
        %parallel_loop3A_1421 = arith.constant 11 : i32
        %parallel_loop3A_1422 = arith.index_cast %rem3A_147 : i32 to index
        %parallel_loop3A_1423 = arith.index_cast %parallel_loop3A_1421 : i32 to index
        %parallel_loop3A_1424 = arith.index_cast %parallel_loop3A_1166 : i32 to index
        %parallel_loop3A_1425 = tpu.vector_load %arg16[%parallel_loop3A_1422, %parallel_loop3A_1423, %parallel_loop3A_1424] {strides = array<i32>} : memref<4x16x768xf32, #tpu.memory_space<vmem>>, vector<16xf32>,
        %parallel_loop3A_1426 = arith.subf %parallel_loop3A_1425, %parallel_loop3A_1416 : vector<16xf32>
        %parallel_loop3A_1427 = arith.mulf %parallel_loop3A_1426, %parallel_loop3A_1420 : vector<16xf32>
        %parallel_loop3A_1428 = arith.mulf %parallel_loop3A_1427, %parallel_loop3A_1168 : vector<16xf32>
        %parallel_loop3A_1429 = arith.addf %parallel_loop3A_1428, %parallel_loop3A_1170 : vector<16xf32>
        %parallel_loop3A_1430 = arith.constant 11 : i32
        %parallel_loop3A_1431 = arith.index_cast %rem3A_147 : i32 to index
        %parallel_loop3A_1432 = arith.index_cast %parallel_loop3A_1430 : i32 to index
        %parallel_loop3A_1433 = arith.index_cast %parallel_loop3A_1166 : i32 to index
        %parallel_loop3A_1434 = tpu.vector_load %arg16[%parallel_loop3A_1431, %parallel_loop3A_1432, %parallel_loop3A_1433] {strides = array<i32>} : memref<4x16x768xf32, #tpu.memory_space<vmem>>, vector<16xf32>,
        tpu.vector_store %arg16[%parallel_loop3A_1431, %parallel_loop3A_1432, %parallel_loop3A_1433], %parallel_loop3A_1429 {strides = array<i32>} : memref<4x16x768xf32, #tpu.memory_space<vmem>>, vector<16xf32>,
        %parallel_loop3A_1435 = arith.constant 12 : i32
        %parallel_loop3A_1436 = arith.index_cast %parallel_loop3A_1435 : i32 to index
        %parallel_loop3A_1437 = memref.load %arg17[%parallel_loop3A_1436] : memref<16xf32, #tpu.memory_space<smem>>
        %parallel_loop3A_1438 = vector.broadcast %parallel_loop3A_1437 : f32 to vector<16xf32>
        %parallel_loop3A_1439 = arith.constant 12 : i32
        %parallel_loop3A_1440 = arith.index_cast %parallel_loop3A_1439 : i32 to index
        %parallel_loop3A_1441 = memref.load %arg18[%parallel_loop3A_1440] : memref<16xf32, #tpu.memory_space<smem>>
        %parallel_loop3A_1442 = vector.broadcast %parallel_loop3A_1441 : f32 to vector<16xf32>
        %parallel_loop3A_1443 = arith.constant 12 : i32
        %parallel_loop3A_1444 = arith.index_cast %rem3A_147 : i32 to index
        %parallel_loop3A_1445 = arith.index_cast %parallel_loop3A_1443 : i32 to index
        %parallel_loop3A_1446 = arith.index_cast %parallel_loop3A_1166 : i32 to index
        %parallel_loop3A_1447 = tpu.vector_load %arg16[%parallel_loop3A_1444, %parallel_loop3A_1445, %parallel_loop3A_1446] {strides = array<i32>} : memref<4x16x768xf32, #tpu.memory_space<vmem>>, vector<16xf32>,
        %parallel_loop3A_1448 = arith.subf %parallel_loop3A_1447, %parallel_loop3A_1438 : vector<16xf32>
        %parallel_loop3A_1449 = arith.mulf %parallel_loop3A_1448, %parallel_loop3A_1442 : vector<16xf32>
        %parallel_loop3A_1450 = arith.mulf %parallel_loop3A_1449, %parallel_loop3A_1168 : vector<16xf32>
        %parallel_loop3A_1451 = arith.addf %parallel_loop3A_1450, %parallel_loop3A_1170 : vector<16xf32>
        %parallel_loop3A_1452 = arith.constant 12 : i32
        %parallel_loop3A_1453 = arith.index_cast %rem3A_147 : i32 to index
        %parallel_loop3A_1454 = arith.index_cast %parallel_loop3A_1452 : i32 to index
        %parallel_loop3A_1455 = arith.index_cast %parallel_loop3A_1166 : i32 to index
        %parallel_loop3A_1456 = tpu.vector_load %arg16[%parallel_loop3A_1453, %parallel_loop3A_1454, %parallel_loop3A_1455] {strides = array<i32>} : memref<4x16x768xf32, #tpu.memory_space<vmem>>, vector<16xf32>,
        tpu.vector_store %arg16[%parallel_loop3A_1453, %parallel_loop3A_1454, %parallel_loop3A_1455], %parallel_loop3A_1451 {strides = array<i32>} : memref<4x16x768xf32, #tpu.memory_space<vmem>>, vector<16xf32>,
        %parallel_loop3A_1457 = arith.constant 13 : i32
        %parallel_loop3A_1458 = arith.index_cast %parallel_loop3A_1457 : i32 to index
        %parallel_loop3A_1459 = memref.load %arg17[%parallel_loop3A_1458] : memref<16xf32, #tpu.memory_space<smem>>
        %parallel_loop3A_1460 = vector.broadcast %parallel_loop3A_1459 : f32 to vector<16xf32>
        %parallel_loop3A_1461 = arith.constant 13 : i32
        %parallel_loop3A_1462 = arith.index_cast %parallel_loop3A_1461 : i32 to index
        %parallel_loop3A_1463 = memref.load %arg18[%parallel_loop3A_1462] : memref<16xf32, #tpu.memory_space<smem>>
        %parallel_loop3A_1464 = vector.broadcast %parallel_loop3A_1463 : f32 to vector<16xf32>
        %parallel_loop3A_1465 = arith.constant 13 : i32
        %parallel_loop3A_1466 = arith.index_cast %rem3A_147 : i32 to index
        %parallel_loop3A_1467 = arith.index_cast %parallel_loop3A_1465 : i32 to index
        %parallel_loop3A_1468 = arith.index_cast %parallel_loop3A_1166 : i32 to index
        %parallel_loop3A_1469 = tpu.vector_load %arg16[%parallel_loop3A_1466, %parallel_loop3A_1467, %parallel_loop3A_1468] {strides = array<i32>} : memref<4x16x768xf32, #tpu.memory_space<vmem>>, vector<16xf32>,
        %parallel_loop3A_1470 = arith.subf %parallel_loop3A_1469, %parallel_loop3A_1460 : vector<16xf32>
        %parallel_loop3A_1471 = arith.mulf %parallel_loop3A_1470, %parallel_loop3A_1464 : vector<16xf32>
        %parallel_loop3A_1472 = arith.mulf %parallel_loop3A_1471, %parallel_loop3A_1168 : vector<16xf32>
        %parallel_loop3A_1473 = arith.addf %parallel_loop3A_1472, %parallel_loop3A_1170 : vector<16xf32>
        %parallel_loop3A_1474 = arith.constant 13 : i32
        %parallel_loop3A_1475 = arith.index_cast %rem3A_147 : i32 to index
        %parallel_loop3A_1476 = arith.index_cast %parallel_loop3A_1474 : i32 to index
        %parallel_loop3A_1477 = arith.index_cast %parallel_loop3A_1166 : i32 to index
        %parallel_loop3A_1478 = tpu.vector_load %arg16[%parallel_loop3A_1475, %parallel_loop3A_1476, %parallel_loop3A_1477] {strides = array<i32>} : memref<4x16x768xf32, #tpu.memory_space<vmem>>, vector<16xf32>,
        tpu.vector_store %arg16[%parallel_loop3A_1475, %parallel_loop3A_1476, %parallel_loop3A_1477], %parallel_loop3A_1473 {strides = array<i32>} : memref<4x16x768xf32, #tpu.memory_space<vmem>>, vector<16xf32>,
        %parallel_loop3A_1479 = arith.constant 14 : i32
        %parallel_loop3A_1480 = arith.index_cast %parallel_loop3A_1479 : i32 to index
        %parallel_loop3A_1481 = memref.load %arg17[%parallel_loop3A_1480] : memref<16xf32, #tpu.memory_space<smem>>
        %parallel_loop3A_1482 = vector.broadcast %parallel_loop3A_1481 : f32 to vector<16xf32>
        %parallel_loop3A_1483 = arith.constant 14 : i32
        %parallel_loop3A_1484 = arith.index_cast %parallel_loop3A_1483 : i32 to index
        %parallel_loop3A_1485 = memref.load %arg18[%parallel_loop3A_1484] : memref<16xf32, #tpu.memory_space<smem>>
        %parallel_loop3A_1486 = vector.broadcast %parallel_loop3A_1485 : f32 to vector<16xf32>
        %parallel_loop3A_1487 = arith.constant 14 : i32
        %parallel_loop3A_1488 = arith.index_cast %rem3A_147 : i32 to index
        %parallel_loop3A_1489 = arith.index_cast %parallel_loop3A_1487 : i32 to index
        %parallel_loop3A_1490 = arith.index_cast %parallel_loop3A_1166 : i32 to index
        %parallel_loop3A_1491 = tpu.vector_load %arg16[%parallel_loop3A_1488, %parallel_loop3A_1489, %parallel_loop3A_1490] {strides = array<i32>} : memref<4x16x768xf32, #tpu.memory_space<vmem>>, vector<16xf32>,
        %parallel_loop3A_1492 = arith.subf %parallel_loop3A_1491, %parallel_loop3A_1482 : vector<16xf32>
        %parallel_loop3A_1493 = arith.mulf %parallel_loop3A_1492, %parallel_loop3A_1486 : vector<16xf32>
        %parallel_loop3A_1494 = arith.mulf %parallel_loop3A_1493, %parallel_loop3A_1168 : vector<16xf32>
        %parallel_loop3A_1495 = arith.addf %parallel_loop3A_1494, %parallel_loop3A_1170 : vector<16xf32>
        %parallel_loop3A_1496 = arith.constant 14 : i32
        %parallel_loop3A_1497 = arith.index_cast %rem3A_147 : i32 to index
        %parallel_loop3A_1498 = arith.index_cast %parallel_loop3A_1496 : i32 to index
        %parallel_loop3A_1499 = arith.index_cast %parallel_loop3A_1166 : i32 to index
        %parallel_loop3A_1500 = tpu.vector_load %arg16[%parallel_loop3A_1497, %parallel_loop3A_1498, %parallel_loop3A_1499] {strides = array<i32>} : memref<4x16x768xf32, #tpu.memory_space<vmem>>, vector<16xf32>,
        tpu.vector_store %arg16[%parallel_loop3A_1497, %parallel_loop3A_1498, %parallel_loop3A_1499], %parallel_loop3A_1495 {strides = array<i32>} : memref<4x16x768xf32, #tpu.memory_space<vmem>>, vector<16xf32>,
        %parallel_loop3A_1501 = arith.constant 15 : i32
        %parallel_loop3A_1502 = arith.index_cast %parallel_loop3A_1501 : i32 to index
        %parallel_loop3A_1503 = memref.load %arg17[%parallel_loop3A_1502] : memref<16xf32, #tpu.memory_space<smem>>
        %parallel_loop3A_1504 = vector.broadcast %parallel_loop3A_1503 : f32 to vector<16xf32>
        %parallel_loop3A_1505 = arith.constant 15 : i32
        %parallel_loop3A_1506 = arith.index_cast %parallel_loop3A_1505 : i32 to index
        %parallel_loop3A_1507 = memref.load %arg18[%parallel_loop3A_1506] : memref<16xf32, #tpu.memory_space<smem>>
        %parallel_loop3A_1508 = vector.broadcast %parallel_loop3A_1507 : f32 to vector<16xf32>
        %parallel_loop3A_1509 = arith.constant 15 : i32
        %parallel_loop3A_1510 = arith.index_cast %rem3A_147 : i32 to index
        %parallel_loop3A_1511 = arith.index_cast %parallel_loop3A_1509 : i32 to index
        %parallel_loop3A_1512 = arith.index_cast %parallel_loop3A_1166 : i32 to index
        %parallel_loop3A_1513 = tpu.vector_load %arg16[%parallel_loop3A_1510, %parallel_loop3A_1511, %parallel_loop3A_1512] {strides = array<i32>} : memref<4x16x768xf32, #tpu.memory_space<vmem>>, vector<16xf32>,
        %parallel_loop3A_1514 = arith.subf %parallel_loop3A_1513, %parallel_loop3A_1504 : vector<16xf32>
        %parallel_loop3A_1515 = arith.mulf %parallel_loop3A_1514, %parallel_loop3A_1508 : vector<16xf32>
        %parallel_loop3A_1516 = arith.mulf %parallel_loop3A_1515, %parallel_loop3A_1168 : vector<16xf32>
        %parallel_loop3A_1517 = arith.addf %parallel_loop3A_1516, %parallel_loop3A_1170 : vector<16xf32>
        %parallel_loop3A_1518 = arith.constant 15 : i32
        %parallel_loop3A_1519 = arith.index_cast %rem3A_147 : i32 to index
        %parallel_loop3A_1520 = arith.index_cast %parallel_loop3A_1518 : i32 to index
        %parallel_loop3A_1521 = arith.index_cast %parallel_loop3A_1166 : i32 to index
        %parallel_loop3A_1522 = tpu.vector_load %arg16[%parallel_loop3A_1519, %parallel_loop3A_1520, %parallel_loop3A_1521] {strides = array<i32>} : memref<4x16x768xf32, #tpu.memory_space<vmem>>, vector<16xf32>,
        tpu.vector_store %arg16[%parallel_loop3A_1519, %parallel_loop3A_1520, %parallel_loop3A_1521], %parallel_loop3A_1517 {strides = array<i32>} : memref<4x16x768xf32, #tpu.memory_space<vmem>>, vector<16xf32>,
      } {sc.loop_unroll_factor = 2 : i64, sc.parallel_access}
      %div3A = arith.constant 4 : i32
      %div3A_1141 = arith.divsi %scan3A_145, %div3A : i32
      %mul3A_1142 = arith.constant 2048 : i32
      %mul3A_1143 = arith.muli %div3A_1141, %mul3A_1142 : i32
      %add3A_1144 = arith.addi %mul3A_1143, %mul3A_2 : i32
      %rem3A_1145 = arith.constant 4 : i32
      %rem3A_1146 = arith.remsi %scan3A_145, %rem3A_1145 : i32
      %mul3A_1147 = arith.constant 16 : i32
      %mul3A_1148 = arith.muli %rem3A_1146, %mul3A_1147 : i32
      %add3A_1149 = arith.addi %add3A_1144, %mul3A_1148 : i32
      %dma_start3A_1150 = arith.constant 0 : i32
      %dma_start3A_1151 = arith.constant 0 : i32
      %dma_start3A_1152 = tpu.memref_slice %arg16[%rem3A_147, %dma_start3A_1150, %dma_start3A_1151] : memref<4x16x768xf32, #tpu.memory_space<vmem>> -> memref<1x16x768xf32, #tpu.memory_space<vmem>>
      %dma_start3A_1153 = tpu.memref_squeeze %dma_start3A_1152 : memref<1x16x768xf32, #tpu.memory_space<vmem>> -> memref<16x768xf32, #tpu.memory_space<vmem>>
      %dma_start3A_1154 = arith.constant 0 : i32
      %dma_start3A_1155 = tpu.memref_slice %arg9[%add3A_1149, %dma_start3A_1154] : memref<8192x768xf32, #tpu.memory_space<hbm>> -> memref<16x768xf32, #tpu.memory_space<hbm>>
      %dma_start3A_1156 = tpu.memref_slice %arg20[%rem3A_147] : memref<4x!tpu.dma_semaphore, #tpu.memory_space<semaphore_mem>> -> memref<1x!tpu.dma_semaphore, #tpu.memory_space<semaphore_mem>>
      %dma_start3A_1157 = tpu.memref_squeeze %dma_start3A_1156 : memref<1x!tpu.dma_semaphore, #tpu.memory_space<semaphore_mem>> -> memref<!tpu.dma_semaphore, #tpu.memory_space<semaphore_mem>>
      %dma_start3A_1158 = arith.constant 0 : i32
      %dma_start3A_1159 = tpu.memref_slice %arg9[%add3A_1149, %dma_start3A_1158] : memref<8192x768xf32, #tpu.memory_space<hbm>> -> memref<16x768xf32, #tpu.memory_space<hbm>>
      %dma_start3A_1160 = arith.constant 0 : i32
      %dma_start3A_1161 = arith.constant 0 : i32
      %dma_start3A_1162 = tpu.memref_slice %arg16[%rem3A_147, %dma_start3A_1160, %dma_start3A_1161] : memref<4x16x768xf32, #tpu.memory_space<vmem>> -> memref<1x16x768xf32, #tpu.memory_space<vmem>>
      %dma_start3A_1163 = tpu.memref_squeeze %dma_start3A_1162 : memref<1x16x768xf32, #tpu.memory_space<vmem>> -> memref<16x768xf32, #tpu.memory_space<vmem>>
      tpu.enqueue_dma source(%dma_start3A_1163 : memref<16x768xf32, #tpu.memory_space<vmem>>) target(%dma_start3A_1159 : memref<16x768xf32, #tpu.memory_space<hbm>>) target_semaphore(%dma_start3A_1157 : memref<!tpu.dma_semaphore, #tpu.memory_space<semaphore_mem>>)
    }
    %scan3A_72 = arith.constant 16 : i32
    %dma_wait3A_73 = arith.constant 0 : i32
    %dma_wait3A_74 = arith.constant 0 : i32
    %dma_wait3A_75 = arith.constant 0 : i32
    %dma_wait3A_76 = arith.constant 0 : i32
    %dma_wait3A_77 = tpu.memref_slice %arg16[%dma_wait3A_73, %dma_wait3A_75, %dma_wait3A_76] : memref<4x16x768xf32, #tpu.memory_space<vmem>> -> memref<1x16x768xf32, #tpu.memory_space<vmem>>
    %dma_wait3A_78 = tpu.memref_squeeze %dma_wait3A_77 : memref<1x16x768xf32, #tpu.memory_space<vmem>> -> memref<16x768xf32, #tpu.memory_space<vmem>>
    %dma_wait3A_79 = arith.constant 0 : i32
    %dma_wait3A_80 = arith.constant 0 : i32
    %dma_wait3A_81 = tpu.memref_slice %arg9[%dma_wait3A_79, %dma_wait3A_80] : memref<8192x768xf32, #tpu.memory_space<hbm>> -> memref<16x768xf32, #tpu.memory_space<hbm>>
    %dma_wait3A_82 = tpu.memref_slice %arg20[%dma_wait3A_74] : memref<4x!tpu.dma_semaphore, #tpu.memory_space<semaphore_mem>> -> memref<1x!tpu.dma_semaphore, #tpu.memory_space<semaphore_mem>>
    %dma_wait3A_83 = tpu.memref_squeeze %dma_wait3A_82 : memref<1x!tpu.dma_semaphore, #tpu.memory_space<semaphore_mem>> -> memref<!tpu.dma_semaphore, #tpu.memory_space<semaphore_mem>>
    %dma_wait3A_84 = arith.constant 0 : i32
    %dma_wait3A_85 = arith.constant 0 : i32
    %dma_wait3A_86 = tpu.memref_slice %arg9[%dma_wait3A_84, %dma_wait3A_85] : memref<8192x768xf32, #tpu.memory_space<hbm>> -> memref<16x768xf32, #tpu.memory_space<hbm>>
    %dma_wait3A_87 = arith.constant 0 : i32
    %dma_wait3A_88 = arith.constant 0 : i32
    %dma_wait3A_89 = tpu.memref_slice %arg16[%dma_wait3A_73, %dma_wait3A_87, %dma_wait3A_88] : memref<4x16x768xf32, #tpu.memory_space<vmem>> -> memref<1x16x768xf32, #tpu.memory_space<vmem>>
    %dma_wait3A_90 = tpu.memref_squeeze %dma_wait3A_89 : memref<1x16x768xf32, #tpu.memory_space<vmem>> -> memref<16x768xf32, #tpu.memory_space<vmem>>
    tpu.wait_dma2 semaphore(%dma_wait3A_83 : memref<!tpu.dma_semaphore, #tpu.memory_space<semaphore_mem>>) src(%dma_wait3A_90 : memref<16x768xf32, #tpu.memory_space<vmem>>) dst(%dma_wait3A_86 : memref<16x768xf32, #tpu.memory_space<hbm>>)
    %dma_wait3A_91 = arith.constant 1 : i32
    %dma_wait3A_92 = arith.constant 1 : i32
    %dma_wait3A_93 = arith.constant 0 : i32
    %dma_wait3A_94 = arith.constant 0 : i32
    %dma_wait3A_95 = tpu.memref_slice %arg16[%dma_wait3A_91, %dma_wait3A_93, %dma_wait3A_94] : memref<4x16x768xf32, #tpu.memory_space<vmem>> -> memref<1x16x768xf32, #tpu.memory_space<vmem>>
    %dma_wait3A_96 = tpu.memref_squeeze %dma_wait3A_95 : memref<1x16x768xf32, #tpu.memory_space<vmem>> -> memref<16x768xf32, #tpu.memory_space<vmem>>
    %dma_wait3A_97 = arith.constant 0 : i32
    %dma_wait3A_98 = arith.constant 0 : i32
    %dma_wait3A_99 = tpu.memref_slice %arg9[%dma_wait3A_97, %dma_wait3A_98] : memref<8192x768xf32, #tpu.memory_space<hbm>> -> memref<16x768xf32, #tpu.memory_space<hbm>>
    %dma_wait3A_100 = tpu.memref_slice %arg20[%dma_wait3A_92] : memref<4x!tpu.dma_semaphore, #tpu.memory_space<semaphore_mem>> -> memref<1x!tpu.dma_semaphore, #tpu.memory_space<semaphore_mem>>
    %dma_wait3A_101 = tpu.memref_squeeze %dma_wait3A_100 : memref<1x!tpu.dma_semaphore, #tpu.memory_space<semaphore_mem>> -> memref<!tpu.dma_semaphore, #tpu.memory_space<semaphore_mem>>
    %dma_wait3A_102 = arith.constant 0 : i32
    %dma_wait3A_103 = arith.constant 0 : i32
    %dma_wait3A_104 = tpu.memref_slice %arg9[%dma_wait3A_102, %dma_wait3A_103] : memref<8192x768xf32, #tpu.memory_space<hbm>> -> memref<16x768xf32, #tpu.memory_space<hbm>>
    %dma_wait3A_105 = arith.constant 0 : i32
    %dma_wait3A_106 = arith.constant 0 : i32
    %dma_wait3A_107 = tpu.memref_slice %arg16[%dma_wait3A_91, %dma_wait3A_105, %dma_wait3A_106] : memref<4x16x768xf32, #tpu.memory_space<vmem>> -> memref<1x16x768xf32, #tpu.memory_space<vmem>>
    %dma_wait3A_108 = tpu.memref_squeeze %dma_wait3A_107 : memref<1x16x768xf32, #tpu.memory_space<vmem>> -> memref<16x768xf32, #tpu.memory_space<vmem>>
    tpu.wait_dma2 semaphore(%dma_wait3A_101 : memref<!tpu.dma_semaphore, #tpu.memory_space<semaphore_mem>>) src(%dma_wait3A_108 : memref<16x768xf32, #tpu.memory_space<vmem>>) dst(%dma_wait3A_104 : memref<16x768xf32, #tpu.memory_space<hbm>>)
    %dma_wait3A_109 = arith.constant 2 : i32
    %dma_wait3A_110 = arith.constant 2 : i32
    %dma_wait3A_111 = arith.constant 0 : i32
    %dma_wait3A_112 = arith.constant 0 : i32
    %dma_wait3A_113 = tpu.memref_slice %arg16[%dma_wait3A_109, %dma_wait3A_111, %dma_wait3A_112] : memref<4x16x768xf32, #tpu.memory_space<vmem>> -> memref<1x16x768xf32, #tpu.memory_space<vmem>>
    %dma_wait3A_114 = tpu.memref_squeeze %dma_wait3A_113 : memref<1x16x768xf32, #tpu.memory_space<vmem>> -> memref<16x768xf32, #tpu.memory_space<vmem>>
    %dma_wait3A_115 = arith.constant 0 : i32
    %dma_wait3A_116 = arith.constant 0 : i32
    %dma_wait3A_117 = tpu.memref_slice %arg9[%dma_wait3A_115, %dma_wait3A_116] : memref<8192x768xf32, #tpu.memory_space<hbm>> -> memref<16x768xf32, #tpu.memory_space<hbm>>
    %dma_wait3A_118 = tpu.memref_slice %arg20[%dma_wait3A_110] : memref<4x!tpu.dma_semaphore, #tpu.memory_space<semaphore_mem>> -> memref<1x!tpu.dma_semaphore, #tpu.memory_space<semaphore_mem>>
    %dma_wait3A_119 = tpu.memref_squeeze %dma_wait3A_118 : memref<1x!tpu.dma_semaphore, #tpu.memory_space<semaphore_mem>> -> memref<!tpu.dma_semaphore, #tpu.memory_space<semaphore_mem>>
    %dma_wait3A_120 = arith.constant 0 : i32
    %dma_wait3A_121 = arith.constant 0 : i32
    %dma_wait3A_122 = tpu.memref_slice %arg9[%dma_wait3A_120, %dma_wait3A_121] : memref<8192x768xf32, #tpu.memory_space<hbm>> -> memref<16x768xf32, #tpu.memory_space<hbm>>
    %dma_wait3A_123 = arith.constant 0 : i32
    %dma_wait3A_124 = arith.constant 0 : i32
    %dma_wait3A_125 = tpu.memref_slice %arg16[%dma_wait3A_109, %dma_wait3A_123, %dma_wait3A_124] : memref<4x16x768xf32, #tpu.memory_space<vmem>> -> memref<1x16x768xf32, #tpu.memory_space<vmem>>
    %dma_wait3A_126 = tpu.memref_squeeze %dma_wait3A_125 : memref<1x16x768xf32, #tpu.memory_space<vmem>> -> memref<16x768xf32, #tpu.memory_space<vmem>>
    tpu.wait_dma2 semaphore(%dma_wait3A_119 : memref<!tpu.dma_semaphore, #tpu.memory_space<semaphore_mem>>) src(%dma_wait3A_126 : memref<16x768xf32, #tpu.memory_space<vmem>>) dst(%dma_wait3A_122 : memref<16x768xf32, #tpu.memory_space<hbm>>)
    %dma_wait3A_127 = arith.constant 3 : i32
    %dma_wait3A_128 = arith.constant 3 : i32
    %dma_wait3A_129 = arith.constant 0 : i32
    %dma_wait3A_130 = arith.constant 0 : i32
    %dma_wait3A_131 = tpu.memref_slice %arg16[%dma_wait3A_127, %dma_wait3A_129, %dma_wait3A_130] : memref<4x16x768xf32, #tpu.memory_space<vmem>> -> memref<1x16x768xf32, #tpu.memory_space<vmem>>
    %dma_wait3A_132 = tpu.memref_squeeze %dma_wait3A_131 : memref<1x16x768xf32, #tpu.memory_space<vmem>> -> memref<16x768xf32, #tpu.memory_space<vmem>>
    %dma_wait3A_133 = arith.constant 0 : i32
    %dma_wait3A_134 = arith.constant 0 : i32
    %dma_wait3A_135 = tpu.memref_slice %arg9[%dma_wait3A_133, %dma_wait3A_134] : memref<8192x768xf32, #tpu.memory_space<hbm>> -> memref<16x768xf32, #tpu.memory_space<hbm>>
    %dma_wait3A_136 = tpu.memref_slice %arg20[%dma_wait3A_128] : memref<4x!tpu.dma_semaphore, #tpu.memory_space<semaphore_mem>> -> memref<1x!tpu.dma_semaphore, #tpu.memory_space<semaphore_mem>>
    %dma_wait3A_137 = tpu.memref_squeeze %dma_wait3A_136 : memref<1x!tpu.dma_semaphore, #tpu.memory_space<semaphore_mem>> -> memref<!tpu.dma_semaphore, #tpu.memory_space<semaphore_mem>>
    %dma_wait3A_138 = arith.constant 0 : i32
    %dma_wait3A_139 = arith.constant 0 : i32
    %dma_wait3A_140 = tpu.memref_slice %arg9[%dma_wait3A_138, %dma_wait3A_139] : memref<8192x768xf32, #tpu.memory_space<hbm>> -> memref<16x768xf32, #tpu.memory_space<hbm>>
    %dma_wait3A_141 = arith.constant 0 : i32
    %dma_wait3A_142 = arith.constant 0 : i32
    %dma_wait3A_143 = tpu.memref_slice %arg16[%dma_wait3A_127, %dma_wait3A_141, %dma_wait3A_142] : memref<4x16x768xf32, #tpu.memory_space<vmem>> -> memref<1x16x768xf32, #tpu.memory_space<vmem>>
    %dma_wait3A_144 = tpu.memref_squeeze %dma_wait3A_143 : memref<1x16x768xf32, #tpu.memory_space<vmem>> -> memref<16x768xf32, #tpu.memory_space<vmem>>
    tpu.wait_dma2 semaphore(%dma_wait3A_137 : memref<!tpu.dma_semaphore, #tpu.memory_space<semaphore_mem>>) src(%dma_wait3A_144 : memref<16x768xf32, #tpu.memory_space<vmem>>) dst(%dma_wait3A_140 : memref<16x768xf32, #tpu.memory_space<hbm>>)
    return
  }
}

</mosaic_0001>

<sc_bundles>
// kernel: _bert_embed_sc.3.cloned.1.call-start
scs
__scs_entry_jumppad:
0x0: {  	(pc) =	sbr.rel $0x88, $3  }
0x1: {  	(tag) =	ssettag $0x0;
	lr =	simm.s32 $0x1  }
0x2: {  	[smem:$0x3F9A] =	sst lr;
	_ =	strace $0xD0000000  }
0x3: {  	_ = 	snop  }
0x4: {  	_ = 	snop  }
0x5: {  	_ = 	snop  }
0x6: {  	_ = 	snop  }
0x7: {  	_ = 	snop  }
__scs_overlays_trampoline_lowered:
0x8: {  	[smem:$0x3FA9] =	sst s0  }
0x9: {  	[smem:$0x3FAA] =	sst s1  }
0xa: {  	[smem:$0x3FAB] =	sst s2  }
0xb: {  	[smem:$0x3FAC] =	sst s3  }
0xc: {  	[smem:$0x3FAD] =	sst s4  }
0xd: {  	[smem:$0x3FAE] =	sst s5  }
0xe: {  	[smem:$0x3FAF] =	sst s6  }
0xf: {  	[smem:$0x3FB0] =	sst s7  }
0x10: {  	[smem:$0x3FB1] =	sst s8  }
0x11: {  	[smem:$0x3FB2] =	sst s9;
	s0 =	simm.s32 @!p0 $0x0  }
0x12: {  	s1 =	sld [smem:$0x3F98];
	s0 =	simm.s32 @p0 $0x1  }
0x13: {  	[smem:$0x3FB3] =	sst s0;
	s0 =	simm.s32 @!p1 $0x0  }
0x14: {  	s2 =	sld [smem:$0x3F97];
	s0 =	simm.s32 @p1 $0x1  }
0x15: {  	[smem:$0x3FB4] =	sst s0;
	s0 =	simm.s32 @!p2 $0x0  }
0x16: {  	s3 =	sld [smem:$0x3FDB];
	s0 =	simm.s32 @p2 $0x1  }
0x17: {  	s4 =	simm.s32 $0x1BF5;
	[smem:$0x3FB6] =	sst s0  }
0x18: {  	s0 =	sld [smem:$0x3F99];
	_ =	swait.ge [sflag:s4], $0x0  }
0x19: {  	s7 =	sld [smem:$0x3F9A]  }
0x1a: {  	s8 =	sadd.s32 $0xFFFFE003, lr  }
0x1b: {  	s9 =	sadd.s32 $0xFFFFFEF7, lr;
	s5 =	simm.s32 $0xFFFFFFFF;
	p2 =	slt.u32 s8, $0xFFFFF086  }
0x1c: {  	p1 =	slt.u32 s9, $0xF7A;
	s5 =	simm.s32 @!p2 $0x0  }
0x1d: {  	s5 =	simm.s32 @p1 $0x1;
	p0 =	seq.s32 s7, s2  }
0x1e: {  	s7 =	smul.u32 @!p0 $0xF7A, s2;
	p2 =	seq.s32 @!p0 s5, $0x0  }
0x1f: {  	s9 =	smul.u32 $0xF7A, s1;
	s8 =	simm.s32 @!p0 $0x1BF5;
	p2 =	por !p2, p0  }
0x20: {  	[sflag:s8] =	ssyncset.s32 @!p0 $0xFFFFF086;
	s6 =	sadd.s32 @!p0 s3, s7;
	s7 =	simm.s32 @!p0 $0x108  }
0x21: {  	s3 =	sadd.s32 s3, s9;
	s6 =	sadd.s32 @!p0 $0x88, s6;
	s7 =	simm.s32 @p2 $0x1082  }
0x22: {  	[simem:s7], [sflag:s8] =	dma.local @!p0 [hbm:s6], $0xF7A  }
0x23: {  	s9 =	sor.u32 $0xD0000000, s2;
	s6 =	simm.s32 $0x108;
	_ =	swait.ge @!p0 [sflag:s8], $0x0  }
0x24: {  	s3 =	sadd.s32 $0x88, s3;
	s6 =	simm.s32 @!p1 $0x1082;
	[sflag:s4] =	ssyncset.s32 $0xFFFFF086  }
0x25: {  	[simem:s6], [sflag:s4] =	dma.local [hbm:s3], $0xF7A  }
0x26: {  	[smem:$0x3F9A] =	sst s1;
	(tag) =	ssettag s2;
	_ =	strace s9  }
0x27: {  	s1 =	sld [smem:$0x3FAA]  }
0x28: {  	s2 =	sld [smem:$0x3FAB]  }
0x29: {  	s4 =	sld [smem:$0x3FAD]  }
0x2a: {  	p0 =	seq.s32 s5, $0x0;
	s5 =	sld [smem:$0x3FAE]  }
0x2b: {  	s6 =	sld [smem:$0x3FAF]  }
0x2c: {  	s7 =	sld [smem:$0x3FB0]  }
0x2d: {  	s3 =	simm.s32 $0x108;
	s8 =	sld [smem:$0x3FB1]  }
0x2e: {  	s3 =	simm.s32 @!p0 $0x1082;
	s9 =	sld [smem:$0x3FB2]  }
0x2f: {  	lr =	sadd.s32 s0, s3;
	s0 =	sld [smem:$0x3FA9]  }
0x30: {  	s3 =	sld [smem:$0x3FAC]  }
0x31: {  	[smem:$0x3FB5] =	sst s10  }
0x32: {  	s10 =	sld [smem:$0x3FB3];
	_ =	sdelay $0x3  }
0x33: {  	p0 =	seq.s32 s10, $0x1;
	s10 =	sld [smem:$0x3FB5];
	_ =	sdelay $0x3  }
0x34: {  	[smem:$0x3FB5] =	sst s10  }
0x35: {  	s10 =	sld [smem:$0x3FB4];
	_ =	sdelay $0x3  }
0x36: {  	p1 =	seq.s32 s10, $0x1;
	s10 =	sld [smem:$0x3FB5];
	_ =	sdelay $0x3  }
0x37: {  	[smem:$0x3FB5] =	sst s10  }
0x38: {  	s10 =	sld [smem:$0x3FB6]  }
0x39: {  	_ = 	snop;
	(pc) =	sbr.ind lr, $3  }
0x3a: {  	_ = 	snop  }
0x3b: {  	_ = 	snop  }
0x3c: {  	p2 =	seq.s32 s10, $0x1;
	s10 =	sld [smem:$0x3FB5]  }
0x3d: {  	_ =	shalt  }
0x3e: {  	_ =	shalt  }
0x3f: {  	_ =	shalt  }
0x40: {  	_ =	shalt  }
0x41: {  	_ =	shalt  }
0x42: {  	_ =	shalt  }
0x43: {  	_ =	shalt  }
0x44: {  	_ =	shalt  }
0x45: {  	_ =	shalt  }
0x46: {  	_ =	shalt  }
0x47: {  	_ =	shalt  }
0x48: {  	_ =	shalt  }
0x49: {  	_ =	shalt  }
0x4a: {  	_ =	shalt  }
0x4b: {  	_ =	shalt  }
0x4c: {  	_ =	shalt  }
0x4d: {  	_ =	shalt  }
0x4e: {  	_ =	shalt  }
0x4f: {  	_ =	shalt  }
0x50: {  	_ =	shalt  }
0x51: {  	_ =	shalt  }
0x52: {  	_ =	shalt  }
0x53: {  	_ =	shalt  }
0x54: {  	_ =	shalt  }
0x55: {  	_ =	shalt  }
0x56: {  	_ =	shalt  }
0x57: {  	_ =	shalt  }
0x58: {  	_ =	shalt  }
0x59: {  	_ =	shalt  }
0x5a: {  	_ =	shalt  }
0x5b: {  	_ =	shalt  }
0x5c: {  	_ =	shalt  }
0x5d: {  	_ =	shalt  }
0x5e: {  	_ =	shalt  }
0x5f: {  	_ =	shalt  }
0x60: {  	_ =	shalt  }
0x61: {  	_ =	shalt  }
0x62: {  	_ =	shalt  }
0x63: {  	_ =	shalt  }
0x64: {  	_ =	shalt  }
0x65: {  	_ =	shalt  }
0x66: {  	_ =	shalt  }
0x67: {  	_ =	shalt  }
0x68: {  	_ =	shalt  }
0x69: {  	_ =	shalt  }
0x6a: {  	_ =	shalt  }
0x6b: {  	_ =	shalt  }
0x6c: {  	_ =	shalt  }
0x6d: {  	_ =	shalt  }
0x6e: {  	_ =	shalt  }
0x6f: {  	_ =	shalt  }
0x70: {  	_ =	shalt  }
0x71: {  	_ =	shalt  }
0x72: {  	_ =	shalt  }
0x73: {  	_ =	shalt  }
0x74: {  	_ =	shalt  }
0x75: {  	_ =	shalt  }
0x76: {  	_ =	shalt  }
0x77: {  	_ =	shalt  }
0x78: {  	_ =	shalt  }
0x79: {  	_ =	shalt  }
0x7a: {  	_ =	shalt  }
0x7b: {  	_ =	shalt  }
0x7c: {  	_ =	shalt  }
0x7d: {  	_ =	shalt  }
0x7e: {  	_ =	shalt  }
0x7f: {  	_ =	shalt  }
0x80: {  	_ =	shalt  }
0x81: {  	_ =	shalt  }
0x82: {  	_ =	shalt  }
0x83: {  	_ =	shalt  }
0x84: {  	_ =	shalt  }
0x85: {  	_ =	shalt  }
0x86: {  	_ =	shalt  }
0x87: {  	_ =	shalt  }
.Lfunc_end0:
.L_simem_size_0:
called_computation_lowered:
.L_overlay_start_0:
0x88: {  	s2 =	sld [smem:$0x3FD9]  }
0x89: {  	s3 =	sld [smem:$0x3FFE];
	_ =	sdelay $0x1  }
0x8a: {  	s1 =	srdreg.scid  }
0x8b: {  	s0 =	sand.u32 $0x1, s1  }
0x8c: {  	s18 =	sshll.u32 s0, $0xA;
	s2 =	sadd.s32 s3, s2  }
0x8d: {  	s2 =	sadd.s32 s2, s18  }
0x8e: {  	[smem:$0x3FC1] =	sst s2  }
0x8f: {  	_ = 	snop  }
0x90: {  	s2 =	sld [smem:$0x3FC9]  }
0x91: {  	s19 =	sld [smem:$0x3FC8]  }
0x92: {  	s4 =	sld [smem:$0x3FC7]  }
0x93: {  	s5 =	sld [smem:$0x3FC6]  }
0x94: {  	s6 =	sld [smem:$0x3FC5]  }
0x95: {  	s7 =	sld [smem:$0x3FC4]  }
0x96: {  	s8 =	sld [smem:$0x3FC3]  }
0x97: {  	s9 =	sld [smem:$0x3FD0];
	(tm) =	ssettm $0x1  }
0x98: {  	s10 =	sld [smem:$0x3FFB];
	_ =	sdelay $0x3  }
0x99: {  	_ =	strace s10  }
0x9a: {  	s10 =	sld [smem:$0x3FFC];
	_ =	sdelay $0x3  }
0x9b: {  	_ =	strace s10  }
0x9c: {  	s10 =	sld [smem:$0x3FFD];
	_ =	sdelay $0x3  }
0x9d: {  	_ =	strace s10  }
0x9e: {  	_ =	strace $0x8FFFFFFF  }
0x9f: {  	s20 =	sld [smem:$0x3FDB];
	_ =	sdelay $0x1  }
0xa0: {  	s11 =	simm.s32 $_scs_section_size  }
0xa1: {  	s12 =	simm.s32 $_size__tile_overlayer_lowered;
	s13 =	simm.s32 $_tile_overlayer_lowered  }
0xa2: {  	s23 =	simm.s32 $0x1BFF;
	s22 =	sshll.u32 s13, $0x1;
	s10 =	sadd.s32 s11, s20  }
0xa3: {  	s14 =	simm.s32 $0x0;
	s21 =	sshll.u32 s12, $0x1;
	s12 =	sadd.s32 s22, s10  }
0xa4: {  	[timem:s14], [sflag:s23] =	dma.local [hbm:s12], s21  }
0xa5: {  	_ =	swait.ge [sflag:s23], s21  }
0xa6: {  	s11 =	ssub.s32 $0x0, s21;
	[sflag:s23] =	ssyncset.done $0x0  }
0xa7: {  	[sflag:s23] =	ssyncadd.s32 s11;
	_ =	sdelay $0x1  }
0xa8: {  	s24 =	simm.s32 $0x1B8B  }
0xa9: {  	_ =	swait.ge [sflag:s24], $0x1  }
0xaa: {  	[sflag:s24] =	ssyncset.done $0x0  }
0xab: {  	s25 =	simm.s32 $0x1B8E;
	[sflag:s24] =	ssyncadd.s32 $0xFFFFFFFF  }
0xac: {  	s26 =	simm.s32 $execute0_lowered;
	[smem:$0x3FD2] =	sst s25  }
0xad: {  	s11 =	sshll.u32 s26, $0x1;
	_ =	strace $0x80000046;
	[dreg:$0x1] =	wrdreg $0xFFFFFFFF  }
0xae: {  	s28 =	simm.s32 $_size_execute0_lowered;
	s10 =	sadd.s32 s10, s11;
	[dreg:$0x0] =	wrdreg $0x0  }
0xaf: {  	s11 =	sshll.u32 s28, $0x1;
	[dreg:$0x2] =	wrdreg s10  }
0xb0: {  	[dreg:$0x3] =	wrdreg s11  }
0xb1: {  	[dreg:$0x4] =	wrdreg $0xC0  }
0xb2: {  	_ =	task [dreg:s14], $0x5FFFF  }
0xb3: {  	[dreg:$0x1] =	wrdreg $0xFFFFFFFF  }
0xb4: {  	[dreg:$0x0] =	wrdreg $0x60  }
0xb5: {  	[dreg:$0x2] =	wrdreg s2  }
0xb6: {  	[dreg:$0x3] =	wrdreg s19  }
0xb7: {  	[dreg:$0x4] =	wrdreg s4  }
0xb8: {  	[dreg:$0x5] =	wrdreg s5  }
0xb9: {  	[dreg:$0x6] =	wrdreg s6  }
0xba: {  	[dreg:$0x7] =	wrdreg s7  }
0xbb: {  	[dreg:$0x8] =	wrdreg s8  }
0xbc: {  	[dreg:$0x9] =	wrdreg s9  }
0xbd: {  	[dreg:$0xa] =	wrdreg $0x9  }
0xbe: {  	_ =	task.clear_ibuf [dreg:s14], $0xBFFFF;
	_ =	strace $0x90000046  }
0xbf: {  	s29 =	simm.s32 $0x9;
	_ =	strace $0x80000048  }
0xc0: {  	_ =	swait.ge [sflag:s29], $0x1  }
0xc1: {  	[sflag:s29] =	ssyncadd.s32 $0xFFFFFFFF  }
0xc2: {  	_ =	strace $0x90000048  }
0xc3: {  	_ =	sfence  }
0xc4: {  	s30 =	sld [smem:$0x0];
	_ =	sdelay $0x2  }
0xc5: {  	s31 =	sshll.u32 s1, $0xD;
	s1 =	sshrl.u32 s1, $0x2  }
0xc6: {  	s3 =	sand.u32 $0x4000, s31;
	s1 =	sadd.s32 s1, s30  }
0xc7: {  	s0 =	sor.u32 s3, s0;
	s1 =	sshll.u32 s1, $0x11  }
0xc8: {  	s0 =	sor.u32 s1, s0  }
0xc9: {  	s0 =	sadd.s32 $0x8F2B, s0  }
0xca: {  	[sflag:s0] =	ssyncadd.remote.s32 $0x1  }
0xcb: {  	_ =	sfence.sel $0xFFFF  }
0xcc: {  	[dreg:$0x0] =	wrdreg $0xFFFFFFFF;
	(pc) =	sbr.abs _section_cstart, $3  }
0xcd: {  	[dreg:$0x1] =	wrdreg $0xFFFFFFFF  }
0xce: {  	_ =	task.clear_ibuf [dreg:s14], $0x2FFFF;
	_ =	strace $0x9FFFFFFF  }
0xcf: {  	(tm) =	ssettm $0x7FFFFFFF  }
tec
execute0_lowered:
.L_overlay_start_1:
0x0: {  	(tag) =	ssettag $0x1  }
0x1: {  	s0 =	rddreg [dreg:$0x0]  }
0x2: {  	s1 =	rddreg [dreg:$0x1]  }
0x3: {  	s7 =	rddreg [dreg:$0x2];
	s3 =	srdreg.scid  }
0x4: {  	s2 =	rddreg [dreg:$0x3];
	s4 =	stileid.u32;
	s3 =	sand.u32 $0x1, s3  }
0x5: {  	s17 =	simm.s32 $0x0;
	s4 =	sshll.u32 s4, $0x7;
	s5 =	sshll.u32 s3, $0x6  }
0x6: {  	[smem:$0x7FF] =	sst s17;
	s29 =	sadd.s32 $0x100, s7;
	s4 =	sor.u32 s5, s4  }
0x7: {  	s30 =	sadd.s32 $0x200, s7;
	s3 =	ssub.s32 $0x2, s3;
	[dreg:$0x9] =	wrdreg s4  }
0x8: {  	s4 =	sshrl.u32 s4, $0x3;
	_ =	strace $0x80000047;
	[dreg:$0x13] =	wrdreg s29  }
0x9: {  	s18 =	sshrl.u32 s3, $0x1;
	s19 =	sadd.s32 s0, s4;
	[dreg:$0x14] =	wrdreg s30  }
0xa: {  	s3 =	ssub.s32 s3, s18;
	s21 =	sadd.s32 s1, s4;
	[dreg:$0xb] =	wrdreg s19  }
0xb: {  	s20 =	sor.u32 $0x100, s4;
	s31 =	smax.u32 s3, $0x1;
	[dreg:$0xc] =	wrdreg s21  }
0xc: {  	s23 =	sor.u32 $0x200, s4;
	s22 =	sadd.s32 s0, s20;
	[dreg:$0x15] =	wrdreg s31  }
0xd: {  	s24 =	sadd.s32 s0, s23;
	[dreg:$0xd] =	wrdreg s22  }
0xe: {  	v2 =	vlaneseq.u32;
	s25 =	sor.u32 $0x300, s4;
	s26 =	sadd.s32 s1, s23;
	[dreg:$0xf] =	wrdreg s24  }
0xf: {  	v1 =	vshrl.u32 v2, $0x3;
	s6 =	smul.u32 $0x300, s4;
	s0 =	sadd.s32 s0, s25;
	[dreg:$0x10] =	wrdreg s26  }
0x10: {  	v0 =	vand.u32 $0x7, v2;
	v62 =	vmul.u32 $0x8, v1;
	s28 =	sadd.s32 s1, s25;
	[dreg:$0x11] =	wrdreg s0  }
0x11: {  	[tilespmem:$0x1FFD0] =	vst v0;
	s2 =	sadd.s32 s2, s6;
	[dreg:$0x12] =	wrdreg s28  }
0x12: {  	v63 =	vor.u32 $0x8, v2;
	[tilespmem:$0x1FFE0] =	vst v62;
	[dreg:$0xa] =	wrdreg s2;
	s2 =	sadd.s32 s1, s20  }
0x13: {  	vm0 =	vmmov $0xffff;
	[tilespmem:$0x1FFF0] =	vst v63;
	[dreg:$0xe] =	wrdreg s2;
	s2 =	simm.s32 $0x0  }
.LBB2_1:
0x14: {  	[dreg:$0x16] =	wrdreg s2  }
0x15: {  	s1 =	simm.s32 $0x0;
	s0 =	rddreg [dreg:$0xa];
	s19 =	simm.s32 $0x200  }
0x16: {  	[tilespmem:s19], [sflag:$0x9] =	stream.linear.gather [hbm4b:s0+s1], $0xC000, $0x38;
	[tilespmem:$0x18E00] =	vst v63  }
0x17: {  	s20 =	rddreg [dreg:$0x4];
	s21 =	simm.s32 $0xC200  }
0x18: {  	[tilespmem:s21], [sflag:$0xA] =	stream.linear.gather [hbm4b:s20+s1], $0x600, $0x38;
	[tilespmem:$0x18E00] =	vst v63  }
0x19: {  	s22 =	rddreg [dreg:$0x5];
	s23 =	simm.s32 $0xC800  }
0x1a: {  	[tilespmem:s23], [sflag:$0xB] =	stream.linear.gather [hbm4b:s22+s1], $0x300, $0x38;
	[tilespmem:$0x18E00] =	vst v63  }
0x1b: {  	s24 =	rddreg [dreg:$0x6];
	s25 =	simm.s32 $0xCB00  }
0x1c: {  	[tilespmem:s25], [sflag:$0xC] =	stream.linear.gather [hbm4b:s24+s1], $0x300, $0x38;
	[tilespmem:$0x18E00] =	vst v63  }
0x1d: {  	s26 =	rddreg [dreg:$0xb];
	s28 =	simm.s32 $0xD  }
0x1e: {  	[tilespmem:s1], [sflag:$0xD] =	stream.linear.gather [hbm4b:s26+s1], $0x40, $0x38;
	[tilespmem:$0x18E00] =	vst v63  }
0x1f: {  	_ =	swait.ge [sflag:s28], $0x40  }
0x20: {  	[sflag:s28] =	ssyncset.done $0x0  }
0x21: {  	s3 =	simm.s32 $0x100;
	s29 =	rddreg [dreg:$0xc];
	[sflag:s28] =	ssyncadd.s32 $0xFFFFFFC0  }
0x22: {  	[tilespmem:s3], [sflag:$0xD] =	stream.linear.gather [hbm4b:s29+s1], $0x40, $0x38;
	[tilespmem:$0x18E00] =	vst v63  }
0x23: {  	_ =	swait.ge [sflag:s28], $0x40  }
0x24: {  	[sflag:s28] =	ssyncset.done $0x0  }
0x25: {  	s31 =	simm.s32 $0x40;
	s30 =	rddreg [dreg:$0xd];
	[sflag:s28] =	ssyncadd.s32 $0xFFFFFFC0  }
0x26: {  	[tilespmem:s31], [sflag:$0xD] =	stream.linear.gather [hbm4b:s30+s1], $0x40, $0x38;
	[tilespmem:$0x18E00] =	vst v63  }
0x27: {  	_ =	swait.ge [sflag:s28], $0x40  }
0x28: {  	[sflag:s28] =	ssyncset.done $0x0  }
0x29: {  	s4 =	simm.s32 $0x140;
	s3 =	rddreg [dreg:$0xe];
	[sflag:s28] =	ssyncadd.s32 $0xFFFFFFC0  }
0x2a: {  	[tilespmem:s4], [sflag:$0xD] =	stream.linear.gather [hbm4b:s3+s1], $0x40, $0x38;
	[tilespmem:$0x18E00] =	vst v63  }
0x2b: {  	_ =	swait.ge [sflag:s28], $0x40  }
0x2c: {  	[sflag:s28] =	ssyncset.done $0x0  }
0x2d: {  	s6 =	simm.s32 $0x80;
	s5 =	rddreg [dreg:$0xf];
	[sflag:s28] =	ssyncadd.s32 $0xFFFFFFC0  }
0x2e: {  	[tilespmem:s6], [sflag:$0xD] =	stream.linear.gather [hbm4b:s5+s1], $0x40, $0x38;
	[tilespmem:$0x18E00] =	vst v63  }
0x2f: {  	_ =	swait.ge [sflag:s28], $0x40  }
0x30: {  	[sflag:s28] =	ssyncset.done $0x0  }
0x31: {  	s8 =	simm.s32 $0x180;
	s7 =	rddreg [dreg:$0x10];
	[sflag:s28] =	ssyncadd.s32 $0xFFFFFFC0  }
0x32: {  	[tilespmem:s8], [sflag:$0xD] =	stream.linear.gather [hbm4b:s7+s1], $0x40, $0x38;
	[tilespmem:$0x18E00] =	vst v63  }
0x33: {  	_ =	swait.ge [sflag:s28], $0x40  }
0x34: {  	[sflag:s28] =	ssyncset.done $0x0  }
0x35: {  	s10 =	simm.s32 $0xC0;
	s9 =	rddreg [dreg:$0x11];
	[sflag:s28] =	ssyncadd.s32 $0xFFFFFFC0  }
0x36: {  	[tilespmem:s10], [sflag:$0xD] =	stream.linear.gather [hbm4b:s9+s1], $0x40, $0x38;
	[tilespmem:$0x18E00] =	vst v63  }
0x37: {  	_ =	swait.ge [sflag:s28], $0x40  }
0x38: {  	[sflag:s28] =	ssyncset.done $0x0  }
0x39: {  	s12 =	simm.s32 $0x1C0;
	s11 =	rddreg [dreg:$0x12];
	[sflag:s28] =	ssyncadd.s32 $0xFFFFFFC0  }
0x3a: {  	[tilespmem:s12], [sflag:$0xD] =	stream.linear.gather [hbm4b:s11+s1], $0x40, $0x38;
	[tilespmem:$0x18E00] =	vst v63  }
0x3b: {  	_ =	swait.ge [sflag:s28], $0x40  }
0x3c: {  	[sflag:s28] =	ssyncset.done $0x0  }
0x3d: {  	[sflag:s28] =	ssyncadd.s32 $0xFFFFFFC0  }
0x3e: {  	v3 =	vld [tilespmem:$0x0];
	_ =	sdelay $0x3  }
0x3f: {  	v0 =	vld [tilespmem:$0x1FFD0]  }
0x40: {  	v4 =	vshrl.u32 v3, $0x3  }
0x41: {  	v1 =	vld [tilespmem:$0x1FFE0];
	v4 =	vmul.u32 $0x30, v4  }
0x42: {  	v3 =	vand.u32 $0x7, v3  }
0x43: {  	v3 =	vor.u32 v3, v4  }
0x44: {  	v4 =	vperm.xlane v3, v0  }
0x45: {  	v2 =	vld [tilespmem:$0x1FFF0]  }
0x46: {  	v4 =	vadd.s32 v1, v4;
	_ =	sdelay $0x3  }
0x47: {  	s14 =	simm.s32 $0xCE00;
	s13 =	rddreg [dreg:$0x2];
	v3 =	vperm.xlane v3, v2  }
0x48: {  	[tilespmem:s14], [sflag:$0x1] =	stream.indirect_vreg.gather [hbm4b:s13+s1], $0x80, v4, vm0, $0xb8;
	[tilespmem:$0x18E00] =	vst v63  }
0x49: {  	s16 =	simm.s32 $0xD600;
	s15 =	rddreg [dreg:$0x13];
	v3 =	vadd.s32 v1, v3  }
0x4a: {  	[tilespmem:s16], [sflag:$0x1] =	stream.indirect_vreg.gather [hbm4b:s15+s1], $0x80, v4, vm0, $0xb8;
	[tilespmem:$0x18E00] =	vst v63  }
0x4b: {  	s4 =	simm.s32 $0xDE00;
	s17 =	rddreg [dreg:$0x14]  }
0x4c: {  	[tilespmem:s4], [sflag:$0x1] =	stream.indirect_vreg.gather [hbm4b:s17+s1], $0x80, v4, vm0, $0xb8;
	[tilespmem:$0x18E00] =	vst v63  }
0x4d: {  	s18 =	simm.s32 $0xE600  }
0x4e: {  	[tilespmem:s18], [sflag:$0x1] =	stream.indirect_vreg.gather [hbm4b:s13+s1], $0x80, v3, vm0, $0xb8;
	[tilespmem:$0x18E00] =	vst v63  }
0x4f: {  	s19 =	simm.s32 $0xEE00  }
0x50: {  	[tilespmem:s19], [sflag:$0x1] =	stream.indirect_vreg.gather [hbm4b:s15+s1], $0x80, v3, vm0, $0xb8;
	[tilespmem:$0x18E00] =	vst v63  }
0x51: {  	s20 =	simm.s32 $0xF600  }
0x52: {  	[tilespmem:s20], [sflag:$0x1] =	stream.indirect_vreg.gather [hbm4b:s17+s1], $0x80, v3, vm0, $0xb8;
	[tilespmem:$0x18E00] =	vst v63  }
0x53: {  	v3 =	vld [tilespmem:$0x10];
	_ =	sdelay $0x4  }
0x54: {  	v63 =	vshrl.u32 v3, $0x3  }
0x55: {  	v4 =	vmul.u32 $0x30, v63  }
0x56: {  	v3 =	vand.u32 $0x7, v3  }
0x57: {  	v3 =	vor.u32 v3, v4  }
0x58: {  	v4 =	vperm.xlane v3, v0;
	_ =	sdelay $0x1  }
0x59: {  	v4 =	vadd.s32 v1, v4;
	_ =	sdelay $0x3  }
0x5a: {  	s21 =	simm.s32 $0xFE00;
	v3 =	vperm.xlane v3, v2  }
0x5b: {  	[tilespmem:s21], [sflag:$0x2] =	stream.indirect_vreg.gather [hbm4b:s13+s1], $0x80, v4, vm0, $0xb8;
	[tilespmem:$0x18E00] =	vst v63  }
0x5c: {  	s22 =	simm.s32 $0x10600;
	v3 =	vadd.s32 v1, v3  }
0x5d: {  	[tilespmem:s22], [sflag:$0x2] =	stream.indirect_vreg.gather [hbm4b:s15+s1], $0x80, v4, vm0, $0xb8;
	[tilespmem:$0x18E00] =	vst v63  }
0x5e: {  	s23 =	simm.s32 $0x10E00  }
0x5f: {  	[tilespmem:s23], [sflag:$0x2] =	stream.indirect_vreg.gather [hbm4b:s17+s1], $0x80, v4, vm0, $0xb8;
	[tilespmem:$0x18E00] =	vst v63  }
0x60: {  	s24 =	simm.s32 $0x11600  }
0x61: {  	[tilespmem:s24], [sflag:$0x2] =	stream.indirect_vreg.gather [hbm4b:s13+s1], $0x80, v3, vm0, $0xb8;
	[tilespmem:$0x18E00] =	vst v63  }
0x62: {  	s25 =	simm.s32 $0x11E00  }
0x63: {  	[tilespmem:s25], [sflag:$0x2] =	stream.indirect_vreg.gather [hbm4b:s15+s1], $0x80, v3, vm0, $0xb8;
	[tilespmem:$0x18E00] =	vst v63  }
0x64: {  	s26 =	simm.s32 $0x12600;
	s28 =	simm.s32 $0x9  }
0x65: {  	[tilespmem:s26], [sflag:$0x2] =	stream.indirect_vreg.gather [hbm4b:s17+s1], $0x80, v3, vm0, $0xb8;
	[tilespmem:$0x18E00] =	vst v63  }
0x66: {  	_ =	swait.ge [sflag:s28], $0xC000  }
0x67: {  	[sflag:s28] =	ssyncset.done $0x0  }
0x68: {  	s29 =	simm.s32 $0xA;
	[sflag:s28] =	ssyncadd.s32 $0xFFFF4000  }
0x69: {  	_ =	swait.ge [sflag:s29], $0x600  }
0x6a: {  	[sflag:s29] =	ssyncset.done $0x0  }
0x6b: {  	s30 =	simm.s32 $0xB;
	[sflag:s29] =	ssyncadd.s32 $0xFFFFFA00  }
0x6c: {  	_ =	swait.ge [sflag:s30], $0x300  }
0x6d: {  	[sflag:s30] =	ssyncset.done $0x0  }
0x6e: {  	s31 =	simm.s32 $0xC;
	[sflag:s30] =	ssyncadd.s32 $0xFFFFFD00  }
0x6f: {  	_ =	swait.ge [sflag:s31], $0x300  }
0x70: {  	[sflag:s31] =	ssyncset.done $0x0  }
0x71: {  	s7 =	simm.s32 $0x0;
	s9 =	simm.s32 $0x0;
	[sflag:s31] =	ssyncadd.s32 $0xFFFFFD00  }
.LBB2_2:
0x72: {  	p0 =	sgt.u32 s9, $0xD  }
0x73: {  	p1 =	slt.u32 @!p0 s9, $0x2  }
0x74: {  	s16 =	sand.u32 $0x3, s9;
	p1 =	por p1, p0  }
0x75: {  	s0 =	sxor.u32 @!p1 $0x2, s16  }
0x76: {  	s0 =	sadd.s32 @!p1 $0x5, s0  }
0x77: {  	s1 =	sadd.s32 @!p0 $0x2, s9;
	_ =	swait.ge @!p1 [sflag:s0], $0x3000  }
0x78: {  	s2 =	sshll.u32 @!p0 s1, $0x4;
	[sflag:s0] =	ssyncset.done @!p1 $0x0  }
0x79: {  	[sflag:s0] =	ssyncadd.s32 @!p1 $0xFFFFD000;
	s0 =	sand.u32 @!p0 $0x3FFFFFF0, s2  }
0x7a: {  	v3 =	vld @!p0 [tilespmem:s0+$0x0];
	_ =	sdelay $0x4  }
0x7b: {  	v4 =	vshrl.u32 @!p0 v3, $0x3  }
0x7c: {  	v4 =	vmul.u32 @!p0 $0x30, v4  }
0x7d: {  	v5 =	vlaneseq.u32 @!p0;
	v3 =	vand.u32 @!p0 $0x7, v3  }
0x7e: {  	v6 =	vshrl.u32 @!p0 v5, $0x3;
	v3 =	vor.u32 @!p0 v3, v4;
	v4 =	vand.u32 @!p0 $0x7, v5  }
0x7f: {  	v6 =	vmul.u32 @!p0 $0x8, v6;
	v4 =	vperm.xlane @!p0 v3, v4;
	_ =	sdelay $0x1  }
0x80: {  	s0 =	sand.u32 @!p0 $0x3, s1;
	v4 =	vadd.s32 @!p0 v6, v4  }
0x81: {  	s1 =	smul.u32 @!p0 $0xC000, s0;
	_ =	sdelay $0x1  }
0x82: {  	s3 =	simm.s32 @!p0 $0x0;
	s1 =	sshrl.u32 @!p0 s1, $0x2;
	v5 =	vor.u32 @!p0 $0x8, v5  }
0x83: {  	vm1 =	vmmov @!p0 $0xffff;
	s4 =	rddreg [dreg:$0x2];
	s0 =	sadd.s32 @!p0 $0x1, s0;
	s2 =	sadd.s32 @!p0 $0xCE00, s1;
	v3 =	vperm.xlane @!p0 v3, v5  }
0x84: {  	[tilespmem:s2], [sflag:s0] =	stream.indirect_vreg.gather @!p0 [hbm4b:s4+s3], $0x80, v4, vm1, $0xb8;
	[tilespmem:$0x18E00] =	vst v63  }
0x85: {  	s5 =	rddreg [dreg:$0x13];
	v3 =	vadd.s32 @!p0 v6, v3;
	s2 =	sadd.s32 @!p0 $0xD600, s1  }
0x86: {  	[tilespmem:s2], [sflag:s0] =	stream.indirect_vreg.gather @!p0 [hbm4b:s5+s3], $0x80, v4, vm1, $0xb8;
	[tilespmem:$0x18E00] =	vst v63  }
0x87: {  	s6 =	rddreg [dreg:$0x14];
	s2 =	sadd.s32 @!p0 $0xDE00, s1  }
0x88: {  	[tilespmem:s2], [sflag:s0] =	stream.indirect_vreg.gather @!p0 [hbm4b:s6+s3], $0x80, v4, vm1, $0xb8;
	[tilespmem:$0x18E00] =	vst v63  }
0x89: {  	s2 =	sadd.s32 @!p0 $0xE600, s1  }
0x8a: {  	[tilespmem:s2], [sflag:s0] =	stream.indirect_vreg.gather @!p0 [hbm4b:s4+s3], $0x80, v3, vm1, $0xb8;
	[tilespmem:$0x18E00] =	vst v63  }
0x8b: {  	s2 =	sadd.s32 @!p0 $0xEE00, s1  }
0x8c: {  	[tilespmem:s2], [sflag:s0] =	stream.indirect_vreg.gather @!p0 [hbm4b:s5+s3], $0x80, v3, vm1, $0xb8;
	[tilespmem:$0x18E00] =	vst v63  }
0x8d: {  	s25 =	sadd.s32 $0x1, s16;
	s1 =	sadd.s32 @!p0 $0xF600, s1  }
0x8e: {  	[tilespmem:s1], [sflag:s0] =	stream.indirect_vreg.gather @!p0 [hbm4b:s6+s3], $0x80, v3, vm1, $0xb8;
	[tilespmem:$0x18E00] =	vst v63  }
0x8f: {  	_ =	swait.ge [sflag:s25], $0x3000  }
0x90: {  	s26 =	sshll.u32 s9, $0x4;
	[sflag:s25] =	ssyncset.done $0x0  }
0x91: {  	s2 =	sand.u32 $0x3FFFFFF0, s26;
	[sflag:s25] =	ssyncadd.s32 $0xFFFFD000  }
0x92: {  	v3 =	vld [tilespmem:s2+$0x100];
	_ =	sdelay $0x4  }
0x93: {  	(v2sf) =	vpush v3, $0x0;
	_ =	sdelay $0xe  }
0x94: {  	s3 =	spop (v2sf)  }
0x95: {  	s4 =	sshrl.u32 s3, $0x1  }
0x96: {  	s0 =	sand.u32 $0x1, s3;
	s1 =	smul.u32 $0x1800, s4  }
0x97: {  	s0 =	sshll.u32 s0, $0x9  }
0x98: {  	s0 =	sor.u32 s0, s1  }
0x99: {  	[dreg:$0x18] =	wrdreg s9;
	s0 =	sshra.s32 s0, $0x2  }
0x9a: {  	[dreg:$0x17] =	wrdreg s7;
	s12 =	sadd.s32 $0xC240, s0  }
0x9b: {  	v5 =	vld [tilespmem:s12+$0x20]  }
0x9c: {  	s5 =	sand.u32 $0x3, s7;
	v4 =	vld [tilespmem:s12+$0x10]  }
0x9d: {  	s0 =	smul.u32 $0xC000, s5;
	v6 =	vld [tilespmem:s12+$0x0]  }
0x9e: {  	v9 =	vld [tilespmem:s12+$0xFFFFFFF0]  }
0x9f: {  	v7 =	vld [tilespmem:s12+$0xFFFFFFE0];
	s14 =	sshrl.u32 s0, $0x2  }
0xa0: {  	v11 =	vld [tilespmem:s12+$0xFFFFFFC0];
	s30 =	sadd.s32 $0xCE40, s14  }
0xa1: {  	v10 =	vld [tilespmem:s30+$0xFFFFFFF0]  }
0xa2: {  	v8 =	vld [tilespmem:s30+$0xFFFFFFE0]  }
0xa3: {  	s10 =	sor.u32 $0x240, s14;
	v12 =	vld [tilespmem:s30+$0xFFFFFFC0]  }
0xa4: {  	v13 =	vld [tilespmem:s10+$0xFFFFFFC0]  }
0xa5: {  	v14 =	vld [tilespmem:s30+$0xFFFFFFD0]  }
0xa6: {  	s0 =	sadd.s32 $0x1DF0, s14;
	v16 =	vld [tilespmem:s10+$0xFFFFFFE0]  }
0xa7: {  	s6 =	sadd.s32 $0x1D70, s14;
	v15 =	vld [tilespmem:s10+$0xFFFFFFD0];
	[dreg:$0x1c] =	wrdreg s0  }
0xa8: {  	s7 =	sadd.s32 $0x1CF0, s14;
	[dreg:$0x1d] =	wrdreg s6  }
0xa9: {  	s8 =	sadd.s32 $0x1C70, s14;
	v17 =	vld [tilespmem:s12+$0xFFFFFFD0];
	[dreg:$0x1e] =	wrdreg s7  }
0xaa: {  	s9 =	sadd.s32 $0xE9F0, s14;
	v12 =	vadd.f32 v13, v12;
	v13 =	vld [tilespmem:s10+$0xFFFFFFF0];
	[dreg:$0x1f] =	wrdreg s8  }
0xab: {  	s11 =	sadd.s32 $0xE970, s14;
	s13 =	sadd.s32 $0xE8F0, s14;
	s15 =	sadd.s32 $0xE870, s14;
	v8 =	vadd.f32 v16, v8;
	v18 =	vld [tilespmem:s30+$0x0]  }
0xac: {  	s17 =	sadd.s32 $0xE7F0, s14;
	s20 =	sadd.s32 $0x1BF0, s14;
	s4 =	sadd.s32 $0xE770, s14;
	v19 =	vld [tilespmem:s30+$0x10];
	v11 =	vadd.f32 v11, v12;
	v12 =	vadd.f32 v15, v14  }
0xad: {  	s1 =	sadd.s32 $0x1B70, s14;
	s2 =	sadd.s32 $0xE6F0, s14;
	s3 =	sadd.s32 $0x1AF0, s14;
	v14 =	vld [tilespmem:s10+$0x0]  }
0xae: {  	s5 =	sadd.s32 $0xE670, s14;
	s21 =	sadd.s32 $0x1A70, s14;
	s22 =	sadd.s32 $0xD1F0, s14;
	v8 =	vadd.f32 v7, v8;
	v7 =	vld [tilespmem:s30+$0x20];
	v12 =	vadd.f32 v17, v12  }
0xaf: {  	s23 =	sor.u32 $0x5F0, s14;
	s24 =	sadd.s32 $0xD170, s14;
	s25 =	sor.u32 $0x570, s14;
	v17 =	vld [tilespmem:s10+$0x10];
	[tilespmem:s30+$0xFFFFFFC0] =	vst v11;
	v13 =	vadd.f32 v13, v10  }
0xb0: {  	s18 =	sadd.s32 $0xCFF0, s14;
	s19 =	sor.u32 $0x3F0, s14;
	s31 =	sadd.s32 $0xCF70, s14;
	v16 =	vimm.f32 $0.0e+00;
	v15 =	vmul.f32 v11, v11;
	v10 =	vld [tilespmem:s10+$0x20];
	[tilespmem:s30+$0xFFFFFFD0] =	vst v12  }
0xb1: {  	s29 =	sor.u32 $0x370, s14;
	s26 =	sadd.s32 $0xCEF0, s14;
	v20 =	vadd.f32 v11, v16;
	v11 =	vadd.f32 v9, v13;
	v9 =	vld [tilespmem:s30+$0x30];
	[dreg:$0x19] =	wrdreg s16  }
0xb2: {  	s28 =	sor.u32 $0x2F0, s14;
	s6 =	sadd.s32 $0xD0F0, s14;
	v15 =	vadd.f32 v15, v16;
	v16 =	vmul.f32 v12, v12;
	s16 =	smul.u32 $0x3000, s16;
	[tilespmem:s30+$0xFFFFFFE0] =	vst v8  }
0xb3: {  	s0 =	sor.u32 $0x470, s14;
	s7 =	sadd.s32 $0xD070, s14;
	s8 =	sor.u32 $0x4F0, s14;
	v18 =	vadd.f32 v14, v18;
	v13 =	vld [tilespmem:s10+$0x30];
	[tilespmem:s30+$0xFFFFFFF0] =	vst v11  }
0xb4: {  	s14 =	sadd.s32 $0x100, s12;
	v14 =	vadd.f32 v12, v20;
	v15 =	vadd.f32 v16, v15;
	v16 =	vmul.f32 v8, v8;
	v12 =	vld [tilespmem:s12+$0x30];
	[dreg:$0x1b] =	wrdreg s16;
	s16 =	sadd.s32 $0xCE00, s16  }
0xb5: {  	s12 =	smov.u32 s30;
	v6 =	vadd.f32 v6, v18;
	v17 =	vadd.f32 v17, v19;
	[dreg:$0x1a] =	wrdreg s16;
	s16 =	simm.s32 $0x0  }
.LBB2_3:
0xb6: {  	v18 =	vld [tilespmem:s14+$0x20];
	v8 =	vadd.f32 v8, v14;
	v14 =	vadd.f32 v16, v15;
	v15 =	vmul.f32 v11, v11  }
0xb7: {  	[tilespmem:s30+$0x0] =	vst v6;
	v16 =	vadd.f32 v4, v17;
	v4 =	vld [tilespmem:s14+$0x10];
	v7 =	vadd.f32 v10, v7  }
0xb8: {  	v17 =	vld [tilespmem:s14+$0x0];
	v8 =	vadd.f32 v11, v8;
	v10 =	vadd.f32 v15, v14;
	v11 =	vmul.f32 v6, v6  }
0xb9: {  	v14 =	vld [tilespmem:s14+$0xFFFFFFF0];
	[tilespmem:s30+$0x10] =	vst v16;
	v7 =	vadd.f32 v5, v7;
	v0 =	vadd.f32 v13, v9  }
0xba: {  	s30 =	sadd.s32 $0x400, s30;
	v9 =	vld [tilespmem:s14+$0xFFFFFFE0];
	v6 =	vadd.f32 v6, v8;
	v8 =	vadd.f32 v11, v10;
	v10 =	vmul.f32 v16, v16  }
0xbb: {  	v11 =	vld [tilespmem:s30+$0xFFFFFFF0];
	[tilespmem:s12+$0x20] =	vst v7;
	v12 =	vadd.f32 v12, v0;
	v5 =	vmov v18  }
0xbc: {  	v13 =	vld [tilespmem:s30+$0xFFFFFFE0];
	v6 =	vadd.f32 v16, v6;
	v8 =	vadd.f32 v10, v8;
	v10 =	vmul.f32 v7, v7  }
0xbd: {  	v15 =	vld [tilespmem:s14+$0xFFFFFFC0];
	[tilespmem:s12+$0x30] =	vst v12;
	s12 =	smov.u32 s30  }
0xbe: {  	s10 =	sadd.s32 $0x400, s10;
	v16 =	vld [tilespmem:s30+$0xFFFFFFC0];
	v6 =	vadd.f32 v7, v6;
	v7 =	vadd.f32 v10, v8;
	v8 =	vmul.f32 v12, v12  }
0xbf: {  	s16 =	sadd.s32 $0x8, s16;
	v10 =	vld [tilespmem:s10+$0xFFFFFFC0]  }
0xc0: {  	p0 =	slt.u32 s16, $0x28;
	v18 =	vld [tilespmem:s30+$0xFFFFFFD0];
	v6 =	vadd.f32 v12, v6;
	v12 =	vadd.f32 v8, v7  }
0xc1: {  	v7 =	vld [tilespmem:s10+$0xFFFFFFD0]  }
0xc2: {  	v8 =	vld [tilespmem:s10+$0xFFFFFFE0]  }
0xc3: {  	v19 =	vld [tilespmem:s14+$0xFFFFFFD0]  }
0xc4: {  	v10 =	vadd.f32 v10, v16;
	v16 =	vld [tilespmem:s10+$0xFFFFFFF0]  }
0xc5: {  	v20 =	vld [tilespmem:s30+$0x0]  }
0xc6: {  	v10 =	vadd.f32 v15, v10;
	v7 =	vadd.f32 v7, v18;
	v15 =	vld [tilespmem:s10+$0x0]  }
0xc7: {  	v8 =	vadd.f32 v8, v13;
	v18 =	vld [tilespmem:s30+$0x10]  }
0xc8: {  	[tilespmem:s30+$0xFFFFFFC0] =	vst v10;
	v13 =	vmul.f32 v10, v10;
	v19 =	vadd.f32 v19, v7;
	v21 =	vld [tilespmem:s10+$0x10]  }
.Ltmp0:
0xc9: {  	v8 =	vadd.f32 v9, v8;
	v9 =	vadd.f32 v16, v11;
	v7 =	vld [tilespmem:s30+$0x20];
	(pc) =	sbr.rel @p0 .LBB2_3-.Ltmp0, $4  }
0xca: {  	v6 =	vadd.f32 v10, v6;
	v12 =	vadd.f32 v13, v12;
	[tilespmem:s30+$0xFFFFFFD0] =	vst v19;
	v13 =	vmul.f32 v19, v19;
	v10 =	vld [tilespmem:s10+$0x20]  }
0xcb: {  	[tilespmem:s30+$0xFFFFFFE0] =	vst v8;
	v11 =	vadd.f32 v14, v9;
	v20 =	vadd.f32 v15, v20;
	v9 =	vld [tilespmem:s30+$0x30]  }
0xcc: {  	v14 =	vadd.f32 v19, v6;
	v16 =	vmul.f32 v8, v8;
	v15 =	vadd.f32 v13, v12;
	v13 =	vld [tilespmem:s10+$0x30]  }
0xcd: {  	[tilespmem:s30+$0xFFFFFFF0] =	vst v11;
	v6 =	vadd.f32 v17, v20;
	v17 =	vadd.f32 v21, v18;
	v12 =	vld [tilespmem:s14+$0x30];
	s14 =	sadd.s32 $0x100, s14  }
0xce: {  	v8 =	vadd.f32 v8, v14  }
0xcf: {  	v14 =	vadd.f32 v16, v15;
	v15 =	vmul.f32 v11, v11  }
0xd0: {  	v7 =	vadd.f32 v10, v7;
	v8 =	vadd.f32 v11, v8  }
0xd1: {  	v4 =	vadd.f32 v4, v17;
	v10 =	vadd.f32 v15, v14;
	v11 =	vmul.f32 v6, v6  }
0xd2: {  	v5 =	vadd.f32 v5, v7;
	v7 =	vadd.f32 v6, v8  }
0xd3: {  	v8 =	vadd.f32 v13, v9;
	v9 =	vadd.f32 v11, v10;
	v10 =	vmul.f32 v4, v4  }
0xd4: {  	v7 =	vadd.f32 v4, v7  }
0xd5: {  	v8 =	vadd.f32 v12, v8;
	v9 =	vadd.f32 v10, v9;
	v10 =	vmul.f32 v5, v5  }
0xd6: {  	v7 =	vadd.f32 v5, v7  }
0xd7: {  	v9 =	vadd.f32 v10, v9;
	v10 =	vmul.f32 v8, v8  }
0xd8: {  	v7 =	vadd.f32 v8, v7  }
0xd9: {  	v9 =	vadd.f32 v10, v9  }
0xda: {  	(xrf2) =	vadd.scan.msk.f32 $0xffff, v7  }
0xdb: {  	(xrf2) =	vadd.scan.msk.f32 $0xffff, v9;
	_ =	sdelay $0x8  }
0xdc: {  	v7, _, _ =	vpop (xrf2)  }
0xdd: {  	(v2sf) =	vpush v7, $0xF;
	v7, _, _ =	vpop (xrf2)  }
0xde: {  	(v2sf) =	vpush v7, $0xF;
	_ =	sdelay $0x4  }
0xdf: {  	(v2sf) =	vpush v3, $0x1;
	_ =	sdelay $0x8  }
0xe0: {  	s10 =	spop (v2sf)  }
0xe1: {  	s14 =	spop (v2sf);
	s10 =	smul.f32 $1.302083370e-03, s10  }
0xe2: {  	s14 =	smul.f32 $1.302083370e-03, s14  }
0xe3: {  	s16 =	smul.f32 s10, s10;
	_ =	sdelay $0x1  }
0xe4: {  	s14 =	ssub.f32 s14, s16  }
0xe5: {  	[smem:$0x7FD] =	sst s10;
	s16 =	spop (v2sf)  }
0xe6: {  	s10 =	sshrl.u32 s16, $0x1;
	s14 =	sadd.f32 $9.999999960e-13, s14  }
0xe7: {  	[tilespmem:s30+$0x0] =	vst v6;
	s16 =	sand.u32 $0x1, s16;
	s10 =	smul.u32 $0x1800, s10  }
0xe8: {  	[tilespmem:s30+$0x10] =	vst v4;
	s16 =	sshll.u32 s16, $0x9;
	s30 =	sshra.s32 s14, $0x1;
	s14 =	smul.f32 $5.000000000e-01, s14  }
0xe9: {  	[tilespmem:s12+$0x20] =	vst v5;
	s10 =	sor.u32 s16, s10;
	s16 =	ssub.s32 $0x5F3759DF, s30  }
0xea: {  	[tilespmem:s12+$0x30] =	vst v8;
	s30 =	smul.f32 s16, s14  }
0xeb: {  	v10 =	vld [tilespmem:s26+$0xFFFFFFC0]  }
0xec: {  	v9 =	vld [tilespmem:s26+$0xFFFFFFB0];
	s12 =	smul.f32 s16, s30  }
0xed: {  	v12 =	vld [tilespmem:s26+$0xFFFFFF90]  }
0xee: {  	v13 =	vld [tilespmem:s28+$0xFFFFFF90];
	s12 =	ssub.f32 $1.500000000e+00, s12  }
0xef: {  	v14 =	vld [tilespmem:s26+$0xFFFFFFA0]  }
0xf0: {  	v15 =	vld [tilespmem:s28+$0xFFFFFFA0];
	s12 =	smul.f32 s16, s12  }
0xf1: {  	v16 =	vld [tilespmem:s28+$0xFFFFFFB0];
	s10 =	sshra.s32 s10, $0x2  }
0xf2: {  	v18 =	vld [tilespmem:s26+$0xFFFFFFD0];
	s10 =	sadd.s32 $0xC240, s10;
	s16 =	smul.f32 s12, s14  }
0xf3: {  	v11 =	vld [tilespmem:s10+$0xFFFFFFC0]  }
0xf4: {  	v19 =	vld [tilespmem:s26+$0xFFFFFFE0];
	s16 =	smul.f32 s16, s12  }
0xf5: {  	v17 =	vld [tilespmem:s10+$0xFFFFFFD0]  }
0xf6: {  	v12 =	vadd.f32 v13, v12;
	v13 =	vld [tilespmem:s28+$0xFFFFFFC0];
	s16 =	ssub.f32 $1.500000000e+00, s16  }
0xf7: {  	v5 =	vld [tilespmem:s10+$0x20]  }
0xf8: {  	v4 =	vld [tilespmem:s10+$0x10];
	v11 =	vadd.f32 v11, v12;
	v12 =	vadd.f32 v15, v14;
	s12 =	smul.f32 s16, s12  }
0xf9: {  	v7 =	vld [tilespmem:s10+$0xFFFFFFE0]  }
0xfa: {  	v9 =	vadd.f32 v16, v9;
	v8 =	vld [tilespmem:s10+$0xFFFFFFF0];
	v16 =	vadd.f32 v17, v12;
	s14 =	smul.f32 s12, s14  }
0xfb: {  	v14 =	vld [tilespmem:s28+$0xFFFFFFD0];
	[tilespmem:s26+$0xFFFFFF90] =	vst v11  }
0xfc: {  	v6 =	vld [tilespmem:s10+$0x0];
	[tilespmem:s26+$0xFFFFFFA0] =	vst v16;
	s14 =	smul.f32 s14, s12  }
0xfd: {  	v15 =	vmul.f32 v11, v11;
	v17 =	vld [tilespmem:s28+$0xFFFFFFE0];
	s30 =	sld [smem:$0x7FD]  }
0xfe: {  	v13 =	vadd.f32 v13, v10;
	v10 =	vld [tilespmem:s28+$0xFFFFFFF0];
	v9 =	vadd.f32 v7, v9;
	v12 =	vimm.f32 $0.0e+00;
	s14 =	ssub.f32 $1.500000000e+00, s14  }
0xff: {  	v7 =	vld [tilespmem:s26+$0xFFFFFFF0];
	v11 =	vadd.f32 v11, v12;
	v15 =	vadd.f32 v15, v12;
	v20 =	vmul.f32 v16, v16  }
0x100: {  	v12 =	vadd.f32 v8, v13;
	v8 =	vld [tilespmem:s26+$0x0];
	v18 =	vadd.f32 v14, v18;
	s12 =	smul.f32 s14, s12  }
0x101: {  	v13 =	vld [tilespmem:s28+$0x0];
	[tilespmem:s26+$0xFFFFFFB0] =	vst v9;
	v14 =	vadd.f32 v16, v11;
	v16 =	vmul.f32 v9, v9;
	v15 =	vadd.f32 v20, v15;
	[smem:$0x0] =	sst s30;
	s14 =	sadd.s32 $0x100, s10  }
0x102: {  	v11 =	vld [tilespmem:s10+$0x30];
	[tilespmem:s26+$0xFFFFFFC0] =	vst v12;
	v6 =	vadd.f32 v6, v18;
	v17 =	vadd.f32 v17, v19;
	s10 =	smov.u32 s26;
	[smem:$0x80] =	sst s12;
	s12 =	simm.s32 $0x0  }
.LBB2_5:
0x103: {  	v18 =	vld [tilespmem:s14+$0x20];
	v9 =	vadd.f32 v9, v14;
	v14 =	vadd.f32 v16, v15;
	v15 =	vmul.f32 v12, v12  }
0x104: {  	[tilespmem:s26+$0xFFFFFFD0] =	vst v6;
	v16 =	vadd.f32 v4, v17;
	v4 =	vld [tilespmem:s14+$0x10];
	v7 =	vadd.f32 v10, v7  }
0x105: {  	v17 =	vld [tilespmem:s14+$0x0];
	v9 =	vadd.f32 v12, v9;
	v10 =	vadd.f32 v15, v14;
	v12 =	vmul.f32 v6, v6  }
0x106: {  	v14 =	vld [tilespmem:s14+$0xFFFFFFF0];
	[tilespmem:s26+$0xFFFFFFE0] =	vst v16;
	v7 =	vadd.f32 v5, v7;
	v0 =	vadd.f32 v13, v8  }
0x107: {  	s26 =	sadd.s32 $0x400, s26;
	v8 =	vld [tilespmem:s14+$0xFFFFFFE0];
	v6 =	vadd.f32 v6, v9;
	v9 =	vadd.f32 v12, v10;
	v10 =	vmul.f32 v16, v16  }
0x108: {  	v12 =	vld [tilespmem:s26+$0xFFFFFFC0];
	[tilespmem:s10+$0xFFFFFFF0] =	vst v7;
	v11 =	vadd.f32 v11, v0;
	v5 =	vmov v18  }
0x109: {  	v13 =	vld [tilespmem:s26+$0xFFFFFFB0];
	v6 =	vadd.f32 v16, v6;
	v9 =	vadd.f32 v10, v9;
	v10 =	vmul.f32 v7, v7  }
0x10a: {  	v15 =	vld [tilespmem:s14+$0xFFFFFFC0];
	[tilespmem:s10+$0x0] =	vst v11;
	s10 =	smov.u32 s26  }
0x10b: {  	s28 =	sadd.s32 $0x400, s28;
	v16 =	vld [tilespmem:s26+$0xFFFFFF90];
	v6 =	vadd.f32 v7, v6;
	v7 =	vadd.f32 v10, v9;
	v9 =	vmul.f32 v11, v11  }
0x10c: {  	s12 =	sadd.s32 $0x8, s12;
	v10 =	vld [tilespmem:s28+$0xFFFFFF90]  }
0x10d: {  	p0 =	slt.u32 s12, $0x28;
	v18 =	vld [tilespmem:s26+$0xFFFFFFA0];
	v6 =	vadd.f32 v11, v6;
	v11 =	vadd.f32 v9, v7  }
0x10e: {  	v7 =	vld [tilespmem:s28+$0xFFFFFFA0]  }
0x10f: {  	v9 =	vld [tilespmem:s28+$0xFFFFFFB0]  }
0x110: {  	v19 =	vld [tilespmem:s14+$0xFFFFFFD0]  }
0x111: {  	v10 =	vadd.f32 v10, v16;
	v16 =	vld [tilespmem:s28+$0xFFFFFFC0]  }
0x112: {  	v20 =	vld [tilespmem:s26+$0xFFFFFFD0]  }
0x113: {  	v10 =	vadd.f32 v15, v10;
	v7 =	vadd.f32 v7, v18;
	v15 =	vld [tilespmem:s28+$0xFFFFFFD0]  }
0x114: {  	v9 =	vadd.f32 v9, v13;
	v18 =	vld [tilespmem:s26+$0xFFFFFFE0]  }
0x115: {  	[tilespmem:s26+$0xFFFFFF90] =	vst v10;
	v13 =	vmul.f32 v10, v10;
	v19 =	vadd.f32 v19, v7;
	v21 =	vld [tilespmem:s28+$0xFFFFFFE0]  }
.Ltmp1:
0x116: {  	v9 =	vadd.f32 v8, v9;
	v8 =	vadd.f32 v16, v12;
	v7 =	vld [tilespmem:s26+$0xFFFFFFF0];
	(pc) =	sbr.rel @p0 .LBB2_5-.Ltmp1, $4  }
0x117: {  	v6 =	vadd.f32 v10, v6;
	v11 =	vadd.f32 v13, v11;
	[tilespmem:s26+$0xFFFFFFA0] =	vst v19;
	v13 =	vmul.f32 v19, v19;
	v10 =	vld [tilespmem:s28+$0xFFFFFFF0]  }
0x118: {  	[tilespmem:s26+$0xFFFFFFB0] =	vst v9;
	v12 =	vadd.f32 v14, v8;
	v20 =	vadd.f32 v15, v20;
	v8 =	vld [tilespmem:s26+$0x0]  }
0x119: {  	v14 =	vadd.f32 v19, v6;
	v16 =	vmul.f32 v9, v9;
	v15 =	vadd.f32 v13, v11;
	v13 =	vld [tilespmem:s28+$0x0]  }
0x11a: {  	[tilespmem:s26+$0xFFFFFFC0] =	vst v12;
	v6 =	vadd.f32 v17, v20;
	v17 =	vadd.f32 v21, v18;
	v11 =	vld [tilespmem:s14+$0x30];
	s14 =	sadd.s32 $0x100, s14  }
0x11b: {  	v9 =	vadd.f32 v9, v14  }
0x11c: {  	v14 =	vadd.f32 v16, v15;
	v15 =	vmul.f32 v12, v12  }
0x11d: {  	v7 =	vadd.f32 v10, v7;
	v9 =	vadd.f32 v12, v9  }
0x11e: {  	v4 =	vadd.f32 v4, v17;
	v10 =	vadd.f32 v15, v14;
	v12 =	vmul.f32 v6, v6  }
0x11f: {  	v5 =	vadd.f32 v5, v7;
	v7 =	vadd.f32 v6, v9  }
0x120: {  	v8 =	vadd.f32 v13, v8;
	v9 =	vadd.f32 v12, v10;
	v10 =	vmul.f32 v4, v4  }
0x121: {  	v7 =	vadd.f32 v4, v7  }
0x122: {  	v8 =	vadd.f32 v11, v8;
	v9 =	vadd.f32 v10, v9;
	v10 =	vmul.f32 v5, v5  }
0x123: {  	v7 =	vadd.f32 v5, v7  }
0x124: {  	v9 =	vadd.f32 v10, v9;
	v10 =	vmul.f32 v8, v8  }
0x125: {  	v7 =	vadd.f32 v8, v7  }
0x126: {  	v9 =	vadd.f32 v10, v9  }
0x127: {  	(xrf2) =	vadd.scan.msk.f32 $0xffff, v7  }
0x128: {  	(xrf2) =	vadd.scan.msk.f32 $0xffff, v9;
	_ =	sdelay $0x8  }
0x129: {  	v7, _, _ =	vpop (xrf2)  }
0x12a: {  	(v2sf) =	vpush v7, $0xF;
	v7, _, _ =	vpop (xrf2)  }
0x12b: {  	(v2sf) =	vpush v7, $0xF;
	_ =	sdelay $0x3  }
0x12c: {  	(v2sf) =	vpush v3, $0x2;
	_ =	sdelay $0x9  }
0x12d: {  	s12 =	spop (v2sf)  }
0x12e: {  	s14 =	spop (v2sf);
	s12 =	smul.f32 $1.302083370e-03, s12  }
0x12f: {  	s14 =	smul.f32 $1.302083370e-03, s14  }
0x130: {  	s16 =	smul.f32 s12, s12;
	_ =	sdelay $0x1  }
0x131: {  	s30 =	spop (v2sf);
	s14 =	ssub.f32 s14, s16  }
0x132: {  	s28 =	sshrl.u32 s30, $0x1  }
0x133: {  	[tilespmem:s26+$0xFFFFFFD0] =	vst v6;
	s28 =	smul.u32 $0x1800, s28;
	s16 =	sand.u32 $0x1, s30;
	s14 =	sadd.f32 $9.999999960e-13, s14  }
0x134: {  	[tilespmem:s26+$0xFFFFFFE0] =	vst v4;
	s16 =	sshll.u32 s16, $0x9  }
0x135: {  	[tilespmem:s10+$0xFFFFFFF0] =	vst v5;
	s16 =	sor.u32 s16, s28;
	s28 =	sshra.s32 s14, $0x1;
	s14 =	smul.f32 $5.000000000e-01, s14  }
0x136: {  	[tilespmem:s10+$0x0] =	vst v8;
	s26 =	ssub.s32 $0x5F3759DF, s28  }
0x137: {  	v12 =	vld [tilespmem:s31+$0xFFFFFF90];
	s30 =	smul.f32 s26, s14  }
0x138: {  	v13 =	vld [tilespmem:s29+$0xFFFFFF90]  }
0x139: {  	s10 =	smul.f32 s26, s30  }
0x13a: {  	v14 =	vld [tilespmem:s31+$0xFFFFFFA0]  }
0x13b: {  	v15 =	vld [tilespmem:s29+$0xFFFFFFA0];
	s10 =	ssub.f32 $1.500000000e+00, s10  }
0x13c: {  	v10 =	vld [tilespmem:s31+$0xFFFFFFC0]  }
0x13d: {  	v12 =	vadd.f32 v13, v12;
	v13 =	vld [tilespmem:s29+$0xFFFFFFC0];
	s10 =	smul.f32 s26, s10  }
0x13e: {  	v16 =	vld [tilespmem:s29+$0xFFFFFFB0]  }
0x13f: {  	v18 =	vld [tilespmem:s31+$0xFFFFFFD0];
	s26 =	smul.f32 s10, s14  }
0x140: {  	v19 =	vld [tilespmem:s31+$0xFFFFFFE0]  }
0x141: {  	v9 =	vld [tilespmem:s31+$0xFFFFFFB0];
	s16 =	sshra.s32 s16, $0x2;
	s26 =	smul.f32 s26, s10  }
0x142: {  	v13 =	vadd.f32 v13, v10;
	v10 =	vld [tilespmem:s29+$0xFFFFFFF0];
	s16 =	sadd.s32 $0xC240, s16  }
0x143: {  	v11 =	vld [tilespmem:s16+$0xFFFFFFC0];
	s26 =	ssub.f32 $1.500000000e+00, s26  }
0x144: {  	v5 =	vld [tilespmem:s16+$0x20]  }
0x145: {  	v17 =	vld [tilespmem:s16+$0xFFFFFFD0];
	s10 =	smul.f32 s26, s10  }
0x146: {  	v7 =	vld [tilespmem:s16+$0xFFFFFFE0]  }
0x147: {  	v8 =	vld [tilespmem:s16+$0xFFFFFFF0];
	s14 =	smul.f32 s10, s14  }
0x148: {  	v11 =	vadd.f32 v11, v12;
	v12 =	vadd.f32 v15, v14;
	v14 =	vld [tilespmem:s29+$0xFFFFFFD0]  }
0x149: {  	v9 =	vadd.f32 v16, v9;
	v6 =	vld [tilespmem:s16+$0x0];
	s14 =	smul.f32 s14, s10  }
0x14a: {  	v15 =	vmul.f32 v11, v11;
	v16 =	vadd.f32 v17, v12;
	v17 =	vld [tilespmem:s29+$0xFFFFFFE0]  }
0x14b: {  	v4 =	vld [tilespmem:s16+$0x10];
	v9 =	vadd.f32 v7, v9;
	v12 =	vimm.f32 $0.0e+00;
	s14 =	ssub.f32 $1.500000000e+00, s14  }
0x14c: {  	v7 =	vld [tilespmem:s31+$0xFFFFFFF0];
	[tilespmem:s31+$0xFFFFFF90] =	vst v11;
	v11 =	vadd.f32 v11, v12;
	v15 =	vadd.f32 v15, v12;
	v20 =	vmul.f32 v16, v16  }
0x14d: {  	[tilespmem:s31+$0xFFFFFFB0] =	vst v9;
	v12 =	vadd.f32 v8, v13;
	v8 =	vld [tilespmem:s31+$0x0];
	v18 =	vadd.f32 v14, v18;
	s10 =	smul.f32 s14, s10  }
0x14e: {  	[smem:$0x1] =	sst s12;
	s12 =	simm.s32 $0x0;
	[tilespmem:s31+$0xFFFFFFA0] =	vst v16;
	v13 =	vld [tilespmem:s29+$0x0];
	v14 =	vadd.f32 v16, v11;
	v16 =	vmul.f32 v9, v9;
	v15 =	vadd.f32 v20, v15  }
0x14f: {  	v11 =	vld [tilespmem:s16+$0x30];
	[tilespmem:s31+$0xFFFFFFC0] =	vst v12;
	v6 =	vadd.f32 v6, v18;
	v17 =	vadd.f32 v17, v19;
	s14 =	sadd.s32 $0x100, s16;
	[smem:$0x81] =	sst s10;
	s10 =	smov.u32 s31  }
.LBB2_7:
0x150: {  	v18 =	vld [tilespmem:s14+$0x20];
	v9 =	vadd.f32 v9, v14;
	v14 =	vadd.f32 v16, v15;
	v15 =	vmul.f32 v12, v12  }
0x151: {  	[tilespmem:s31+$0xFFFFFFD0] =	vst v6;
	v16 =	vadd.f32 v4, v17;
	v4 =	vld [tilespmem:s14+$0x10];
	v7 =	vadd.f32 v10, v7  }
0x152: {  	v17 =	vld [tilespmem:s14+$0x0];
	v9 =	vadd.f32 v12, v9;
	v10 =	vadd.f32 v15, v14;
	v12 =	vmul.f32 v6, v6  }
0x153: {  	v14 =	vld [tilespmem:s14+$0xFFFFFFF0];
	[tilespmem:s31+$0xFFFFFFE0] =	vst v16;
	v7 =	vadd.f32 v5, v7;
	v0 =	vadd.f32 v13, v8  }
0x154: {  	s31 =	sadd.s32 $0x400, s31;
	v8 =	vld [tilespmem:s14+$0xFFFFFFE0];
	v6 =	vadd.f32 v6, v9;
	v9 =	vadd.f32 v12, v10;
	v10 =	vmul.f32 v16, v16  }
0x155: {  	v12 =	vld [tilespmem:s31+$0xFFFFFFC0];
	[tilespmem:s10+$0xFFFFFFF0] =	vst v7;
	v11 =	vadd.f32 v11, v0;
	v5 =	vmov v18  }
0x156: {  	v13 =	vld [tilespmem:s31+$0xFFFFFFB0];
	v6 =	vadd.f32 v16, v6;
	v9 =	vadd.f32 v10, v9;
	v10 =	vmul.f32 v7, v7  }
0x157: {  	v15 =	vld [tilespmem:s14+$0xFFFFFFC0];
	[tilespmem:s10+$0x0] =	vst v11;
	s10 =	smov.u32 s31  }
0x158: {  	s29 =	sadd.s32 $0x400, s29;
	v16 =	vld [tilespmem:s31+$0xFFFFFF90];
	v6 =	vadd.f32 v7, v6;
	v7 =	vadd.f32 v10, v9;
	v9 =	vmul.f32 v11, v11  }
0x159: {  	s12 =	sadd.s32 $0x8, s12;
	v10 =	vld [tilespmem:s29+$0xFFFFFF90]  }
0x15a: {  	p0 =	slt.u32 s12, $0x28;
	v18 =	vld [tilespmem:s31+$0xFFFFFFA0];
	v6 =	vadd.f32 v11, v6;
	v11 =	vadd.f32 v9, v7  }
0x15b: {  	v7 =	vld [tilespmem:s29+$0xFFFFFFA0]  }
0x15c: {  	v9 =	vld [tilespmem:s29+$0xFFFFFFB0]  }
0x15d: {  	v19 =	vld [tilespmem:s14+$0xFFFFFFD0]  }
0x15e: {  	v10 =	vadd.f32 v10, v16;
	v16 =	vld [tilespmem:s29+$0xFFFFFFC0]  }
0x15f: {  	v20 =	vld [tilespmem:s31+$0xFFFFFFD0]  }
0x160: {  	v10 =	vadd.f32 v15, v10;
	v7 =	vadd.f32 v7, v18;
	v15 =	vld [tilespmem:s29+$0xFFFFFFD0]  }
0x161: {  	v9 =	vadd.f32 v9, v13;
	v18 =	vld [tilespmem:s31+$0xFFFFFFE0]  }
0x162: {  	[tilespmem:s31+$0xFFFFFF90] =	vst v10;
	v13 =	vmul.f32 v10, v10;
	v19 =	vadd.f32 v19, v7;
	v21 =	vld [tilespmem:s29+$0xFFFFFFE0]  }
.Ltmp2:
0x163: {  	v9 =	vadd.f32 v8, v9;
	v8 =	vadd.f32 v16, v12;
	v7 =	vld [tilespmem:s31+$0xFFFFFFF0];
	(pc) =	sbr.rel @p0 .LBB2_7-.Ltmp2, $4  }
0x164: {  	v6 =	vadd.f32 v10, v6;
	v11 =	vadd.f32 v13, v11;
	[tilespmem:s31+$0xFFFFFFA0] =	vst v19;
	v13 =	vmul.f32 v19, v19;
	v10 =	vld [tilespmem:s29+$0xFFFFFFF0]  }
0x165: {  	[tilespmem:s31+$0xFFFFFFB0] =	vst v9;
	v12 =	vadd.f32 v14, v8;
	v20 =	vadd.f32 v15, v20;
	v8 =	vld [tilespmem:s31+$0x0]  }
0x166: {  	v14 =	vadd.f32 v19, v6;
	v16 =	vmul.f32 v9, v9;
	v15 =	vadd.f32 v13, v11;
	v13 =	vld [tilespmem:s29+$0x0]  }
0x167: {  	[tilespmem:s31+$0xFFFFFFC0] =	vst v12;
	v6 =	vadd.f32 v17, v20;
	v17 =	vadd.f32 v21, v18;
	v11 =	vld [tilespmem:s14+$0x30];
	s14 =	sadd.s32 $0x100, s14  }
0x168: {  	v9 =	vadd.f32 v9, v14  }
0x169: {  	v14 =	vadd.f32 v16, v15;
	v15 =	vmul.f32 v12, v12  }
0x16a: {  	v7 =	vadd.f32 v10, v7;
	v9 =	vadd.f32 v12, v9  }
0x16b: {  	v4 =	vadd.f32 v4, v17;
	v10 =	vadd.f32 v15, v14;
	v12 =	vmul.f32 v6, v6  }
0x16c: {  	v5 =	vadd.f32 v5, v7;
	v7 =	vadd.f32 v6, v9  }
0x16d: {  	v8 =	vadd.f32 v13, v8;
	v9 =	vadd.f32 v12, v10;
	v10 =	vmul.f32 v4, v4  }
0x16e: {  	v7 =	vadd.f32 v4, v7  }
0x16f: {  	v8 =	vadd.f32 v11, v8;
	v9 =	vadd.f32 v10, v9;
	v10 =	vmul.f32 v5, v5  }
0x170: {  	v7 =	vadd.f32 v5, v7  }
0x171: {  	v9 =	vadd.f32 v10, v9;
	v10 =	vmul.f32 v8, v8  }
0x172: {  	v7 =	vadd.f32 v8, v7  }
0x173: {  	v9 =	vadd.f32 v10, v9  }
0x174: {  	(xrf2) =	vadd.scan.msk.f32 $0xffff, v7  }
0x175: {  	(xrf2) =	vadd.scan.msk.f32 $0xffff, v9;
	_ =	sdelay $0x8  }
0x176: {  	v7, _, _ =	vpop (xrf2)  }
0x177: {  	(v2sf) =	vpush v7, $0xF;
	v7, _, _ =	vpop (xrf2)  }
0x178: {  	(v2sf) =	vpush v7, $0xF;
	_ =	sdelay $0x4  }
0x179: {  	(v2sf) =	vpush v3, $0x3;
	_ =	sdelay $0x8  }
0x17a: {  	s12 =	spop (v2sf)  }
0x17b: {  	s14 =	spop (v2sf);
	s12 =	smul.f32 $1.302083370e-03, s12  }
0x17c: {  	s14 =	smul.f32 $1.302083370e-03, s14  }
0x17d: {  	s16 =	smul.f32 s12, s12;
	_ =	sdelay $0x1  }
0x17e: {  	s14 =	ssub.f32 s14, s16  }
0x17f: {  	s29 =	spop (v2sf)  }
0x180: {  	[tilespmem:s31+$0xFFFFFFD0] =	vst v6;
	s26 =	sshrl.u32 s29, $0x1;
	s14 =	sadd.f32 $9.999999960e-13, s14  }
0x181: {  	[tilespmem:s31+$0xFFFFFFE0] =	vst v4;
	s26 =	smul.u32 $0x1800, s26;
	s16 =	sand.u32 $0x1, s29  }
0x182: {  	[tilespmem:s10+$0xFFFFFFF0] =	vst v5;
	s16 =	sshll.u32 s16, $0x9;
	s30 =	sshra.s32 s14, $0x1;
	s14 =	smul.f32 $5.000000000e-01, s14  }
0x183: {  	[tilespmem:s10+$0x0] =	vst v8;
	s16 =	sor.u32 s16, s26;
	s26 =	ssub.s32 $0x5F3759DF, s30  }
0x184: {  	v12 =	vld [tilespmem:s18+$0xFFFFFF90];
	s31 =	smul.f32 s26, s14  }
0x185: {  	v13 =	vld [tilespmem:s19+$0xFFFFFF90]  }
0x186: {  	s10 =	smul.f32 s26, s31  }
0x187: {  	v14 =	vld [tilespmem:s18+$0xFFFFFFA0]  }
0x188: {  	v15 =	vld [tilespmem:s19+$0xFFFFFFA0];
	s10 =	ssub.f32 $1.500000000e+00, s10  }
0x189: {  	v10 =	vld [tilespmem:s18+$0xFFFFFFC0]  }
0x18a: {  	v12 =	vadd.f32 v13, v12;
	v13 =	vld [tilespmem:s19+$0xFFFFFFC0];
	s10 =	smul.f32 s26, s10  }
0x18b: {  	v16 =	vld [tilespmem:s19+$0xFFFFFFB0]  }
0x18c: {  	v18 =	vld [tilespmem:s18+$0xFFFFFFD0];
	s26 =	smul.f32 s10, s14  }
0x18d: {  	v19 =	vld [tilespmem:s18+$0xFFFFFFE0]  }
0x18e: {  	v9 =	vld [tilespmem:s18+$0xFFFFFFB0];
	s16 =	sshra.s32 s16, $0x2;
	s26 =	smul.f32 s26, s10  }
0x18f: {  	v13 =	vadd.f32 v13, v10;
	v10 =	vld [tilespmem:s19+$0xFFFFFFF0];
	s16 =	sadd.s32 $0xC240, s16  }
0x190: {  	v11 =	vld [tilespmem:s16+$0xFFFFFFC0];
	s26 =	ssub.f32 $1.500000000e+00, s26  }
0x191: {  	v5 =	vld [tilespmem:s16+$0x20]  }
0x192: {  	v17 =	vld [tilespmem:s16+$0xFFFFFFD0];
	s10 =	smul.f32 s26, s10  }
0x193: {  	v7 =	vld [tilespmem:s16+$0xFFFFFFE0]  }
0x194: {  	v8 =	vld [tilespmem:s16+$0xFFFFFFF0];
	s14 =	smul.f32 s10, s14  }
0x195: {  	v11 =	vadd.f32 v11, v12;
	v12 =	vadd.f32 v15, v14;
	v14 =	vld [tilespmem:s19+$0xFFFFFFD0]  }
0x196: {  	v9 =	vadd.f32 v16, v9;
	v6 =	vld [tilespmem:s16+$0x0];
	s14 =	smul.f32 s14, s10  }
0x197: {  	v15 =	vmul.f32 v11, v11;
	v16 =	vadd.f32 v17, v12;
	v17 =	vld [tilespmem:s19+$0xFFFFFFE0]  }
0x198: {  	v4 =	vld [tilespmem:s16+$0x10];
	v9 =	vadd.f32 v7, v9;
	v12 =	vimm.f32 $0.0e+00;
	s14 =	ssub.f32 $1.500000000e+00, s14  }
0x199: {  	v7 =	vld [tilespmem:s18+$0xFFFFFFF0];
	[tilespmem:s18+$0xFFFFFF90] =	vst v11;
	v11 =	vadd.f32 v11, v12;
	v15 =	vadd.f32 v15, v12;
	v20 =	vmul.f32 v16, v16  }
0x19a: {  	[tilespmem:s18+$0xFFFFFFB0] =	vst v9;
	v12 =	vadd.f32 v8, v13;
	v8 =	vld [tilespmem:s18+$0x0];
	v18 =	vadd.f32 v14, v18;
	s10 =	smul.f32 s14, s10  }
0x19b: {  	[smem:$0x2] =	sst s12;
	s12 =	simm.s32 $0x0;
	[tilespmem:s18+$0xFFFFFFA0] =	vst v16;
	v13 =	vld [tilespmem:s19+$0x0];
	v14 =	vadd.f32 v16, v11;
	v16 =	vmul.f32 v9, v9;
	v15 =	vadd.f32 v20, v15  }
0x19c: {  	v11 =	vld [tilespmem:s16+$0x30];
	[tilespmem:s18+$0xFFFFFFC0] =	vst v12;
	v6 =	vadd.f32 v6, v18;
	v17 =	vadd.f32 v17, v19;
	s14 =	sadd.s32 $0x100, s16;
	[smem:$0x82] =	sst s10;
	s10 =	smov.u32 s18  }
.LBB2_9:
0x19d: {  	v18 =	vld [tilespmem:s14+$0x20];
	v9 =	vadd.f32 v9, v14;
	v14 =	vadd.f32 v16, v15;
	v15 =	vmul.f32 v12, v12  }
0x19e: {  	[tilespmem:s18+$0xFFFFFFD0] =	vst v6;
	v16 =	vadd.f32 v4, v17;
	v4 =	vld [tilespmem:s14+$0x10];
	v7 =	vadd.f32 v10, v7  }
0x19f: {  	v17 =	vld [tilespmem:s14+$0x0];
	v9 =	vadd.f32 v12, v9;
	v10 =	vadd.f32 v15, v14;
	v12 =	vmul.f32 v6, v6  }
0x1a0: {  	v14 =	vld [tilespmem:s14+$0xFFFFFFF0];
	[tilespmem:s18+$0xFFFFFFE0] =	vst v16;
	v7 =	vadd.f32 v5, v7;
	v0 =	vadd.f32 v13, v8  }
0x1a1: {  	s18 =	sadd.s32 $0x400, s18;
	v8 =	vld [tilespmem:s14+$0xFFFFFFE0];
	v6 =	vadd.f32 v6, v9;
	v9 =	vadd.f32 v12, v10;
	v10 =	vmul.f32 v16, v16  }
0x1a2: {  	v12 =	vld [tilespmem:s18+$0xFFFFFFC0];
	[tilespmem:s10+$0xFFFFFFF0] =	vst v7;
	v11 =	vadd.f32 v11, v0;
	v5 =	vmov v18  }
0x1a3: {  	v13 =	vld [tilespmem:s18+$0xFFFFFFB0];
	v6 =	vadd.f32 v16, v6;
	v9 =	vadd.f32 v10, v9;
	v10 =	vmul.f32 v7, v7  }
0x1a4: {  	v15 =	vld [tilespmem:s14+$0xFFFFFFC0];
	[tilespmem:s10+$0x0] =	vst v11;
	s10 =	smov.u32 s18  }
0x1a5: {  	s19 =	sadd.s32 $0x400, s19;
	v16 =	vld [tilespmem:s18+$0xFFFFFF90];
	v6 =	vadd.f32 v7, v6;
	v7 =	vadd.f32 v10, v9;
	v9 =	vmul.f32 v11, v11  }
0x1a6: {  	s12 =	sadd.s32 $0x8, s12;
	v10 =	vld [tilespmem:s19+$0xFFFFFF90]  }
0x1a7: {  	p0 =	slt.u32 s12, $0x28;
	v18 =	vld [tilespmem:s18+$0xFFFFFFA0];
	v6 =	vadd.f32 v11, v6;
	v11 =	vadd.f32 v9, v7  }
0x1a8: {  	v7 =	vld [tilespmem:s19+$0xFFFFFFA0]  }
0x1a9: {  	v9 =	vld [tilespmem:s19+$0xFFFFFFB0]  }
0x1aa: {  	v19 =	vld [tilespmem:s14+$0xFFFFFFD0]  }
0x1ab: {  	v10 =	vadd.f32 v10, v16;
	v16 =	vld [tilespmem:s19+$0xFFFFFFC0]  }
0x1ac: {  	v20 =	vld [tilespmem:s18+$0xFFFFFFD0]  }
0x1ad: {  	v10 =	vadd.f32 v15, v10;
	v7 =	vadd.f32 v7, v18;
	v15 =	vld [tilespmem:s19+$0xFFFFFFD0]  }
0x1ae: {  	v9 =	vadd.f32 v9, v13;
	v18 =	vld [tilespmem:s18+$0xFFFFFFE0]  }
0x1af: {  	[tilespmem:s18+$0xFFFFFF90] =	vst v10;
	v13 =	vmul.f32 v10, v10;
	v19 =	vadd.f32 v19, v7;
	v21 =	vld [tilespmem:s19+$0xFFFFFFE0]  }
.Ltmp3:
0x1b0: {  	v9 =	vadd.f32 v8, v9;
	v8 =	vadd.f32 v16, v12;
	v7 =	vld [tilespmem:s18+$0xFFFFFFF0];
	(pc) =	sbr.rel @p0 .LBB2_9-.Ltmp3, $4  }
0x1b1: {  	v6 =	vadd.f32 v10, v6;
	v11 =	vadd.f32 v13, v11;
	[tilespmem:s18+$0xFFFFFFA0] =	vst v19;
	v13 =	vmul.f32 v19, v19;
	v10 =	vld [tilespmem:s19+$0xFFFFFFF0]  }
0x1b2: {  	[tilespmem:s18+$0xFFFFFFB0] =	vst v9;
	v12 =	vadd.f32 v14, v8;
	v20 =	vadd.f32 v15, v20;
	v8 =	vld [tilespmem:s18+$0x0]  }
0x1b3: {  	v14 =	vadd.f32 v19, v6;
	v16 =	vmul.f32 v9, v9;
	v15 =	vadd.f32 v13, v11;
	v13 =	vld [tilespmem:s19+$0x0]  }
0x1b4: {  	[tilespmem:s18+$0xFFFFFFC0] =	vst v12;
	v6 =	vadd.f32 v17, v20;
	v17 =	vadd.f32 v21, v18;
	v11 =	vld [tilespmem:s14+$0x30];
	s14 =	sadd.s32 $0x100, s14  }
0x1b5: {  	v9 =	vadd.f32 v9, v14  }
0x1b6: {  	v14 =	vadd.f32 v16, v15;
	v15 =	vmul.f32 v12, v12  }
0x1b7: {  	v7 =	vadd.f32 v10, v7;
	v9 =	vadd.f32 v12, v9  }
0x1b8: {  	v4 =	vadd.f32 v4, v17;
	v10 =	vadd.f32 v15, v14;
	v12 =	vmul.f32 v6, v6  }
0x1b9: {  	v5 =	vadd.f32 v5, v7;
	v7 =	vadd.f32 v6, v9  }
0x1ba: {  	v8 =	vadd.f32 v13, v8;
	v9 =	vadd.f32 v12, v10;
	v10 =	vmul.f32 v4, v4  }
0x1bb: {  	v7 =	vadd.f32 v4, v7  }
0x1bc: {  	v8 =	vadd.f32 v11, v8;
	v9 =	vadd.f32 v10, v9;
	v10 =	vmul.f32 v5, v5  }
0x1bd: {  	v7 =	vadd.f32 v5, v7  }
0x1be: {  	v9 =	vadd.f32 v10, v9;
	v10 =	vmul.f32 v8, v8  }
0x1bf: {  	v7 =	vadd.f32 v8, v7  }
0x1c0: {  	v9 =	vadd.f32 v10, v9  }
0x1c1: {  	(xrf2) =	vadd.scan.msk.f32 $0xffff, v7  }
0x1c2: {  	(xrf2) =	vadd.scan.msk.f32 $0xffff, v9;
	_ =	sdelay $0x8  }
0x1c3: {  	v7, _, _ =	vpop (xrf2)  }
0x1c4: {  	(v2sf) =	vpush v7, $0xF;
	v7, _, _ =	vpop (xrf2)  }
0x1c5: {  	(v2sf) =	vpush v7, $0xF;
	_ =	sdelay $0xd  }
0x1c6: {  	s12 =	spop (v2sf)  }
0x1c7: {  	(v2sf) =	vpush v3, $0x4;
	s14 =	spop (v2sf);
	s12 =	smul.f32 $1.302083370e-03, s12  }
0x1c8: {  	s14 =	smul.f32 $1.302083370e-03, s14  }
0x1c9: {  	s16 =	smul.f32 s12, s12;
	_ =	sdelay $0x1  }
0x1ca: {  	s14 =	ssub.f32 s14, s16;
	_ =	sdelay $0x1  }
0x1cb: {  	[tilespmem:s18+$0xFFFFFFD0] =	vst v6;
	s14 =	sadd.f32 $9.999999960e-13, s14  }
0x1cc: {  	[tilespmem:s18+$0xFFFFFFE0] =	vst v4  }
0x1cd: {  	[tilespmem:s10+$0xFFFFFFF0] =	vst v5;
	s30 =	sshra.s32 s14, $0x1;
	s14 =	smul.f32 $5.000000000e-01, s14  }
0x1ce: {  	[tilespmem:s10+$0x0] =	vst v8;
	s18 =	ssub.s32 $0x5F3759DF, s30  }
0x1cf: {  	v12 =	vld [tilespmem:s7+$0xFFFFFF90];
	s31 =	smul.f32 s18, s14  }
0x1d0: {  	v13 =	vld [tilespmem:s0+$0xFFFFFF90]  }
0x1d1: {  	s10 =	smul.f32 s18, s31  }
0x1d2: {  	v14 =	vld [tilespmem:s7+$0xFFFFFFA0]  }
0x1d3: {  	v15 =	vld [tilespmem:s0+$0xFFFFFFA0];
	s10 =	ssub.f32 $1.500000000e+00, s10  }
0x1d4: {  	v10 =	vld [tilespmem:s7+$0xFFFFFFC0];
	s29 =	spop (v2sf)  }
0x1d5: {  	v12 =	vadd.f32 v13, v12;
	v13 =	vld [tilespmem:s0+$0xFFFFFFC0];
	s19 =	sshrl.u32 s29, $0x1;
	s10 =	smul.f32 s18, s10  }
0x1d6: {  	v16 =	vld [tilespmem:s0+$0xFFFFFFB0];
	s19 =	smul.u32 $0x1800, s19;
	s16 =	sand.u32 $0x1, s29  }
0x1d7: {  	v18 =	vld [tilespmem:s7+$0xFFFFFFD0];
	s16 =	sshll.u32 s16, $0x9;
	s18 =	smul.f32 s10, s14  }
0x1d8: {  	v19 =	vld [tilespmem:s7+$0xFFFFFFE0];
	s16 =	sor.u32 s16, s19  }
0x1d9: {  	v9 =	vld [tilespmem:s7+$0xFFFFFFB0];
	s16 =	sshra.s32 s16, $0x2;
	s18 =	smul.f32 s18, s10  }
0x1da: {  	v13 =	vadd.f32 v13, v10;
	v10 =	vld [tilespmem:s0+$0xFFFFFFF0];
	s16 =	sadd.s32 $0xC240, s16  }
0x1db: {  	v11 =	vld [tilespmem:s16+$0xFFFFFFC0];
	s18 =	ssub.f32 $1.500000000e+00, s18  }
0x1dc: {  	v5 =	vld [tilespmem:s16+$0x20]  }
0x1dd: {  	v17 =	vld [tilespmem:s16+$0xFFFFFFD0];
	s10 =	smul.f32 s18, s10  }
0x1de: {  	v7 =	vld [tilespmem:s16+$0xFFFFFFE0]  }
0x1df: {  	v8 =	vld [tilespmem:s16+$0xFFFFFFF0];
	s14 =	smul.f32 s10, s14  }
0x1e0: {  	v11 =	vadd.f32 v11, v12;
	v12 =	vadd.f32 v15, v14;
	v14 =	vld [tilespmem:s0+$0xFFFFFFD0]  }
0x1e1: {  	v9 =	vadd.f32 v16, v9;
	v6 =	vld [tilespmem:s16+$0x0];
	s14 =	smul.f32 s14, s10  }
0x1e2: {  	v15 =	vmul.f32 v11, v11;
	v16 =	vadd.f32 v17, v12;
	v17 =	vld [tilespmem:s0+$0xFFFFFFE0]  }
0x1e3: {  	v4 =	vld [tilespmem:s16+$0x10];
	v9 =	vadd.f32 v7, v9;
	v12 =	vimm.f32 $0.0e+00;
	s14 =	ssub.f32 $1.500000000e+00, s14  }
0x1e4: {  	v7 =	vld [tilespmem:s7+$0xFFFFFFF0];
	[tilespmem:s7+$0xFFFFFF90] =	vst v11;
	v11 =	vadd.f32 v11, v12;
	v15 =	vadd.f32 v15, v12;
	v20 =	vmul.f32 v16, v16  }
0x1e5: {  	[tilespmem:s7+$0xFFFFFFB0] =	vst v9;
	v12 =	vadd.f32 v8, v13;
	v8 =	vld [tilespmem:s7+$0x0];
	v18 =	vadd.f32 v14, v18;
	s10 =	smul.f32 s14, s10  }
0x1e6: {  	[smem:$0x3] =	sst s12;
	s12 =	simm.s32 $0x0;
	[tilespmem:s7+$0xFFFFFFA0] =	vst v16;
	v13 =	vld [tilespmem:s0+$0x0];
	v14 =	vadd.f32 v16, v11;
	v16 =	vmul.f32 v9, v9;
	v15 =	vadd.f32 v20, v15  }
0x1e7: {  	v11 =	vld [tilespmem:s16+$0x30];
	[tilespmem:s7+$0xFFFFFFC0] =	vst v12;
	v6 =	vadd.f32 v6, v18;
	v17 =	vadd.f32 v17, v19;
	s14 =	sadd.s32 $0x100, s16;
	[smem:$0x83] =	sst s10;
	s10 =	smov.u32 s7  }
.LBB2_11:
0x1e8: {  	v18 =	vld [tilespmem:s14+$0x20];
	v9 =	vadd.f32 v9, v14;
	v14 =	vadd.f32 v16, v15;
	v15 =	vmul.f32 v12, v12  }
0x1e9: {  	[tilespmem:s7+$0xFFFFFFD0] =	vst v6;
	v16 =	vadd.f32 v4, v17;
	v4 =	vld [tilespmem:s14+$0x10];
	v7 =	vadd.f32 v10, v7  }
0x1ea: {  	v17 =	vld [tilespmem:s14+$0x0];
	v9 =	vadd.f32 v12, v9;
	v10 =	vadd.f32 v15, v14;
	v12 =	vmul.f32 v6, v6  }
0x1eb: {  	v14 =	vld [tilespmem:s14+$0xFFFFFFF0];
	[tilespmem:s7+$0xFFFFFFE0] =	vst v16;
	v7 =	vadd.f32 v5, v7;
	v0 =	vadd.f32 v13, v8  }
0x1ec: {  	s7 =	sadd.s32 $0x400, s7;
	v8 =	vld [tilespmem:s14+$0xFFFFFFE0];
	v6 =	vadd.f32 v6, v9;
	v9 =	vadd.f32 v12, v10;
	v10 =	vmul.f32 v16, v16  }
0x1ed: {  	v12 =	vld [tilespmem:s7+$0xFFFFFFC0];
	[tilespmem:s10+$0xFFFFFFF0] =	vst v7;
	v11 =	vadd.f32 v11, v0;
	v5 =	vmov v18  }
0x1ee: {  	v13 =	vld [tilespmem:s7+$0xFFFFFFB0];
	v6 =	vadd.f32 v16, v6;
	v9 =	vadd.f32 v10, v9;
	v10 =	vmul.f32 v7, v7  }
0x1ef: {  	v15 =	vld [tilespmem:s14+$0xFFFFFFC0];
	[tilespmem:s10+$0x0] =	vst v11;
	s10 =	smov.u32 s7  }
0x1f0: {  	s0 =	sadd.s32 $0x400, s0;
	v16 =	vld [tilespmem:s7+$0xFFFFFF90];
	v6 =	vadd.f32 v7, v6;
	v7 =	vadd.f32 v10, v9;
	v9 =	vmul.f32 v11, v11  }
0x1f1: {  	s12 =	sadd.s32 $0x8, s12;
	v10 =	vld [tilespmem:s0+$0xFFFFFF90]  }
0x1f2: {  	p0 =	slt.u32 s12, $0x28;
	v18 =	vld [tilespmem:s7+$0xFFFFFFA0];
	v6 =	vadd.f32 v11, v6;
	v11 =	vadd.f32 v9, v7  }
0x1f3: {  	v7 =	vld [tilespmem:s0+$0xFFFFFFA0]  }
0x1f4: {  	v9 =	vld [tilespmem:s0+$0xFFFFFFB0]  }
0x1f5: {  	v19 =	vld [tilespmem:s14+$0xFFFFFFD0]  }
0x1f6: {  	v10 =	vadd.f32 v10, v16;
	v16 =	vld [tilespmem:s0+$0xFFFFFFC0]  }
0x1f7: {  	v20 =	vld [tilespmem:s7+$0xFFFFFFD0]  }
0x1f8: {  	v10 =	vadd.f32 v15, v10;
	v7 =	vadd.f32 v7, v18;
	v15 =	vld [tilespmem:s0+$0xFFFFFFD0]  }
0x1f9: {  	v9 =	vadd.f32 v9, v13;
	v18 =	vld [tilespmem:s7+$0xFFFFFFE0]  }
0x1fa: {  	[tilespmem:s7+$0xFFFFFF90] =	vst v10;
	v13 =	vmul.f32 v10, v10;
	v19 =	vadd.f32 v19, v7;
	v21 =	vld [tilespmem:s0+$0xFFFFFFE0]  }
.Ltmp4:
0x1fb: {  	v9 =	vadd.f32 v8, v9;
	v8 =	vadd.f32 v16, v12;
	v7 =	vld [tilespmem:s7+$0xFFFFFFF0];
	(pc) =	sbr.rel @p0 .LBB2_11-.Ltmp4, $4  }
0x1fc: {  	v6 =	vadd.f32 v10, v6;
	v11 =	vadd.f32 v13, v11;
	[tilespmem:s7+$0xFFFFFFA0] =	vst v19;
	v13 =	vmul.f32 v19, v19;
	v10 =	vld [tilespmem:s0+$0xFFFFFFF0]  }
0x1fd: {  	[tilespmem:s7+$0xFFFFFFB0] =	vst v9;
	v12 =	vadd.f32 v14, v8;
	v20 =	vadd.f32 v15, v20;
	v8 =	vld [tilespmem:s7+$0x0]  }
0x1fe: {  	v14 =	vadd.f32 v19, v6;
	v16 =	vmul.f32 v9, v9;
	v15 =	vadd.f32 v13, v11;
	v13 =	vld [tilespmem:s0+$0x0]  }
0x1ff: {  	[tilespmem:s7+$0xFFFFFFC0] =	vst v12;
	v6 =	vadd.f32 v17, v20;
	v17 =	vadd.f32 v21, v18;
	v11 =	vld [tilespmem:s14+$0x30];
	s14 =	sadd.s32 $0x100, s14  }
0x200: {  	v9 =	vadd.f32 v9, v14  }
0x201: {  	v14 =	vadd.f32 v16, v15;
	v15 =	vmul.f32 v12, v12  }
0x202: {  	v7 =	vadd.f32 v10, v7;
	v9 =	vadd.f32 v12, v9  }
0x203: {  	v4 =	vadd.f32 v4, v17;
	v10 =	vadd.f32 v15, v14;
	v12 =	vmul.f32 v6, v6  }
0x204: {  	v5 =	vadd.f32 v5, v7;
	v7 =	vadd.f32 v6, v9  }
0x205: {  	v8 =	vadd.f32 v13, v8;
	v9 =	vadd.f32 v12, v10;
	v10 =	vmul.f32 v4, v4  }
0x206: {  	v7 =	vadd.f32 v4, v7  }
0x207: {  	v8 =	vadd.f32 v11, v8;
	v9 =	vadd.f32 v10, v9;
	v10 =	vmul.f32 v5, v5  }
0x208: {  	v7 =	vadd.f32 v5, v7  }
0x209: {  	v9 =	vadd.f32 v10, v9;
	v10 =	vmul.f32 v8, v8  }
0x20a: {  	v7 =	vadd.f32 v8, v7  }
0x20b: {  	v9 =	vadd.f32 v10, v9  }
0x20c: {  	(xrf2) =	vadd.scan.msk.f32 $0xffff, v7  }
0x20d: {  	(xrf2) =	vadd.scan.msk.f32 $0xffff, v9;
	_ =	sdelay $0x8  }
0x20e: {  	v7, _, _ =	vpop (xrf2)  }
0x20f: {  	(v2sf) =	vpush v7, $0xF;
	v7, _, _ =	vpop (xrf2)  }
0x210: {  	(v2sf) =	vpush v7, $0xF;
	_ =	sdelay $0x4  }
0x211: {  	(v2sf) =	vpush v3, $0x5;
	_ =	sdelay $0x8  }
0x212: {  	s0 =	spop (v2sf)  }
0x213: {  	s12 =	spop (v2sf);
	s0 =	smul.f32 $1.302083370e-03, s0  }
0x214: {  	s12 =	smul.f32 $1.302083370e-03, s12  }
0x215: {  	s14 =	smul.f32 s0, s0;
	_ =	sdelay $0x1  }
0x216: {  	s12 =	ssub.f32 s12, s14  }
0x217: {  	s18 =	spop (v2sf)  }
0x218: {  	[tilespmem:s7+$0xFFFFFFD0] =	vst v6;
	s16 =	sshrl.u32 s18, $0x1;
	s12 =	sadd.f32 $9.999999960e-13, s12  }
0x219: {  	[tilespmem:s7+$0xFFFFFFE0] =	vst v4;
	s16 =	smul.u32 $0x1800, s16;
	s14 =	sand.u32 $0x1, s18  }
0x21a: {  	[tilespmem:s10+$0xFFFFFFF0] =	vst v5;
	s14 =	sshll.u32 s14, $0x9;
	s26 =	sshra.s32 s12, $0x1;
	s12 =	smul.f32 $5.000000000e-01, s12  }
0x21b: {  	[tilespmem:s10+$0x0] =	vst v8;
	s19 =	sor.u32 s14, s16;
	s14 =	ssub.s32 $0x5F3759DF, s26  }
0x21c: {  	v12 =	vld [tilespmem:s6+$0xFFFFFF90];
	s28 =	smul.f32 s14, s12  }
0x21d: {  	v13 =	vld [tilespmem:s8+$0xFFFFFF90]  }
0x21e: {  	s30 =	smul.f32 s14, s28  }
0x21f: {  	v14 =	vld [tilespmem:s6+$0xFFFFFFA0];
	s7 =	sshra.s32 s19, $0x2  }
0x220: {  	v15 =	vld [tilespmem:s8+$0xFFFFFFA0];
	s29 =	sadd.s32 $0xC240, s7;
	s7 =	ssub.f32 $1.500000000e+00, s30  }
0x221: {  	v10 =	vld [tilespmem:s6+$0xFFFFFFC0]  }
0x222: {  	v12 =	vadd.f32 v13, v12;
	v13 =	vld [tilespmem:s8+$0xFFFFFFC0];
	s7 =	smul.f32 s14, s7  }
0x223: {  	v16 =	vld [tilespmem:s8+$0xFFFFFFB0]  }
0x224: {  	v18 =	vld [tilespmem:s6+$0xFFFFFFD0];
	s31 =	smul.f32 s7, s12  }
0x225: {  	v19 =	vld [tilespmem:s6+$0xFFFFFFE0]  }
0x226: {  	v9 =	vld [tilespmem:s6+$0xFFFFFFB0];
	s10 =	smul.f32 s31, s7  }
0x227: {  	v13 =	vadd.f32 v13, v10;
	v10 =	vld [tilespmem:s8+$0xFFFFFFF0]  }
0x228: {  	v11 =	vld [tilespmem:s29+$0xFFFFFFC0];
	s10 =	ssub.f32 $1.500000000e+00, s10  }
0x229: {  	v5 =	vld [tilespmem:s29+$0x20]  }
0x22a: {  	v17 =	vld [tilespmem:s29+$0xFFFFFFD0];
	s7 =	smul.f32 s10, s7  }
0x22b: {  	v7 =	vld [tilespmem:s29+$0xFFFFFFE0]  }
0x22c: {  	v8 =	vld [tilespmem:s29+$0xFFFFFFF0];
	s10 =	smul.f32 s7, s12  }
0x22d: {  	v11 =	vadd.f32 v11, v12;
	v12 =	vadd.f32 v15, v14;
	v14 =	vld [tilespmem:s8+$0xFFFFFFD0]  }
0x22e: {  	v9 =	vadd.f32 v16, v9;
	v6 =	vld [tilespmem:s29+$0x0];
	s10 =	smul.f32 s10, s7  }
0x22f: {  	v15 =	vmul.f32 v11, v11;
	v16 =	vadd.f32 v17, v12;
	v17 =	vld [tilespmem:s8+$0xFFFFFFE0]  }
0x230: {  	v4 =	vld [tilespmem:s29+$0x10];
	v9 =	vadd.f32 v7, v9;
	v12 =	vimm.f32 $0.0e+00;
	s10 =	ssub.f32 $1.500000000e+00, s10  }
0x231: {  	v7 =	vld [tilespmem:s6+$0xFFFFFFF0];
	[tilespmem:s6+$0xFFFFFF90] =	vst v11;
	v11 =	vadd.f32 v11, v12;
	v15 =	vadd.f32 v15, v12;
	v20 =	vmul.f32 v16, v16  }
0x232: {  	[tilespmem:s6+$0xFFFFFFB0] =	vst v9;
	v12 =	vadd.f32 v8, v13;
	v8 =	vld [tilespmem:s6+$0x0];
	v18 =	vadd.f32 v14, v18;
	s7 =	smul.f32 s10, s7  }
0x233: {  	[smem:$0x4] =	sst s0;
	s0 =	smov.u32 s6;
	[tilespmem:s6+$0xFFFFFFA0] =	vst v16;
	v13 =	vld [tilespmem:s8+$0x0];
	v14 =	vadd.f32 v16, v11;
	v16 =	vmul.f32 v9, v9;
	v15 =	vadd.f32 v20, v15  }
0x234: {  	v11 =	vld [tilespmem:s29+$0x30];
	[tilespmem:s6+$0xFFFFFFC0] =	vst v12;
	v6 =	vadd.f32 v6, v18;
	v17 =	vadd.f32 v17, v19;
	s10 =	sadd.s32 $0x100, s29;
	[smem:$0x84] =	sst s7;
	s7 =	simm.s32 $0x0  }
.LBB2_13:
0x235: {  	v18 =	vld [tilespmem:s10+$0x20];
	v9 =	vadd.f32 v9, v14;
	v14 =	vadd.f32 v16, v15;
	v15 =	vmul.f32 v12, v12  }
0x236: {  	[tilespmem:s6+$0xFFFFFFD0] =	vst v6;
	v16 =	vadd.f32 v4, v17;
	v4 =	vld [tilespmem:s10+$0x10];
	v7 =	vadd.f32 v10, v7  }
0x237: {  	v17 =	vld [tilespmem:s10+$0x0];
	v9 =	vadd.f32 v12, v9;
	v10 =	vadd.f32 v15, v14;
	v12 =	vmul.f32 v6, v6  }
0x238: {  	v14 =	vld [tilespmem:s10+$0xFFFFFFF0];
	[tilespmem:s6+$0xFFFFFFE0] =	vst v16;
	v7 =	vadd.f32 v5, v7;
	v0 =	vadd.f32 v13, v8  }
0x239: {  	s6 =	sadd.s32 $0x400, s6;
	v8 =	vld [tilespmem:s10+$0xFFFFFFE0];
	v6 =	vadd.f32 v6, v9;
	v9 =	vadd.f32 v12, v10;
	v10 =	vmul.f32 v16, v16  }
0x23a: {  	v12 =	vld [tilespmem:s6+$0xFFFFFFC0];
	[tilespmem:s0+$0xFFFFFFF0] =	vst v7;
	v11 =	vadd.f32 v11, v0;
	v5 =	vmov v18  }
0x23b: {  	v13 =	vld [tilespmem:s6+$0xFFFFFFB0];
	v6 =	vadd.f32 v16, v6;
	v9 =	vadd.f32 v10, v9;
	v10 =	vmul.f32 v7, v7  }
0x23c: {  	v15 =	vld [tilespmem:s10+$0xFFFFFFC0];
	[tilespmem:s0+$0x0] =	vst v11;
	s0 =	smov.u32 s6  }
0x23d: {  	s8 =	sadd.s32 $0x400, s8;
	v16 =	vld [tilespmem:s6+$0xFFFFFF90];
	v6 =	vadd.f32 v7, v6;
	v7 =	vadd.f32 v10, v9;
	v9 =	vmul.f32 v11, v11  }
0x23e: {  	s7 =	sadd.s32 $0x8, s7;
	v10 =	vld [tilespmem:s8+$0xFFFFFF90]  }
0x23f: {  	p0 =	slt.u32 s7, $0x28;
	v18 =	vld [tilespmem:s6+$0xFFFFFFA0];
	v6 =	vadd.f32 v11, v6;
	v11 =	vadd.f32 v9, v7  }
0x240: {  	v7 =	vld [tilespmem:s8+$0xFFFFFFA0]  }
0x241: {  	v9 =	vld [tilespmem:s8+$0xFFFFFFB0]  }
0x242: {  	v19 =	vld [tilespmem:s10+$0xFFFFFFD0]  }
0x243: {  	v10 =	vadd.f32 v10, v16;
	v16 =	vld [tilespmem:s8+$0xFFFFFFC0]  }
0x244: {  	v20 =	vld [tilespmem:s6+$0xFFFFFFD0]  }
0x245: {  	v10 =	vadd.f32 v15, v10;
	v7 =	vadd.f32 v7, v18;
	v15 =	vld [tilespmem:s8+$0xFFFFFFD0]  }
0x246: {  	v9 =	vadd.f32 v9, v13;
	v18 =	vld [tilespmem:s6+$0xFFFFFFE0]  }
0x247: {  	[tilespmem:s6+$0xFFFFFF90] =	vst v10;
	v13 =	vmul.f32 v10, v10;
	v19 =	vadd.f32 v19, v7;
	v21 =	vld [tilespmem:s8+$0xFFFFFFE0]  }
.Ltmp5:
0x248: {  	v9 =	vadd.f32 v8, v9;
	v8 =	vadd.f32 v16, v12;
	v7 =	vld [tilespmem:s6+$0xFFFFFFF0];
	(pc) =	sbr.rel @p0 .LBB2_13-.Ltmp5, $4  }
0x249: {  	v6 =	vadd.f32 v10, v6;
	v11 =	vadd.f32 v13, v11;
	[tilespmem:s6+$0xFFFFFFA0] =	vst v19;
	v13 =	vmul.f32 v19, v19;
	v10 =	vld [tilespmem:s8+$0xFFFFFFF0]  }
0x24a: {  	[tilespmem:s6+$0xFFFFFFB0] =	vst v9;
	v12 =	vadd.f32 v14, v8;
	v20 =	vadd.f32 v15, v20;
	v8 =	vld [tilespmem:s6+$0x0]  }
0x24b: {  	v14 =	vadd.f32 v19, v6;
	v16 =	vmul.f32 v9, v9;
	v15 =	vadd.f32 v13, v11;
	v13 =	vld [tilespmem:s8+$0x0]  }
0x24c: {  	[tilespmem:s6+$0xFFFFFFC0] =	vst v12;
	v6 =	vadd.f32 v17, v20;
	v17 =	vadd.f32 v21, v18;
	v11 =	vld [tilespmem:s10+$0x30];
	s10 =	sadd.s32 $0x100, s10  }
0x24d: {  	v9 =	vadd.f32 v9, v14  }
0x24e: {  	v14 =	vadd.f32 v16, v15;
	v15 =	vmul.f32 v12, v12  }
0x24f: {  	v7 =	vadd.f32 v10, v7;
	v9 =	vadd.f32 v12, v9  }
0x250: {  	v4 =	vadd.f32 v4, v17;
	v10 =	vadd.f32 v15, v14;
	v12 =	vmul.f32 v6, v6  }
0x251: {  	v5 =	vadd.f32 v5, v7;
	v7 =	vadd.f32 v6, v9  }
0x252: {  	v8 =	vadd.f32 v13, v8;
	v9 =	vadd.f32 v12, v10;
	v10 =	vmul.f32 v4, v4  }
0x253: {  	v7 =	vadd.f32 v4, v7  }
0x254: {  	v8 =	vadd.f32 v11, v8;
	v9 =	vadd.f32 v10, v9;
	v10 =	vmul.f32 v5, v5  }
0x255: {  	v7 =	vadd.f32 v5, v7  }
0x256: {  	v9 =	vadd.f32 v10, v9;
	v10 =	vmul.f32 v8, v8  }
0x257: {  	v7 =	vadd.f32 v8, v7  }
0x258: {  	v9 =	vadd.f32 v10, v9  }
0x259: {  	(xrf2) =	vadd.scan.msk.f32 $0xffff, v7  }
0x25a: {  	(xrf2) =	vadd.scan.msk.f32 $0xffff, v9;
	_ =	sdelay $0x8  }
0x25b: {  	v7, _, _ =	vpop (xrf2)  }
0x25c: {  	(v2sf) =	vpush v7, $0xF;
	v7, _, _ =	vpop (xrf2)  }
0x25d: {  	(v2sf) =	vpush v7, $0xF;
	_ =	sdelay $0x4  }
0x25e: {  	(v2sf) =	vpush v3, $0x6;
	_ =	sdelay $0x8  }
0x25f: {  	s7 =	spop (v2sf)  }
0x260: {  	s8 =	spop (v2sf);
	s7 =	smul.f32 $1.302083370e-03, s7  }
0x261: {  	s8 =	smul.f32 $1.302083370e-03, s8  }
0x262: {  	s10 =	smul.f32 s7, s7;
	_ =	sdelay $0x1  }
0x263: {  	s8 =	ssub.f32 s8, s10  }
0x264: {  	s19 =	spop (v2sf)  }
0x265: {  	[tilespmem:s6+$0xFFFFFFD0] =	vst v6;
	s12 =	sshrl.u32 s19, $0x1;
	s8 =	sadd.f32 $9.999999960e-13, s8  }
0x266: {  	[tilespmem:s6+$0xFFFFFFE0] =	vst v4;
	s12 =	smul.u32 $0x1800, s12;
	s10 =	sand.u32 $0x1, s19  }
0x267: {  	[tilespmem:s0+$0xFFFFFFF0] =	vst v5;
	s10 =	sshll.u32 s10, $0x9;
	s28 =	sshra.s32 s8, $0x1;
	s8 =	smul.f32 $5.000000000e-01, s8  }
0x268: {  	[tilespmem:s0+$0x0] =	vst v8;
	s26 =	sor.u32 s10, s12;
	s10 =	ssub.s32 $0x5F3759DF, s28  }
0x269: {  	v12 =	vld [tilespmem:s24+$0xFFFFFF90];
	s29 =	smul.f32 s10, s8  }
0x26a: {  	v13 =	vld [tilespmem:s25+$0xFFFFFF90]  }
0x26b: {  	s0 =	smul.f32 s10, s29  }
0x26c: {  	v14 =	vld [tilespmem:s24+$0xFFFFFFA0]  }
0x26d: {  	v15 =	vld [tilespmem:s25+$0xFFFFFFA0];
	s0 =	ssub.f32 $1.500000000e+00, s0  }
0x26e: {  	v10 =	vld [tilespmem:s24+$0xFFFFFFC0]  }
0x26f: {  	v12 =	vadd.f32 v13, v12;
	v13 =	vld [tilespmem:s25+$0xFFFFFFC0];
	s0 =	smul.f32 s10, s0  }
0x270: {  	v16 =	vld [tilespmem:s25+$0xFFFFFFB0]  }
0x271: {  	v18 =	vld [tilespmem:s24+$0xFFFFFFD0];
	s31 =	smul.f32 s0, s8  }
0x272: {  	v19 =	vld [tilespmem:s24+$0xFFFFFFE0];
	s6 =	sshra.s32 s26, $0x2  }
0x273: {  	v9 =	vld [tilespmem:s24+$0xFFFFFFB0];
	s30 =	sadd.s32 $0xC240, s6;
	s6 =	smul.f32 s31, s0  }
0x274: {  	v13 =	vadd.f32 v13, v10;
	v10 =	vld [tilespmem:s25+$0xFFFFFFF0]  }
0x275: {  	v11 =	vld [tilespmem:s30+$0xFFFFFFC0];
	s6 =	ssub.f32 $1.500000000e+00, s6  }
0x276: {  	v5 =	vld [tilespmem:s30+$0x20]  }
0x277: {  	v17 =	vld [tilespmem:s30+$0xFFFFFFD0];
	s0 =	smul.f32 s6, s0  }
0x278: {  	v7 =	vld [tilespmem:s30+$0xFFFFFFE0]  }
0x279: {  	v8 =	vld [tilespmem:s30+$0xFFFFFFF0];
	s6 =	smul.f32 s0, s8  }
0x27a: {  	v11 =	vadd.f32 v11, v12;
	v12 =	vadd.f32 v15, v14;
	v14 =	vld [tilespmem:s25+$0xFFFFFFD0]  }
0x27b: {  	v9 =	vadd.f32 v16, v9;
	v6 =	vld [tilespmem:s30+$0x0];
	s6 =	smul.f32 s6, s0  }
0x27c: {  	v15 =	vmul.f32 v11, v11;
	v16 =	vadd.f32 v17, v12;
	v17 =	vld [tilespmem:s25+$0xFFFFFFE0]  }
0x27d: {  	v4 =	vld [tilespmem:s30+$0x10];
	v9 =	vadd.f32 v7, v9;
	v12 =	vimm.f32 $0.0e+00;
	s6 =	ssub.f32 $1.500000000e+00, s6  }
0x27e: {  	v7 =	vld [tilespmem:s24+$0xFFFFFFF0];
	[tilespmem:s24+$0xFFFFFF90] =	vst v11;
	v11 =	vadd.f32 v11, v12;
	v15 =	vadd.f32 v15, v12;
	v20 =	vmul.f32 v16, v16  }
0x27f: {  	[tilespmem:s24+$0xFFFFFFB0] =	vst v9;
	v12 =	vadd.f32 v8, v13;
	v8 =	vld [tilespmem:s24+$0x0];
	v18 =	vadd.f32 v14, v18;
	s0 =	smul.f32 s6, s0  }
0x280: {  	[smem:$0x5] =	sst s7;
	s7 =	sadd.s32 $0x100, s30;
	[tilespmem:s24+$0xFFFFFFA0] =	vst v16;
	v13 =	vld [tilespmem:s25+$0x0];
	v14 =	vadd.f32 v16, v11;
	v16 =	vmul.f32 v9, v9;
	v15 =	vadd.f32 v20, v15  }
0x281: {  	v11 =	vld [tilespmem:s30+$0x30];
	[tilespmem:s24+$0xFFFFFFC0] =	vst v12;
	v6 =	vadd.f32 v6, v18;
	v17 =	vadd.f32 v17, v19;
	s6 =	simm.s32 $0x0;
	[smem:$0x85] =	sst s0;
	s0 =	smov.u32 s24  }
.LBB2_15:
0x282: {  	v18 =	vld [tilespmem:s7+$0x20];
	v9 =	vadd.f32 v9, v14;
	v14 =	vadd.f32 v16, v15;
	v15 =	vmul.f32 v12, v12  }
0x283: {  	[tilespmem:s24+$0xFFFFFFD0] =	vst v6;
	v16 =	vadd.f32 v4, v17;
	v4 =	vld [tilespmem:s7+$0x10];
	v7 =	vadd.f32 v10, v7  }
0x284: {  	v17 =	vld [tilespmem:s7+$0x0];
	v9 =	vadd.f32 v12, v9;
	v10 =	vadd.f32 v15, v14;
	v12 =	vmul.f32 v6, v6  }
0x285: {  	v14 =	vld [tilespmem:s7+$0xFFFFFFF0];
	[tilespmem:s24+$0xFFFFFFE0] =	vst v16;
	v7 =	vadd.f32 v5, v7;
	v0 =	vadd.f32 v13, v8  }
0x286: {  	s24 =	sadd.s32 $0x400, s24;
	v8 =	vld [tilespmem:s7+$0xFFFFFFE0];
	v6 =	vadd.f32 v6, v9;
	v9 =	vadd.f32 v12, v10;
	v10 =	vmul.f32 v16, v16  }
0x287: {  	v12 =	vld [tilespmem:s24+$0xFFFFFFC0];
	[tilespmem:s0+$0xFFFFFFF0] =	vst v7;
	v11 =	vadd.f32 v11, v0;
	v5 =	vmov v18  }
0x288: {  	v13 =	vld [tilespmem:s24+$0xFFFFFFB0];
	v6 =	vadd.f32 v16, v6;
	v9 =	vadd.f32 v10, v9;
	v10 =	vmul.f32 v7, v7  }
0x289: {  	v15 =	vld [tilespmem:s7+$0xFFFFFFC0];
	[tilespmem:s0+$0x0] =	vst v11;
	s0 =	smov.u32 s24  }
0x28a: {  	s25 =	sadd.s32 $0x400, s25;
	v16 =	vld [tilespmem:s24+$0xFFFFFF90];
	v6 =	vadd.f32 v7, v6;
	v7 =	vadd.f32 v10, v9;
	v9 =	vmul.f32 v11, v11  }
0x28b: {  	s6 =	sadd.s32 $0x8, s6;
	v10 =	vld [tilespmem:s25+$0xFFFFFF90]  }
0x28c: {  	p0 =	slt.u32 s6, $0x28;
	v18 =	vld [tilespmem:s24+$0xFFFFFFA0];
	v6 =	vadd.f32 v11, v6;
	v11 =	vadd.f32 v9, v7  }
0x28d: {  	v7 =	vld [tilespmem:s25+$0xFFFFFFA0]  }
0x28e: {  	v9 =	vld [tilespmem:s25+$0xFFFFFFB0]  }
0x28f: {  	v19 =	vld [tilespmem:s7+$0xFFFFFFD0]  }
0x290: {  	v10 =	vadd.f32 v10, v16;
	v16 =	vld [tilespmem:s25+$0xFFFFFFC0]  }
0x291: {  	v20 =	vld [tilespmem:s24+$0xFFFFFFD0]  }
0x292: {  	v10 =	vadd.f32 v15, v10;
	v7 =	vadd.f32 v7, v18;
	v15 =	vld [tilespmem:s25+$0xFFFFFFD0]  }
0x293: {  	v9 =	vadd.f32 v9, v13;
	v18 =	vld [tilespmem:s24+$0xFFFFFFE0]  }
0x294: {  	[tilespmem:s24+$0xFFFFFF90] =	vst v10;
	v13 =	vmul.f32 v10, v10;
	v19 =	vadd.f32 v19, v7;
	v21 =	vld [tilespmem:s25+$0xFFFFFFE0]  }
.Ltmp6:
0x295: {  	v9 =	vadd.f32 v8, v9;
	v8 =	vadd.f32 v16, v12;
	v7 =	vld [tilespmem:s24+$0xFFFFFFF0];
	(pc) =	sbr.rel @p0 .LBB2_15-.Ltmp6, $4  }
0x296: {  	v6 =	vadd.f32 v10, v6;
	v11 =	vadd.f32 v13, v11;
	[tilespmem:s24+$0xFFFFFFA0] =	vst v19;
	v13 =	vmul.f32 v19, v19;
	v10 =	vld [tilespmem:s25+$0xFFFFFFF0]  }
0x297: {  	[tilespmem:s24+$0xFFFFFFB0] =	vst v9;
	v12 =	vadd.f32 v14, v8;
	v20 =	vadd.f32 v15, v20;
	v8 =	vld [tilespmem:s24+$0x0]  }
0x298: {  	v14 =	vadd.f32 v19, v6;
	v16 =	vmul.f32 v9, v9;
	v15 =	vadd.f32 v13, v11;
	v13 =	vld [tilespmem:s25+$0x0]  }
0x299: {  	[tilespmem:s24+$0xFFFFFFC0] =	vst v12;
	v6 =	vadd.f32 v17, v20;
	v17 =	vadd.f32 v21, v18;
	v11 =	vld [tilespmem:s7+$0x30];
	s7 =	sadd.s32 $0x100, s7  }
0x29a: {  	v9 =	vadd.f32 v9, v14  }
0x29b: {  	v14 =	vadd.f32 v16, v15;
	v15 =	vmul.f32 v12, v12  }
0x29c: {  	v7 =	vadd.f32 v10, v7;
	v9 =	vadd.f32 v12, v9  }
0x29d: {  	v4 =	vadd.f32 v4, v17;
	v10 =	vadd.f32 v15, v14;
	v12 =	vmul.f32 v6, v6  }
0x29e: {  	v5 =	vadd.f32 v5, v7;
	v7 =	vadd.f32 v6, v9  }
0x29f: {  	v8 =	vadd.f32 v13, v8;
	v9 =	vadd.f32 v12, v10;
	v10 =	vmul.f32 v4, v4  }
0x2a0: {  	v7 =	vadd.f32 v4, v7  }
0x2a1: {  	v8 =	vadd.f32 v11, v8;
	v9 =	vadd.f32 v10, v9;
	v10 =	vmul.f32 v5, v5  }
0x2a2: {  	v7 =	vadd.f32 v5, v7  }
0x2a3: {  	v9 =	vadd.f32 v10, v9;
	v10 =	vmul.f32 v8, v8  }
0x2a4: {  	v7 =	vadd.f32 v8, v7  }
0x2a5: {  	v9 =	vadd.f32 v10, v9  }
0x2a6: {  	(xrf2) =	vadd.scan.msk.f32 $0xffff, v7  }
0x2a7: {  	(xrf2) =	vadd.scan.msk.f32 $0xffff, v9;
	_ =	sdelay $0x8  }
0x2a8: {  	v7, _, _ =	vpop (xrf2)  }
0x2a9: {  	(v2sf) =	vpush v7, $0xF;
	v7, _, _ =	vpop (xrf2)  }
0x2aa: {  	(v2sf) =	vpush v7, $0xF;
	_ =	sdelay $0x4  }
0x2ab: {  	(v2sf) =	vpush v3, $0x7;
	_ =	sdelay $0x8  }
0x2ac: {  	s6 =	spop (v2sf)  }
0x2ad: {  	s7 =	spop (v2sf);
	s6 =	smul.f32 $1.302083370e-03, s6  }
0x2ae: {  	s7 =	smul.f32 $1.302083370e-03, s7  }
0x2af: {  	s8 =	smul.f32 s6, s6;
	_ =	sdelay $0x1  }
0x2b0: {  	s7 =	ssub.f32 s7, s8  }
0x2b1: {  	s29 =	spop (v2sf)  }
0x2b2: {  	[tilespmem:s24+$0xFFFFFFD0] =	vst v6;
	s10 =	sshrl.u32 s29, $0x1;
	s7 =	sadd.f32 $9.999999960e-13, s7  }
0x2b3: {  	[tilespmem:s24+$0xFFFFFFE0] =	vst v4;
	s10 =	smul.u32 $0x1800, s10;
	s8 =	sand.u32 $0x1, s29  }
0x2b4: {  	[tilespmem:s0+$0xFFFFFFF0] =	vst v5;
	s8 =	sshll.u32 s8, $0x9;
	s30 =	sshra.s32 s7, $0x1;
	s7 =	smul.f32 $5.000000000e-01, s7  }
0x2b5: {  	[tilespmem:s0+$0x0] =	vst v8;
	s8 =	sor.u32 s8, s10;
	s10 =	ssub.s32 $0x5F3759DF, s30  }
0x2b6: {  	v12 =	vld [tilespmem:s22+$0xFFFFFF90];
	s31 =	smul.f32 s10, s7  }
0x2b7: {  	v13 =	vld [tilespmem:s23+$0xFFFFFF90]  }
0x2b8: {  	s0 =	smul.f32 s10, s31  }
0x2b9: {  	v14 =	vld [tilespmem:s22+$0xFFFFFFA0]  }
0x2ba: {  	v15 =	vld [tilespmem:s23+$0xFFFFFFA0];
	s0 =	ssub.f32 $1.500000000e+00, s0  }
0x2bb: {  	v10 =	vld [tilespmem:s22+$0xFFFFFFC0]  }
0x2bc: {  	v12 =	vadd.f32 v13, v12;
	v13 =	vld [tilespmem:s23+$0xFFFFFFC0];
	s0 =	smul.f32 s10, s0  }
0x2bd: {  	v16 =	vld [tilespmem:s23+$0xFFFFFFB0]  }
0x2be: {  	v18 =	vld [tilespmem:s22+$0xFFFFFFD0];
	s10 =	smul.f32 s0, s7  }
0x2bf: {  	v19 =	vld [tilespmem:s22+$0xFFFFFFE0]  }
0x2c0: {  	v9 =	vld [tilespmem:s22+$0xFFFFFFB0];
	s8 =	sshra.s32 s8, $0x2;
	s10 =	smul.f32 s10, s0  }
0x2c1: {  	v13 =	vadd.f32 v13, v10;
	v10 =	vld [tilespmem:s23+$0xFFFFFFF0];
	s8 =	sadd.s32 $0xC240, s8  }
0x2c2: {  	v11 =	vld [tilespmem:s8+$0xFFFFFFC0];
	s10 =	ssub.f32 $1.500000000e+00, s10  }
0x2c3: {  	v5 =	vld [tilespmem:s8+$0x20]  }
0x2c4: {  	v17 =	vld [tilespmem:s8+$0xFFFFFFD0];
	s0 =	smul.f32 s10, s0  }
0x2c5: {  	v7 =	vld [tilespmem:s8+$0xFFFFFFE0]  }
0x2c6: {  	v8 =	vld [tilespmem:s8+$0xFFFFFFF0];
	s7 =	smul.f32 s0, s7  }
0x2c7: {  	v11 =	vadd.f32 v11, v12;
	v12 =	vadd.f32 v15, v14;
	v14 =	vld [tilespmem:s23+$0xFFFFFFD0]  }
0x2c8: {  	v9 =	vadd.f32 v16, v9;
	v6 =	vld [tilespmem:s8+$0x0];
	s7 =	smul.f32 s7, s0  }
0x2c9: {  	v15 =	vmul.f32 v11, v11;
	v16 =	vadd.f32 v17, v12;
	v17 =	vld [tilespmem:s23+$0xFFFFFFE0]  }
0x2ca: {  	v4 =	vld [tilespmem:s8+$0x10];
	v9 =	vadd.f32 v7, v9;
	v12 =	vimm.f32 $0.0e+00;
	s7 =	ssub.f32 $1.500000000e+00, s7  }
0x2cb: {  	v7 =	vld [tilespmem:s22+$0xFFFFFFF0];
	[tilespmem:s22+$0xFFFFFF90] =	vst v11;
	v11 =	vadd.f32 v11, v12;
	v15 =	vadd.f32 v15, v12;
	v20 =	vmul.f32 v16, v16  }
0x2cc: {  	[tilespmem:s22+$0xFFFFFFB0] =	vst v9;
	v12 =	vadd.f32 v8, v13;
	v8 =	vld [tilespmem:s22+$0x0];
	v18 =	vadd.f32 v14, v18;
	s0 =	smul.f32 s7, s0  }
0x2cd: {  	[smem:$0x6] =	sst s6;
	s6 =	simm.s32 $0x0;
	[tilespmem:s22+$0xFFFFFFA0] =	vst v16;
	v13 =	vld [tilespmem:s23+$0x0];
	v14 =	vadd.f32 v16, v11;
	v16 =	vmul.f32 v9, v9;
	v15 =	vadd.f32 v20, v15  }
0x2ce: {  	v11 =	vld [tilespmem:s8+$0x30];
	[tilespmem:s22+$0xFFFFFFC0] =	vst v12;
	v6 =	vadd.f32 v6, v18;
	v17 =	vadd.f32 v17, v19;
	s7 =	sadd.s32 $0x100, s8;
	[smem:$0x86] =	sst s0;
	s0 =	smov.u32 s22  }
.LBB2_17:
0x2cf: {  	v18 =	vld [tilespmem:s7+$0x20];
	v9 =	vadd.f32 v9, v14;
	v14 =	vadd.f32 v16, v15;
	v15 =	vmul.f32 v12, v12  }
0x2d0: {  	[tilespmem:s22+$0xFFFFFFD0] =	vst v6;
	v16 =	vadd.f32 v4, v17;
	v4 =	vld [tilespmem:s7+$0x10];
	v7 =	vadd.f32 v10, v7  }
0x2d1: {  	v17 =	vld [tilespmem:s7+$0x0];
	v9 =	vadd.f32 v12, v9;
	v10 =	vadd.f32 v15, v14;
	v12 =	vmul.f32 v6, v6  }
0x2d2: {  	v14 =	vld [tilespmem:s7+$0xFFFFFFF0];
	[tilespmem:s22+$0xFFFFFFE0] =	vst v16;
	v7 =	vadd.f32 v5, v7;
	v0 =	vadd.f32 v13, v8  }
0x2d3: {  	s22 =	sadd.s32 $0x400, s22;
	v8 =	vld [tilespmem:s7+$0xFFFFFFE0];
	v6 =	vadd.f32 v6, v9;
	v9 =	vadd.f32 v12, v10;
	v10 =	vmul.f32 v16, v16  }
0x2d4: {  	v12 =	vld [tilespmem:s22+$0xFFFFFFC0];
	[tilespmem:s0+$0xFFFFFFF0] =	vst v7;
	v11 =	vadd.f32 v11, v0;
	v5 =	vmov v18  }
0x2d5: {  	v13 =	vld [tilespmem:s22+$0xFFFFFFB0];
	v6 =	vadd.f32 v16, v6;
	v9 =	vadd.f32 v10, v9;
	v10 =	vmul.f32 v7, v7  }
0x2d6: {  	v15 =	vld [tilespmem:s7+$0xFFFFFFC0];
	[tilespmem:s0+$0x0] =	vst v11;
	s0 =	smov.u32 s22  }
0x2d7: {  	s23 =	sadd.s32 $0x400, s23;
	v16 =	vld [tilespmem:s22+$0xFFFFFF90];
	v6 =	vadd.f32 v7, v6;
	v7 =	vadd.f32 v10, v9;
	v9 =	vmul.f32 v11, v11  }
0x2d8: {  	s6 =	sadd.s32 $0x8, s6;
	v10 =	vld [tilespmem:s23+$0xFFFFFF90]  }
0x2d9: {  	p0 =	slt.u32 s6, $0x28;
	v18 =	vld [tilespmem:s22+$0xFFFFFFA0];
	v6 =	vadd.f32 v11, v6;
	v11 =	vadd.f32 v9, v7  }
0x2da: {  	v7 =	vld [tilespmem:s23+$0xFFFFFFA0]  }
0x2db: {  	v9 =	vld [tilespmem:s23+$0xFFFFFFB0]  }
0x2dc: {  	v19 =	vld [tilespmem:s7+$0xFFFFFFD0]  }
0x2dd: {  	v10 =	vadd.f32 v10, v16;
	v16 =	vld [tilespmem:s23+$0xFFFFFFC0]  }
0x2de: {  	v20 =	vld [tilespmem:s22+$0xFFFFFFD0]  }
0x2df: {  	v10 =	vadd.f32 v15, v10;
	v7 =	vadd.f32 v7, v18;
	v15 =	vld [tilespmem:s23+$0xFFFFFFD0]  }
0x2e0: {  	v9 =	vadd.f32 v9, v13;
	v18 =	vld [tilespmem:s22+$0xFFFFFFE0]  }
0x2e1: {  	[tilespmem:s22+$0xFFFFFF90] =	vst v10;
	v13 =	vmul.f32 v10, v10;
	v19 =	vadd.f32 v19, v7;
	v21 =	vld [tilespmem:s23+$0xFFFFFFE0]  }
.Ltmp7:
0x2e2: {  	v9 =	vadd.f32 v8, v9;
	v8 =	vadd.f32 v16, v12;
	v7 =	vld [tilespmem:s22+$0xFFFFFFF0];
	(pc) =	sbr.rel @p0 .LBB2_17-.Ltmp7, $4  }
0x2e3: {  	v6 =	vadd.f32 v10, v6;
	v11 =	vadd.f32 v13, v11;
	[tilespmem:s22+$0xFFFFFFA0] =	vst v19;
	v13 =	vmul.f32 v19, v19;
	v10 =	vld [tilespmem:s23+$0xFFFFFFF0]  }
0x2e4: {  	[tilespmem:s22+$0xFFFFFFB0] =	vst v9;
	v12 =	vadd.f32 v14, v8;
	v20 =	vadd.f32 v15, v20;
	v8 =	vld [tilespmem:s22+$0x0]  }
0x2e5: {  	v14 =	vadd.f32 v19, v6;
	v16 =	vmul.f32 v9, v9;
	v15 =	vadd.f32 v13, v11;
	v13 =	vld [tilespmem:s23+$0x0]  }
0x2e6: {  	[tilespmem:s22+$0xFFFFFFC0] =	vst v12;
	v6 =	vadd.f32 v17, v20;
	v17 =	vadd.f32 v21, v18;
	v11 =	vld [tilespmem:s7+$0x30];
	s7 =	sadd.s32 $0x100, s7  }
0x2e7: {  	v9 =	vadd.f32 v9, v14  }
0x2e8: {  	v14 =	vadd.f32 v16, v15;
	v15 =	vmul.f32 v12, v12  }
0x2e9: {  	v7 =	vadd.f32 v10, v7;
	v9 =	vadd.f32 v12, v9  }
0x2ea: {  	v4 =	vadd.f32 v4, v17;
	v10 =	vadd.f32 v15, v14;
	v12 =	vmul.f32 v6, v6  }
0x2eb: {  	v5 =	vadd.f32 v5, v7;
	v7 =	vadd.f32 v6, v9  }
0x2ec: {  	v8 =	vadd.f32 v13, v8;
	v9 =	vadd.f32 v12, v10;
	v10 =	vmul.f32 v4, v4  }
0x2ed: {  	v7 =	vadd.f32 v4, v7  }
0x2ee: {  	v8 =	vadd.f32 v11, v8;
	v9 =	vadd.f32 v10, v9;
	v10 =	vmul.f32 v5, v5  }
0x2ef: {  	v7 =	vadd.f32 v5, v7  }
0x2f0: {  	v9 =	vadd.f32 v10, v9;
	v10 =	vmul.f32 v8, v8  }
0x2f1: {  	v7 =	vadd.f32 v8, v7  }
0x2f2: {  	v9 =	vadd.f32 v10, v9  }
0x2f3: {  	(xrf2) =	vadd.scan.msk.f32 $0xffff, v7  }
0x2f4: {  	(xrf2) =	vadd.scan.msk.f32 $0xffff, v9;
	_ =	sdelay $0x8  }
0x2f5: {  	v7, _, _ =	vpop (xrf2)  }
0x2f6: {  	(v2sf) =	vpush v7, $0xF;
	v7, _, _ =	vpop (xrf2)  }
0x2f7: {  	(v2sf) =	vpush v7, $0xF;
	_ =	sdelay $0x4  }
0x2f8: {  	(v2sf) =	vpush v3, $0x8;
	_ =	sdelay $0x8  }
0x2f9: {  	s6 =	spop (v2sf)  }
0x2fa: {  	s7 =	spop (v2sf);
	s6 =	smul.f32 $1.302083370e-03, s6  }
0x2fb: {  	s7 =	smul.f32 $1.302083370e-03, s7  }
0x2fc: {  	s8 =	smul.f32 s6, s6;
	_ =	sdelay $0x1  }
0x2fd: {  	s7 =	ssub.f32 s7, s8  }
0x2fe: {  	s29 =	spop (v2sf)  }
0x2ff: {  	s10 =	sshrl.u32 s29, $0x1;
	s7 =	sadd.f32 $9.999999960e-13, s7  }
0x300: {  	[tilespmem:s22+$0xFFFFFFD0] =	vst v6;
	s10 =	smul.u32 $0x1800, s10;
	s8 =	sand.u32 $0x1, s29  }
0x301: {  	[tilespmem:s22+$0xFFFFFFE0] =	vst v4;
	s8 =	sshll.u32 s8, $0x9;
	s30 =	sshra.s32 s7, $0x1;
	s7 =	smul.f32 $5.000000000e-01, s7  }
0x302: {  	[tilespmem:s0+$0xFFFFFFF0] =	vst v5;
	s8 =	sor.u32 s8, s10;
	s10 =	ssub.s32 $0x5F3759DF, s30  }
0x303: {  	[tilespmem:s0+$0x0] =	vst v8;
	s31 =	smul.f32 s10, s7  }
0x304: {  	v12 =	vld [tilespmem:s5+$0xFFFFFF90]  }
0x305: {  	v13 =	vld [tilespmem:s21+$0xFFFFFF90];
	s0 =	smul.f32 s10, s31  }
0x306: {  	v14 =	vld [tilespmem:s5+$0xFFFFFFA0]  }
0x307: {  	v15 =	vld [tilespmem:s21+$0xFFFFFFA0];
	s0 =	ssub.f32 $1.500000000e+00, s0  }
0x308: {  	v16 =	vld [tilespmem:s21+$0xFFFFFFB0]  }
0x309: {  	v18 =	vld [tilespmem:s5+$0xFFFFFFD0];
	s0 =	smul.f32 s10, s0  }
0x30a: {  	v19 =	vld [tilespmem:s5+$0xFFFFFFE0]  }
0x30b: {  	v10 =	vld [tilespmem:s5+$0xFFFFFFC0];
	s10 =	smul.f32 s0, s7  }
0x30c: {  	v12 =	vadd.f32 v13, v12;
	v13 =	vld [tilespmem:s21+$0xFFFFFFC0];
	s8 =	sshra.s32 s8, $0x2  }
0x30d: {  	v9 =	vld [tilespmem:s5+$0xFFFFFFB0];
	s8 =	sadd.s32 $0xC240, s8;
	s10 =	smul.f32 s10, s0  }
0x30e: {  	v11 =	vld [tilespmem:s8+$0xFFFFFFC0]  }
0x30f: {  	v7 =	vld [tilespmem:s8+$0xFFFFFFE0];
	s10 =	ssub.f32 $1.500000000e+00, s10  }
0x310: {  	v17 =	vld [tilespmem:s8+$0xFFFFFFD0]  }
0x311: {  	v13 =	vadd.f32 v13, v10;
	v10 =	vld [tilespmem:s21+$0xFFFFFFF0];
	s0 =	smul.f32 s10, s0  }
0x312: {  	v9 =	vadd.f32 v16, v9;
	v8 =	vld [tilespmem:s8+$0xFFFFFFF0]  }
0x313: {  	v5 =	vld [tilespmem:s8+$0x20];
	v11 =	vadd.f32 v11, v12;
	v12 =	vadd.f32 v15, v14;
	s7 =	smul.f32 s0, s7  }
0x314: {  	v14 =	vld [tilespmem:s21+$0xFFFFFFD0];
	v9 =	vadd.f32 v7, v9  }
0x315: {  	v6 =	vld [tilespmem:s8+$0x0];
	v15 =	vmul.f32 v11, v11;
	v16 =	vadd.f32 v17, v12;
	v12 =	vimm.f32 $0.0e+00;
	s7 =	smul.f32 s7, s0  }
0x316: {  	v17 =	vld [tilespmem:s21+$0xFFFFFFE0];
	[tilespmem:s5+$0xFFFFFF90] =	vst v11;
	v11 =	vadd.f32 v11, v12  }
0x317: {  	v4 =	vld [tilespmem:s8+$0x10];
	[tilespmem:s5+$0xFFFFFFB0] =	vst v9;
	v15 =	vadd.f32 v15, v12;
	v12 =	vadd.f32 v8, v13;
	s7 =	ssub.f32 $1.500000000e+00, s7  }
0x318: {  	v7 =	vld [tilespmem:s5+$0xFFFFFFF0];
	v20 =	vmul.f32 v16, v16;
	[tilespmem:s5+$0xFFFFFFA0] =	vst v16  }
0x319: {  	[smem:$0x7] =	sst s6;
	v8 =	vld [tilespmem:s5+$0x0];
	v18 =	vadd.f32 v14, v18;
	[tilespmem:s5+$0xFFFFFFC0] =	vst v12;
	s0 =	smul.f32 s7, s0  }
0x31a: {  	s6 =	simm.s32 $0x0;
	v13 =	vld [tilespmem:s21+$0x0];
	v14 =	vadd.f32 v16, v11;
	v16 =	vmul.f32 v9, v9;
	v15 =	vadd.f32 v20, v15;
	s24 =	rddreg [dreg:$0x1a]  }
0x31b: {  	v11 =	vld [tilespmem:s8+$0x30];
	v6 =	vadd.f32 v6, v18;
	v17 =	vadd.f32 v17, v19;
	s7 =	sadd.s32 $0x100, s8;
	[smem:$0x87] =	sst s0;
	s0 =	smov.u32 s5  }
.LBB2_19:
0x31c: {  	v18 =	vld [tilespmem:s7+$0x20];
	v9 =	vadd.f32 v9, v14;
	v14 =	vadd.f32 v16, v15;
	v15 =	vmul.f32 v12, v12  }
0x31d: {  	[tilespmem:s5+$0xFFFFFFD0] =	vst v6;
	v16 =	vadd.f32 v4, v17;
	v4 =	vld [tilespmem:s7+$0x10];
	v7 =	vadd.f32 v10, v7  }
0x31e: {  	v17 =	vld [tilespmem:s7+$0x0];
	v9 =	vadd.f32 v12, v9;
	v10 =	vadd.f32 v15, v14;
	v12 =	vmul.f32 v6, v6  }
0x31f: {  	v14 =	vld [tilespmem:s7+$0xFFFFFFF0];
	[tilespmem:s5+$0xFFFFFFE0] =	vst v16;
	v7 =	vadd.f32 v5, v7;
	v0 =	vadd.f32 v13, v8  }
0x320: {  	s5 =	sadd.s32 $0x400, s5;
	v8 =	vld [tilespmem:s7+$0xFFFFFFE0];
	v6 =	vadd.f32 v6, v9;
	v9 =	vadd.f32 v12, v10;
	v10 =	vmul.f32 v16, v16  }
0x321: {  	v12 =	vld [tilespmem:s5+$0xFFFFFFC0];
	[tilespmem:s0+$0xFFFFFFF0] =	vst v7;
	v11 =	vadd.f32 v11, v0;
	v5 =	vmov v18  }
0x322: {  	v13 =	vld [tilespmem:s5+$0xFFFFFFB0];
	v6 =	vadd.f32 v16, v6;
	v9 =	vadd.f32 v10, v9;
	v10 =	vmul.f32 v7, v7  }
0x323: {  	v15 =	vld [tilespmem:s7+$0xFFFFFFC0];
	[tilespmem:s0+$0x0] =	vst v11;
	s0 =	smov.u32 s5  }
0x324: {  	s21 =	sadd.s32 $0x400, s21;
	v16 =	vld [tilespmem:s5+$0xFFFFFF90];
	v6 =	vadd.f32 v7, v6;
	v7 =	vadd.f32 v10, v9;
	v9 =	vmul.f32 v11, v11  }
0x325: {  	s6 =	sadd.s32 $0x8, s6;
	v10 =	vld [tilespmem:s21+$0xFFFFFF90]  }
0x326: {  	p0 =	slt.u32 s6, $0x28;
	v18 =	vld [tilespmem:s5+$0xFFFFFFA0];
	v6 =	vadd.f32 v11, v6;
	v11 =	vadd.f32 v9, v7  }
0x327: {  	v7 =	vld [tilespmem:s21+$0xFFFFFFA0]  }
0x328: {  	v9 =	vld [tilespmem:s21+$0xFFFFFFB0]  }
0x329: {  	v19 =	vld [tilespmem:s7+$0xFFFFFFD0]  }
0x32a: {  	v10 =	vadd.f32 v10, v16;
	v16 =	vld [tilespmem:s21+$0xFFFFFFC0]  }
0x32b: {  	v20 =	vld [tilespmem:s5+$0xFFFFFFD0]  }
0x32c: {  	v10 =	vadd.f32 v15, v10;
	v7 =	vadd.f32 v7, v18;
	v15 =	vld [tilespmem:s21+$0xFFFFFFD0]  }
0x32d: {  	v9 =	vadd.f32 v9, v13;
	v18 =	vld [tilespmem:s5+$0xFFFFFFE0]  }
0x32e: {  	[tilespmem:s5+$0xFFFFFF90] =	vst v10;
	v13 =	vmul.f32 v10, v10;
	v19 =	vadd.f32 v19, v7;
	v21 =	vld [tilespmem:s21+$0xFFFFFFE0]  }
.Ltmp8:
0x32f: {  	v9 =	vadd.f32 v8, v9;
	v8 =	vadd.f32 v16, v12;
	v7 =	vld [tilespmem:s5+$0xFFFFFFF0];
	(pc) =	sbr.rel @p0 .LBB2_19-.Ltmp8, $4  }
0x330: {  	v6 =	vadd.f32 v10, v6;
	v11 =	vadd.f32 v13, v11;
	[tilespmem:s5+$0xFFFFFFA0] =	vst v19;
	v13 =	vmul.f32 v19, v19;
	v10 =	vld [tilespmem:s21+$0xFFFFFFF0]  }
0x331: {  	[tilespmem:s5+$0xFFFFFFB0] =	vst v9;
	v12 =	vadd.f32 v14, v8;
	v20 =	vadd.f32 v15, v20;
	v8 =	vld [tilespmem:s5+$0x0]  }
0x332: {  	v14 =	vadd.f32 v19, v6;
	v16 =	vmul.f32 v9, v9;
	v15 =	vadd.f32 v13, v11;
	v13 =	vld [tilespmem:s21+$0x0]  }
0x333: {  	[tilespmem:s5+$0xFFFFFFC0] =	vst v12;
	v6 =	vadd.f32 v17, v20;
	v17 =	vadd.f32 v21, v18;
	v11 =	vld [tilespmem:s7+$0x30];
	s7 =	sadd.s32 $0x100, s7  }
0x334: {  	v9 =	vadd.f32 v9, v14  }
0x335: {  	v14 =	vadd.f32 v16, v15;
	v15 =	vmul.f32 v12, v12  }
0x336: {  	v7 =	vadd.f32 v10, v7;
	v9 =	vadd.f32 v12, v9  }
0x337: {  	v4 =	vadd.f32 v4, v17;
	v10 =	vadd.f32 v15, v14;
	v12 =	vmul.f32 v6, v6  }
0x338: {  	v5 =	vadd.f32 v5, v7;
	v7 =	vadd.f32 v6, v9  }
0x339: {  	v8 =	vadd.f32 v13, v8;
	v9 =	vadd.f32 v12, v10;
	v10 =	vmul.f32 v4, v4  }
0x33a: {  	v7 =	vadd.f32 v4, v7  }
0x33b: {  	v8 =	vadd.f32 v11, v8;
	v9 =	vadd.f32 v10, v9;
	v10 =	vmul.f32 v5, v5  }
0x33c: {  	v7 =	vadd.f32 v5, v7  }
0x33d: {  	v9 =	vadd.f32 v10, v9;
	v10 =	vmul.f32 v8, v8  }
0x33e: {  	v7 =	vadd.f32 v8, v7  }
0x33f: {  	v9 =	vadd.f32 v10, v9  }
0x340: {  	(xrf2) =	vadd.scan.msk.f32 $0xffff, v7  }
0x341: {  	(xrf2) =	vadd.scan.msk.f32 $0xffff, v9;
	_ =	sdelay $0x8  }
0x342: {  	v7, _, _ =	vpop (xrf2)  }
0x343: {  	(v2sf) =	vpush v7, $0xF;
	v7, _, _ =	vpop (xrf2)  }
0x344: {  	(v2sf) =	vpush v7, $0xF;
	_ =	sdelay $0x4  }
0x345: {  	(v2sf) =	vpush v3, $0x9;
	_ =	sdelay $0x8  }
0x346: {  	s6 =	spop (v2sf)  }
0x347: {  	s7 =	spop (v2sf);
	s6 =	smul.f32 $1.302083370e-03, s6  }
0x348: {  	s7 =	smul.f32 $1.302083370e-03, s7  }
0x349: {  	s8 =	smul.f32 s6, s6;
	_ =	sdelay $0x1  }
0x34a: {  	s7 =	ssub.f32 s7, s8  }
0x34b: {  	s25 =	spop (v2sf)  }
0x34c: {  	[tilespmem:s5+$0xFFFFFFD0] =	vst v6;
	s10 =	sshrl.u32 s25, $0x1;
	s7 =	sadd.f32 $9.999999960e-13, s7  }
0x34d: {  	[tilespmem:s5+$0xFFFFFFE0] =	vst v4;
	s10 =	smul.u32 $0x1800, s10;
	s8 =	sand.u32 $0x1, s25  }
0x34e: {  	[tilespmem:s0+$0xFFFFFFF0] =	vst v5;
	s8 =	sshll.u32 s8, $0x9;
	s28 =	sshra.s32 s7, $0x1;
	s7 =	smul.f32 $5.000000000e-01, s7  }
0x34f: {  	[tilespmem:s0+$0x0] =	vst v8;
	s26 =	sor.u32 s8, s10;
	s8 =	ssub.s32 $0x5F3759DF, s28  }
0x350: {  	v12 =	vld [tilespmem:s2+$0xFFFFFF90];
	s29 =	smul.f32 s8, s7  }
0x351: {  	v13 =	vld [tilespmem:s3+$0xFFFFFF90]  }
0x352: {  	s0 =	smul.f32 s8, s29  }
0x353: {  	v14 =	vld [tilespmem:s2+$0xFFFFFFA0]  }
0x354: {  	v15 =	vld [tilespmem:s3+$0xFFFFFFA0];
	s0 =	ssub.f32 $1.500000000e+00, s0  }
0x355: {  	v10 =	vld [tilespmem:s2+$0xFFFFFFC0]  }
0x356: {  	v12 =	vadd.f32 v13, v12;
	v13 =	vld [tilespmem:s3+$0xFFFFFFC0];
	s0 =	smul.f32 s8, s0  }
0x357: {  	v16 =	vld [tilespmem:s3+$0xFFFFFFB0]  }
0x358: {  	v18 =	vld [tilespmem:s2+$0xFFFFFFD0];
	s31 =	smul.f32 s0, s7  }
0x359: {  	v19 =	vld [tilespmem:s2+$0xFFFFFFE0];
	s5 =	sshra.s32 s26, $0x2  }
0x35a: {  	v9 =	vld [tilespmem:s2+$0xFFFFFFB0];
	s30 =	sadd.s32 $0xC240, s5;
	s5 =	smul.f32 s31, s0  }
0x35b: {  	v13 =	vadd.f32 v13, v10;
	v10 =	vld [tilespmem:s3+$0xFFFFFFF0]  }
0x35c: {  	v11 =	vld [tilespmem:s30+$0xFFFFFFC0];
	s5 =	ssub.f32 $1.500000000e+00, s5  }
0x35d: {  	v5 =	vld [tilespmem:s30+$0x20]  }
0x35e: {  	v17 =	vld [tilespmem:s30+$0xFFFFFFD0];
	s0 =	smul.f32 s5, s0  }
0x35f: {  	v7 =	vld [tilespmem:s30+$0xFFFFFFE0]  }
0x360: {  	v8 =	vld [tilespmem:s30+$0xFFFFFFF0];
	s5 =	smul.f32 s0, s7  }
0x361: {  	v11 =	vadd.f32 v11, v12;
	v12 =	vadd.f32 v15, v14;
	v14 =	vld [tilespmem:s3+$0xFFFFFFD0]  }
0x362: {  	v9 =	vadd.f32 v16, v9;
	v6 =	vld [tilespmem:s30+$0x0];
	s5 =	smul.f32 s5, s0  }
0x363: {  	v15 =	vmul.f32 v11, v11;
	v16 =	vadd.f32 v17, v12;
	v17 =	vld [tilespmem:s3+$0xFFFFFFE0]  }
0x364: {  	v4 =	vld [tilespmem:s30+$0x10];
	v9 =	vadd.f32 v7, v9;
	v12 =	vimm.f32 $0.0e+00;
	s5 =	ssub.f32 $1.500000000e+00, s5  }
0x365: {  	v7 =	vld [tilespmem:s2+$0xFFFFFFF0];
	[tilespmem:s2+$0xFFFFFF90] =	vst v11;
	v11 =	vadd.f32 v11, v12;
	v15 =	vadd.f32 v15, v12;
	v20 =	vmul.f32 v16, v16  }
0x366: {  	[tilespmem:s2+$0xFFFFFFB0] =	vst v9;
	v12 =	vadd.f32 v8, v13;
	v8 =	vld [tilespmem:s2+$0x0];
	v18 =	vadd.f32 v14, v18;
	s0 =	smul.f32 s5, s0  }
0x367: {  	[smem:$0x8] =	sst s6;
	s6 =	sadd.s32 $0x100, s30;
	[tilespmem:s2+$0xFFFFFFA0] =	vst v16;
	v13 =	vld [tilespmem:s3+$0x0];
	v14 =	vadd.f32 v16, v11;
	v16 =	vmul.f32 v9, v9;
	v15 =	vadd.f32 v20, v15  }
0x368: {  	v11 =	vld [tilespmem:s30+$0x30];
	[tilespmem:s2+$0xFFFFFFC0] =	vst v12;
	v6 =	vadd.f32 v6, v18;
	v17 =	vadd.f32 v17, v19;
	s5 =	simm.s32 $0x0;
	[smem:$0x88] =	sst s0;
	s0 =	smov.u32 s2  }
.LBB2_21:
0x369: {  	v18 =	vld [tilespmem:s6+$0x20];
	v9 =	vadd.f32 v9, v14;
	v14 =	vadd.f32 v16, v15;
	v15 =	vmul.f32 v12, v12  }
0x36a: {  	[tilespmem:s2+$0xFFFFFFD0] =	vst v6;
	v16 =	vadd.f32 v4, v17;
	v4 =	vld [tilespmem:s6+$0x10];
	v7 =	vadd.f32 v10, v7  }
0x36b: {  	v17 =	vld [tilespmem:s6+$0x0];
	v9 =	vadd.f32 v12, v9;
	v10 =	vadd.f32 v15, v14;
	v12 =	vmul.f32 v6, v6  }
0x36c: {  	v14 =	vld [tilespmem:s6+$0xFFFFFFF0];
	[tilespmem:s2+$0xFFFFFFE0] =	vst v16;
	v7 =	vadd.f32 v5, v7;
	v0 =	vadd.f32 v13, v8  }
0x36d: {  	s2 =	sadd.s32 $0x400, s2;
	v8 =	vld [tilespmem:s6+$0xFFFFFFE0];
	v6 =	vadd.f32 v6, v9;
	v9 =	vadd.f32 v12, v10;
	v10 =	vmul.f32 v16, v16  }
0x36e: {  	v12 =	vld [tilespmem:s2+$0xFFFFFFC0];
	[tilespmem:s0+$0xFFFFFFF0] =	vst v7;
	v11 =	vadd.f32 v11, v0;
	v5 =	vmov v18  }
0x36f: {  	v13 =	vld [tilespmem:s2+$0xFFFFFFB0];
	v6 =	vadd.f32 v16, v6;
	v9 =	vadd.f32 v10, v9;
	v10 =	vmul.f32 v7, v7  }
0x370: {  	v15 =	vld [tilespmem:s6+$0xFFFFFFC0];
	[tilespmem:s0+$0x0] =	vst v11;
	s0 =	smov.u32 s2  }
0x371: {  	s3 =	sadd.s32 $0x400, s3;
	v16 =	vld [tilespmem:s2+$0xFFFFFF90];
	v6 =	vadd.f32 v7, v6;
	v7 =	vadd.f32 v10, v9;
	v9 =	vmul.f32 v11, v11  }
0x372: {  	s5 =	sadd.s32 $0x8, s5;
	v10 =	vld [tilespmem:s3+$0xFFFFFF90]  }
0x373: {  	p0 =	slt.u32 s5, $0x28;
	v18 =	vld [tilespmem:s2+$0xFFFFFFA0];
	v6 =	vadd.f32 v11, v6;
	v11 =	vadd.f32 v9, v7  }
0x374: {  	v7 =	vld [tilespmem:s3+$0xFFFFFFA0]  }
0x375: {  	v9 =	vld [tilespmem:s3+$0xFFFFFFB0]  }
0x376: {  	v19 =	vld [tilespmem:s6+$0xFFFFFFD0]  }
0x377: {  	v10 =	vadd.f32 v10, v16;
	v16 =	vld [tilespmem:s3+$0xFFFFFFC0]  }
0x378: {  	v20 =	vld [tilespmem:s2+$0xFFFFFFD0]  }
0x379: {  	v10 =	vadd.f32 v15, v10;
	v7 =	vadd.f32 v7, v18;
	v15 =	vld [tilespmem:s3+$0xFFFFFFD0]  }
0x37a: {  	v9 =	vadd.f32 v9, v13;
	v18 =	vld [tilespmem:s2+$0xFFFFFFE0]  }
0x37b: {  	[tilespmem:s2+$0xFFFFFF90] =	vst v10;
	v13 =	vmul.f32 v10, v10;
	v19 =	vadd.f32 v19, v7;
	v21 =	vld [tilespmem:s3+$0xFFFFFFE0]  }
.Ltmp9:
0x37c: {  	v9 =	vadd.f32 v8, v9;
	v8 =	vadd.f32 v16, v12;
	v7 =	vld [tilespmem:s2+$0xFFFFFFF0];
	(pc) =	sbr.rel @p0 .LBB2_21-.Ltmp9, $4  }
0x37d: {  	v6 =	vadd.f32 v10, v6;
	v11 =	vadd.f32 v13, v11;
	[tilespmem:s2+$0xFFFFFFA0] =	vst v19;
	v13 =	vmul.f32 v19, v19;
	v10 =	vld [tilespmem:s3+$0xFFFFFFF0]  }
0x37e: {  	[tilespmem:s2+$0xFFFFFFB0] =	vst v9;
	v12 =	vadd.f32 v14, v8;
	v20 =	vadd.f32 v15, v20;
	v8 =	vld [tilespmem:s2+$0x0]  }
0x37f: {  	v14 =	vadd.f32 v19, v6;
	v16 =	vmul.f32 v9, v9;
	v15 =	vadd.f32 v13, v11;
	v13 =	vld [tilespmem:s3+$0x0]  }
0x380: {  	[tilespmem:s2+$0xFFFFFFC0] =	vst v12;
	v6 =	vadd.f32 v17, v20;
	v17 =	vadd.f32 v21, v18;
	v11 =	vld [tilespmem:s6+$0x30];
	s6 =	sadd.s32 $0x100, s6  }
0x381: {  	v9 =	vadd.f32 v9, v14  }
0x382: {  	v14 =	vadd.f32 v16, v15;
	v15 =	vmul.f32 v12, v12  }
0x383: {  	v7 =	vadd.f32 v10, v7;
	v9 =	vadd.f32 v12, v9  }
0x384: {  	v4 =	vadd.f32 v4, v17;
	v10 =	vadd.f32 v15, v14;
	v12 =	vmul.f32 v6, v6  }
0x385: {  	v5 =	vadd.f32 v5, v7;
	v7 =	vadd.f32 v6, v9  }
0x386: {  	v8 =	vadd.f32 v13, v8;
	v9 =	vadd.f32 v12, v10;
	v10 =	vmul.f32 v4, v4  }
0x387: {  	v7 =	vadd.f32 v4, v7  }
0x388: {  	v8 =	vadd.f32 v11, v8;
	v9 =	vadd.f32 v10, v9;
	v10 =	vmul.f32 v5, v5  }
0x389: {  	v7 =	vadd.f32 v5, v7  }
0x38a: {  	v9 =	vadd.f32 v10, v9;
	v10 =	vmul.f32 v8, v8  }
0x38b: {  	v7 =	vadd.f32 v8, v7  }
0x38c: {  	v9 =	vadd.f32 v10, v9  }
0x38d: {  	(xrf2) =	vadd.scan.msk.f32 $0xffff, v7  }
0x38e: {  	(xrf2) =	vadd.scan.msk.f32 $0xffff, v9;
	_ =	sdelay $0x8  }
0x38f: {  	v7, _, _ =	vpop (xrf2)  }
0x390: {  	(v2sf) =	vpush v7, $0xF;
	v7, _, _ =	vpop (xrf2)  }
0x391: {  	(v2sf) =	vpush v7, $0xF;
	_ =	sdelay $0x4  }
0x392: {  	(v2sf) =	vpush v3, $0xA;
	_ =	sdelay $0x8  }
0x393: {  	s3 =	spop (v2sf)  }
0x394: {  	s5 =	spop (v2sf);
	s3 =	smul.f32 $1.302083370e-03, s3  }
0x395: {  	s5 =	smul.f32 $1.302083370e-03, s5  }
0x396: {  	s6 =	smul.f32 s3, s3;
	_ =	sdelay $0x1  }
0x397: {  	s5 =	ssub.f32 s5, s6  }
0x398: {  	s25 =	spop (v2sf)  }
0x399: {  	s7 =	sshrl.u32 s25, $0x1;
	s5 =	sadd.f32 $9.999999960e-13, s5  }
0x39a: {  	[tilespmem:s2+$0xFFFFFFD0] =	vst v6;
	s7 =	smul.u32 $0x1800, s7;
	s6 =	sand.u32 $0x1, s25  }
0x39b: {  	[tilespmem:s2+$0xFFFFFFE0] =	vst v4;
	s6 =	sshll.u32 s6, $0x9;
	s28 =	sshra.s32 s5, $0x1;
	s5 =	smul.f32 $5.000000000e-01, s5  }
0x39c: {  	[tilespmem:s0+$0xFFFFFFF0] =	vst v5;
	s26 =	sor.u32 s6, s7;
	s6 =	ssub.s32 $0x5F3759DF, s28  }
0x39d: {  	[tilespmem:s0+$0x0] =	vst v8;
	s29 =	smul.f32 s6, s5  }
0x39e: {  	v12 =	vld [tilespmem:s4+$0xFFFFFF90]  }
0x39f: {  	v13 =	vld [tilespmem:s1+$0xFFFFFF90];
	s0 =	smul.f32 s6, s29  }
0x3a0: {  	v14 =	vld [tilespmem:s4+$0xFFFFFFA0]  }
0x3a1: {  	v15 =	vld [tilespmem:s1+$0xFFFFFFA0];
	s0 =	ssub.f32 $1.500000000e+00, s0  }
0x3a2: {  	v16 =	vld [tilespmem:s1+$0xFFFFFFB0]  }
0x3a3: {  	v18 =	vld [tilespmem:s4+$0xFFFFFFD0];
	s0 =	smul.f32 s6, s0  }
0x3a4: {  	v19 =	vld [tilespmem:s4+$0xFFFFFFE0]  }
0x3a5: {  	v10 =	vld [tilespmem:s4+$0xFFFFFFC0];
	s31 =	smul.f32 s0, s5  }
0x3a6: {  	v12 =	vadd.f32 v13, v12;
	v13 =	vld [tilespmem:s1+$0xFFFFFFC0];
	s2 =	sshra.s32 s26, $0x2  }
0x3a7: {  	v9 =	vld [tilespmem:s4+$0xFFFFFFB0];
	s30 =	sadd.s32 $0xC240, s2;
	s2 =	smul.f32 s31, s0  }
0x3a8: {  	v11 =	vld [tilespmem:s30+$0xFFFFFFC0]  }
0x3a9: {  	v7 =	vld [tilespmem:s30+$0xFFFFFFE0];
	s2 =	ssub.f32 $1.500000000e+00, s2  }
0x3aa: {  	v17 =	vld [tilespmem:s30+$0xFFFFFFD0]  }
0x3ab: {  	v13 =	vadd.f32 v13, v10;
	v10 =	vld [tilespmem:s1+$0xFFFFFFF0];
	s0 =	smul.f32 s2, s0  }
0x3ac: {  	v9 =	vadd.f32 v16, v9;
	v8 =	vld [tilespmem:s30+$0xFFFFFFF0]  }
0x3ad: {  	v5 =	vld [tilespmem:s30+$0x20];
	v11 =	vadd.f32 v11, v12;
	v12 =	vadd.f32 v15, v14;
	s2 =	smul.f32 s0, s5  }
0x3ae: {  	v14 =	vld [tilespmem:s1+$0xFFFFFFD0];
	v9 =	vadd.f32 v7, v9  }
0x3af: {  	v6 =	vld [tilespmem:s30+$0x0];
	v15 =	vmul.f32 v11, v11;
	v16 =	vadd.f32 v17, v12;
	v12 =	vimm.f32 $0.0e+00;
	s2 =	smul.f32 s2, s0  }
0x3b0: {  	v17 =	vld [tilespmem:s1+$0xFFFFFFE0];
	[tilespmem:s4+$0xFFFFFF90] =	vst v11;
	v11 =	vadd.f32 v11, v12  }
0x3b1: {  	v4 =	vld [tilespmem:s30+$0x10];
	[tilespmem:s4+$0xFFFFFFB0] =	vst v9;
	v15 =	vadd.f32 v15, v12;
	v12 =	vadd.f32 v8, v13;
	s2 =	ssub.f32 $1.500000000e+00, s2  }
0x3b2: {  	v7 =	vld [tilespmem:s4+$0xFFFFFFF0];
	v20 =	vmul.f32 v16, v16;
	[tilespmem:s4+$0xFFFFFFA0] =	vst v16  }
0x3b3: {  	[smem:$0x9] =	sst s3;
	v8 =	vld [tilespmem:s4+$0x0];
	v18 =	vadd.f32 v14, v18;
	[tilespmem:s4+$0xFFFFFFC0] =	vst v12;
	s0 =	smul.f32 s2, s0  }
0x3b4: {  	s3 =	sadd.s32 $0x100, s30;
	v13 =	vld [tilespmem:s1+$0x0];
	v14 =	vadd.f32 v16, v11;
	v16 =	vmul.f32 v9, v9;
	v15 =	vadd.f32 v20, v15;
	s8 =	rddreg [dreg:$0x1f]  }
0x3b5: {  	v11 =	vld [tilespmem:s30+$0x30];
	v6 =	vadd.f32 v6, v18;
	v17 =	vadd.f32 v17, v19;
	s2 =	simm.s32 $0x0;
	[smem:$0x89] =	sst s0;
	s0 =	smov.u32 s4  }
.LBB2_23:
0x3b6: {  	v18 =	vld [tilespmem:s3+$0x20];
	v9 =	vadd.f32 v9, v14;
	v14 =	vadd.f32 v16, v15;
	v15 =	vmul.f32 v12, v12  }
0x3b7: {  	[tilespmem:s4+$0xFFFFFFD0] =	vst v6;
	v16 =	vadd.f32 v4, v17;
	v4 =	vld [tilespmem:s3+$0x10];
	v7 =	vadd.f32 v10, v7  }
0x3b8: {  	v17 =	vld [tilespmem:s3+$0x0];
	v9 =	vadd.f32 v12, v9;
	v10 =	vadd.f32 v15, v14;
	v12 =	vmul.f32 v6, v6  }
0x3b9: {  	v14 =	vld [tilespmem:s3+$0xFFFFFFF0];
	[tilespmem:s4+$0xFFFFFFE0] =	vst v16;
	v7 =	vadd.f32 v5, v7;
	v0 =	vadd.f32 v13, v8  }
0x3ba: {  	s4 =	sadd.s32 $0x400, s4;
	v8 =	vld [tilespmem:s3+$0xFFFFFFE0];
	v6 =	vadd.f32 v6, v9;
	v9 =	vadd.f32 v12, v10;
	v10 =	vmul.f32 v16, v16  }
0x3bb: {  	v12 =	vld [tilespmem:s4+$0xFFFFFFC0];
	[tilespmem:s0+$0xFFFFFFF0] =	vst v7;
	v11 =	vadd.f32 v11, v0;
	v5 =	vmov v18  }
0x3bc: {  	v13 =	vld [tilespmem:s4+$0xFFFFFFB0];
	v6 =	vadd.f32 v16, v6;
	v9 =	vadd.f32 v10, v9;
	v10 =	vmul.f32 v7, v7  }
0x3bd: {  	v15 =	vld [tilespmem:s3+$0xFFFFFFC0];
	[tilespmem:s0+$0x0] =	vst v11;
	s0 =	smov.u32 s4  }
0x3be: {  	s1 =	sadd.s32 $0x400, s1;
	v16 =	vld [tilespmem:s4+$0xFFFFFF90];
	v6 =	vadd.f32 v7, v6;
	v7 =	vadd.f32 v10, v9;
	v9 =	vmul.f32 v11, v11  }
0x3bf: {  	s2 =	sadd.s32 $0x8, s2;
	v10 =	vld [tilespmem:s1+$0xFFFFFF90]  }
0x3c0: {  	p0 =	slt.u32 s2, $0x28;
	v18 =	vld [tilespmem:s4+$0xFFFFFFA0];
	v6 =	vadd.f32 v11, v6;
	v11 =	vadd.f32 v9, v7  }
0x3c1: {  	v7 =	vld [tilespmem:s1+$0xFFFFFFA0]  }
0x3c2: {  	v9 =	vld [tilespmem:s1+$0xFFFFFFB0]  }
0x3c3: {  	v19 =	vld [tilespmem:s3+$0xFFFFFFD0]  }
0x3c4: {  	v10 =	vadd.f32 v10, v16;
	v16 =	vld [tilespmem:s1+$0xFFFFFFC0]  }
0x3c5: {  	v20 =	vld [tilespmem:s4+$0xFFFFFFD0]  }
0x3c6: {  	v10 =	vadd.f32 v15, v10;
	v7 =	vadd.f32 v7, v18;
	v15 =	vld [tilespmem:s1+$0xFFFFFFD0]  }
0x3c7: {  	v9 =	vadd.f32 v9, v13;
	v18 =	vld [tilespmem:s4+$0xFFFFFFE0]  }
0x3c8: {  	[tilespmem:s4+$0xFFFFFF90] =	vst v10;
	v13 =	vmul.f32 v10, v10;
	v19 =	vadd.f32 v19, v7;
	v21 =	vld [tilespmem:s1+$0xFFFFFFE0]  }
.Ltmp10:
0x3c9: {  	v9 =	vadd.f32 v8, v9;
	v8 =	vadd.f32 v16, v12;
	v7 =	vld [tilespmem:s4+$0xFFFFFFF0];
	(pc) =	sbr.rel @p0 .LBB2_23-.Ltmp10, $4  }
0x3ca: {  	v6 =	vadd.f32 v10, v6;
	v11 =	vadd.f32 v13, v11;
	[tilespmem:s4+$0xFFFFFFA0] =	vst v19;
	v13 =	vmul.f32 v19, v19;
	v10 =	vld [tilespmem:s1+$0xFFFFFFF0]  }
0x3cb: {  	[tilespmem:s4+$0xFFFFFFB0] =	vst v9;
	v12 =	vadd.f32 v14, v8;
	v20 =	vadd.f32 v15, v20;
	v8 =	vld [tilespmem:s4+$0x0]  }
0x3cc: {  	v14 =	vadd.f32 v19, v6;
	v16 =	vmul.f32 v9, v9;
	v15 =	vadd.f32 v13, v11;
	v13 =	vld [tilespmem:s1+$0x0]  }
0x3cd: {  	[tilespmem:s4+$0xFFFFFFC0] =	vst v12;
	v6 =	vadd.f32 v17, v20;
	v17 =	vadd.f32 v21, v18;
	v11 =	vld [tilespmem:s3+$0x30];
	s3 =	sadd.s32 $0x100, s3  }
0x3ce: {  	v9 =	vadd.f32 v9, v14  }
0x3cf: {  	v14 =	vadd.f32 v16, v15;
	v15 =	vmul.f32 v12, v12  }
0x3d0: {  	v7 =	vadd.f32 v10, v7;
	v9 =	vadd.f32 v12, v9  }
0x3d1: {  	v4 =	vadd.f32 v4, v17;
	v10 =	vadd.f32 v15, v14;
	v12 =	vmul.f32 v6, v6  }
0x3d2: {  	v5 =	vadd.f32 v5, v7;
	v7 =	vadd.f32 v6, v9  }
0x3d3: {  	v8 =	vadd.f32 v13, v8;
	v9 =	vadd.f32 v12, v10;
	v10 =	vmul.f32 v4, v4  }
0x3d4: {  	v7 =	vadd.f32 v4, v7  }
0x3d5: {  	v8 =	vadd.f32 v11, v8;
	v9 =	vadd.f32 v10, v9;
	v10 =	vmul.f32 v5, v5  }
0x3d6: {  	v7 =	vadd.f32 v5, v7  }
0x3d7: {  	v9 =	vadd.f32 v10, v9;
	v10 =	vmul.f32 v8, v8  }
0x3d8: {  	v7 =	vadd.f32 v8, v7  }
0x3d9: {  	v9 =	vadd.f32 v10, v9  }
0x3da: {  	(xrf2) =	vadd.scan.msk.f32 $0xffff, v7  }
0x3db: {  	(xrf2) =	vadd.scan.msk.f32 $0xffff, v9;
	_ =	sdelay $0x8  }
0x3dc: {  	v7, _, _ =	vpop (xrf2)  }
0x3dd: {  	(v2sf) =	vpush v7, $0xF;
	v7, _, _ =	vpop (xrf2)  }
0x3de: {  	(v2sf) =	vpush v7, $0xF;
	_ =	sdelay $0xc  }
0x3df: {  	(v2sf) =	vpush v3, $0xB  }
0x3e0: {  	s1 =	spop (v2sf)  }
0x3e1: {  	s2 =	spop (v2sf);
	s1 =	smul.f32 $1.302083370e-03, s1  }
0x3e2: {  	s2 =	smul.f32 $1.302083370e-03, s2  }
0x3e3: {  	s3 =	smul.f32 s1, s1;
	_ =	sdelay $0x1  }
0x3e4: {  	s2 =	ssub.f32 s2, s3;
	_ =	sdelay $0x1  }
0x3e5: {  	s2 =	sadd.f32 $9.999999960e-13, s2  }
0x3e6: {  	[tilespmem:s4+$0xFFFFFFD0] =	vst v6  }
0x3e7: {  	[tilespmem:s4+$0xFFFFFFE0] =	vst v4;
	s30 =	sshra.s32 s2, $0x1;
	s2 =	smul.f32 $5.000000000e-01, s2  }
0x3e8: {  	[tilespmem:s0+$0xFFFFFFF0] =	vst v5;
	s4 =	ssub.s32 $0x5F3759DF, s30  }
0x3e9: {  	[tilespmem:s0+$0x0] =	vst v8;
	s31 =	smul.f32 s4, s2  }
0x3ea: {  	v12 =	vld [tilespmem:s17+$0xFFFFFF90]  }
0x3eb: {  	v13 =	vld [tilespmem:s20+$0xFFFFFF90];
	s0 =	smul.f32 s4, s31  }
0x3ec: {  	v14 =	vld [tilespmem:s17+$0xFFFFFFA0];
	s29 =	spop (v2sf)  }
0x3ed: {  	v15 =	vld [tilespmem:s20+$0xFFFFFFA0];
	s5 =	sshrl.u32 s29, $0x1;
	s0 =	ssub.f32 $1.500000000e+00, s0  }
0x3ee: {  	v16 =	vld [tilespmem:s20+$0xFFFFFFB0];
	s5 =	smul.u32 $0x1800, s5;
	s3 =	sand.u32 $0x1, s29  }
0x3ef: {  	v18 =	vld [tilespmem:s17+$0xFFFFFFD0];
	s3 =	sshll.u32 s3, $0x9;
	s0 =	smul.f32 s4, s0  }
0x3f0: {  	v10 =	vld [tilespmem:s17+$0xFFFFFFC0];
	s3 =	sor.u32 s3, s5  }
0x3f1: {  	v9 =	vld [tilespmem:s17+$0xFFFFFFB0];
	s3 =	sshra.s32 s3, $0x2;
	s4 =	smul.f32 s0, s2  }
0x3f2: {  	v12 =	vadd.f32 v13, v12;
	v13 =	vld [tilespmem:s20+$0xFFFFFFC0];
	s3 =	sadd.s32 $0xC240, s3  }
0x3f3: {  	v11 =	vld [tilespmem:s3+$0xFFFFFFC0];
	s4 =	smul.f32 s4, s0  }
0x3f4: {  	v7 =	vld [tilespmem:s3+$0xFFFFFFE0]  }
0x3f5: {  	v17 =	vld [tilespmem:s3+$0xFFFFFFD0];
	s4 =	ssub.f32 $1.500000000e+00, s4  }
0x3f6: {  	v19 =	vld [tilespmem:s17+$0xFFFFFFE0]  }
0x3f7: {  	v9 =	vadd.f32 v16, v9;
	v13 =	vadd.f32 v13, v10;
	v8 =	vld [tilespmem:s3+$0xFFFFFFF0];
	s0 =	smul.f32 s4, s0  }
0x3f8: {  	v10 =	vld [tilespmem:s20+$0xFFFFFFF0];
	v11 =	vadd.f32 v11, v12;
	v12 =	vadd.f32 v15, v14  }
0x3f9: {  	v5 =	vld [tilespmem:s3+$0x20];
	v9 =	vadd.f32 v7, v9;
	s2 =	smul.f32 s0, s2  }
0x3fa: {  	v14 =	vld [tilespmem:s20+$0xFFFFFFD0];
	v15 =	vmul.f32 v11, v11;
	v16 =	vadd.f32 v17, v12;
	v12 =	vimm.f32 $0.0e+00  }
0x3fb: {  	v6 =	vld [tilespmem:s3+$0x0];
	[tilespmem:s17+$0xFFFFFF90] =	vst v11;
	v11 =	vadd.f32 v11, v12;
	s2 =	smul.f32 s2, s0  }
0x3fc: {  	v17 =	vld [tilespmem:s20+$0xFFFFFFE0];
	[tilespmem:s17+$0xFFFFFFB0] =	vst v9;
	v15 =	vadd.f32 v15, v12;
	v12 =	vadd.f32 v8, v13  }
0x3fd: {  	v4 =	vld [tilespmem:s3+$0x10];
	[tilespmem:s17+$0xFFFFFFA0] =	vst v16;
	s2 =	ssub.f32 $1.500000000e+00, s2  }
0x3fe: {  	[smem:$0xA] =	sst s1;
	v7 =	vld [tilespmem:s17+$0xFFFFFFF0];
	v20 =	vmul.f32 v16, v16;
	[tilespmem:s17+$0xFFFFFFC0] =	vst v12  }
0x3ff: {  	v8 =	vld [tilespmem:s17+$0x0];
	v18 =	vadd.f32 v14, v18;
	s6 =	rddreg [dreg:$0x1d];
	s0 =	smul.f32 s2, s0  }
0x400: {  	s1 =	simm.s32 $0x0;
	v13 =	vld [tilespmem:s20+$0x0];
	v14 =	vadd.f32 v16, v11;
	v16 =	vmul.f32 v9, v9;
	v15 =	vadd.f32 v20, v15;
	s7 =	rddreg [dreg:$0x1e]  }
0x401: {  	v11 =	vld [tilespmem:s3+$0x30];
	v6 =	vadd.f32 v6, v18;
	v17 =	vadd.f32 v17, v19;
	s2 =	sadd.s32 $0x100, s3;
	[smem:$0x8A] =	sst s0;
	s0 =	smov.u32 s17  }
.LBB2_25:
0x402: {  	v18 =	vld [tilespmem:s2+$0x20];
	v9 =	vadd.f32 v9, v14;
	v14 =	vadd.f32 v16, v15;
	v15 =	vmul.f32 v12, v12  }
0x403: {  	[tilespmem:s17+$0xFFFFFFD0] =	vst v6;
	v16 =	vadd.f32 v4, v17;
	v4 =	vld [tilespmem:s2+$0x10];
	v7 =	vadd.f32 v10, v7  }
0x404: {  	v17 =	vld [tilespmem:s2+$0x0];
	v9 =	vadd.f32 v12, v9;
	v10 =	vadd.f32 v15, v14;
	v12 =	vmul.f32 v6, v6  }
0x405: {  	v14 =	vld [tilespmem:s2+$0xFFFFFFF0];
	[tilespmem:s17+$0xFFFFFFE0] =	vst v16;
	v7 =	vadd.f32 v5, v7;
	v0 =	vadd.f32 v13, v8  }
0x406: {  	s17 =	sadd.s32 $0x400, s17;
	v8 =	vld [tilespmem:s2+$0xFFFFFFE0];
	v6 =	vadd.f32 v6, v9;
	v9 =	vadd.f32 v12, v10;
	v10 =	vmul.f32 v16, v16  }
0x407: {  	v12 =	vld [tilespmem:s17+$0xFFFFFFC0];
	[tilespmem:s0+$0xFFFFFFF0] =	vst v7;
	v11 =	vadd.f32 v11, v0;
	v5 =	vmov v18  }
0x408: {  	v13 =	vld [tilespmem:s17+$0xFFFFFFB0];
	v6 =	vadd.f32 v16, v6;
	v9 =	vadd.f32 v10, v9;
	v10 =	vmul.f32 v7, v7  }
0x409: {  	v15 =	vld [tilespmem:s2+$0xFFFFFFC0];
	[tilespmem:s0+$0x0] =	vst v11;
	s0 =	smov.u32 s17  }
0x40a: {  	s20 =	sadd.s32 $0x400, s20;
	v16 =	vld [tilespmem:s17+$0xFFFFFF90];
	v6 =	vadd.f32 v7, v6;
	v7 =	vadd.f32 v10, v9;
	v9 =	vmul.f32 v11, v11  }
0x40b: {  	s1 =	sadd.s32 $0x8, s1;
	v10 =	vld [tilespmem:s20+$0xFFFFFF90]  }
0x40c: {  	p0 =	slt.u32 s1, $0x28;
	v18 =	vld [tilespmem:s17+$0xFFFFFFA0];
	v6 =	vadd.f32 v11, v6;
	v11 =	vadd.f32 v9, v7  }
0x40d: {  	v7 =	vld [tilespmem:s20+$0xFFFFFFA0]  }
0x40e: {  	v9 =	vld [tilespmem:s20+$0xFFFFFFB0]  }
0x40f: {  	v19 =	vld [tilespmem:s2+$0xFFFFFFD0]  }
0x410: {  	v10 =	vadd.f32 v10, v16;
	v16 =	vld [tilespmem:s20+$0xFFFFFFC0]  }
0x411: {  	v20 =	vld [tilespmem:s17+$0xFFFFFFD0]  }
0x412: {  	v10 =	vadd.f32 v15, v10;
	v7 =	vadd.f32 v7, v18;
	v15 =	vld [tilespmem:s20+$0xFFFFFFD0]  }
0x413: {  	v9 =	vadd.f32 v9, v13;
	v18 =	vld [tilespmem:s17+$0xFFFFFFE0]  }
0x414: {  	[tilespmem:s17+$0xFFFFFF90] =	vst v10;
	v13 =	vmul.f32 v10, v10;
	v19 =	vadd.f32 v19, v7;
	v21 =	vld [tilespmem:s20+$0xFFFFFFE0]  }
.Ltmp11:
0x415: {  	v9 =	vadd.f32 v8, v9;
	v8 =	vadd.f32 v16, v12;
	v7 =	vld [tilespmem:s17+$0xFFFFFFF0];
	(pc) =	sbr.rel @p0 .LBB2_25-.Ltmp11, $4  }
0x416: {  	v6 =	vadd.f32 v10, v6;
	v11 =	vadd.f32 v13, v11;
	[tilespmem:s17+$0xFFFFFFA0] =	vst v19;
	v13 =	vmul.f32 v19, v19;
	v10 =	vld [tilespmem:s20+$0xFFFFFFF0]  }
0x417: {  	[tilespmem:s17+$0xFFFFFFB0] =	vst v9;
	v12 =	vadd.f32 v14, v8;
	v20 =	vadd.f32 v15, v20;
	v8 =	vld [tilespmem:s17+$0x0]  }
0x418: {  	v14 =	vadd.f32 v19, v6;
	v16 =	vmul.f32 v9, v9;
	v15 =	vadd.f32 v13, v11;
	v13 =	vld [tilespmem:s20+$0x0]  }
0x419: {  	[tilespmem:s17+$0xFFFFFFC0] =	vst v12;
	v6 =	vadd.f32 v17, v20;
	v17 =	vadd.f32 v21, v18;
	v11 =	vld [tilespmem:s2+$0x30];
	s2 =	sadd.s32 $0x100, s2  }
0x41a: {  	v9 =	vadd.f32 v9, v14  }
0x41b: {  	v14 =	vadd.f32 v16, v15;
	v15 =	vmul.f32 v12, v12  }
0x41c: {  	v7 =	vadd.f32 v10, v7;
	v9 =	vadd.f32 v12, v9  }
0x41d: {  	v4 =	vadd.f32 v4, v17;
	v10 =	vadd.f32 v15, v14;
	v12 =	vmul.f32 v6, v6  }
0x41e: {  	v5 =	vadd.f32 v5, v7;
	v7 =	vadd.f32 v6, v9  }
0x41f: {  	v8 =	vadd.f32 v13, v8;
	v9 =	vadd.f32 v12, v10;
	v10 =	vmul.f32 v4, v4  }
0x420: {  	v7 =	vadd.f32 v4, v7  }
0x421: {  	v8 =	vadd.f32 v11, v8;
	v9 =	vadd.f32 v10, v9;
	v10 =	vmul.f32 v5, v5  }
0x422: {  	v7 =	vadd.f32 v5, v7  }
0x423: {  	v9 =	vadd.f32 v10, v9;
	v10 =	vmul.f32 v8, v8  }
0x424: {  	v7 =	vadd.f32 v8, v7  }
0x425: {  	v9 =	vadd.f32 v10, v9  }
0x426: {  	(xrf2) =	vadd.scan.msk.f32 $0xffff, v7  }
0x427: {  	(xrf2) =	vadd.scan.msk.f32 $0xffff, v9;
	_ =	sdelay $0x8  }
0x428: {  	v7, _, _ =	vpop (xrf2)  }
0x429: {  	(v2sf) =	vpush v7, $0xF;
	v7, _, _ =	vpop (xrf2)  }
0x42a: {  	(v2sf) =	vpush v7, $0xF;
	_ =	sdelay $0x4  }
0x42b: {  	(v2sf) =	vpush v3, $0xC;
	_ =	sdelay $0x8  }
0x42c: {  	s1 =	spop (v2sf)  }
0x42d: {  	s2 =	spop (v2sf);
	s1 =	smul.f32 $1.302083370e-03, s1  }
0x42e: {  	s2 =	smul.f32 $1.302083370e-03, s2  }
0x42f: {  	s3 =	smul.f32 s1, s1;
	_ =	sdelay $0x1  }
0x430: {  	s2 =	ssub.f32 s2, s3  }
0x431: {  	s29 =	spop (v2sf)  }
0x432: {  	s4 =	sshrl.u32 s29, $0x1;
	s2 =	sadd.f32 $9.999999960e-13, s2  }
0x433: {  	[tilespmem:s17+$0xFFFFFFD0] =	vst v6;
	s4 =	smul.u32 $0x1800, s4;
	s3 =	sand.u32 $0x1, s29  }
0x434: {  	[tilespmem:s17+$0xFFFFFFE0] =	vst v4;
	s3 =	sshll.u32 s3, $0x9;
	s30 =	sshra.s32 s2, $0x1;
	s2 =	smul.f32 $5.000000000e-01, s2  }
0x435: {  	[tilespmem:s0+$0xFFFFFFF0] =	vst v5;
	s3 =	sor.u32 s3, s4;
	s4 =	ssub.s32 $0x5F3759DF, s30  }
0x436: {  	[tilespmem:s0+$0x0] =	vst v8;
	s31 =	smul.f32 s4, s2  }
0x437: {  	v12 =	vld [tilespmem:s15+$0xFFFFFF90]  }
0x438: {  	v13 =	vld [tilespmem:s8+$0xFFFFFF90];
	s0 =	smul.f32 s4, s31  }
0x439: {  	v14 =	vld [tilespmem:s15+$0xFFFFFFA0]  }
0x43a: {  	v15 =	vld [tilespmem:s8+$0xFFFFFFA0];
	s0 =	ssub.f32 $1.500000000e+00, s0  }
0x43b: {  	v16 =	vld [tilespmem:s8+$0xFFFFFFB0]  }
0x43c: {  	v18 =	vld [tilespmem:s15+$0xFFFFFFD0];
	s0 =	smul.f32 s4, s0  }
0x43d: {  	v19 =	vld [tilespmem:s15+$0xFFFFFFE0]  }
0x43e: {  	v10 =	vld [tilespmem:s15+$0xFFFFFFC0];
	s4 =	smul.f32 s0, s2  }
0x43f: {  	v12 =	vadd.f32 v13, v12;
	v13 =	vld [tilespmem:s8+$0xFFFFFFC0];
	s3 =	sshra.s32 s3, $0x2  }
0x440: {  	v9 =	vld [tilespmem:s15+$0xFFFFFFB0];
	s3 =	sadd.s32 $0xC240, s3;
	s4 =	smul.f32 s4, s0  }
0x441: {  	v11 =	vld [tilespmem:s3+$0xFFFFFFC0]  }
0x442: {  	v7 =	vld [tilespmem:s3+$0xFFFFFFE0];
	s4 =	ssub.f32 $1.500000000e+00, s4  }
0x443: {  	v17 =	vld [tilespmem:s3+$0xFFFFFFD0]  }
0x444: {  	v13 =	vadd.f32 v13, v10;
	v10 =	vld [tilespmem:s8+$0xFFFFFFF0];
	s0 =	smul.f32 s4, s0  }
0x445: {  	v9 =	vadd.f32 v16, v9;
	v8 =	vld [tilespmem:s3+$0xFFFFFFF0]  }
0x446: {  	v5 =	vld [tilespmem:s3+$0x20];
	v11 =	vadd.f32 v11, v12;
	v12 =	vadd.f32 v15, v14;
	s2 =	smul.f32 s0, s2  }
0x447: {  	v14 =	vld [tilespmem:s8+$0xFFFFFFD0];
	v9 =	vadd.f32 v7, v9  }
0x448: {  	v6 =	vld [tilespmem:s3+$0x0];
	v15 =	vmul.f32 v11, v11;
	v16 =	vadd.f32 v17, v12;
	v12 =	vimm.f32 $0.0e+00;
	s2 =	smul.f32 s2, s0  }
0x449: {  	v17 =	vld [tilespmem:s8+$0xFFFFFFE0];
	[tilespmem:s15+$0xFFFFFF90] =	vst v11;
	v11 =	vadd.f32 v11, v12  }
0x44a: {  	v4 =	vld [tilespmem:s3+$0x10];
	[tilespmem:s15+$0xFFFFFFB0] =	vst v9;
	v15 =	vadd.f32 v15, v12;
	v12 =	vadd.f32 v8, v13;
	s2 =	ssub.f32 $1.500000000e+00, s2  }
0x44b: {  	v7 =	vld [tilespmem:s15+$0xFFFFFFF0];
	v20 =	vmul.f32 v16, v16;
	[tilespmem:s15+$0xFFFFFFA0] =	vst v16  }
0x44c: {  	[smem:$0xB] =	sst s1;
	v8 =	vld [tilespmem:s15+$0x0];
	v18 =	vadd.f32 v14, v18;
	[tilespmem:s15+$0xFFFFFFC0] =	vst v12;
	s0 =	smul.f32 s2, s0  }
0x44d: {  	s1 =	simm.s32 $0x0;
	v13 =	vld [tilespmem:s8+$0x0];
	v14 =	vadd.f32 v16, v11;
	v16 =	vmul.f32 v9, v9;
	v15 =	vadd.f32 v20, v15;
	s5 =	rddreg [dreg:$0x1c]  }
0x44e: {  	v11 =	vld [tilespmem:s3+$0x30];
	v6 =	vadd.f32 v6, v18;
	v17 =	vadd.f32 v17, v19;
	s2 =	sadd.s32 $0x100, s3;
	[smem:$0x8B] =	sst s0;
	s0 =	smov.u32 s15  }
.LBB2_27:
0x44f: {  	v18 =	vld [tilespmem:s2+$0x20];
	v9 =	vadd.f32 v9, v14;
	v14 =	vadd.f32 v16, v15;
	v15 =	vmul.f32 v12, v12  }
0x450: {  	[tilespmem:s15+$0xFFFFFFD0] =	vst v6;
	v16 =	vadd.f32 v4, v17;
	v4 =	vld [tilespmem:s2+$0x10];
	v7 =	vadd.f32 v10, v7  }
0x451: {  	v17 =	vld [tilespmem:s2+$0x0];
	v9 =	vadd.f32 v12, v9;
	v10 =	vadd.f32 v15, v14;
	v12 =	vmul.f32 v6, v6  }
0x452: {  	v14 =	vld [tilespmem:s2+$0xFFFFFFF0];
	[tilespmem:s15+$0xFFFFFFE0] =	vst v16;
	v7 =	vadd.f32 v5, v7;
	v0 =	vadd.f32 v13, v8  }
0x453: {  	s15 =	sadd.s32 $0x400, s15;
	v8 =	vld [tilespmem:s2+$0xFFFFFFE0];
	v6 =	vadd.f32 v6, v9;
	v9 =	vadd.f32 v12, v10;
	v10 =	vmul.f32 v16, v16  }
0x454: {  	v12 =	vld [tilespmem:s15+$0xFFFFFFC0];
	[tilespmem:s0+$0xFFFFFFF0] =	vst v7;
	v11 =	vadd.f32 v11, v0;
	v5 =	vmov v18  }
0x455: {  	v13 =	vld [tilespmem:s15+$0xFFFFFFB0];
	v6 =	vadd.f32 v16, v6;
	v9 =	vadd.f32 v10, v9;
	v10 =	vmul.f32 v7, v7  }
0x456: {  	v15 =	vld [tilespmem:s2+$0xFFFFFFC0];
	[tilespmem:s0+$0x0] =	vst v11;
	s0 =	smov.u32 s15  }
0x457: {  	s8 =	sadd.s32 $0x400, s8;
	v16 =	vld [tilespmem:s15+$0xFFFFFF90];
	v6 =	vadd.f32 v7, v6;
	v7 =	vadd.f32 v10, v9;
	v9 =	vmul.f32 v11, v11  }
0x458: {  	s1 =	sadd.s32 $0x8, s1;
	v10 =	vld [tilespmem:s8+$0xFFFFFF90]  }
0x459: {  	p0 =	slt.u32 s1, $0x28;
	v18 =	vld [tilespmem:s15+$0xFFFFFFA0];
	v6 =	vadd.f32 v11, v6;
	v11 =	vadd.f32 v9, v7  }
0x45a: {  	v7 =	vld [tilespmem:s8+$0xFFFFFFA0]  }
0x45b: {  	v9 =	vld [tilespmem:s8+$0xFFFFFFB0]  }
0x45c: {  	v19 =	vld [tilespmem:s2+$0xFFFFFFD0]  }
0x45d: {  	v10 =	vadd.f32 v10, v16;
	v16 =	vld [tilespmem:s8+$0xFFFFFFC0]  }
0x45e: {  	v20 =	vld [tilespmem:s15+$0xFFFFFFD0]  }
0x45f: {  	v10 =	vadd.f32 v15, v10;
	v7 =	vadd.f32 v7, v18;
	v15 =	vld [tilespmem:s8+$0xFFFFFFD0]  }
0x460: {  	v9 =	vadd.f32 v9, v13;
	v18 =	vld [tilespmem:s15+$0xFFFFFFE0]  }
0x461: {  	[tilespmem:s15+$0xFFFFFF90] =	vst v10;
	v13 =	vmul.f32 v10, v10;
	v19 =	vadd.f32 v19, v7;
	v21 =	vld [tilespmem:s8+$0xFFFFFFE0]  }
.Ltmp12:
0x462: {  	v9 =	vadd.f32 v8, v9;
	v8 =	vadd.f32 v16, v12;
	v7 =	vld [tilespmem:s15+$0xFFFFFFF0];
	(pc) =	sbr.rel @p0 .LBB2_27-.Ltmp12, $4  }
0x463: {  	v6 =	vadd.f32 v10, v6;
	v11 =	vadd.f32 v13, v11;
	[tilespmem:s15+$0xFFFFFFA0] =	vst v19;
	v13 =	vmul.f32 v19, v19;
	v10 =	vld [tilespmem:s8+$0xFFFFFFF0]  }
0x464: {  	[tilespmem:s15+$0xFFFFFFB0] =	vst v9;
	v12 =	vadd.f32 v14, v8;
	v20 =	vadd.f32 v15, v20;
	v8 =	vld [tilespmem:s15+$0x0]  }
0x465: {  	v14 =	vadd.f32 v19, v6;
	v16 =	vmul.f32 v9, v9;
	v15 =	vadd.f32 v13, v11;
	v13 =	vld [tilespmem:s8+$0x0]  }
0x466: {  	[tilespmem:s15+$0xFFFFFFC0] =	vst v12;
	v6 =	vadd.f32 v17, v20;
	v17 =	vadd.f32 v21, v18;
	v11 =	vld [tilespmem:s2+$0x30];
	s2 =	sadd.s32 $0x100, s2  }
0x467: {  	v9 =	vadd.f32 v9, v14  }
0x468: {  	v14 =	vadd.f32 v16, v15;
	v15 =	vmul.f32 v12, v12  }
0x469: {  	v7 =	vadd.f32 v10, v7;
	v9 =	vadd.f32 v12, v9  }
0x46a: {  	v4 =	vadd.f32 v4, v17;
	v10 =	vadd.f32 v15, v14;
	v12 =	vmul.f32 v6, v6  }
0x46b: {  	v5 =	vadd.f32 v5, v7;
	v7 =	vadd.f32 v6, v9  }
0x46c: {  	v8 =	vadd.f32 v13, v8;
	v9 =	vadd.f32 v12, v10;
	v10 =	vmul.f32 v4, v4  }
0x46d: {  	v7 =	vadd.f32 v4, v7  }
0x46e: {  	v8 =	vadd.f32 v11, v8;
	v9 =	vadd.f32 v10, v9;
	v10 =	vmul.f32 v5, v5  }
0x46f: {  	v7 =	vadd.f32 v5, v7  }
0x470: {  	v9 =	vadd.f32 v10, v9;
	v10 =	vmul.f32 v8, v8  }
0x471: {  	v7 =	vadd.f32 v8, v7  }
0x472: {  	v9 =	vadd.f32 v10, v9  }
0x473: {  	(xrf2) =	vadd.scan.msk.f32 $0xffff, v7  }
0x474: {  	(xrf2) =	vadd.scan.msk.f32 $0xffff, v9;
	_ =	sdelay $0x8  }
0x475: {  	v7, _, _ =	vpop (xrf2)  }
0x476: {  	(v2sf) =	vpush v7, $0xF;
	v7, _, _ =	vpop (xrf2)  }
0x477: {  	(v2sf) =	vpush v7, $0xF;
	_ =	sdelay $0x4  }
0x478: {  	(v2sf) =	vpush v3, $0xD;
	_ =	sdelay $0x8  }
0x479: {  	s1 =	spop (v2sf)  }
0x47a: {  	s2 =	spop (v2sf);
	s1 =	smul.f32 $1.302083370e-03, s1  }
0x47b: {  	s2 =	smul.f32 $1.302083370e-03, s2  }
0x47c: {  	s3 =	smul.f32 s1, s1;
	_ =	sdelay $0x1  }
0x47d: {  	s2 =	ssub.f32 s2, s3  }
0x47e: {  	s29 =	spop (v2sf)  }
0x47f: {  	[tilespmem:s15+$0xFFFFFFD0] =	vst v6;
	s4 =	sshrl.u32 s29, $0x1;
	s2 =	sadd.f32 $9.999999960e-13, s2  }
0x480: {  	[tilespmem:s15+$0xFFFFFFE0] =	vst v4;
	s4 =	smul.u32 $0x1800, s4;
	s3 =	sand.u32 $0x1, s29  }
0x481: {  	[tilespmem:s0+$0xFFFFFFF0] =	vst v5;
	s3 =	sshll.u32 s3, $0x9;
	s30 =	sshra.s32 s2, $0x1;
	s2 =	smul.f32 $5.000000000e-01, s2  }
0x482: {  	[tilespmem:s0+$0x0] =	vst v8;
	s3 =	sor.u32 s3, s4;
	s4 =	ssub.s32 $0x5F3759DF, s30  }
0x483: {  	v12 =	vld [tilespmem:s13+$0xFFFFFF90];
	s31 =	smul.f32 s4, s2  }
0x484: {  	v13 =	vld [tilespmem:s7+$0xFFFFFF90]  }
0x485: {  	s0 =	smul.f32 s4, s31  }
0x486: {  	v14 =	vld [tilespmem:s13+$0xFFFFFFA0]  }
0x487: {  	v15 =	vld [tilespmem:s7+$0xFFFFFFA0];
	s0 =	ssub.f32 $1.500000000e+00, s0  }
0x488: {  	v10 =	vld [tilespmem:s13+$0xFFFFFFC0]  }
0x489: {  	v12 =	vadd.f32 v13, v12;
	v13 =	vld [tilespmem:s7+$0xFFFFFFC0];
	s0 =	smul.f32 s4, s0  }
0x48a: {  	v16 =	vld [tilespmem:s7+$0xFFFFFFB0]  }
0x48b: {  	v18 =	vld [tilespmem:s13+$0xFFFFFFD0];
	s4 =	smul.f32 s0, s2  }
0x48c: {  	v19 =	vld [tilespmem:s13+$0xFFFFFFE0]  }
0x48d: {  	v9 =	vld [tilespmem:s13+$0xFFFFFFB0];
	s3 =	sshra.s32 s3, $0x2;
	s4 =	smul.f32 s4, s0  }
0x48e: {  	v13 =	vadd.f32 v13, v10;
	v10 =	vld [tilespmem:s7+$0xFFFFFFF0];
	s3 =	sadd.s32 $0xC240, s3  }
0x48f: {  	v11 =	vld [tilespmem:s3+$0xFFFFFFC0];
	s4 =	ssub.f32 $1.500000000e+00, s4  }
0x490: {  	v5 =	vld [tilespmem:s3+$0x20]  }
0x491: {  	v17 =	vld [tilespmem:s3+$0xFFFFFFD0];
	s0 =	smul.f32 s4, s0  }
0x492: {  	v7 =	vld [tilespmem:s3+$0xFFFFFFE0]  }
0x493: {  	v8 =	vld [tilespmem:s3+$0xFFFFFFF0];
	s2 =	smul.f32 s0, s2  }
0x494: {  	v11 =	vadd.f32 v11, v12;
	v12 =	vadd.f32 v15, v14;
	v14 =	vld [tilespmem:s7+$0xFFFFFFD0]  }
0x495: {  	v9 =	vadd.f32 v16, v9;
	v6 =	vld [tilespmem:s3+$0x0];
	s2 =	smul.f32 s2, s0  }
0x496: {  	v15 =	vmul.f32 v11, v11;
	v16 =	vadd.f32 v17, v12;
	v17 =	vld [tilespmem:s7+$0xFFFFFFE0]  }
0x497: {  	v4 =	vld [tilespmem:s3+$0x10];
	v9 =	vadd.f32 v7, v9;
	v12 =	vimm.f32 $0.0e+00;
	s2 =	ssub.f32 $1.500000000e+00, s2  }
0x498: {  	v7 =	vld [tilespmem:s13+$0xFFFFFFF0];
	[tilespmem:s13+$0xFFFFFF90] =	vst v11;
	v11 =	vadd.f32 v11, v12;
	v15 =	vadd.f32 v15, v12;
	v20 =	vmul.f32 v16, v16  }
0x499: {  	[tilespmem:s13+$0xFFFFFFB0] =	vst v9;
	v12 =	vadd.f32 v8, v13;
	v8 =	vld [tilespmem:s13+$0x0];
	v18 =	vadd.f32 v14, v18;
	s0 =	smul.f32 s2, s0  }
0x49a: {  	[smem:$0xC] =	sst s1;
	s1 =	simm.s32 $0x0;
	[tilespmem:s13+$0xFFFFFFA0] =	vst v16;
	v13 =	vld [tilespmem:s7+$0x0];
	v14 =	vadd.f32 v16, v11;
	v16 =	vmul.f32 v9, v9;
	v15 =	vadd.f32 v20, v15  }
0x49b: {  	v11 =	vld [tilespmem:s3+$0x30];
	[tilespmem:s13+$0xFFFFFFC0] =	vst v12;
	v6 =	vadd.f32 v6, v18;
	v17 =	vadd.f32 v17, v19;
	s2 =	sadd.s32 $0x100, s3;
	[smem:$0x8C] =	sst s0;
	s0 =	smov.u32 s13  }
.LBB2_29:
0x49c: {  	v18 =	vld [tilespmem:s2+$0x20];
	v9 =	vadd.f32 v9, v14;
	v14 =	vadd.f32 v16, v15;
	v15 =	vmul.f32 v12, v12  }
0x49d: {  	[tilespmem:s13+$0xFFFFFFD0] =	vst v6;
	v16 =	vadd.f32 v4, v17;
	v4 =	vld [tilespmem:s2+$0x10];
	v7 =	vadd.f32 v10, v7  }
0x49e: {  	v17 =	vld [tilespmem:s2+$0x0];
	v9 =	vadd.f32 v12, v9;
	v10 =	vadd.f32 v15, v14;
	v12 =	vmul.f32 v6, v6  }
0x49f: {  	v14 =	vld [tilespmem:s2+$0xFFFFFFF0];
	[tilespmem:s13+$0xFFFFFFE0] =	vst v16;
	v7 =	vadd.f32 v5, v7;
	v0 =	vadd.f32 v13, v8  }
0x4a0: {  	s13 =	sadd.s32 $0x400, s13;
	v8 =	vld [tilespmem:s2+$0xFFFFFFE0];
	v6 =	vadd.f32 v6, v9;
	v9 =	vadd.f32 v12, v10;
	v10 =	vmul.f32 v16, v16  }
0x4a1: {  	v12 =	vld [tilespmem:s13+$0xFFFFFFC0];
	[tilespmem:s0+$0xFFFFFFF0] =	vst v7;
	v11 =	vadd.f32 v11, v0;
	v5 =	vmov v18  }
0x4a2: {  	v13 =	vld [tilespmem:s13+$0xFFFFFFB0];
	v6 =	vadd.f32 v16, v6;
	v9 =	vadd.f32 v10, v9;
	v10 =	vmul.f32 v7, v7  }
0x4a3: {  	v15 =	vld [tilespmem:s2+$0xFFFFFFC0];
	[tilespmem:s0+$0x0] =	vst v11;
	s0 =	smov.u32 s13  }
0x4a4: {  	s7 =	sadd.s32 $0x400, s7;
	v16 =	vld [tilespmem:s13+$0xFFFFFF90];
	v6 =	vadd.f32 v7, v6;
	v7 =	vadd.f32 v10, v9;
	v9 =	vmul.f32 v11, v11  }
0x4a5: {  	s1 =	sadd.s32 $0x8, s1;
	v10 =	vld [tilespmem:s7+$0xFFFFFF90]  }
0x4a6: {  	p0 =	slt.u32 s1, $0x28;
	v18 =	vld [tilespmem:s13+$0xFFFFFFA0];
	v6 =	vadd.f32 v11, v6;
	v11 =	vadd.f32 v9, v7  }
0x4a7: {  	v7 =	vld [tilespmem:s7+$0xFFFFFFA0]  }
0x4a8: {  	v9 =	vld [tilespmem:s7+$0xFFFFFFB0]  }
0x4a9: {  	v19 =	vld [tilespmem:s2+$0xFFFFFFD0]  }
0x4aa: {  	v10 =	vadd.f32 v10, v16;
	v16 =	vld [tilespmem:s7+$0xFFFFFFC0]  }
0x4ab: {  	v20 =	vld [tilespmem:s13+$0xFFFFFFD0]  }
0x4ac: {  	v10 =	vadd.f32 v15, v10;
	v7 =	vadd.f32 v7, v18;
	v15 =	vld [tilespmem:s7+$0xFFFFFFD0]  }
0x4ad: {  	v9 =	vadd.f32 v9, v13;
	v18 =	vld [tilespmem:s13+$0xFFFFFFE0]  }
0x4ae: {  	[tilespmem:s13+$0xFFFFFF90] =	vst v10;
	v13 =	vmul.f32 v10, v10;
	v19 =	vadd.f32 v19, v7;
	v21 =	vld [tilespmem:s7+$0xFFFFFFE0]  }
.Ltmp13:
0x4af: {  	v9 =	vadd.f32 v8, v9;
	v8 =	vadd.f32 v16, v12;
	v7 =	vld [tilespmem:s13+$0xFFFFFFF0];
	(pc) =	sbr.rel @p0 .LBB2_29-.Ltmp13, $4  }
0x4b0: {  	v6 =	vadd.f32 v10, v6;
	v11 =	vadd.f32 v13, v11;
	[tilespmem:s13+$0xFFFFFFA0] =	vst v19;
	v13 =	vmul.f32 v19, v19;
	v10 =	vld [tilespmem:s7+$0xFFFFFFF0]  }
0x4b1: {  	[tilespmem:s13+$0xFFFFFFB0] =	vst v9;
	v12 =	vadd.f32 v14, v8;
	v20 =	vadd.f32 v15, v20;
	v8 =	vld [tilespmem:s13+$0x0]  }
0x4b2: {  	v14 =	vadd.f32 v19, v6;
	v16 =	vmul.f32 v9, v9;
	v15 =	vadd.f32 v13, v11;
	v13 =	vld [tilespmem:s7+$0x0]  }
0x4b3: {  	[tilespmem:s13+$0xFFFFFFC0] =	vst v12;
	v6 =	vadd.f32 v17, v20;
	v17 =	vadd.f32 v21, v18;
	v11 =	vld [tilespmem:s2+$0x30];
	s2 =	sadd.s32 $0x100, s2  }
0x4b4: {  	v9 =	vadd.f32 v9, v14  }
0x4b5: {  	v14 =	vadd.f32 v16, v15;
	v15 =	vmul.f32 v12, v12  }
0x4b6: {  	v7 =	vadd.f32 v10, v7;
	v9 =	vadd.f32 v12, v9  }
0x4b7: {  	v4 =	vadd.f32 v4, v17;
	v10 =	vadd.f32 v15, v14;
	v12 =	vmul.f32 v6, v6  }
0x4b8: {  	v5 =	vadd.f32 v5, v7;
	v7 =	vadd.f32 v6, v9  }
0x4b9: {  	v8 =	vadd.f32 v13, v8;
	v9 =	vadd.f32 v12, v10;
	v10 =	vmul.f32 v4, v4  }
0x4ba: {  	v7 =	vadd.f32 v4, v7  }
0x4bb: {  	v8 =	vadd.f32 v11, v8;
	v9 =	vadd.f32 v10, v9;
	v10 =	vmul.f32 v5, v5  }
0x4bc: {  	v7 =	vadd.f32 v5, v7  }
0x4bd: {  	v9 =	vadd.f32 v10, v9;
	v10 =	vmul.f32 v8, v8  }
0x4be: {  	v7 =	vadd.f32 v8, v7  }
0x4bf: {  	v9 =	vadd.f32 v10, v9  }
0x4c0: {  	(xrf2) =	vadd.scan.msk.f32 $0xffff, v7  }
0x4c1: {  	(xrf2) =	vadd.scan.msk.f32 $0xffff, v9;
	_ =	sdelay $0x8  }
0x4c2: {  	v7, _, _ =	vpop (xrf2)  }
0x4c3: {  	(v2sf) =	vpush v7, $0xF;
	v7, _, _ =	vpop (xrf2)  }
0x4c4: {  	(v2sf) =	vpush v7, $0xF;
	_ =	sdelay $0x4  }
0x4c5: {  	(v2sf) =	vpush v3, $0xE;
	_ =	sdelay $0x8  }
0x4c6: {  	s1 =	spop (v2sf)  }
0x4c7: {  	s2 =	spop (v2sf);
	s1 =	smul.f32 $1.302083370e-03, s1  }
0x4c8: {  	s2 =	smul.f32 $1.302083370e-03, s2  }
0x4c9: {  	s3 =	smul.f32 s1, s1;
	_ =	sdelay $0x1  }
0x4ca: {  	s2 =	ssub.f32 s2, s3  }
0x4cb: {  	s29 =	spop (v2sf)  }
0x4cc: {  	[tilespmem:s13+$0xFFFFFFD0] =	vst v6;
	s4 =	sshrl.u32 s29, $0x1;
	s2 =	sadd.f32 $9.999999960e-13, s2  }
0x4cd: {  	[tilespmem:s13+$0xFFFFFFE0] =	vst v4;
	s4 =	smul.u32 $0x1800, s4;
	s3 =	sand.u32 $0x1, s29  }
0x4ce: {  	[tilespmem:s0+$0xFFFFFFF0] =	vst v5;
	s3 =	sshll.u32 s3, $0x9;
	s30 =	sshra.s32 s2, $0x1;
	s2 =	smul.f32 $5.000000000e-01, s2  }
0x4cf: {  	[tilespmem:s0+$0x0] =	vst v8;
	s3 =	sor.u32 s3, s4;
	s4 =	ssub.s32 $0x5F3759DF, s30  }
0x4d0: {  	v12 =	vld [tilespmem:s11+$0xFFFFFF90];
	s31 =	smul.f32 s4, s2  }
0x4d1: {  	v13 =	vld [tilespmem:s6+$0xFFFFFF90]  }
0x4d2: {  	s0 =	smul.f32 s4, s31  }
0x4d3: {  	v14 =	vld [tilespmem:s11+$0xFFFFFFA0]  }
0x4d4: {  	v15 =	vld [tilespmem:s6+$0xFFFFFFA0];
	s0 =	ssub.f32 $1.500000000e+00, s0  }
0x4d5: {  	v10 =	vld [tilespmem:s11+$0xFFFFFFC0]  }
0x4d6: {  	v12 =	vadd.f32 v13, v12;
	v13 =	vld [tilespmem:s6+$0xFFFFFFC0];
	s0 =	smul.f32 s4, s0  }
0x4d7: {  	v16 =	vld [tilespmem:s6+$0xFFFFFFB0]  }
0x4d8: {  	v18 =	vld [tilespmem:s11+$0xFFFFFFD0];
	s4 =	smul.f32 s0, s2  }
0x4d9: {  	v19 =	vld [tilespmem:s11+$0xFFFFFFE0]  }
0x4da: {  	v9 =	vld [tilespmem:s11+$0xFFFFFFB0];
	s3 =	sshra.s32 s3, $0x2;
	s4 =	smul.f32 s4, s0  }
0x4db: {  	v13 =	vadd.f32 v13, v10;
	v10 =	vld [tilespmem:s6+$0xFFFFFFF0];
	s3 =	sadd.s32 $0xC240, s3  }
0x4dc: {  	v11 =	vld [tilespmem:s3+$0xFFFFFFC0];
	s4 =	ssub.f32 $1.500000000e+00, s4  }
0x4dd: {  	v5 =	vld [tilespmem:s3+$0x20]  }
0x4de: {  	v17 =	vld [tilespmem:s3+$0xFFFFFFD0];
	s0 =	smul.f32 s4, s0  }
0x4df: {  	v7 =	vld [tilespmem:s3+$0xFFFFFFE0]  }
0x4e0: {  	v8 =	vld [tilespmem:s3+$0xFFFFFFF0];
	s2 =	smul.f32 s0, s2  }
0x4e1: {  	v11 =	vadd.f32 v11, v12;
	v12 =	vadd.f32 v15, v14;
	v14 =	vld [tilespmem:s6+$0xFFFFFFD0]  }
0x4e2: {  	v9 =	vadd.f32 v16, v9;
	v6 =	vld [tilespmem:s3+$0x0];
	s2 =	smul.f32 s2, s0  }
0x4e3: {  	v15 =	vmul.f32 v11, v11;
	v16 =	vadd.f32 v17, v12;
	v17 =	vld [tilespmem:s6+$0xFFFFFFE0]  }
0x4e4: {  	v4 =	vld [tilespmem:s3+$0x10];
	v9 =	vadd.f32 v7, v9;
	v12 =	vimm.f32 $0.0e+00;
	s2 =	ssub.f32 $1.500000000e+00, s2  }
0x4e5: {  	v7 =	vld [tilespmem:s11+$0xFFFFFFF0];
	[tilespmem:s11+$0xFFFFFF90] =	vst v11;
	v11 =	vadd.f32 v11, v12;
	v15 =	vadd.f32 v15, v12;
	v20 =	vmul.f32 v16, v16  }
0x4e6: {  	[tilespmem:s11+$0xFFFFFFB0] =	vst v9;
	v12 =	vadd.f32 v8, v13;
	v8 =	vld [tilespmem:s11+$0x0];
	v18 =	vadd.f32 v14, v18;
	s0 =	smul.f32 s2, s0  }
0x4e7: {  	[smem:$0xD] =	sst s1;
	s1 =	simm.s32 $0x0;
	[tilespmem:s11+$0xFFFFFFA0] =	vst v16;
	v13 =	vld [tilespmem:s6+$0x0];
	v14 =	vadd.f32 v16, v11;
	v16 =	vmul.f32 v9, v9;
	v15 =	vadd.f32 v20, v15  }
0x4e8: {  	v11 =	vld [tilespmem:s3+$0x30];
	[tilespmem:s11+$0xFFFFFFC0] =	vst v12;
	v6 =	vadd.f32 v6, v18;
	v17 =	vadd.f32 v17, v19;
	s2 =	sadd.s32 $0x100, s3;
	[smem:$0x8D] =	sst s0;
	s0 =	smov.u32 s11  }
.LBB2_31:
0x4e9: {  	v18 =	vld [tilespmem:s2+$0x20];
	v9 =	vadd.f32 v9, v14;
	v14 =	vadd.f32 v16, v15;
	v15 =	vmul.f32 v12, v12  }
0x4ea: {  	[tilespmem:s11+$0xFFFFFFD0] =	vst v6;
	v16 =	vadd.f32 v4, v17;
	v4 =	vld [tilespmem:s2+$0x10];
	v7 =	vadd.f32 v10, v7  }
0x4eb: {  	v17 =	vld [tilespmem:s2+$0x0];
	v9 =	vadd.f32 v12, v9;
	v10 =	vadd.f32 v15, v14;
	v12 =	vmul.f32 v6, v6  }
0x4ec: {  	v14 =	vld [tilespmem:s2+$0xFFFFFFF0];
	[tilespmem:s11+$0xFFFFFFE0] =	vst v16;
	v7 =	vadd.f32 v5, v7;
	v0 =	vadd.f32 v13, v8  }
0x4ed: {  	s11 =	sadd.s32 $0x400, s11;
	v8 =	vld [tilespmem:s2+$0xFFFFFFE0];
	v6 =	vadd.f32 v6, v9;
	v9 =	vadd.f32 v12, v10;
	v10 =	vmul.f32 v16, v16  }
0x4ee: {  	v12 =	vld [tilespmem:s11+$0xFFFFFFC0];
	[tilespmem:s0+$0xFFFFFFF0] =	vst v7;
	v11 =	vadd.f32 v11, v0;
	v5 =	vmov v18  }
0x4ef: {  	v13 =	vld [tilespmem:s11+$0xFFFFFFB0];
	v6 =	vadd.f32 v16, v6;
	v9 =	vadd.f32 v10, v9;
	v10 =	vmul.f32 v7, v7  }
0x4f0: {  	v15 =	vld [tilespmem:s2+$0xFFFFFFC0];
	[tilespmem:s0+$0x0] =	vst v11;
	s0 =	smov.u32 s11  }
0x4f1: {  	s6 =	sadd.s32 $0x400, s6;
	v16 =	vld [tilespmem:s11+$0xFFFFFF90];
	v6 =	vadd.f32 v7, v6;
	v7 =	vadd.f32 v10, v9;
	v9 =	vmul.f32 v11, v11  }
0x4f2: {  	s1 =	sadd.s32 $0x8, s1;
	v10 =	vld [tilespmem:s6+$0xFFFFFF90]  }
0x4f3: {  	p0 =	slt.u32 s1, $0x28;
	v18 =	vld [tilespmem:s11+$0xFFFFFFA0];
	v6 =	vadd.f32 v11, v6;
	v11 =	vadd.f32 v9, v7  }
0x4f4: {  	v7 =	vld [tilespmem:s6+$0xFFFFFFA0]  }
0x4f5: {  	v9 =	vld [tilespmem:s6+$0xFFFFFFB0]  }
0x4f6: {  	v19 =	vld [tilespmem:s2+$0xFFFFFFD0]  }
0x4f7: {  	v10 =	vadd.f32 v10, v16;
	v16 =	vld [tilespmem:s6+$0xFFFFFFC0]  }
0x4f8: {  	v20 =	vld [tilespmem:s11+$0xFFFFFFD0]  }
0x4f9: {  	v10 =	vadd.f32 v15, v10;
	v7 =	vadd.f32 v7, v18;
	v15 =	vld [tilespmem:s6+$0xFFFFFFD0]  }
0x4fa: {  	v9 =	vadd.f32 v9, v13;
	v18 =	vld [tilespmem:s11+$0xFFFFFFE0]  }
0x4fb: {  	[tilespmem:s11+$0xFFFFFF90] =	vst v10;
	v13 =	vmul.f32 v10, v10;
	v19 =	vadd.f32 v19, v7;
	v21 =	vld [tilespmem:s6+$0xFFFFFFE0]  }
.Ltmp14:
0x4fc: {  	v9 =	vadd.f32 v8, v9;
	v8 =	vadd.f32 v16, v12;
	v7 =	vld [tilespmem:s11+$0xFFFFFFF0];
	(pc) =	sbr.rel @p0 .LBB2_31-.Ltmp14, $4  }
0x4fd: {  	v6 =	vadd.f32 v10, v6;
	v11 =	vadd.f32 v13, v11;
	[tilespmem:s11+$0xFFFFFFA0] =	vst v19;
	v13 =	vmul.f32 v19, v19;
	v10 =	vld [tilespmem:s6+$0xFFFFFFF0]  }
0x4fe: {  	[tilespmem:s11+$0xFFFFFFB0] =	vst v9;
	v12 =	vadd.f32 v14, v8;
	v20 =	vadd.f32 v15, v20;
	v8 =	vld [tilespmem:s11+$0x0]  }
0x4ff: {  	v14 =	vadd.f32 v19, v6;
	v16 =	vmul.f32 v9, v9;
	v15 =	vadd.f32 v13, v11;
	v13 =	vld [tilespmem:s6+$0x0]  }
0x500: {  	[tilespmem:s11+$0xFFFFFFC0] =	vst v12;
	v6 =	vadd.f32 v17, v20;
	v17 =	vadd.f32 v21, v18;
	v11 =	vld [tilespmem:s2+$0x30];
	s2 =	sadd.s32 $0x100, s2  }
0x501: {  	v9 =	vadd.f32 v9, v14  }
0x502: {  	v14 =	vadd.f32 v16, v15;
	v15 =	vmul.f32 v12, v12  }
0x503: {  	v7 =	vadd.f32 v10, v7;
	v9 =	vadd.f32 v12, v9  }
0x504: {  	v4 =	vadd.f32 v4, v17;
	v10 =	vadd.f32 v15, v14;
	v12 =	vmul.f32 v6, v6  }
0x505: {  	v5 =	vadd.f32 v5, v7;
	v7 =	vadd.f32 v6, v9  }
0x506: {  	v8 =	vadd.f32 v13, v8;
	v9 =	vadd.f32 v12, v10;
	v10 =	vmul.f32 v4, v4  }
0x507: {  	v7 =	vadd.f32 v4, v7  }
0x508: {  	v8 =	vadd.f32 v11, v8;
	v9 =	vadd.f32 v10, v9;
	v10 =	vmul.f32 v5, v5  }
0x509: {  	v7 =	vadd.f32 v5, v7  }
0x50a: {  	v9 =	vadd.f32 v10, v9;
	v10 =	vmul.f32 v8, v8  }
0x50b: {  	v7 =	vadd.f32 v8, v7  }
0x50c: {  	v9 =	vadd.f32 v10, v9  }
0x50d: {  	(xrf2) =	vadd.scan.msk.f32 $0xffff, v7  }
0x50e: {  	(xrf2) =	vadd.scan.msk.f32 $0xffff, v9;
	_ =	sdelay $0x8  }
0x50f: {  	v7, _, _ =	vpop (xrf2)  }
0x510: {  	(v2sf) =	vpush v7, $0xF;
	v7, _, _ =	vpop (xrf2)  }
0x511: {  	(v2sf) =	vpush v7, $0xF;
	_ =	sdelay $0x4  }
0x512: {  	(v2sf) =	vpush v3, $0xF;
	_ =	sdelay $0x8  }
0x513: {  	s1 =	spop (v2sf)  }
0x514: {  	s2 =	spop (v2sf);
	s1 =	smul.f32 $1.302083370e-03, s1  }
0x515: {  	s2 =	smul.f32 $1.302083370e-03, s2  }
0x516: {  	s3 =	smul.f32 s1, s1;
	_ =	sdelay $0x1  }
0x517: {  	s2 =	ssub.f32 s2, s3  }
0x518: {  	s29 =	spop (v2sf)  }
0x519: {  	[tilespmem:s11+$0xFFFFFFD0] =	vst v6;
	s4 =	sshrl.u32 s29, $0x1;
	s2 =	sadd.f32 $9.999999960e-13, s2  }
0x51a: {  	[tilespmem:s11+$0xFFFFFFE0] =	vst v4;
	s4 =	smul.u32 $0x1800, s4;
	s3 =	sand.u32 $0x1, s29  }
0x51b: {  	[tilespmem:s0+$0xFFFFFFF0] =	vst v5;
	s3 =	sshll.u32 s3, $0x9;
	s30 =	sshra.s32 s2, $0x1;
	s2 =	smul.f32 $5.000000000e-01, s2  }
0x51c: {  	[tilespmem:s0+$0x0] =	vst v8;
	s3 =	sor.u32 s3, s4;
	s4 =	ssub.s32 $0x5F3759DF, s30  }
0x51d: {  	v11 =	vld [tilespmem:s9+$0xFFFFFF90];
	s31 =	smul.f32 s4, s2  }
0x51e: {  	v12 =	vld [tilespmem:s5+$0xFFFFFF90]  }
0x51f: {  	s0 =	smul.f32 s4, s31  }
0x520: {  	v13 =	vld [tilespmem:s9+$0xFFFFFFA0]  }
0x521: {  	v14 =	vld [tilespmem:s5+$0xFFFFFFA0];
	s0 =	ssub.f32 $1.500000000e+00, s0  }
0x522: {  	v9 =	vld [tilespmem:s9+$0xFFFFFFC0]  }
0x523: {  	v11 =	vadd.f32 v12, v11;
	v12 =	vld [tilespmem:s5+$0xFFFFFFC0];
	s0 =	smul.f32 s4, s0  }
0x524: {  	v15 =	vld [tilespmem:s5+$0xFFFFFFB0]  }
0x525: {  	v17 =	vld [tilespmem:s9+$0xFFFFFFD0];
	s4 =	smul.f32 s0, s2  }
0x526: {  	v18 =	vld [tilespmem:s9+$0xFFFFFFE0]  }
0x527: {  	v8 =	vld [tilespmem:s9+$0xFFFFFFB0];
	s3 =	sshra.s32 s3, $0x2;
	s4 =	smul.f32 s4, s0  }
0x528: {  	v12 =	vadd.f32 v12, v9;
	v9 =	vld [tilespmem:s5+$0xFFFFFFF0];
	s3 =	sadd.s32 $0xC240, s3  }
0x529: {  	v10 =	vld [tilespmem:s3+$0xFFFFFFC0];
	s4 =	ssub.f32 $1.500000000e+00, s4  }
0x52a: {  	v4 =	vld [tilespmem:s3+$0x20]  }
0x52b: {  	v16 =	vld [tilespmem:s3+$0xFFFFFFD0];
	s0 =	smul.f32 s4, s0  }
0x52c: {  	v6 =	vld [tilespmem:s3+$0xFFFFFFE0]  }
0x52d: {  	v7 =	vld [tilespmem:s3+$0xFFFFFFF0];
	s2 =	smul.f32 s0, s2  }
0x52e: {  	v10 =	vadd.f32 v10, v11;
	v11 =	vadd.f32 v14, v13;
	v13 =	vld [tilespmem:s5+$0xFFFFFFD0]  }
0x52f: {  	v8 =	vadd.f32 v15, v8;
	v5 =	vld [tilespmem:s3+$0x0];
	s2 =	smul.f32 s2, s0  }
0x530: {  	v14 =	vmul.f32 v10, v10;
	v15 =	vadd.f32 v16, v11;
	v16 =	vld [tilespmem:s5+$0xFFFFFFE0]  }
0x531: {  	v3 =	vld [tilespmem:s3+$0x10];
	v8 =	vadd.f32 v6, v8;
	v11 =	vimm.f32 $0.0e+00;
	s2 =	ssub.f32 $1.500000000e+00, s2  }
0x532: {  	v6 =	vld [tilespmem:s9+$0xFFFFFFF0];
	[tilespmem:s9+$0xFFFFFF90] =	vst v10;
	v10 =	vadd.f32 v10, v11;
	v14 =	vadd.f32 v14, v11;
	v19 =	vmul.f32 v15, v15  }
0x533: {  	[tilespmem:s9+$0xFFFFFFB0] =	vst v8;
	v11 =	vadd.f32 v7, v12;
	v7 =	vld [tilespmem:s9+$0x0];
	v17 =	vadd.f32 v13, v17;
	s0 =	smul.f32 s2, s0  }
0x534: {  	[smem:$0xE] =	sst s1;
	s1 =	simm.s32 $0x0;
	[tilespmem:s9+$0xFFFFFFA0] =	vst v15;
	v12 =	vld [tilespmem:s5+$0x0];
	v13 =	vadd.f32 v15, v10;
	v15 =	vmul.f32 v8, v8;
	v14 =	vadd.f32 v19, v14  }
0x535: {  	v10 =	vld [tilespmem:s3+$0x30];
	[tilespmem:s9+$0xFFFFFFC0] =	vst v11;
	v5 =	vadd.f32 v5, v17;
	v16 =	vadd.f32 v16, v18;
	s2 =	sadd.s32 $0x100, s3;
	[smem:$0x8E] =	sst s0;
	s0 =	smov.u32 s9  }
.LBB2_33:
0x536: {  	v17 =	vld [tilespmem:s2+$0x20];
	v8 =	vadd.f32 v8, v13;
	v13 =	vadd.f32 v15, v14;
	v14 =	vmul.f32 v11, v11  }
0x537: {  	[tilespmem:s9+$0xFFFFFFD0] =	vst v5;
	v15 =	vadd.f32 v3, v16;
	v3 =	vld [tilespmem:s2+$0x10];
	v6 =	vadd.f32 v9, v6  }
0x538: {  	v16 =	vld [tilespmem:s2+$0x0];
	v8 =	vadd.f32 v11, v8;
	v9 =	vadd.f32 v14, v13;
	v11 =	vmul.f32 v5, v5  }
0x539: {  	v13 =	vld [tilespmem:s2+$0xFFFFFFF0];
	[tilespmem:s9+$0xFFFFFFE0] =	vst v15;
	v6 =	vadd.f32 v4, v6;
	v0 =	vadd.f32 v12, v7  }
0x53a: {  	s9 =	sadd.s32 $0x400, s9;
	v7 =	vld [tilespmem:s2+$0xFFFFFFE0];
	v5 =	vadd.f32 v5, v8;
	v8 =	vadd.f32 v11, v9;
	v9 =	vmul.f32 v15, v15  }
0x53b: {  	v11 =	vld [tilespmem:s9+$0xFFFFFFC0];
	[tilespmem:s0+$0xFFFFFFF0] =	vst v6;
	v10 =	vadd.f32 v10, v0;
	v4 =	vmov v17  }
0x53c: {  	v12 =	vld [tilespmem:s9+$0xFFFFFFB0];
	v5 =	vadd.f32 v15, v5;
	v8 =	vadd.f32 v9, v8;
	v9 =	vmul.f32 v6, v6  }
0x53d: {  	v14 =	vld [tilespmem:s2+$0xFFFFFFC0];
	[tilespmem:s0+$0x0] =	vst v10;
	s0 =	smov.u32 s9  }
0x53e: {  	s5 =	sadd.s32 $0x400, s5;
	v15 =	vld [tilespmem:s9+$0xFFFFFF90];
	v5 =	vadd.f32 v6, v5;
	v6 =	vadd.f32 v9, v8;
	v8 =	vmul.f32 v10, v10  }
0x53f: {  	s1 =	sadd.s32 $0x8, s1;
	v9 =	vld [tilespmem:s5+$0xFFFFFF90]  }
0x540: {  	p0 =	slt.u32 s1, $0x28;
	v17 =	vld [tilespmem:s9+$0xFFFFFFA0];
	v5 =	vadd.f32 v10, v5;
	v10 =	vadd.f32 v8, v6  }
0x541: {  	v6 =	vld [tilespmem:s5+$0xFFFFFFA0]  }
0x542: {  	v8 =	vld [tilespmem:s5+$0xFFFFFFB0]  }
0x543: {  	v18 =	vld [tilespmem:s2+$0xFFFFFFD0]  }
0x544: {  	v9 =	vadd.f32 v9, v15;
	v15 =	vld [tilespmem:s5+$0xFFFFFFC0]  }
0x545: {  	v19 =	vld [tilespmem:s9+$0xFFFFFFD0]  }
0x546: {  	v9 =	vadd.f32 v14, v9;
	v6 =	vadd.f32 v6, v17;
	v14 =	vld [tilespmem:s5+$0xFFFFFFD0]  }
0x547: {  	v8 =	vadd.f32 v8, v12;
	v17 =	vld [tilespmem:s9+$0xFFFFFFE0]  }
0x548: {  	[tilespmem:s9+$0xFFFFFF90] =	vst v9;
	v12 =	vmul.f32 v9, v9;
	v18 =	vadd.f32 v18, v6;
	v20 =	vld [tilespmem:s5+$0xFFFFFFE0]  }
.Ltmp15:
0x549: {  	v8 =	vadd.f32 v7, v8;
	v7 =	vadd.f32 v15, v11;
	v6 =	vld [tilespmem:s9+$0xFFFFFFF0];
	(pc) =	sbr.rel @p0 .LBB2_33-.Ltmp15, $4  }
0x54a: {  	v5 =	vadd.f32 v9, v5;
	v10 =	vadd.f32 v12, v10;
	[tilespmem:s9+$0xFFFFFFA0] =	vst v18;
	v12 =	vmul.f32 v18, v18;
	v9 =	vld [tilespmem:s5+$0xFFFFFFF0]  }
0x54b: {  	[tilespmem:s9+$0xFFFFFFB0] =	vst v8;
	v11 =	vadd.f32 v13, v7;
	v19 =	vadd.f32 v14, v19;
	v7 =	vld [tilespmem:s9+$0x0]  }
0x54c: {  	v13 =	vadd.f32 v18, v5;
	v15 =	vmul.f32 v8, v8;
	v14 =	vadd.f32 v12, v10;
	v12 =	vld [tilespmem:s5+$0x0]  }
0x54d: {  	[tilespmem:s9+$0xFFFFFFC0] =	vst v11;
	v5 =	vadd.f32 v16, v19;
	v16 =	vadd.f32 v20, v17;
	v10 =	vld [tilespmem:s2+$0x30];
	s2 =	sadd.s32 $0x100, s2  }
0x54e: {  	v8 =	vadd.f32 v8, v13  }
0x54f: {  	v13 =	vadd.f32 v15, v14;
	v14 =	vmul.f32 v11, v11  }
0x550: {  	v6 =	vadd.f32 v9, v6;
	v8 =	vadd.f32 v11, v8  }
0x551: {  	v3 =	vadd.f32 v3, v16;
	v9 =	vadd.f32 v14, v13;
	v11 =	vmul.f32 v5, v5  }
0x552: {  	v4 =	vadd.f32 v4, v6;
	v6 =	vadd.f32 v5, v8  }
0x553: {  	v7 =	vadd.f32 v12, v7;
	v8 =	vadd.f32 v11, v9;
	v9 =	vmul.f32 v3, v3  }
0x554: {  	v6 =	vadd.f32 v3, v6  }
0x555: {  	v7 =	vadd.f32 v10, v7;
	v8 =	vadd.f32 v9, v8;
	v9 =	vmul.f32 v4, v4  }
0x556: {  	v6 =	vadd.f32 v4, v6  }
0x557: {  	v8 =	vadd.f32 v9, v8;
	v9 =	vmul.f32 v7, v7  }
0x558: {  	v6 =	vadd.f32 v7, v6  }
0x559: {  	v8 =	vadd.f32 v9, v8  }
0x55a: {  	(xrf2) =	vadd.scan.msk.f32 $0xffff, v6  }
0x55b: {  	(xrf2) =	vadd.scan.msk.f32 $0xffff, v8;
	_ =	sdelay $0x8  }
0x55c: {  	v6, _, _ =	vpop (xrf2)  }
0x55d: {  	(v2sf) =	vpush v6, $0xF;
	v6, _, _ =	vpop (xrf2)  }
0x55e: {  	(v2sf) =	vpush v6, $0xF;
	_ =	sdelay $0xd  }
0x55f: {  	s1 =	spop (v2sf)  }
0x560: {  	s2 =	spop (v2sf);
	s1 =	smul.f32 $1.302083370e-03, s1  }
0x561: {  	s2 =	smul.f32 $1.302083370e-03, s2  }
0x562: {  	s3 =	smul.f32 s1, s1;
	_ =	sdelay $0x1  }
0x563: {  	s2 =	ssub.f32 s2, s3;
	_ =	sdelay $0x1  }
0x564: {  	s2 =	sadd.f32 $9.999999960e-13, s2;
	_ =	sdelay $0x1  }
0x565: {  	s28 =	sshra.s32 s2, $0x1;
	s2 =	smul.f32 $5.000000000e-01, s2  }
0x566: {  	s3 =	ssub.s32 $0x5F3759DF, s28  }
0x567: {  	s4 =	smul.f32 s3, s2;
	_ =	sdelay $0x1  }
0x568: {  	s4 =	smul.f32 s3, s4;
	_ =	sdelay $0x1  }
0x569: {  	s4 =	ssub.f32 $1.500000000e+00, s4;
	_ =	sdelay $0x1  }
0x56a: {  	s3 =	smul.f32 s3, s4;
	_ =	sdelay $0x1  }
0x56b: {  	s4 =	smul.f32 s3, s2;
	_ =	sdelay $0x1  }
0x56c: {  	s4 =	smul.f32 s4, s3  }
0x56d: {  	[smem:$0xF] =	sst s1  }
0x56e: {  	s4 =	ssub.f32 $1.500000000e+00, s4  }
0x56f: {  	s30 =	sld [smem:$0x80]  }
0x570: {  	s8 =	sld [smem:$0x81];
	s3 =	smul.f32 s4, s3  }
0x571: {  	s11 =	sld [smem:$0x82]  }
0x572: {  	s13 =	sld [smem:$0x83];
	s2 =	smul.f32 s3, s2  }
0x573: {  	s15 =	sld [smem:$0x84]  }
0x574: {  	s17 =	sld [smem:$0x85];
	s2 =	smul.f32 s2, s3  }
0x575: {  	s19 =	sld [smem:$0x86]  }
0x576: {  	s2 =	ssub.f32 $1.500000000e+00, s2  }
0x577: {  	s21 =	sld [smem:$0x87]  }
0x578: {  	s25 =	sld [smem:$0x89];
	s2 =	smul.f32 s2, s3  }
0x579: {  	s28 =	sld [smem:$0x8A]  }
0x57a: {  	[smem:$0x8F] =	sst s2  }
0x57b: {  	s20 =	simm.s32 $0x0;
	[tilespmem:s9+$0xFFFFFFD0] =	vst v5;
	s29 =	sld [smem:$0x0]  }
0x57c: {  	s6 =	sand.u32 $0x1C00, s20;
	[tilespmem:s9+$0xFFFFFFE0] =	vst v3;
	s3 =	sand.u32 $0x60, s20;
	s7 =	sld [smem:$0x1]  }
0x57d: {  	[tilespmem:s0+$0xFFFFFFF0] =	vst v4;
	s20 =	sand.u32 $0x380, s20;
	s5 =	sor.u32 $0x10, s3;
	s10 =	sld [smem:$0x2]  }
0x57e: {  	s22 =	sadd.s32 s6, s24;
	[tilespmem:s0+$0x0] =	vst v7;
	s20 =	sor.u32 s20, s5;
	s12 =	sld [smem:$0x3]  }
0x57f: {  	s0 =	sadd.s32 s5, s22;
	s14 =	sld [smem:$0x4];
	v38 =	vld [tilespmem:s20+$0xC800]  }
0x580: {  	s16 =	sld [smem:$0x5];
	v3 =	vld [tilespmem:s0+$0x0]  }
0x581: {  	v1 =	vmov s30;
	v9 =	vmov s8;
	s18 =	sld [smem:$0x6];
	v26 =	vld [tilespmem:s0+$0x80]  }
0x582: {  	v11 =	vmov s11;
	v13 =	vmov s13;
	v15 =	vmov s15;
	s31 =	sld [smem:$0x7];
	v27 =	vld [tilespmem:s0+$0x100]  }
0x583: {  	v17 =	vmov s17;
	v20 =	vmov s19;
	v25 =	vmov s21;
	s23 =	sld [smem:$0x8];
	v28 =	vld [tilespmem:s0+$0x180]  }
0x584: {  	v23 =	vmov s25;
	v4 =	vmov s28;
	s11 =	sld [smem:$0x9];
	v29 =	vld [tilespmem:s0+$0x200];
	v0 =	vmov s29  }
0x585: {  	s26 =	sld [smem:$0xA];
	v30 =	vld [tilespmem:s0+$0x280];
	v8 =	vmov s7;
	v10 =	vmov s10;
	v12 =	vmov s12  }
0x586: {  	v31 =	vld [tilespmem:s0+$0x300];
	v14 =	vmov s14;
	v16 =	vmov s16;
	v18 =	vmov s18  }
0x587: {  	v34 =	vld [tilespmem:s0+$0x380];
	v22 =	vmov s31;
	v21 =	vmov s23;
	v32 =	vsub.f32 v3, v0  }
0x588: {  	v33 =	vld [tilespmem:s20+$0xCB00];
	v24 =	vmov s11;
	v5 =	vmov s26;
	v35 =	vsub.f32 v26, v8  }
0x589: {  	v27 =	vsub.f32 v27, v10;
	v28 =	vsub.f32 v28, v12;
	v32 =	vmul.f32 v32, v1  }
0x58a: {  	s31 =	sadd.s32 s3, s22;
	v29 =	vsub.f32 v29, v14;
	v30 =	vsub.f32 v30, v16;
	v35 =	vmul.f32 v35, v9  }
0x58b: {  	s7 =	sld [smem:$0x88];
	v36 =	vld [tilespmem:s31+$0x0];
	v31 =	vsub.f32 v31, v18;
	v27 =	vmul.f32 v27, v11;
	v32 =	vmul.f32 v32, v38  }
0x58c: {  	v39 =	vld [tilespmem:s31+$0x100];
	v34 =	vsub.f32 v34, v22;
	v28 =	vmul.f32 v28, v13;
	v35 =	vmul.f32 v35, v38  }
0x58d: {  	v42 =	vld [tilespmem:s31+$0x280];
	v29 =	vmul.f32 v29, v15;
	v27 =	vmul.f32 v27, v38;
	v32 =	vadd.f32 v32, v33  }
0x58e: {  	v37 =	vld [tilespmem:s31+$0x80];
	v19 =	vmov s7;
	v28 =	vmul.f32 v28, v38;
	v35 =	vadd.f32 v35, v33  }
0x58f: {  	v40 =	vld [tilespmem:s31+$0x180];
	v30 =	vmul.f32 v30, v17;
	v29 =	vmul.f32 v29, v38;
	v27 =	vadd.f32 v27, v33;
	[tilespmem:s0+$0x0] =	vst v32  }
0x590: {  	s30 =	simm.s32 $0xC800;
	v41 =	vld [tilespmem:s31+$0x200];
	v31 =	vmul.f32 v31, v20;
	v34 =	vmul.f32 v34, v25;
	v28 =	vadd.f32 v28, v33;
	[tilespmem:s0+$0x80] =	vst v35  }
0x591: {  	v26 =	vld [tilespmem:s30+$0x0];
	v30 =	vmul.f32 v30, v38;
	v36 =	vsub.f32 v36, v0;
	v29 =	vadd.f32 v29, v33;
	[tilespmem:s0+$0x100] =	vst v27  }
0x592: {  	v2 =	vld [tilespmem:s31+$0x300];
	v46 =	vsub.f32 v39, v10;
	v48 =	vsub.f32 v42, v16;
	v27 =	vmul.f32 v31, v38;
	[tilespmem:s0+$0x180] =	vst v28  }
0x593: {  	s11 =	simm.s32 $0xCB00;
	v30 =	vadd.f32 v30, v33;
	v31 =	vsub.f32 v37, v8;
	v28 =	vmul.f32 v34, v38;
	[tilespmem:s0+$0x200] =	vst v29  }
0x594: {  	v45 =	vmul.f32 v1, v36;
	v36 =	vld [tilespmem:s11+$0x0];
	v37 =	vmul.f32 v17, v48;
	s12 =	rddreg [dreg:$0x1b];
	v27 =	vadd.f32 v27, v33  }
0x595: {  	s29 =	sld [smem:$0xB];
	v43 =	vld [tilespmem:s31+$0x380];
	v47 =	vsub.f32 v41, v14;
	[tilespmem:s0+$0x280] =	vst v30;
	v29 =	vmul.f32 v9, v31;
	s1 =	sadd.s32 $0xE600, s12;
	v28 =	vadd.f32 v28, v33  }
0x596: {  	v30 =	vmul.f32 v11, v46;
	v31 =	vsub.f32 v40, v12;
	v54 =	vmul.f32 v37, v26;
	s6 =	sadd.s32 s6, s1;
	[tilespmem:s0+$0x300] =	vst v27  }
0x597: {  	v32 =	vsub.f32 v2, v18;
	[tilespmem:s0+$0x380] =	vst v28;
	s0 =	sadd.s32 s5, s6;
	v28 =	vmul.f32 v29, v26;
	v29 =	vmul.f32 v15, v47  }
0x598: {  	s14 =	sld [smem:$0xC];
	v3 =	vmov s29;
	v27 =	vmul.f32 v13, v31;
	v31 =	vmul.f32 v45, v26;
	v50 =	vld [tilespmem:s0+$0x380]  }
0x599: {  	v32 =	vmul.f32 v20, v32;
	v34 =	vadd.f32 v54, v36;
	v51 =	vld [tilespmem:s0+$0x0];
	v29 =	vmul.f32 v29, v26  }
0x59a: {  	s17 =	sld [smem:$0xD];
	v49 =	vsub.f32 v43, v22;
	v30 =	vmul.f32 v30, v26;
	v52 =	vld [tilespmem:s0+$0x80];
	v31 =	vadd.f32 v31, v36  }
0x59b: {  	s16 =	sld [smem:$0x8C];
	v57 =	vmul.f32 v32, v26;
	v32 =	vmov s14;
	v53 =	vld [tilespmem:s0+$0x100];
	[tilespmem:s31+$0x280] =	vst v34;
	v29 =	vadd.f32 v29, v36  }
0x59c: {  	s15 =	sld [smem:$0xF];
	v30 =	vadd.f32 v30, v36;
	v56 =	vld [tilespmem:s0+$0x180];
	v27 =	vmul.f32 v27, v26;
	v28 =	vadd.f32 v28, v36;
	[tilespmem:s31+$0x0] =	vst v31  }
0x59d: {  	s13 =	sld [smem:$0x8B];
	v44 =	vld [tilespmem:s0+$0x200];
	v43 =	vadd.f32 v57, v36;
	v31 =	vmul.f32 v25, v49;
	[tilespmem:s31+$0x200] =	vst v29;
	v29 =	vmov s2;
	s2 =	sadd.s32 s3, s6;
	s3 =	simm.s32 $0x20  }
0x59e: {  	s4 =	simm.s32 $0x100;
	v58 =	vld [tilespmem:s0+$0x280];
	v34 =	vmov s17;
	[tilespmem:s31+$0x100] =	vst v30;
	v30 =	vmov s16;
	v55 =	vadd.f32 v27, v36;
	s21 =	sand.u32 $0x60, s3  }
0x59f: {  	s22 =	sand.u32 $0x1C00, s4;
	[tilespmem:s31+$0x80] =	vst v28;
	v28 =	vmov s15;
	v31 =	vmul.f32 v31, v26;
	v40 =	vsub.f32 v52, v24;
	s25 =	sand.u32 $0x380, s3;
	s23 =	sor.u32 $0x10, s21  }
0x5a0: {  	s26 =	sadd.s32 s22, s24;
	v45 =	vld [tilespmem:s0+$0x300];
	v27 =	vmov s13;
	v35 =	vsub.f32 v50, v28;
	v39 =	vsub.f32 v51, v21;
	s28 =	sor.u32 s25, s23  }
0x5a1: {  	s18 =	sld [smem:$0x8D];
	[tilespmem:s31+$0x300] =	vst v43;
	v41 =	vsub.f32 v53, v5;
	v46 =	vadd.f32 v31, v36;
	v49 =	vmul.f32 v40, v23;
	s29 =	sadd.s32 s23, s26;
	v40 =	vld [tilespmem:s28+$0xC800]  }
0x5a2: {  	s19 =	sld [smem:$0xE];
	[tilespmem:s31+$0x180] =	vst v55;
	v42 =	vsub.f32 v56, v3;
	v44 =	vsub.f32 v44, v32;
	v47 =	vmul.f32 v35, v29;
	v52 =	vld [tilespmem:s29+$0x0]  }
0x5a3: {  	v60 =	vsub.f32 v58, v34;
	v39 =	vmul.f32 v39, v19;
	v41 =	vmul.f32 v41, v4;
	[tilespmem:s31+$0x380] =	vst v46;
	v55 =	vld [tilespmem:s29+$0x100]  }
0x5a4: {  	s20 =	sld [smem:$0x8E];
	v31 =	vmov s18;
	v42 =	vmul.f32 v42, v27;
	v51 =	vmul.f32 v44, v30;
	v43 =	vld [tilespmem:s2+$0x0]  }
0x5a5: {  	v35 =	vmov s19;
	v59 =	vmul.f32 v47, v38;
	v47 =	vmul.f32 v60, v31;
	v48 =	vld [tilespmem:s2+$0x80]  }
0x5a6: {  	v45 =	vsub.f32 v45, v35;
	v39 =	vmul.f32 v39, v38;
	v41 =	vmul.f32 v41, v38;
	v50 =	vld [tilespmem:s2+$0x100]  }
0x5a7: {  	v37 =	vmov s20;
	v49 =	vmul.f32 v49, v38;
	v53 =	vld [tilespmem:s29+$0x80];
	v44 =	vmul.f32 v42, v38  }
0x5a8: {  	v58 =	vld [tilespmem:s29+$0x300];
	v45 =	vmul.f32 v45, v37;
	v57 =	vadd.f32 v39, v33;
	v60 =	vadd.f32 v41, v33  }
0x5a9: {  	v42 =	vmul.f32 v47, v38;
	v47 =	vld [tilespmem:s29+$0x200];
	v62 =	vsub.f32 v52, v0;
	v55 =	vsub.f32 v55, v10  }
0x5aa: {  	v39 =	vld [tilespmem:s28+$0xCB00];
	v41 =	vmul.f32 v45, v38;
	v54 =	vsub.f32 v43, v21;
	v48 =	vsub.f32 v48, v24  }
0x5ab: {  	v43 =	vmul.f32 v51, v38;
	v51 =	vld [tilespmem:s29+$0x180];
	v50 =	vsub.f32 v50, v5;
	v45 =	vmul.f32 v62, v1  }
0x5ac: {  	s5 =	sadd.s32 s21, s26;
	v56 =	vadd.f32 v59, v33;
	v52 =	vld [tilespmem:s29+$0x380];
	v55 =	vmul.f32 v55, v11;
	v54 =	vmul.f32 v19, v54  }
0x5ad: {  	v63 =	vsub.f32 v53, v8;
	v53 =	vld [tilespmem:s5+$0x200];
	v61 =	vmul.f32 v23, v48;
	v50 =	vmul.f32 v4, v50  }
0x5ae: {  	s30 =	simm.s32 $0xC820;
	v58 =	vsub.f32 v58, v18;
	v48 =	vld [tilespmem:s29+$0x280];
	v45 =	vmul.f32 v45, v40;
	v54 =	vmul.f32 v54, v26  }
0x5af: {  	v38 =	vld [tilespmem:s30+$0x0];
	v47 =	vsub.f32 v47, v14;
	v6 =	vmul.f32 v50, v26;
	v50 =	vmul.f32 v63, v9  }
0x5b0: {  	v62 =	vld [tilespmem:s5+$0x100];
	v59 =	vmul.f32 v61, v26;
	v51 =	vsub.f32 v51, v12;
	v45 =	vadd.f32 v45, v39  }
0x5b1: {  	v55 =	vmul.f32 v55, v40;
	v61 =	vld [tilespmem:s5+$0x80];
	v54 =	vadd.f32 v54, v36;
	v50 =	vmul.f32 v50, v40  }
0x5b2: {  	v52 =	vsub.f32 v52, v22;
	v63 =	vld [tilespmem:s5+$0x280];
	v2 =	vadd.f32 v59, v36;
	v51 =	vmul.f32 v51, v13;
	[tilespmem:s29+$0x0] =	vst v45  }
0x5b3: {  	v47 =	vmul.f32 v47, v15;
	v59 =	vld [tilespmem:s5+$0x0];
	v48 =	vsub.f32 v48, v16;
	[tilespmem:s2+$0x0] =	vst v54;
	v50 =	vadd.f32 v50, v39  }
0x5b4: {  	v45 =	vadd.f32 v55, v39;
	v55 =	vmul.f32 v58, v20;
	v58 =	vld [tilespmem:s5+$0x300];
	[tilespmem:s2+$0x80] =	vst v2;
	v51 =	vmul.f32 v51, v40  }
0x5b5: {  	v54 =	vld [tilespmem:s5+$0x180];
	v48 =	vmul.f32 v48, v17;
	[tilespmem:s29+$0x80] =	vst v50  }
0x5b6: {  	v47 =	vmul.f32 v47, v40;
	v2 =	vmul.f32 v52, v25;
	v52 =	vld [tilespmem:s5+$0x380];
	v50 =	vadd.f32 v51, v39;
	[tilespmem:$0x1FF70] =	vst v0  }
0x5b7: {  	v48 =	vmul.f32 v48, v40;
	[tilespmem:s29+$0x100] =	vst v45  }
0x5b8: {  	v2 =	vmul.f32 v2, v40;
	v45 =	vadd.f32 v47, v39;
	v47 =	vmul.f32 v55, v40;
	v55 =	vld [tilespmem:s2+$0x180];
	[tilespmem:s29+$0x180] =	vst v50  }
0x5b9: {  	v59 =	vsub.f32 v59, v0;
	v0 =	vld [tilespmem:s2+$0x200];
	v48 =	vadd.f32 v48, v39;
	[tilespmem:$0x1FF80] =	vst v1  }
0x5ba: {  	v2 =	vadd.f32 v2, v39;
	[tilespmem:s29+$0x200] =	vst v45  }
0x5bb: {  	v59 =	vmul.f32 v1, v59;
	v1 =	vadd.f32 v47, v39;
	[tilespmem:s29+$0x280] =	vst v48  }
0x5bc: {  	s31 =	sadd.s32 s22, s1;
	[tilespmem:s29+$0x380] =	vst v2  }
0x5bd: {  	s7 =	sadd.s32 s23, s31;
	[tilespmem:s29+$0x300] =	vst v1  }
0x5be: {  	v46 =	vld [tilespmem:s7+$0x0]  }
0x5bf: {  	v49 =	vadd.f32 v49, v33;
	v47 =	vld [tilespmem:s2+$0x280]  }
0x5c0: {  	s6 =	simm.s32 $0xCB20;
	v62 =	vsub.f32 v62, v10;
	v61 =	vsub.f32 v61, v8;
	v50 =	vld [tilespmem:s2+$0x300]  }
0x5c1: {  	v53 =	vsub.f32 v53, v14;
	v63 =	vsub.f32 v63, v16;
	v45 =	vld [tilespmem:s6+$0x0]  }
0x5c2: {  	v62 =	vmul.f32 v11, v62;
	v61 =	vmul.f32 v9, v61;
	v54 =	vsub.f32 v54, v12;
	v7 =	vld [tilespmem:s2+$0x380]  }
0x5c3: {  	v58 =	vsub.f32 v58, v18;
	v48 =	vmul.f32 v15, v53;
	v53 =	vmul.f32 v17, v63;
	v63 =	vld [tilespmem:s7+$0x380];
	[tilespmem:$0x1FF90] =	vst v46  }
0x5c4: {  	v52 =	vsub.f32 v52, v22;
	v54 =	vmul.f32 v13, v54;
	v59 =	vmul.f32 v59, v38;
	[tilespmem:s0+$0x380] =	vst v56  }
0x5c5: {  	v61 =	vmul.f32 v61, v38;
	v58 =	vmul.f32 v20, v58;
	[tilespmem:s0+$0x0] =	vst v57  }
0x5c6: {  	v52 =	vmul.f32 v25, v52;
	v54 =	vmul.f32 v54, v38;
	v59 =	vadd.f32 v59, v45;
	[tilespmem:s0+$0x80] =	vst v49  }
0x5c7: {  	v2 =	vmul.f32 v62, v38;
	v51 =	vsub.f32 v0, v32;
	v61 =	vadd.f32 v61, v45;
	v0 =	vld [tilespmem:s7+$0x80];
	[tilespmem:s0+$0x100] =	vst v60  }
0x5c8: {  	v55 =	vsub.f32 v55, v3;
	v48 =	vmul.f32 v48, v38;
	v54 =	vadd.f32 v54, v45;
	v57 =	vld [tilespmem:s7+$0x100];
	[tilespmem:s5+$0x0] =	vst v59  }
0x5c9: {  	v62 =	vld [tilespmem:s7+$0x180];
	v49 =	vmul.f32 v58, v38;
	v58 =	vsub.f32 v63, v28;
	v63 =	vadd.f32 v2, v45;
	[tilespmem:s5+$0x80] =	vst v61  }
0x5ca: {  	v53 =	vmul.f32 v53, v38;
	v52 =	vmul.f32 v52, v38;
	v60 =	vld [tilespmem:s7+$0x200];
	[tilespmem:s5+$0x180] =	vst v54  }
0x5cb: {  	v46 =	vsub.f32 v47, v34;
	v47 =	vmul.f32 v27, v55;
	v2 =	vld [tilespmem:s7+$0x280];
	v59 =	vadd.f32 v48, v45;
	[tilespmem:s5+$0x100] =	vst v63  }
0x5cc: {  	v55 =	vadd.f32 v52, v45;
	v52 =	vsub.f32 v7, v28;
	v58 =	vmul.f32 v58, v29;
	v7 =	vld [tilespmem:$0x1FF90]  }
0x5cd: {  	v50 =	vsub.f32 v50, v35;
	v56 =	vld [tilespmem:s7+$0x300];
	v61 =	vadd.f32 v53, v45;
	[tilespmem:s5+$0x200] =	vst v59  }
0x5ce: {  	v48 =	vmul.f32 v30, v51;
	v1 =	vadd.f32 v49, v45;
	v58 =	vmul.f32 v58, v40;
	[tilespmem:$0x1FFA0] =	vst v5  }
0x5cf: {  	v49 =	vmul.f32 v31, v46;
	v63 =	vsub.f32 v0, v24;
	v46 =	vsub.f32 v57, v5;
	[tilespmem:s5+$0x280] =	vst v61  }
0x5d0: {  	v53 =	vmul.f32 v37, v50;
	v59 =	vsub.f32 v62, v3;
	v5 =	vadd.f32 v58, v39;
	[tilespmem:$0x1FFB0] =	vst v3  }
0x5d1: {  	v51 =	vmul.f32 v52, v29;
	v57 =	vsub.f32 v2, v34;
	[tilespmem:s5+$0x300] =	vst v1;
	v54 =	vsub.f32 v7, v21  }
0x5d2: {  	v56 =	vsub.f32 v56, v35;
	v58 =	vsub.f32 v60, v32;
	v52 =	vmul.f32 v46, v4;
	[tilespmem:s7+$0x380] =	vst v5  }
0x5d3: {  	s9 =	simm.s32 $0x2;
	s10 =	simm.s32 $0xC840;
	s8 =	sadd.s32 s21, s31;
	v46 =	vadd.f32 v6, v36;
	[tilespmem:$0x1FFC0] =	vst v4;
	v50 =	vmul.f32 v54, v19;
	v54 =	vmul.f32 v63, v23  }
.LBB2_35:
0x5d4: {  	v0 =	vld [tilespmem:s10+$0x0]  }
0x5d5: {  	v7 =	vld [tilespmem:$0x1FFA0]  }
0x5d6: {  	s3 =	sadd.s32 $0x20, s3;
	v44 =	vadd.f32 v44, v33;
	v6 =	vld [tilespmem:$0x1FFC0];
	[tilespmem:s5+$0x380] =	vst v55  }
0x5d7: {  	s4 =	sadd.s32 $0x100, s4;
	v43 =	vadd.f32 v43, v33;
	s11 =	sand.u32 $0x60, s3;
	v55 =	vld [tilespmem:s8+$0x0];
	[tilespmem:s2+$0x100] =	vst v46  }
0x5d8: {  	v47 =	vmul.f32 v47, v26;
	v42 =	vadd.f32 v42, v33;
	s13 =	sand.u32 $0x1C00, s4;
	s30 =	sand.u32 $0x380, s3;
	v48 =	vmul.f32 v48, v26;
	s12 =	sor.u32 $0x10, s11;
	v46 =	vld [tilespmem:s8+$0x80];
	[tilespmem:s0+$0x180] =	vst v44  }
0x5d9: {  	v49 =	vmul.f32 v49, v26;
	v63 =	vadd.f32 v41, v33;
	v2 =	vmul.f32 v58, v30;
	s14 =	sadd.s32 s13, s24;
	[tilespmem:s0+$0x200] =	vst v43;
	s15 =	sor.u32 s30, s12;
	v58 =	vld [tilespmem:s8+$0x100]  }
0x5da: {  	v1 =	vmul.f32 v59, v27;
	v57 =	vmul.f32 v57, v31;
	s5 =	sadd.s32 s11, s14;
	s14 =	sadd.s32 s12, s14;
	v3 =	vadd.f32 v48, v36;
	v59 =	vld [tilespmem:s15+$0xC800];
	[tilespmem:s0+$0x280] =	vst v42  }
0x5db: {  	v56 =	vmul.f32 v56, v37;
	v61 =	vmul.f32 v51, v26;
	v51 =	vld [tilespmem:s14+$0x0];
	[tilespmem:s0+$0x300] =	vst v63  }
0x5dc: {  	v53 =	vmul.f32 v53, v26;
	v50 =	vmul.f32 v50, v40;
	[tilespmem:s2+$0x200] =	vst v3;
	v3 =	vld [tilespmem:$0x1FF70]  }
0x5dd: {  	v54 =	vmul.f32 v54, v40;
	v52 =	vmul.f32 v52, v40;
	v60 =	vadd.f32 v47, v36;
	v33 =	vld [tilespmem:s14+$0x80]  }
0x5de: {  	v26 =	vmovc v38;
	v44 =	vmul.f32 v1, v40;
	v43 =	vmul.f32 v2, v40;
	v53 =	vadd.f32 v53, v36;
	v1 =	vld [tilespmem:s14+$0x100]  }
0x5df: {  	v41 =	vmul.f32 v56, v40;
	v52 =	vadd.f32 v52, v39;
	v38 =	vmovc v0;
	v0 =	vld [tilespmem:s14+$0x280];
	v62 =	vsub.f32 v55, v21  }
0x5e0: {  	[tilespmem:s2+$0x180] =	vst v60;
	v42 =	vmul.f32 v57, v40;
	v60 =	vadd.f32 v61, v36;
	v48 =	vld [tilespmem:s14+$0x300];
	v63 =	vsub.f32 v46, v24  }
0x5e1: {  	v61 =	vadd.f32 v50, v39;
	v55 =	vld [tilespmem:s14+$0x180];
	v57 =	vsub.f32 v58, v7;
	v56 =	vmul.f32 v19, v62  }
0x5e2: {  	s0 =	smov.u32 s7;
	[tilespmem:s2+$0x300] =	vst v53;
	v58 =	vadd.f32 v49, v36;
	v49 =	vld [tilespmem:s14+$0x200];
	v2 =	vmul.f32 v23, v63;
	v62 =	vadd.f32 v54, v39  }
0x5e3: {  	v63 =	vld [tilespmem:s14+$0x380];
	[tilespmem:s0+$0x0] =	vst v61;
	v46 =	vmul.f32 v6, v57;
	v51 =	vsub.f32 v51, v3;
	v4 =	vmul.f32 v56, v26  }
0x5e4: {  	v61 =	vld [tilespmem:$0x1FF80];
	[tilespmem:s2+$0x280] =	vst v58;
	v2 =	vmul.f32 v2, v26;
	v58 =	vsub.f32 v33, v8;
	v1 =	vsub.f32 v1, v10  }
0x5e5: {  	[tilespmem:s2+$0x380] =	vst v60;
	v0 =	vsub.f32 v0, v16;
	v57 =	vadd.f32 v4, v45  }
0x5e6: {  	s2 =	smov.u32 s8;
	v33 =	vmovc v39;
	v39 =	vld [tilespmem:s15+$0xCB00];
	v48 =	vsub.f32 v48, v18;
	v46 =	vmul.f32 v46, v26;
	v2 =	vadd.f32 v2, v45  }
0x5e7: {  	v60 =	vld [tilespmem:s5+$0x0];
	v55 =	vsub.f32 v55, v12;
	v5 =	vmul.f32 v58, v9;
	v1 =	vmul.f32 v1, v11;
	[tilespmem:s2+$0x0] =	vst v57  }
0x5e8: {  	v36 =	vmov v45;
	v0 =	vmul.f32 v0, v17;
	v48 =	vmul.f32 v48, v20;
	v54 =	vld [tilespmem:s5+$0x80];
	[tilespmem:s2+$0x80] =	vst v2  }
0x5e9: {  	v40 =	vmovc v59;
	v49 =	vsub.f32 v49, v14;
	v51 =	vmul.f32 v51, v61;
	v55 =	vmul.f32 v55, v13;
	v2 =	vld [tilespmem:s5+$0x100]  }
0x5ea: {  	[tilespmem:s0+$0x80] =	vst v62;
	v53 =	vsub.f32 v63, v22;
	v62 =	vmul.f32 v5, v40;
	v1 =	vmul.f32 v1, v40;
	v50 =	vld [tilespmem:s5+$0x180]  }
0x5eb: {  	[tilespmem:s0+$0x100] =	vst v52;
	v46 =	vadd.f32 v46, v36;
	v49 =	vmul.f32 v49, v15;
	v0 =	vmul.f32 v0, v40;
	v52 =	vld [tilespmem:s5+$0x200]  }
0x5ec: {  	v48 =	vmul.f32 v48, v40;
	v51 =	vmul.f32 v51, v40;
	v63 =	vld [tilespmem:s5+$0x280];
	v56 =	vadd.f32 v62, v39  }
0x5ed: {  	v55 =	vmul.f32 v55, v40;
	v53 =	vmul.f32 v53, v25;
	v57 =	vld [tilespmem:s5+$0x300];
	v1 =	vadd.f32 v1, v39  }
0x5ee: {  	s6 =	sadd.s32 $0x20, s6;
	v47 =	vsub.f32 v60, v3;
	v49 =	vmul.f32 v49, v40;
	v5 =	vld [tilespmem:s5+$0x380];
	v0 =	vadd.f32 v0, v39;
	[tilespmem:s14+$0x80] =	vst v56  }
0x5ef: {  	v60 =	vadd.f32 v48, v39;
	v45 =	vld [tilespmem:s6+$0x0];
	v51 =	vadd.f32 v51, v39;
	v53 =	vmul.f32 v53, v40;
	[tilespmem:s14+$0x100] =	vst v1  }
0x5f0: {  	v55 =	vadd.f32 v55, v39;
	v47 =	vmul.f32 v61, v47;
	v61 =	vld [tilespmem:s2+$0x280];
	v59 =	vadd.f32 v49, v39;
	[tilespmem:s14+$0x280] =	vst v0  }
0x5f1: {  	v49 =	vld [tilespmem:s2+$0x180];
	[tilespmem:s14+$0x300] =	vst v60;
	v62 =	vadd.f32 v53, v39;
	v54 =	vsub.f32 v54, v8  }
0x5f2: {  	v1 =	vld [tilespmem:s2+$0x380];
	[tilespmem:s14+$0x0] =	vst v51;
	v2 =	vsub.f32 v2, v10;
	v50 =	vsub.f32 v50, v12  }
0x5f3: {  	[tilespmem:s14+$0x180] =	vst v55;
	v55 =	vld [tilespmem:s2+$0x200];
	v47 =	vmul.f32 v47, v38;
	v52 =	vsub.f32 v52, v14;
	v63 =	vsub.f32 v63, v16  }
0x5f4: {  	s31 =	sadd.s32 s13, s1;
	v53 =	vld [tilespmem:s2+$0x300];
	[tilespmem:s14+$0x200] =	vst v59;
	v57 =	vsub.f32 v57, v18;
	v51 =	vsub.f32 v5, v22;
	v54 =	vmul.f32 v9, v54  }
0x5f5: {  	s7 =	sadd.s32 s12, s31;
	[tilespmem:s14+$0x380] =	vst v62;
	v5 =	vld [tilespmem:$0x1FFB0];
	v47 =	vadd.f32 v47, v45;
	v2 =	vmul.f32 v11, v2;
	v50 =	vmul.f32 v13, v50  }
0x5f6: {  	v56 =	vld [tilespmem:s7+$0x380];
	v60 =	vsub.f32 v61, v34;
	v0 =	vmul.f32 v15, v52;
	v52 =	vmul.f32 v17, v63  }
0x5f7: {  	v57 =	vmul.f32 v20, v57;
	v51 =	vmul.f32 v25, v51;
	v1 =	vsub.f32 v1, v28  }
0x5f8: {  	v58 =	vld [tilespmem:s7+$0x0];
	v55 =	vsub.f32 v55, v32;
	v54 =	vmul.f32 v54, v38;
	v2 =	vmul.f32 v2, v38  }
0x5f9: {  	v59 =	vld [tilespmem:s7+$0x80];
	v53 =	vsub.f32 v53, v35;
	v4 =	vmul.f32 v50, v38;
	v0 =	vmul.f32 v0, v38  }
0x5fa: {  	v61 =	vld [tilespmem:s7+$0x180];
	v52 =	vmul.f32 v52, v38;
	v57 =	vmul.f32 v57, v38;
	v49 =	vsub.f32 v49, v5  }
0x5fb: {  	v50 =	vld [tilespmem:s7+$0x100];
	v51 =	vmul.f32 v51, v38;
	v54 =	vadd.f32 v54, v45;
	v56 =	vsub.f32 v56, v28  }
0x5fc: {  	v62 =	vld [tilespmem:s7+$0x200];
	[tilespmem:s5+$0x0] =	vst v47;
	v48 =	vmul.f32 v30, v55;
	v53 =	vmul.f32 v37, v53;
	v2 =	vadd.f32 v2, v45  }
0x5fd: {  	s9 =	sadd.s32 $0x2, s9;
	v63 =	vld [tilespmem:s7+$0x280];
	v0 =	vadd.f32 v0, v45;
	v52 =	vadd.f32 v52, v45;
	[tilespmem:s5+$0x80] =	vst v54;
	v56 =	vmul.f32 v56, v29  }
0x5fe: {  	p0 =	slt.u32 s9, $0x2E;
	v3 =	vld [tilespmem:s7+$0x300];
	v55 =	vadd.f32 v51, v45;
	v47 =	vmul.f32 v27, v49;
	v49 =	vadd.f32 v4, v45;
	[tilespmem:s5+$0x100] =	vst v2  }
.Ltmp16:
0x5ff: {  	v54 =	vadd.f32 v57, v45;
	v4 =	vsub.f32 v59, v24;
	[tilespmem:s5+$0x200] =	vst v0;
	v2 =	vmul.f32 v56, v40;
	(pc) =	sbr.rel @p0 .LBB2_35-.Ltmp16, $4  }
0x600: {  	v59 =	vsub.f32 v61, v5;
	[tilespmem:s5+$0x180] =	vst v49;
	v49 =	vmul.f32 v31, v60;
	v60 =	vsub.f32 v50, v7  }
0x601: {  	v51 =	vmul.f32 v1, v29;
	[tilespmem:s5+$0x280] =	vst v52;
	v56 =	vsub.f32 v58, v21;
	v2 =	vadd.f32 v2, v39  }
0x602: {  	v57 =	vsub.f32 v63, v34;
	[tilespmem:s5+$0x300] =	vst v54;
	v54 =	vmul.f32 v4, v23;
	v58 =	vsub.f32 v62, v32  }
0x603: {  	s10 =	sadd.s32 $0x20, s10;
	s8 =	sadd.s32 s11, s31;
	v52 =	vmul.f32 v60, v6;
	v50 =	vmul.f32 v56, v19;
	v56 =	vsub.f32 v3, v35;
	[tilespmem:s7+$0x380] =	vst v2  }
0x604: {  	[tilespmem:s5+$0x380] =	vst v55  }
0x605: {  	v0 =	vld [tilespmem:s8+$0x0]  }
0x606: {  	v1 =	vld [tilespmem:s8+$0x80];
	_ =	sdelay $0x3  }
0x607: {  	v0 =	vsub.f32 v0, v21  }
0x608: {  	v2 =	vadd.f32 v44, v33;
	v1 =	vsub.f32 v1, v24  }
0x609: {  	[tilespmem:s2+$0x100] =	vst v46;
	v3 =	vadd.f32 v43, v33;
	v6 =	vmul.f32 v47, v26;
	v0 =	vmul.f32 v19, v0  }
0x60a: {  	v8 =	vadd.f32 v41, v33;
	[tilespmem:s0+$0x180] =	vst v2;
	v1 =	vmul.f32 v23, v1  }
0x60b: {  	[tilespmem:s0+$0x200] =	vst v3;
	v6 =	vadd.f32 v6, v36;
	v0 =	vmul.f32 v0, v38  }
0x60c: {  	[tilespmem:s0+$0x300] =	vst v8;
	v24 =	vadd.f32 v42, v33;
	v1 =	vmul.f32 v1, v38  }
0x60d: {  	v7 =	vmul.f32 v48, v26;
	[tilespmem:s2+$0x180] =	vst v6;
	v0 =	vadd.f32 v0, v45  }
0x60e: {  	v9 =	vmul.f32 v49, v26;
	[tilespmem:s0+$0x280] =	vst v24;
	v1 =	vadd.f32 v1, v45  }
0x60f: {  	v10 =	vmul.f32 v53, v26;
	v7 =	vadd.f32 v7, v36;
	[tilespmem:s8+$0x0] =	vst v0  }
0x610: {  	v11 =	vmul.f32 v51, v26;
	v4 =	vld [tilespmem:s8+$0x100];
	v47 =	vadd.f32 v9, v36;
	[tilespmem:s8+$0x80] =	vst v1  }
0x611: {  	v49 =	vmul.f32 v50, v40;
	v50 =	vadd.f32 v10, v36;
	v5 =	vld [tilespmem:$0x1FFA0];
	[tilespmem:s2+$0x200] =	vst v7  }
0x612: {  	v11 =	vadd.f32 v11, v36;
	v14 =	vld [tilespmem:$0x1FFC0];
	[tilespmem:s2+$0x280] =	vst v47  }
0x613: {  	v46 =	vld [tilespmem:s8+$0x180];
	v9 =	vadd.f32 v49, v39;
	[tilespmem:s2+$0x300] =	vst v50  }
0x614: {  	v48 =	vld [tilespmem:s8+$0x200];
	[tilespmem:s2+$0x380] =	vst v11  }
0x615: {  	v25 =	vmul.f32 v59, v27;
	v51 =	vld [tilespmem:s8+$0x280];
	[tilespmem:s7+$0x0] =	vst v9  }
0x616: {  	v12 =	vmul.f32 v54, v40;
	v9 =	vld [tilespmem:$0x1FFB0]  }
0x617: {  	v13 =	vmul.f32 v52, v40;
	v3 =	vmul.f32 v25, v40  }
0x618: {  	v52 =	vld [tilespmem:s8+$0x300];
	v12 =	vadd.f32 v12, v39;
	v42 =	vmul.f32 v58, v30;
	v4 =	vsub.f32 v4, v5  }
0x619: {  	v43 =	vmul.f32 v57, v31;
	v53 =	vld [tilespmem:s8+$0x380];
	v13 =	vadd.f32 v13, v39;
	v3 =	vadd.f32 v3, v39  }
0x61a: {  	v6 =	vsub.f32 v48, v32;
	v2 =	vmul.f32 v42, v40;
	v4 =	vmul.f32 v14, v4  }
0x61b: {  	v44 =	vmul.f32 v56, v37;
	v54 =	vsub.f32 v51, v34;
	v8 =	vsub.f32 v46, v9  }
0x61c: {  	v6 =	vmul.f32 v30, v6;
	v2 =	vadd.f32 v2, v39;
	[tilespmem:s7+$0x80] =	vst v12;
	v4 =	vmul.f32 v4, v38  }
0x61d: {  	v0 =	vmul.f32 v43, v40;
	[tilespmem:s7+$0x100] =	vst v13;
	v5 =	vsub.f32 v52, v35;
	v8 =	vmul.f32 v27, v8  }
0x61e: {  	v1 =	vmul.f32 v44, v40;
	v7 =	vsub.f32 v53, v28;
	[tilespmem:s7+$0x180] =	vst v3;
	v4 =	vadd.f32 v4, v45  }
0x61f: {  	v0 =	vadd.f32 v0, v39;
	[tilespmem:s7+$0x200] =	vst v2;
	v56 =	vmul.f32 v37, v5;
	v8 =	vmul.f32 v8, v38  }
0x620: {  	v55 =	vmul.f32 v31, v54;
	v57 =	vmul.f32 v6, v38;
	v1 =	vadd.f32 v1, v39;
	[tilespmem:s8+$0x100] =	vst v4  }
0x621: {  	v58 =	vmul.f32 v7, v29;
	v60 =	vmul.f32 v56, v38;
	v59 =	vadd.f32 v8, v45;
	s9 =	rddreg [dreg:$0x18];
	[tilespmem:s7+$0x280] =	vst v0  }
0x622: {  	v61 =	vadd.f32 v57, v45;
	v4 =	vmul.f32 v55, v38;
	s28 =	sshll.u32 s9, $0x9;
	s2 =	rddreg [dreg:$0x19];
	[tilespmem:s7+$0x300] =	vst v1  }
0x623: {  	v62 =	vmul.f32 v58, v38;
	v0 =	vadd.f32 v60, v45;
	[tilespmem:s8+$0x180] =	vst v59;
	s1 =	sshll.u32 s2, $0x4;
	s0 =	sand.u32 $0x1800, s28  }
0x624: {  	v63 =	vadd.f32 v4, v45;
	s9 =	sadd.s32 $0x1, s9;
	s29 =	rddreg [dreg:$0x9];
	[tilespmem:s8+$0x200] =	vst v61;
	s0 =	sor.u32 s1, s0  }
0x625: {  	v1 =	vadd.f32 v62, v45;
	s30 =	smul.u32 $0xC000, s2;
	[tilespmem:s8+$0x300] =	vst v0;
	p0 =	sne.s32 s9, $0x10;
	s0 =	sor.u32 s29, s0  }
.Ltmp17:
0x626: {  	[tilespmem:s8+$0x280] =	vst v63;
	s0 =	sshrl.u32 s0, $0x3;
	(pc) =	sbr.rel @p0 .LBB2_2-.Ltmp17, $4  }
0x627: {  	s3 =	rddreg [dreg:$0x7];
	s31 =	simm.s32 $0x0;
	[tilespmem:s8+$0x380] =	vst v1;
	s0 =	smul.u32 $0x300, s0  }
0x628: {  	s2 =	sadd.s32 $0x5, s2;
	s1 =	sshrl.u32 s30, $0x2;
	s7 =	rddreg [dreg:$0x17]  }
0x629: {  	s1 =	sadd.s32 $0xCE00, s1;
	s7 =	sadd.s32 $0x1, s7;
	s0 =	sadd.s32 s3, s0  }
0x62a: {  	[hbm4b:s0+s31] =	stream.linear.scatter [tilespmem:s1], [sflag:s2], $0x3000, $0x38;
	[tilespmem:$0x18E00] =	vst v63  }
0x62b: {  	s0 =	simm.s32 $0x5  }
0x62c: {  	_ =	swait.ge [sflag:s0], $0x3000  }
0x62d: {  	[sflag:s0] =	ssyncset.done $0x0  }
0x62e: {  	s29 =	simm.s32 $0x6;
	[sflag:s0] =	ssyncadd.s32 $0xFFFFD000  }
0x62f: {  	_ =	swait.ge [sflag:s29], $0x3000  }
0x630: {  	[sflag:s29] =	ssyncset.done $0x0  }
0x631: {  	s30 =	simm.s32 $0x7;
	[sflag:s29] =	ssyncadd.s32 $0xFFFFD000  }
0x632: {  	_ =	swait.ge [sflag:s30], $0x3000  }
0x633: {  	[sflag:s30] =	ssyncset.done $0x0  }
0x634: {  	s1 =	simm.s32 $0x8;
	[sflag:s30] =	ssyncadd.s32 $0xFFFFD000  }
0x635: {  	_ =	swait.ge [sflag:s1], $0x3000  }
0x636: {  	s2 =	rddreg [dreg:$0x16]  }
0x637: {  	s31 =	rddreg [dreg:$0x15];
	s2 =	sadd.s32 $0x1, s2  }
0x638: {  	p0 =	sne.s32 s2, s31  }
.Ltmp18:
0x639: {  	_ = 	snop;
	(pc) =	sbr.rel @p0 .LBB2_1-.Ltmp18, $3  }
0x63a: {  	_ =	sdelay $0x1  }
0x63b: {  	[sflag:s1] =	ssyncset.done $0x0  }
0x63c: {  	[sflag:s1] =	ssyncadd.s32 $0xFFFFD000  }
0x63d: {  	_ =	sfence.sel $0x180000  }
0x63e: {  	[bflag:$0x0] =	sbarrier.arrive $0xFFFF  }
0x63f: {  	_ =	strace $0x90000047  }
0x640: {  	s0 =	stileid.u32;
	[bflag:$0x2] =	sbarrier.arrive $0xFFFF  }
0x641: {  	p0 =	sne.s32 s0, $0x0;
	s0 =	rddreg [dreg:$0x8]  }
0x642: {  	s0 =	sadd.s32 @!p0 $0x100000, s0  }
0x643: {  	[sflag:s0] =	ssyncadd.tile.s32 @!p0 $0x1;
	_ =	shalt  }
.Lfunc_end2:
_tile_overlayer_lowered:
.L_overlay_start_2:
0x644: {  	(tag) =	ssettag $0x2  }
0x645: {  	s0 =	rddreg [dreg:$0x0];
	s2 =	stileid.u32  }
0x646: {  	s1 =	rddreg [dreg:$0x1];
	p0 =	sne.s32 s2, $0x0  }
0x647: {  	s3 =	rddreg [dreg:$0x2];
	[bflag:$0x3] =	sbarrier.arrive $0xFFFF;
	s2 =	simm.s32 @!p0 $0x1C0D  }
0x648: {  	[timem:s3], [sflag:s2] =	dma.local @!p0 [hbm:s0], s1  }
0x649: {  	s0 =	simm.s32 @!p0 $0xD  }
0x64a: {  	_ =	swait.ge @!p0 [sflag:s0], s1  }
0x64b: {  	s1 =	ssub.s32 @!p0 $0x0, s1;
	[sflag:s0] =	ssyncset.done @!p0 $0x0  }
0x64c: {  	[sflag:s0] =	ssyncadd.s32 @!p0 s1  }
0x64d: {  	[bflag:$0x3] =	sbarrier.arrive $0xFFFF  }
0x64e: {  	_ =	shalt  }

</sc_bundles>
